<compile_context>
chip_gen: v7x
topology: tpu7x:2x2x1
jax: 0.10.2.dev20260603
libtpu: 0.0.44.dev20260713+nightly
codegen_flags: <defaults>
</compile_context>

<pallas_src>
import functools

import jax
import jax.numpy as jnp
from jax import lax
from jax.experimental import pallas as pl
from jax.experimental.pallas import tpu as pltpu
from jax.experimental.pallas import tpu_sc as plsc

N = 10000
E = 320000
H = 128
NW = 32
EPW = E // NW
CH = 128
NFULL = EPW // CH
TAIL = EPW - NFULL * CH
RPT = N // 16
RB = 1000
GRID = N // RB
NPAD = 10240
NEGINF = float("-inf")


def _sc_mesh():
    return plsc.VectorSubcoreMesh(core_axis_name="c", subcore_axis_name="s")


def _he_gather(emb_pad, xi):
    RW = 312
    GC = 312

    @functools.partial(
        pl.kernel,
        out_type=jax.ShapeDtypeStruct((N, 16), jnp.float32),
        mesh=_sc_mesh(),
        compiler_params=pltpu.CompilerParams(use_tc_tiling_on_sc=False),
        scratch_types=[
            pltpu.VMEM((GC,), jnp.int32),
            pltpu.VMEM((GC, 16), jnp.float32),
            pltpu.VMEM((16,), jnp.int32),
            pltpu.VMEM((16, 16), jnp.float32),
            pltpu.SemaphoreType.DMA,
        ],
    )
    def hek(emb_ref, xi_ref, out_ref, idx, rows, idxt, rowst, sem):
        c = lax.axis_index("c")
        s = lax.axis_index("s")
        wid = c * 16 + s
        base = wid * RW
        for i in range(RW // GC):
            off = base + i * GC
            pltpu.sync_copy(xi_ref.at[pl.ds(off, GC)], idx)
            pltpu.async_copy(emb_ref.at[idx], rows, sem).wait()
            pltpu.sync_copy(rows, out_ref.at[pl.ds(off, GC)])

        @pl.when(wid == 0)
        def _():
            pltpu.sync_copy(xi_ref.at[pl.ds(NW * RW, 16)], idxt)
            pltpu.async_copy(emb_ref.at[idxt], rowst, sem).wait()
            pltpu.sync_copy(rowst, out_ref.at[pl.ds(NW * RW, 16)])

    return hek(emb_pad, xi)


def _make_segsum(Dp, ECH):
    NCH = E // ECH
    NBASE = NCH // NW
    NEXTRA = NCH - NBASE * NW
    NMAX = NBASE + 1

    @functools.partial(
        pl.kernel,
        out_type=jax.ShapeDtypeStruct((2, N, Dp), jnp.float32),
        mesh=_sc_mesh(),
        compiler_params=pltpu.CompilerParams(use_tc_tiling_on_sc=False),
        scratch_types=[
            [pltpu.VMEM((2, ECH), jnp.int32) for _ in range(4)],
            [pltpu.VMEM((ECH, Dp), jnp.float32) for _ in range(2)],
            pltpu.VMEM_SHARED((N, Dp), jnp.float32),
            [pltpu.SemaphoreType.DMA for _ in range(2)],
            [pltpu.SemaphoreType.DMA for _ in range(2)],
            [pltpu.SemaphoreType.DMA for _ in range(4)],
        ],
    )
    def seg(tab_ref, il_ref, out_ref,
            ibuf, rows, acc, gsem, ssem, isem):
        c = lax.axis_index("c")
        s = lax.axis_index("s")
        wid = c * 16 + s
        nu = NBASE + jnp.where(wid < NEXTRA, 1, 0)

        def zrow(i, carry):
            for kk in range(Dp // 16):
                rows[0][i, pl.ds(kk * 16, 16)] = jnp.zeros((16,), jnp.float32)
            return carry
        lax.fori_loop(0, min(ECH, RPT), zrow, 0)
        zbase = s * RPT
        ZC = min(ECH, RPT)
        for i in range(RPT // ZC):
            pltpu.sync_copy(rows[0].at[pl.ds(0, ZC)] if ZC < ECH else rows[0],
                            acc.at[pl.ds(zbase + i * ZC, ZC)])
        rem = RPT - (RPT // ZC) * ZC
        if rem:
            pltpu.sync_copy(rows[0].at[pl.ds(0, rem)],
                            acc.at[pl.ds(zbase + (RPT // ZC) * ZC, rem)])
        plsc.subcore_barrier()

        def loadidx(t, q):
            pltpu.async_copy(il_ref.at[wid + t * NW], ibuf[q], isem[q])

        def wait_idx(q):
            pltpu.make_async_copy(il_ref.at[0], ibuf[q], isem[q]).wait()

        def gather(q, r):
            pltpu.async_copy(tab_ref.at[ibuf[q].at[0]], rows[r], gsem[r])

        def wait_gather(r):
            pltpu.make_async_copy(tab_ref.at[ibuf[0].at[0]], rows[r],
                                  gsem[r]).wait()

        def scatter(q, r):
            pltpu.async_copy(rows[r], acc.at[ibuf[q].at[1]], ssem[r],
                             add=True)

        def wait_scatter(r):
            pltpu.make_async_copy(rows[r], acc.at[ibuf[0].at[1]],
                                  ssem[r]).wait()

        def section(t, tdyn=None):
            r, r1 = t % 2, (t + 1) % 2
            q, q1, q2 = t % 4, (t + 1) % 4, (t + 2) % 4
            tt = t if tdyn is None else tdyn

            def grd(cond, fn):
                if tdyn is None and isinstance(cond, bool):
                    if cond:
                        fn()
                else:
                    pl.when(cond)(fn)

            def p_process():
                wait_gather(r)
                scatter(q, r)

            def p_drain():
                wait_scatter(r1)

            def p_load():
                loadidx(tt + 2, q2)

            def p_launch():
                wait_idx(q1)
                gather(q1, r1)

            if tdyn is None:
                p_process()
                if t >= 1:
                    p_drain()
                p_load()
                p_launch()
            else:
                grd(tt < nu, p_process)
                grd(tt - 1 < nu, p_drain)
                grd(tt + 2 < nu, p_load)
                grd(tt + 1 < nu, p_launch)

        loadidx(0, 0)
        loadidx(1, 1)
        wait_idx(0)
        gather(0, 0)
        for t in range(4):
            section(t)

        STEADY = (NBASE - 6) // 4
        def body(i, carry):
            for sct in range(4):
                r, r1 = sct % 2, (sct + 1) % 2
                q, q1, q2 = sct % 4, (sct + 1) % 4, (sct + 2) % 4
                t = 4 * i + sct
                wait_gather(r)
                scatter(q, r)
                wait_scatter(r1)
                loadidx(t + 2, q2)
                wait_idx(q1)
                gather(q1, r1)
            return carry
        lax.fori_loop(1, STEADY + 1, body, 0)

        for t in range(4 * (STEADY + 1), NMAX + 1):
            section(t % 4 + 4, tdyn=t)

        plsc.subcore_barrier()
        pltpu.sync_copy(acc.at[pl.ds(s * RPT, RPT)],
                        out_ref.at[c, pl.ds(s * RPT, RPT)])

    return seg


_segsum16 = _make_segsum(16, 512)
_segsum144 = _make_segsum(144, 128)


def _layer_common(Din, k, parts_ref, f_ref, wl_ref, bl_ref, wr_ref, w_ref):
    p = parts_ref[0] + parts_ref[1]
    deg = jnp.maximum(p[:, Din:Din + 1], 1.0)
    mean = p[:, :Din] / deg
    xin = f_ref[:, :Din]
    h = mean @ wl_ref[...] + bl_ref[...] + xin @ wr_ref[...]
    h = jnp.maximum(h, 0.0)
    w = w_ref[...]
    wt = jnp.transpose(w)
    ut = lax.dot_general(wt, h, (((1,), (1,)), ((), ())),
                         preferred_element_type=jnp.float32)
    ut = ut * lax.rsqrt(jnp.sum(w * w))
    keeprow = jnp.transpose(f_ref[:, Din:Din + 1])
    ueff = jnp.where(keeprow > 0, ut, NEGINF)
    b = lax.bitcast_convert_type(ueff, jnp.uint32)
    keys = jnp.where(ueff < 0, ~b, b | jnp.uint32(0x80000000))

    def it(i, prefix):
        shift = jnp.uint32(31) - i.astype(jnp.uint32)
        cand = prefix | jnp.left_shift(jnp.uint32(1), shift)
        cnt = jnp.sum((keys >= cand).astype(jnp.int32))
        return jnp.where(cnt >= k, cand, prefix)

    thr = lax.fori_loop(0, 32, it, jnp.uint32(0))
    keepn = (keys >= thr).astype(jnp.float32)
    grow = jnp.tanh(ut) * keepn
    hm = h * jnp.transpose(grow)
    kp = jnp.transpose(keepn)
    mx = jnp.max(jnp.where(kp > 0, hm, NEGINF), axis=0, keepdims=True)
    sm = jnp.sum(hm, axis=0, keepdims=True) * (1.0 / k)
    z = jnp.concatenate([mx, sm], axis=1)
    return hm, kp, z


def _layer_body(Din, k, parts_ref, f_ref, wl_ref, bl_ref, wr_ref, w_ref,
                fout_ref, z_ref):
    hm, kp, z = _layer_common(Din, k, parts_ref, f_ref, wl_ref, bl_ref,
                              wr_ref, w_ref)
    fout_ref[...] = jnp.concatenate(
        [hm, kp, jnp.zeros((N, 15), jnp.float32)], axis=1)
    z_ref[...] = z


def _layer(parts, F, Wl, bl, Wr, w, Din, k):
    return pl.pallas_call(
        functools.partial(_layer_body, Din, k),
        out_shape=[
            jax.ShapeDtypeStruct((N, 144), jnp.float32),
            jax.ShapeDtypeStruct((1, 2 * H), jnp.float32),
        ],
    )(parts, F, Wl, bl, Wr, w)


def _layer3_body(Din, k, parts_ref, f_ref, wl_ref, bl_ref, wr_ref, w_ref,
                 z1_ref, z2_ref, w1_ref, b1_ref, w2_ref, b2_ref,
                 w3_ref, b3_ref, out_ref):
    _, _, z3 = _layer_common(Din, k, parts_ref, f_ref, wl_ref, bl_ref,
                             wr_ref, w_ref)
    z = z1_ref[...] + z2_ref[...] + z3
    z = jnp.maximum(z @ w1_ref[...] + b1_ref[...], 0.0)
    z = jnp.maximum(z @ w2_ref[...] + b2_ref[...], 0.0)
    z = z @ w3_ref[...] + b3_ref[...]
    out_ref[...] = 1.0 / (1.0 + jnp.exp(-z))


def _layer3(parts, F, Wl, bl, Wr, w, z1, z2, mlp, Din, k):
    W1, b1, W2, b2, W3, b3 = mlp
    return pl.pallas_call(
        functools.partial(_layer3_body, Din, k),
        out_shape=jax.ShapeDtypeStruct((1, 1), jnp.float32),
    )(parts, F, Wl, bl, Wr, w, z1, z2, W1, b1, W2, b2, W3, b3)


def kernel(x, edge_index, batch, emb,
           conv1_Wl, conv1_bl, conv1_Wr, pool1_w,
           conv2_Wl, conv2_bl, conv2_Wr, pool2_w,
           conv3_Wl, conv3_bl, conv3_Wr, pool3_w,
           lin1_W, lin1_b, lin2_W, lin2_b, lin3_W, lin3_b):
    V = emb.shape[0]
    xi = x[:, 0]
    src1, dst1 = jnp.asarray(edge_index[0]), jnp.asarray(edge_index[1])
    il128 = jnp.concatenate([src1.reshape(E // 128, 1, 128),
                             dst1.reshape(E // 128, 1, 128)], axis=1)
    il512 = jnp.concatenate([src1.reshape(E // 512, 1, 512),
                             dst1.reshape(E // 512, 1, 512)], axis=1)

    emb_pad = jnp.concatenate(
        [emb, jnp.ones((V, 1), jnp.float32), jnp.zeros((V, 6), jnp.float32)],
        axis=1)

    F = _he_gather(emb_pad, xi)
    parts = _segsum16(F, il512)
    F, z1 = _layer(parts, F, conv1_Wl, conv1_bl[None, :], conv1_Wr,
                   pool1_w[:, None], 9, 8000)
    parts = _segsum144(F, il128)
    F, z2 = _layer(parts, F, conv2_Wl, conv2_bl[None, :], conv2_Wr,
                   pool2_w[:, None], 128, 6400)
    parts = _segsum144(F, il128)
    out = _layer3(parts, F, conv3_Wl, conv3_bl[None, :], conv3_Wr,
                  pool3_w[:, None], z1, z2,
                  (lin1_W, lin1_b[None, :], lin2_W, lin2_b[None, :],
                   lin3_W, lin3_b[None, :]), 128, 5120)
    return out[:, 0]

# --- scband reference (transcript-rebuilt; emitter-appended) ---
"""Pipeline reference for scband-gnn-1254130451159 (READ-ONLY COPY).

The authoritative reference and input builder live on the scoring server;
editing this copy changes nothing except your own understanding.
"""

import jax, jax.numpy as jnp
import numpy as np
import math


def _sage(x, src, dst, valid, Wl, bl, Wr):
    # PyG SAGEConv: lin_l(mean_j x_j) + lin_r(x); invalid edges masked out
    N = x.shape[0]
    msg = x[src] * valid[:, None]
    aggr = jax.ops.segment_sum(msg, dst, num_segments=N)
    deg = jax.ops.segment_sum(valid, dst, num_segments=N)
    mean = aggr / jnp.maximum(deg, 1.0)[:, None]
    return mean @ Wl + bl + x @ Wr


def _topk_pool(x, src, dst, valid, w, ratio):
    # PyG TopKPooling (single graph): score = tanh(x.w/||w||); keep top ceil(ratio*N)
    # nodes; x_new = x[perm]*score[perm]; edges with a dropped endpoint are masked
    # (static shapes: invalid edges kept but weighted 0).
    N = x.shape[0]
    score = jnp.tanh((x @ w) / jnp.linalg.norm(w))
    k = int(math.ceil(ratio * N))
    vals, perm = jax.lax.top_k(score, k)
    x_new = x[perm] * vals[:, None]
    new_idx = jnp.full((N,), -1, dtype=jnp.int32).at[perm].set(jnp.arange(k, dtype=jnp.int32))
    s2 = new_idx[src]
    d2 = new_idx[dst]
    valid_new = valid * (s2 >= 0).astype(x.dtype) * (d2 >= 0).astype(x.dtype)
    return x_new, jnp.where(s2 >= 0, s2, 0), jnp.where(d2 >= 0, d2, 0), valid_new


def _readout(x):
    # cat([global_max_pool, global_mean_pool]) for a single graph (batch all zeros)
    return jnp.concatenate([jnp.max(x, axis=0), jnp.mean(x, axis=0)])[None, :]


def setup_inputs(seed: int = 0):
    key = jax.random.key(seed)
    ks = jax.random.split(key, 32)
    N, E, V, D, H = 10000, 320000, 100000, 9, 128
    inp = {}
    inp["x"] = jax.random.randint(ks[0], (N, 1), 0, V, dtype=jnp.int32)
    inp["edge_index"] = jax.random.randint(ks[1], (2, E), 0, N, dtype=jnp.int32)
    inp["batch"] = jnp.zeros((N,), dtype=jnp.int32)
    inp["emb"] = jax.random.normal(ks[2], (V, D), dtype=jnp.float32) * 0.05
    dims = [(D, H), (H, H), (H, H)]
    for i, (di, do) in enumerate(dims, start=1):
        inp[f"conv{i}_Wl"] = jax.random.normal(ks[2 + 4 * i], (di, do), dtype=jnp.float32) * (1.0 / np.sqrt(di))
        inp[f"conv{i}_bl"] = jnp.zeros((do,), dtype=jnp.float32)
        inp[f"conv{i}_Wr"] = jax.random.normal(ks[3 + 4 * i], (di, do), dtype=jnp.float32) * (1.0 / np.sqrt(di))
        inp[f"pool{i}_w"] = jax.random.normal(ks[4 + 4 * i], (do,), dtype=jnp.float32) * 0.1
    inp["lin1_W"] = jax.random.normal(ks[20], (256, 128), dtype=jnp.float32) * (1.0 / np.sqrt(256))
    inp["lin1_b"] = jnp.zeros((128,), dtype=jnp.float32)
    inp["lin2_W"] = jax.random.normal(ks[21], (128, 64), dtype=jnp.float32) * (1.0 / np.sqrt(128))
    inp["lin2_b"] = jnp.zeros((64,), dtype=jnp.float32)
    inp["lin3_W"] = jax.random.normal(ks[22], (64, 1), dtype=jnp.float32) * (1.0 / np.sqrt(64))
    inp["lin3_b"] = jnp.zeros((1,), dtype=jnp.float32)
    return inp


def reference(x, edge_index, batch, emb, conv1_Wl, conv1_bl, conv1_Wr, pool1_w,
              conv2_Wl, conv2_bl, conv2_Wr, pool2_w, conv3_Wl, conv3_bl, conv3_Wr, pool3_w,
              lin1_W, lin1_b, lin2_W, lin2_b, lin3_W, lin3_b):
    src, dst = edge_index[0], edge_index[1]
    valid = jnp.ones(src.shape, dtype=jnp.float32)
    h = emb[x[:, 0]]  # item_embedding(x).squeeze(1)
    h = jax.nn.relu(_sage(h, src, dst, valid, conv1_Wl, conv1_bl, conv1_Wr))
    h, src, dst, valid = _topk_pool(h, src, dst, valid, pool1_w, 0.8)
    x1 = _readout(h)
    h = jax.nn.relu(_sage(h, src, dst, valid, conv2_Wl, conv2_bl, conv2_Wr))
    h, src, dst, valid = _topk_pool(h, src, dst, valid, pool2_w, 0.8)
    x2 = _readout(h)
    h = jax.nn.relu(_sage(h, src, dst, valid, conv3_Wl, conv3_bl, conv3_Wr))
    h, src, dst, valid = _topk_pool(h, src, dst, valid, pool3_w, 0.8)
    x3 = _readout(h)
    z = x1 + x2 + x3
    z = jax.nn.relu(z @ lin1_W + lin1_b)
    z = jax.nn.relu(z @ lin2_W + lin2_b)
    z = jax.nn.sigmoid(z @ lin3_W + lin3_b)
    return z[:, 0]

if __name__ == "__main__":
    import jax
    _d = setup_inputs()
    print(jax.jit(kernel)(*tuple(_d.values())))

</pallas_src>

<mosaic_0001>
#map = affine_map<(d0, d1) -> (0, 0)>
#map1 = affine_map<(d0, d1) -> (0, 0, 0)>
module attributes {stable_mosaic.version = 14 : i64} {
  func.func @seg(%arg0: i32, %arg1: i32, %arg2: memref<10000x144xf32, #tpu.memory_space<hbm>>, %arg3: memref<2500x2x128xi32, #tpu.memory_space<hbm>>, %arg4: memref<2x10000x144xf32, #tpu.memory_space<hbm>>, %arg5: memref<2x128xi32, #tpu.memory_space<vmem>>, %arg6: memref<2x128xi32, #tpu.memory_space<vmem>>, %arg7: memref<2x128xi32, #tpu.memory_space<vmem>>, %arg8: memref<2x128xi32, #tpu.memory_space<vmem>>, %arg9: memref<128x144xf32, #tpu.memory_space<vmem>>, %arg10: memref<128x144xf32, #tpu.memory_space<vmem>>, %arg11: memref<10000x144xf32, #tpu.memory_space<vmem_shared>>, %arg12: memref<!tpu.dma_semaphore, #tpu.memory_space<semaphore_mem>>, %arg13: memref<!tpu.dma_semaphore, #tpu.memory_space<semaphore_mem>>, %arg14: memref<!tpu.dma_semaphore, #tpu.memory_space<semaphore_mem>>, %arg15: memref<!tpu.dma_semaphore, #tpu.memory_space<semaphore_mem>>, %arg16: memref<!tpu.dma_semaphore, #tpu.memory_space<semaphore_mem>>, %arg17: memref<!tpu.dma_semaphore, #tpu.memory_space<semaphore_mem>>, %arg18: memref<!tpu.dma_semaphore, #tpu.memory_space<semaphore_mem>>, %arg19: memref<!tpu.dma_semaphore, #tpu.memory_space<semaphore_mem>>) attributes {dimension_semantics = [#tpu.dimension_semantics<core_parallel>, #tpu.dimension_semantics<subcore_parallel>], iteration_bounds = array<i64: 2, 16>, scalar_prefetch = 0 : i64, scratch_operands = 15 : i64, tpu.core_type = #tpu.core_type<sc_vector_subcore>, window_params = [{transform_indices = #map}, {transform_indices = #map1}, {transform_indices = #map1}]} {
    %mul3A = arith.constant 16 : i32
    %mul3A_0 = arith.muli %arg0, %mul3A : i32
    %add3A = arith.addi %mul3A_0, %arg1 : i32
    %lt3A = arith.constant 4 : i32
    %lt3A_1 = arith.cmpi slt, %add3A, %lt3A : i32
    %jit3A = arith.constant 1 : i32
    %jit3A_2 = arith.constant 0 : i32
    %select_n3A = arith.select %lt3A_1, %jit3A, %jit3A_2 : i32
    %add3A_3 = arith.constant 78 : i32
    %add3A_4 = arith.addi %add3A_3, %select_n3A : i32
    %scan3A = arith.constant 0 : i32
    %scan3A_5 = arith.constant 0 : i32
    %scan3A_6 = arith.constant 128 : i32
    %scan3A_7 = arith.addi %scan3A_5, %scan3A_6 : i32
    %scan3A_8 = arith.constant 1 : i32
    scf.for %scan3A_325 = %scan3A_5 to %scan3A_7 step %scan3A_8  : i32 {
      %broadcast_in_dim3A = arith.constant 0.000000e+00 : f32
      %broadcast_in_dim3A_326 = vector.broadcast %broadcast_in_dim3A : f32 to vector<16xf32>
      %swap3A = arith.index_cast %scan3A_325 : i32 to index
      %swap3A_327 = arith.constant 0 : index
      %swap3A_328 = tpu.vector_load %arg9[%swap3A, %swap3A_327] {strides = array<i32>} : memref<128x144xf32, #tpu.memory_space<vmem>>, vector<1x16xf32>,
      %swap3A_329 = vector.shape_cast %swap3A_328 : vector<1x16xf32> to vector<16xf32>
      %swap3A_330 = vector.shape_cast %broadcast_in_dim3A_326 : vector<16xf32> to vector<1x16xf32>
      tpu.vector_store %arg9[%swap3A, %swap3A_327], %swap3A_330 {strides = array<i32>} : memref<128x144xf32, #tpu.memory_space<vmem>>, vector<1x16xf32>,
      %broadcast_in_dim3A_331 = arith.constant 0.000000e+00 : f32
      %broadcast_in_dim3A_332 = vector.broadcast %broadcast_in_dim3A_331 : f32 to vector<16xf32>
      %swap3A_333 = arith.index_cast %scan3A_325 : i32 to index
      %swap3A_334 = arith.constant 16 : index
      %swap3A_335 = tpu.vector_load %arg9[%swap3A_333, %swap3A_334] {strides = array<i32>} : memref<128x144xf32, #tpu.memory_space<vmem>>, vector<1x16xf32>,
      %swap3A_336 = vector.shape_cast %swap3A_335 : vector<1x16xf32> to vector<16xf32>
      %swap3A_337 = vector.shape_cast %broadcast_in_dim3A_332 : vector<16xf32> to vector<1x16xf32>
      tpu.vector_store %arg9[%swap3A_333, %swap3A_334], %swap3A_337 {strides = array<i32>} : memref<128x144xf32, #tpu.memory_space<vmem>>, vector<1x16xf32>,
      %broadcast_in_dim3A_338 = arith.constant 0.000000e+00 : f32
      %broadcast_in_dim3A_339 = vector.broadcast %broadcast_in_dim3A_338 : f32 to vector<16xf32>
      %swap3A_340 = arith.index_cast %scan3A_325 : i32 to index
      %swap3A_341 = arith.constant 32 : index
      %swap3A_342 = tpu.vector_load %arg9[%swap3A_340, %swap3A_341] {strides = array<i32>} : memref<128x144xf32, #tpu.memory_space<vmem>>, vector<1x16xf32>,
      %swap3A_343 = vector.shape_cast %swap3A_342 : vector<1x16xf32> to vector<16xf32>
      %swap3A_344 = vector.shape_cast %broadcast_in_dim3A_339 : vector<16xf32> to vector<1x16xf32>
      tpu.vector_store %arg9[%swap3A_340, %swap3A_341], %swap3A_344 {strides = array<i32>} : memref<128x144xf32, #tpu.memory_space<vmem>>, vector<1x16xf32>,
      %broadcast_in_dim3A_345 = arith.constant 0.000000e+00 : f32
      %broadcast_in_dim3A_346 = vector.broadcast %broadcast_in_dim3A_345 : f32 to vector<16xf32>
      %swap3A_347 = arith.index_cast %scan3A_325 : i32 to index
      %swap3A_348 = arith.constant 48 : index
      %swap3A_349 = tpu.vector_load %arg9[%swap3A_347, %swap3A_348] {strides = array<i32>} : memref<128x144xf32, #tpu.memory_space<vmem>>, vector<1x16xf32>,
      %swap3A_350 = vector.shape_cast %swap3A_349 : vector<1x16xf32> to vector<16xf32>
      %swap3A_351 = vector.shape_cast %broadcast_in_dim3A_346 : vector<16xf32> to vector<1x16xf32>
      tpu.vector_store %arg9[%swap3A_347, %swap3A_348], %swap3A_351 {strides = array<i32>} : memref<128x144xf32, #tpu.memory_space<vmem>>, vector<1x16xf32>,
      %broadcast_in_dim3A_352 = arith.constant 0.000000e+00 : f32
      %broadcast_in_dim3A_353 = vector.broadcast %broadcast_in_dim3A_352 : f32 to vector<16xf32>
      %swap3A_354 = arith.index_cast %scan3A_325 : i32 to index
      %swap3A_355 = arith.constant 64 : index
      %swap3A_356 = tpu.vector_load %arg9[%swap3A_354, %swap3A_355] {strides = array<i32>} : memref<128x144xf32, #tpu.memory_space<vmem>>, vector<1x16xf32>,
      %swap3A_357 = vector.shape_cast %swap3A_356 : vector<1x16xf32> to vector<16xf32>
      %swap3A_358 = vector.shape_cast %broadcast_in_dim3A_353 : vector<16xf32> to vector<1x16xf32>
      tpu.vector_store %arg9[%swap3A_354, %swap3A_355], %swap3A_358 {strides = array<i32>} : memref<128x144xf32, #tpu.memory_space<vmem>>, vector<1x16xf32>,
      %broadcast_in_dim3A_359 = arith.constant 0.000000e+00 : f32
      %broadcast_in_dim3A_360 = vector.broadcast %broadcast_in_dim3A_359 : f32 to vector<16xf32>
      %swap3A_361 = arith.index_cast %scan3A_325 : i32 to index
      %swap3A_362 = arith.constant 80 : index
      %swap3A_363 = tpu.vector_load %arg9[%swap3A_361, %swap3A_362] {strides = array<i32>} : memref<128x144xf32, #tpu.memory_space<vmem>>, vector<1x16xf32>,
      %swap3A_364 = vector.shape_cast %swap3A_363 : vector<1x16xf32> to vector<16xf32>
      %swap3A_365 = vector.shape_cast %broadcast_in_dim3A_360 : vector<16xf32> to vector<1x16xf32>
      tpu.vector_store %arg9[%swap3A_361, %swap3A_362], %swap3A_365 {strides = array<i32>} : memref<128x144xf32, #tpu.memory_space<vmem>>, vector<1x16xf32>,
      %broadcast_in_dim3A_366 = arith.constant 0.000000e+00 : f32
      %broadcast_in_dim3A_367 = vector.broadcast %broadcast_in_dim3A_366 : f32 to vector<16xf32>
      %swap3A_368 = arith.index_cast %scan3A_325 : i32 to index
      %swap3A_369 = arith.constant 96 : index
      %swap3A_370 = tpu.vector_load %arg9[%swap3A_368, %swap3A_369] {strides = array<i32>} : memref<128x144xf32, #tpu.memory_space<vmem>>, vector<1x16xf32>,
      %swap3A_371 = vector.shape_cast %swap3A_370 : vector<1x16xf32> to vector<16xf32>
      %swap3A_372 = vector.shape_cast %broadcast_in_dim3A_367 : vector<16xf32> to vector<1x16xf32>
      tpu.vector_store %arg9[%swap3A_368, %swap3A_369], %swap3A_372 {strides = array<i32>} : memref<128x144xf32, #tpu.memory_space<vmem>>, vector<1x16xf32>,
      %broadcast_in_dim3A_373 = arith.constant 0.000000e+00 : f32
      %broadcast_in_dim3A_374 = vector.broadcast %broadcast_in_dim3A_373 : f32 to vector<16xf32>
      %swap3A_375 = arith.index_cast %scan3A_325 : i32 to index
      %swap3A_376 = arith.constant 112 : index
      %swap3A_377 = tpu.vector_load %arg9[%swap3A_375, %swap3A_376] {strides = array<i32>} : memref<128x144xf32, #tpu.memory_space<vmem>>, vector<1x16xf32>,
      %swap3A_378 = vector.shape_cast %swap3A_377 : vector<1x16xf32> to vector<16xf32>
      %swap3A_379 = vector.shape_cast %broadcast_in_dim3A_374 : vector<16xf32> to vector<1x16xf32>
      tpu.vector_store %arg9[%swap3A_375, %swap3A_376], %swap3A_379 {strides = array<i32>} : memref<128x144xf32, #tpu.memory_space<vmem>>, vector<1x16xf32>,
      %broadcast_in_dim3A_380 = arith.constant 0.000000e+00 : f32
      %broadcast_in_dim3A_381 = vector.broadcast %broadcast_in_dim3A_380 : f32 to vector<16xf32>
      %swap3A_382 = arith.index_cast %scan3A_325 : i32 to index
      %swap3A_383 = arith.constant 128 : index
      %swap3A_384 = tpu.vector_load %arg9[%swap3A_382, %swap3A_383] {strides = array<i32>} : memref<128x144xf32, #tpu.memory_space<vmem>>, vector<1x16xf32>,
      %swap3A_385 = vector.shape_cast %swap3A_384 : vector<1x16xf32> to vector<16xf32>
      %swap3A_386 = vector.shape_cast %broadcast_in_dim3A_381 : vector<16xf32> to vector<1x16xf32>
      tpu.vector_store %arg9[%swap3A_382, %swap3A_383], %swap3A_386 {strides = array<i32>} : memref<128x144xf32, #tpu.memory_space<vmem>>, vector<1x16xf32>,
    }
    %scan3A_9 = arith.constant 128 : i32
    %mul3A_10 = arith.constant 625 : i32
    %mul3A_11 = arith.muli %arg1, %mul3A_10 : i32
    %add3A_12 = arith.constant 0 : i32
    %add3A_13 = arith.addi %mul3A_11, %add3A_12 : i32
    "tpu.region"() ({
      %run_scoped3A = tpu.sem_alloc : memref<!tpu.dma_semaphore, #tpu.memory_space<semaphore_mem>>
      %dma_start3A_325 = arith.constant 0 : i32
      %dma_start3A_326 = tpu.memref_slice %arg11[%add3A_13, %dma_start3A_325] : memref<10000x144xf32, #tpu.memory_space<vmem_shared>> -> memref<128x144xf32, #tpu.memory_space<vmem_shared>>
      %dma_start3A_327 = arith.constant 0 : i32
      %dma_start3A_328 = tpu.memref_slice %arg11[%add3A_13, %dma_start3A_327] : memref<10000x144xf32, #tpu.memory_space<vmem_shared>> -> memref<128x144xf32, #tpu.memory_space<vmem_shared>>
      tpu.enqueue_dma source(%arg9 : memref<128x144xf32, #tpu.memory_space<vmem>>) target(%dma_start3A_328 : memref<128x144xf32, #tpu.memory_space<vmem_shared>>) target_semaphore(%run_scoped3A : memref<!tpu.dma_semaphore, #tpu.memory_space<semaphore_mem>>)
      %dma_wait3A_329 = arith.constant 0 : i32
      %dma_wait3A_330 = tpu.memref_slice %arg11[%add3A_13, %dma_wait3A_329] : memref<10000x144xf32, #tpu.memory_space<vmem_shared>> -> memref<128x144xf32, #tpu.memory_space<vmem_shared>>
      %dma_wait3A_331 = arith.constant 0 : i32
      %dma_wait3A_332 = tpu.memref_slice %arg11[%add3A_13, %dma_wait3A_331] : memref<10000x144xf32, #tpu.memory_space<vmem_shared>> -> memref<128x144xf32, #tpu.memory_space<vmem_shared>>
      tpu.wait_dma2 semaphore(%run_scoped3A : memref<!tpu.dma_semaphore, #tpu.memory_space<semaphore_mem>>) src(%arg9 : memref<128x144xf32, #tpu.memory_space<vmem>>) dst(%dma_wait3A_332 : memref<128x144xf32, #tpu.memory_space<vmem_shared>>)
      tpu.yield
    }) : () -> ()
    %add3A_14 = arith.constant 128 : i32
    %add3A_15 = arith.addi %mul3A_11, %add3A_14 : i32
    "tpu.region"() ({
      %run_scoped3A = tpu.sem_alloc : memref<!tpu.dma_semaphore, #tpu.memory_space<semaphore_mem>>
      %dma_start3A_325 = arith.constant 0 : i32
      %dma_start3A_326 = tpu.memref_slice %arg11[%add3A_15, %dma_start3A_325] : memref<10000x144xf32, #tpu.memory_space<vmem_shared>> -> memref<128x144xf32, #tpu.memory_space<vmem_shared>>
      %dma_start3A_327 = arith.constant 0 : i32
      %dma_start3A_328 = tpu.memref_slice %arg11[%add3A_15, %dma_start3A_327] : memref<10000x144xf32, #tpu.memory_space<vmem_shared>> -> memref<128x144xf32, #tpu.memory_space<vmem_shared>>
      tpu.enqueue_dma source(%arg9 : memref<128x144xf32, #tpu.memory_space<vmem>>) target(%dma_start3A_328 : memref<128x144xf32, #tpu.memory_space<vmem_shared>>) target_semaphore(%run_scoped3A : memref<!tpu.dma_semaphore, #tpu.memory_space<semaphore_mem>>)
      %dma_wait3A_329 = arith.constant 0 : i32
      %dma_wait3A_330 = tpu.memref_slice %arg11[%add3A_15, %dma_wait3A_329] : memref<10000x144xf32, #tpu.memory_space<vmem_shared>> -> memref<128x144xf32, #tpu.memory_space<vmem_shared>>
      %dma_wait3A_331 = arith.constant 0 : i32
      %dma_wait3A_332 = tpu.memref_slice %arg11[%add3A_15, %dma_wait3A_331] : memref<10000x144xf32, #tpu.memory_space<vmem_shared>> -> memref<128x144xf32, #tpu.memory_space<vmem_shared>>
      tpu.wait_dma2 semaphore(%run_scoped3A : memref<!tpu.dma_semaphore, #tpu.memory_space<semaphore_mem>>) src(%arg9 : memref<128x144xf32, #tpu.memory_space<vmem>>) dst(%dma_wait3A_332 : memref<128x144xf32, #tpu.memory_space<vmem_shared>>)
      tpu.yield
    }) : () -> ()
    %add3A_16 = arith.constant 256 : i32
    %add3A_17 = arith.addi %mul3A_11, %add3A_16 : i32
    "tpu.region"() ({
      %run_scoped3A = tpu.sem_alloc : memref<!tpu.dma_semaphore, #tpu.memory_space<semaphore_mem>>
      %dma_start3A_325 = arith.constant 0 : i32
      %dma_start3A_326 = tpu.memref_slice %arg11[%add3A_17, %dma_start3A_325] : memref<10000x144xf32, #tpu.memory_space<vmem_shared>> -> memref<128x144xf32, #tpu.memory_space<vmem_shared>>
      %dma_start3A_327 = arith.constant 0 : i32
      %dma_start3A_328 = tpu.memref_slice %arg11[%add3A_17, %dma_start3A_327] : memref<10000x144xf32, #tpu.memory_space<vmem_shared>> -> memref<128x144xf32, #tpu.memory_space<vmem_shared>>
      tpu.enqueue_dma source(%arg9 : memref<128x144xf32, #tpu.memory_space<vmem>>) target(%dma_start3A_328 : memref<128x144xf32, #tpu.memory_space<vmem_shared>>) target_semaphore(%run_scoped3A : memref<!tpu.dma_semaphore, #tpu.memory_space<semaphore_mem>>)
      %dma_wait3A_329 = arith.constant 0 : i32
      %dma_wait3A_330 = tpu.memref_slice %arg11[%add3A_17, %dma_wait3A_329] : memref<10000x144xf32, #tpu.memory_space<vmem_shared>> -> memref<128x144xf32, #tpu.memory_space<vmem_shared>>
      %dma_wait3A_331 = arith.constant 0 : i32
      %dma_wait3A_332 = tpu.memref_slice %arg11[%add3A_17, %dma_wait3A_331] : memref<10000x144xf32, #tpu.memory_space<vmem_shared>> -> memref<128x144xf32, #tpu.memory_space<vmem_shared>>
      tpu.wait_dma2 semaphore(%run_scoped3A : memref<!tpu.dma_semaphore, #tpu.memory_space<semaphore_mem>>) src(%arg9 : memref<128x144xf32, #tpu.memory_space<vmem>>) dst(%dma_wait3A_332 : memref<128x144xf32, #tpu.memory_space<vmem_shared>>)
      tpu.yield
    }) : () -> ()
    %add3A_18 = arith.constant 384 : i32
    %add3A_19 = arith.addi %mul3A_11, %add3A_18 : i32
    "tpu.region"() ({
      %run_scoped3A = tpu.sem_alloc : memref<!tpu.dma_semaphore, #tpu.memory_space<semaphore_mem>>
      %dma_start3A_325 = arith.constant 0 : i32
      %dma_start3A_326 = tpu.memref_slice %arg11[%add3A_19, %dma_start3A_325] : memref<10000x144xf32, #tpu.memory_space<vmem_shared>> -> memref<128x144xf32, #tpu.memory_space<vmem_shared>>
      %dma_start3A_327 = arith.constant 0 : i32
      %dma_start3A_328 = tpu.memref_slice %arg11[%add3A_19, %dma_start3A_327] : memref<10000x144xf32, #tpu.memory_space<vmem_shared>> -> memref<128x144xf32, #tpu.memory_space<vmem_shared>>
      tpu.enqueue_dma source(%arg9 : memref<128x144xf32, #tpu.memory_space<vmem>>) target(%dma_start3A_328 : memref<128x144xf32, #tpu.memory_space<vmem_shared>>) target_semaphore(%run_scoped3A : memref<!tpu.dma_semaphore, #tpu.memory_space<semaphore_mem>>)
      %dma_wait3A_329 = arith.constant 0 : i32
      %dma_wait3A_330 = tpu.memref_slice %arg11[%add3A_19, %dma_wait3A_329] : memref<10000x144xf32, #tpu.memory_space<vmem_shared>> -> memref<128x144xf32, #tpu.memory_space<vmem_shared>>
      %dma_wait3A_331 = arith.constant 0 : i32
      %dma_wait3A_332 = tpu.memref_slice %arg11[%add3A_19, %dma_wait3A_331] : memref<10000x144xf32, #tpu.memory_space<vmem_shared>> -> memref<128x144xf32, #tpu.memory_space<vmem_shared>>
      tpu.wait_dma2 semaphore(%run_scoped3A : memref<!tpu.dma_semaphore, #tpu.memory_space<semaphore_mem>>) src(%arg9 : memref<128x144xf32, #tpu.memory_space<vmem>>) dst(%dma_wait3A_332 : memref<128x144xf32, #tpu.memory_space<vmem_shared>>)
      tpu.yield
    }) : () -> ()
    %add3A_20 = arith.constant 512 : i32
    %add3A_21 = arith.addi %mul3A_11, %add3A_20 : i32
    "tpu.region"() ({
      %run_scoped3A = tpu.sem_alloc : memref<!tpu.dma_semaphore, #tpu.memory_space<semaphore_mem>>
      %dma_start3A_325 = arith.constant 0 : i32
      %dma_start3A_326 = arith.constant 0 : i32
      %dma_start3A_327 = tpu.memref_slice %arg9[%dma_start3A_325, %dma_start3A_326] : memref<128x144xf32, #tpu.memory_space<vmem>> -> memref<113x144xf32, #tpu.memory_space<vmem>>
      %dma_start3A_328 = arith.constant 0 : i32
      %dma_start3A_329 = tpu.memref_slice %arg11[%add3A_21, %dma_start3A_328] : memref<10000x144xf32, #tpu.memory_space<vmem_shared>> -> memref<113x144xf32, #tpu.memory_space<vmem_shared>>
      %dma_start3A_330 = arith.constant 0 : i32
      %dma_start3A_331 = tpu.memref_slice %arg11[%add3A_21, %dma_start3A_330] : memref<10000x144xf32, #tpu.memory_space<vmem_shared>> -> memref<113x144xf32, #tpu.memory_space<vmem_shared>>
      %dma_start3A_332 = arith.constant 0 : i32
      %dma_start3A_333 = arith.constant 0 : i32
      %dma_start3A_334 = tpu.memref_slice %arg9[%dma_start3A_332, %dma_start3A_333] : memref<128x144xf32, #tpu.memory_space<vmem>> -> memref<113x144xf32, #tpu.memory_space<vmem>>
      tpu.enqueue_dma source(%dma_start3A_334 : memref<113x144xf32, #tpu.memory_space<vmem>>) target(%dma_start3A_331 : memref<113x144xf32, #tpu.memory_space<vmem_shared>>) target_semaphore(%run_scoped3A : memref<!tpu.dma_semaphore, #tpu.memory_space<semaphore_mem>>)
      %dma_wait3A_335 = arith.constant 0 : i32
      %dma_wait3A_336 = arith.constant 0 : i32
      %dma_wait3A_337 = tpu.memref_slice %arg9[%dma_wait3A_335, %dma_wait3A_336] : memref<128x144xf32, #tpu.memory_space<vmem>> -> memref<113x144xf32, #tpu.memory_space<vmem>>
      %dma_wait3A_338 = arith.constant 0 : i32
      %dma_wait3A_339 = tpu.memref_slice %arg11[%add3A_21, %dma_wait3A_338] : memref<10000x144xf32, #tpu.memory_space<vmem_shared>> -> memref<113x144xf32, #tpu.memory_space<vmem_shared>>
      %dma_wait3A_340 = arith.constant 0 : i32
      %dma_wait3A_341 = tpu.memref_slice %arg11[%add3A_21, %dma_wait3A_340] : memref<10000x144xf32, #tpu.memory_space<vmem_shared>> -> memref<113x144xf32, #tpu.memory_space<vmem_shared>>
      %dma_wait3A_342 = arith.constant 0 : i32
      %dma_wait3A_343 = arith.constant 0 : i32
      %dma_wait3A_344 = tpu.memref_slice %arg9[%dma_wait3A_342, %dma_wait3A_343] : memref<128x144xf32, #tpu.memory_space<vmem>> -> memref<113x144xf32, #tpu.memory_space<vmem>>
      tpu.wait_dma2 semaphore(%run_scoped3A : memref<!tpu.dma_semaphore, #tpu.memory_space<semaphore_mem>>) src(%dma_wait3A_344 : memref<113x144xf32, #tpu.memory_space<vmem>>) dst(%dma_wait3A_341 : memref<113x144xf32, #tpu.memory_space<vmem_shared>>)
      tpu.yield
    }) : () -> ()
    %barrier3A = arith.constant 0 : index
    tpu.barrier barrier_id(%barrier3A)
    %add3A_22 = arith.constant 0 : i32
    %add3A_23 = arith.addi %add3A, %add3A_22 : i32
    %dma_start3A = arith.constant 0 : i32
    %dma_start3A_24 = arith.constant 0 : i32
    %dma_start3A_25 = tpu.memref_slice %arg3[%add3A_23, %dma_start3A, %dma_start3A_24] : memref<2500x2x128xi32, #tpu.memory_space<hbm>> -> memref<1x2x128xi32, #tpu.memory_space<hbm>>
    %dma_start3A_26 = tpu.memref_squeeze %dma_start3A_25 : memref<1x2x128xi32, #tpu.memory_space<hbm>> -> memref<2x128xi32, #tpu.memory_space<hbm>>
    %dma_start3A_27 = arith.constant 0 : i32
    %dma_start3A_28 = arith.constant 0 : i32
    %dma_start3A_29 = tpu.memref_slice %arg3[%add3A_23, %dma_start3A_27, %dma_start3A_28] : memref<2500x2x128xi32, #tpu.memory_space<hbm>> -> memref<1x2x128xi32, #tpu.memory_space<hbm>>
    %dma_start3A_30 = tpu.memref_squeeze %dma_start3A_29 : memref<1x2x128xi32, #tpu.memory_space<hbm>> -> memref<2x128xi32, #tpu.memory_space<hbm>>
    tpu.enqueue_dma source(%dma_start3A_30 : memref<2x128xi32, #tpu.memory_space<hbm>>) target(%arg5 : memref<2x128xi32, #tpu.memory_space<vmem>>) target_semaphore(%arg16 : memref<!tpu.dma_semaphore, #tpu.memory_space<semaphore_mem>>)
    %add3A_31 = arith.constant 32 : i32
    %add3A_32 = arith.addi %add3A, %add3A_31 : i32
    %dma_start3A_33 = arith.constant 0 : i32
    %dma_start3A_34 = arith.constant 0 : i32
    %dma_start3A_35 = tpu.memref_slice %arg3[%add3A_32, %dma_start3A_33, %dma_start3A_34] : memref<2500x2x128xi32, #tpu.memory_space<hbm>> -> memref<1x2x128xi32, #tpu.memory_space<hbm>>
    %dma_start3A_36 = tpu.memref_squeeze %dma_start3A_35 : memref<1x2x128xi32, #tpu.memory_space<hbm>> -> memref<2x128xi32, #tpu.memory_space<hbm>>
    %dma_start3A_37 = arith.constant 0 : i32
    %dma_start3A_38 = arith.constant 0 : i32
    %dma_start3A_39 = tpu.memref_slice %arg3[%add3A_32, %dma_start3A_37, %dma_start3A_38] : memref<2500x2x128xi32, #tpu.memory_space<hbm>> -> memref<1x2x128xi32, #tpu.memory_space<hbm>>
    %dma_start3A_40 = tpu.memref_squeeze %dma_start3A_39 : memref<1x2x128xi32, #tpu.memory_space<hbm>> -> memref<2x128xi32, #tpu.memory_space<hbm>>
    tpu.enqueue_dma source(%dma_start3A_40 : memref<2x128xi32, #tpu.memory_space<hbm>>) target(%arg6 : memref<2x128xi32, #tpu.memory_space<vmem>>) target_semaphore(%arg17 : memref<!tpu.dma_semaphore, #tpu.memory_space<semaphore_mem>>)
    %dma_wait3A = arith.constant 0 : i32
    %dma_wait3A_41 = arith.constant 0 : i32
    %dma_wait3A_42 = arith.constant 0 : i32
    %dma_wait3A_43 = tpu.memref_slice %arg3[%dma_wait3A, %dma_wait3A_41, %dma_wait3A_42] : memref<2500x2x128xi32, #tpu.memory_space<hbm>> -> memref<1x2x128xi32, #tpu.memory_space<hbm>>
    %dma_wait3A_44 = tpu.memref_squeeze %dma_wait3A_43 : memref<1x2x128xi32, #tpu.memory_space<hbm>> -> memref<2x128xi32, #tpu.memory_space<hbm>>
    %dma_wait3A_45 = arith.constant 0 : i32
    %dma_wait3A_46 = arith.constant 0 : i32
    %dma_wait3A_47 = tpu.memref_slice %arg3[%dma_wait3A, %dma_wait3A_45, %dma_wait3A_46] : memref<2500x2x128xi32, #tpu.memory_space<hbm>> -> memref<1x2x128xi32, #tpu.memory_space<hbm>>
    %dma_wait3A_48 = tpu.memref_squeeze %dma_wait3A_47 : memref<1x2x128xi32, #tpu.memory_space<hbm>> -> memref<2x128xi32, #tpu.memory_space<hbm>>
    tpu.wait_dma2 semaphore(%arg16 : memref<!tpu.dma_semaphore, #tpu.memory_space<semaphore_mem>>) src(%dma_wait3A_48 : memref<2x128xi32, #tpu.memory_space<hbm>>) dst(%arg5 : memref<2x128xi32, #tpu.memory_space<vmem>>)
    %dma_start3A_49 = arith.constant 0 : i32
    %dma_start3A_50 = arith.constant 0 : i32
    %dma_start3A_51 = tpu.memref_slice %arg5[%dma_start3A_49, %dma_start3A_50] : memref<2x128xi32, #tpu.memory_space<vmem>> -> memref<1x128xi32, #tpu.memory_space<vmem>>
    %dma_start3A_52 = tpu.memref_squeeze %dma_start3A_51 : memref<1x128xi32, #tpu.memory_space<vmem>> -> memref<128xi32, #tpu.memory_space<vmem>>
    %dma_start3A_53 = arith.constant 0 : i32
    %dma_start3A_54 = arith.constant 0 : i32
    %dma_start3A_55 = tpu.memref_slice %arg2[%dma_start3A_53, %dma_start3A_54] : memref<10000x144xf32, #tpu.memory_space<hbm>> -> memref<10000x144xf32, #tpu.memory_space<hbm>>
    tpu.enqueue_indirect_dma source(%dma_start3A_55 : memref<10000x144xf32, #tpu.memory_space<hbm>>) target(%arg9 : memref<128x144xf32, #tpu.memory_space<vmem>>) offsets(%dma_start3A_52 : memref<128xi32, #tpu.memory_space<vmem>>) semaphore(%arg12 : memref<!tpu.dma_semaphore, #tpu.memory_space<semaphore_mem>>)
    %dma_wait3A_56 = arith.constant 0 : i32
    %dma_wait3A_57 = arith.constant 0 : i32
    %dma_wait3A_58 = tpu.memref_slice %arg5[%dma_wait3A_56, %dma_wait3A_57] : memref<2x128xi32, #tpu.memory_space<vmem>> -> memref<1x128xi32, #tpu.memory_space<vmem>>
    %dma_wait3A_59 = tpu.memref_squeeze %dma_wait3A_58 : memref<1x128xi32, #tpu.memory_space<vmem>> -> memref<128xi32, #tpu.memory_space<vmem>>
    %dma_wait3A_60 = arith.constant 0 : i32
    %dma_wait3A_61 = arith.constant 0 : i32
    %dma_wait3A_62 = tpu.memref_slice %arg2[%dma_wait3A_60, %dma_wait3A_61] : memref<10000x144xf32, #tpu.memory_space<hbm>> -> memref<10000x144xf32, #tpu.memory_space<hbm>>
    tpu.wait_indirect_dma semaphore(%arg12 : memref<!tpu.dma_semaphore, #tpu.memory_space<semaphore_mem>>) src(%dma_wait3A_62 : memref<10000x144xf32, #tpu.memory_space<hbm>>) dst(%arg9 : memref<128x144xf32, #tpu.memory_space<vmem>>)
    %dma_start3A_63 = arith.constant 1 : i32
    %dma_start3A_64 = arith.constant 0 : i32
    %dma_start3A_65 = tpu.memref_slice %arg5[%dma_start3A_63, %dma_start3A_64] : memref<2x128xi32, #tpu.memory_space<vmem>> -> memref<1x128xi32, #tpu.memory_space<vmem>>
    %dma_start3A_66 = tpu.memref_squeeze %dma_start3A_65 : memref<1x128xi32, #tpu.memory_space<vmem>> -> memref<128xi32, #tpu.memory_space<vmem>>
    %dma_start3A_67 = arith.constant 0 : i32
    %dma_start3A_68 = arith.constant 0 : i32
    %dma_start3A_69 = tpu.memref_slice %arg11[%dma_start3A_67, %dma_start3A_68] : memref<10000x144xf32, #tpu.memory_space<vmem_shared>> -> memref<10000x144xf32, #tpu.memory_space<vmem_shared>>
    tpu.enqueue_indirect_dma source(%arg9 : memref<128x144xf32, #tpu.memory_space<vmem>>) target(%dma_start3A_69 : memref<10000x144xf32, #tpu.memory_space<vmem_shared>>) offsets(%dma_start3A_66 : memref<128xi32, #tpu.memory_space<vmem>>) semaphore(%arg14 : memref<!tpu.dma_semaphore, #tpu.memory_space<semaphore_mem>>) {add = true}
    %add3A_70 = arith.constant 64 : i32
    %add3A_71 = arith.addi %add3A, %add3A_70 : i32
    %dma_start3A_72 = arith.constant 0 : i32
    %dma_start3A_73 = arith.constant 0 : i32
    %dma_start3A_74 = tpu.memref_slice %arg3[%add3A_71, %dma_start3A_72, %dma_start3A_73] : memref<2500x2x128xi32, #tpu.memory_space<hbm>> -> memref<1x2x128xi32, #tpu.memory_space<hbm>>
    %dma_start3A_75 = tpu.memref_squeeze %dma_start3A_74 : memref<1x2x128xi32, #tpu.memory_space<hbm>> -> memref<2x128xi32, #tpu.memory_space<hbm>>
    %dma_start3A_76 = arith.constant 0 : i32
    %dma_start3A_77 = arith.constant 0 : i32
    %dma_start3A_78 = tpu.memref_slice %arg3[%add3A_71, %dma_start3A_76, %dma_start3A_77] : memref<2500x2x128xi32, #tpu.memory_space<hbm>> -> memref<1x2x128xi32, #tpu.memory_space<hbm>>
    %dma_start3A_79 = tpu.memref_squeeze %dma_start3A_78 : memref<1x2x128xi32, #tpu.memory_space<hbm>> -> memref<2x128xi32, #tpu.memory_space<hbm>>
    tpu.enqueue_dma source(%dma_start3A_79 : memref<2x128xi32, #tpu.memory_space<hbm>>) target(%arg7 : memref<2x128xi32, #tpu.memory_space<vmem>>) target_semaphore(%arg18 : memref<!tpu.dma_semaphore, #tpu.memory_space<semaphore_mem>>)
    %dma_wait3A_80 = arith.constant 0 : i32
    %dma_wait3A_81 = arith.constant 0 : i32
    %dma_wait3A_82 = arith.constant 0 : i32
    %dma_wait3A_83 = tpu.memref_slice %arg3[%dma_wait3A_80, %dma_wait3A_81, %dma_wait3A_82] : memref<2500x2x128xi32, #tpu.memory_space<hbm>> -> memref<1x2x128xi32, #tpu.memory_space<hbm>>
    %dma_wait3A_84 = tpu.memref_squeeze %dma_wait3A_83 : memref<1x2x128xi32, #tpu.memory_space<hbm>> -> memref<2x128xi32, #tpu.memory_space<hbm>>
    %dma_wait3A_85 = arith.constant 0 : i32
    %dma_wait3A_86 = arith.constant 0 : i32
    %dma_wait3A_87 = tpu.memref_slice %arg3[%dma_wait3A_80, %dma_wait3A_85, %dma_wait3A_86] : memref<2500x2x128xi32, #tpu.memory_space<hbm>> -> memref<1x2x128xi32, #tpu.memory_space<hbm>>
    %dma_wait3A_88 = tpu.memref_squeeze %dma_wait3A_87 : memref<1x2x128xi32, #tpu.memory_space<hbm>> -> memref<2x128xi32, #tpu.memory_space<hbm>>
    tpu.wait_dma2 semaphore(%arg17 : memref<!tpu.dma_semaphore, #tpu.memory_space<semaphore_mem>>) src(%dma_wait3A_88 : memref<2x128xi32, #tpu.memory_space<hbm>>) dst(%arg6 : memref<2x128xi32, #tpu.memory_space<vmem>>)
    %dma_start3A_89 = arith.constant 0 : i32
    %dma_start3A_90 = arith.constant 0 : i32
    %dma_start3A_91 = tpu.memref_slice %arg6[%dma_start3A_89, %dma_start3A_90] : memref<2x128xi32, #tpu.memory_space<vmem>> -> memref<1x128xi32, #tpu.memory_space<vmem>>
    %dma_start3A_92 = tpu.memref_squeeze %dma_start3A_91 : memref<1x128xi32, #tpu.memory_space<vmem>> -> memref<128xi32, #tpu.memory_space<vmem>>
    %dma_start3A_93 = arith.constant 0 : i32
    %dma_start3A_94 = arith.constant 0 : i32
    %dma_start3A_95 = tpu.memref_slice %arg2[%dma_start3A_93, %dma_start3A_94] : memref<10000x144xf32, #tpu.memory_space<hbm>> -> memref<10000x144xf32, #tpu.memory_space<hbm>>
    tpu.enqueue_indirect_dma source(%dma_start3A_95 : memref<10000x144xf32, #tpu.memory_space<hbm>>) target(%arg10 : memref<128x144xf32, #tpu.memory_space<vmem>>) offsets(%dma_start3A_92 : memref<128xi32, #tpu.memory_space<vmem>>) semaphore(%arg13 : memref<!tpu.dma_semaphore, #tpu.memory_space<semaphore_mem>>)
    %dma_wait3A_96 = arith.constant 0 : i32
    %dma_wait3A_97 = arith.constant 0 : i32
    %dma_wait3A_98 = tpu.memref_slice %arg5[%dma_wait3A_96, %dma_wait3A_97] : memref<2x128xi32, #tpu.memory_space<vmem>> -> memref<1x128xi32, #tpu.memory_space<vmem>>
    %dma_wait3A_99 = tpu.memref_squeeze %dma_wait3A_98 : memref<1x128xi32, #tpu.memory_space<vmem>> -> memref<128xi32, #tpu.memory_space<vmem>>
    %dma_wait3A_100 = arith.constant 0 : i32
    %dma_wait3A_101 = arith.constant 0 : i32
    %dma_wait3A_102 = tpu.memref_slice %arg2[%dma_wait3A_100, %dma_wait3A_101] : memref<10000x144xf32, #tpu.memory_space<hbm>> -> memref<10000x144xf32, #tpu.memory_space<hbm>>
    tpu.wait_indirect_dma semaphore(%arg13 : memref<!tpu.dma_semaphore, #tpu.memory_space<semaphore_mem>>) src(%dma_wait3A_102 : memref<10000x144xf32, #tpu.memory_space<hbm>>) dst(%arg10 : memref<128x144xf32, #tpu.memory_space<vmem>>)
    %dma_start3A_103 = arith.constant 1 : i32
    %dma_start3A_104 = arith.constant 0 : i32
    %dma_start3A_105 = tpu.memref_slice %arg6[%dma_start3A_103, %dma_start3A_104] : memref<2x128xi32, #tpu.memory_space<vmem>> -> memref<1x128xi32, #tpu.memory_space<vmem>>
    %dma_start3A_106 = tpu.memref_squeeze %dma_start3A_105 : memref<1x128xi32, #tpu.memory_space<vmem>> -> memref<128xi32, #tpu.memory_space<vmem>>
    %dma_start3A_107 = arith.constant 0 : i32
    %dma_start3A_108 = arith.constant 0 : i32
    %dma_start3A_109 = tpu.memref_slice %arg11[%dma_start3A_107, %dma_start3A_108] : memref<10000x144xf32, #tpu.memory_space<vmem_shared>> -> memref<10000x144xf32, #tpu.memory_space<vmem_shared>>
    tpu.enqueue_indirect_dma source(%arg10 : memref<128x144xf32, #tpu.memory_space<vmem>>) target(%dma_start3A_109 : memref<10000x144xf32, #tpu.memory_space<vmem_shared>>) offsets(%dma_start3A_106 : memref<128xi32, #tpu.memory_space<vmem>>) semaphore(%arg15 : memref<!tpu.dma_semaphore, #tpu.memory_space<semaphore_mem>>) {add = true}
    %dma_wait3A_110 = arith.constant 1 : i32
    %dma_wait3A_111 = arith.constant 0 : i32
    %dma_wait3A_112 = tpu.memref_slice %arg5[%dma_wait3A_110, %dma_wait3A_111] : memref<2x128xi32, #tpu.memory_space<vmem>> -> memref<1x128xi32, #tpu.memory_space<vmem>>
    %dma_wait3A_113 = tpu.memref_squeeze %dma_wait3A_112 : memref<1x128xi32, #tpu.memory_space<vmem>> -> memref<128xi32, #tpu.memory_space<vmem>>
    %dma_wait3A_114 = arith.constant 0 : i32
    %dma_wait3A_115 = arith.constant 0 : i32
    %dma_wait3A_116 = tpu.memref_slice %arg11[%dma_wait3A_114, %dma_wait3A_115] : memref<10000x144xf32, #tpu.memory_space<vmem_shared>> -> memref<10000x144xf32, #tpu.memory_space<vmem_shared>>
    tpu.wait_indirect_dma semaphore(%arg14 : memref<!tpu.dma_semaphore, #tpu.memory_space<semaphore_mem>>) src(%arg9 : memref<128x144xf32, #tpu.memory_space<vmem>>) dst(%dma_wait3A_116 : memref<10000x144xf32, #tpu.memory_space<vmem_shared>>)
    %add3A_117 = arith.constant 96 : i32
    %add3A_118 = arith.addi %add3A, %add3A_117 : i32
    %dma_start3A_119 = arith.constant 0 : i32
    %dma_start3A_120 = arith.constant 0 : i32
    %dma_start3A_121 = tpu.memref_slice %arg3[%add3A_118, %dma_start3A_119, %dma_start3A_120] : memref<2500x2x128xi32, #tpu.memory_space<hbm>> -> memref<1x2x128xi32, #tpu.memory_space<hbm>>
    %dma_start3A_122 = tpu.memref_squeeze %dma_start3A_121 : memref<1x2x128xi32, #tpu.memory_space<hbm>> -> memref<2x128xi32, #tpu.memory_space<hbm>>
    %dma_start3A_123 = arith.constant 0 : i32
    %dma_start3A_124 = arith.constant 0 : i32
    %dma_start3A_125 = tpu.memref_slice %arg3[%add3A_118, %dma_start3A_123, %dma_start3A_124] : memref<2500x2x128xi32, #tpu.memory_space<hbm>> -> memref<1x2x128xi32, #tpu.memory_space<hbm>>
    %dma_start3A_126 = tpu.memref_squeeze %dma_start3A_125 : memref<1x2x128xi32, #tpu.memory_space<hbm>> -> memref<2x128xi32, #tpu.memory_space<hbm>>
    tpu.enqueue_dma source(%dma_start3A_126 : memref<2x128xi32, #tpu.memory_space<hbm>>) target(%arg8 : memref<2x128xi32, #tpu.memory_space<vmem>>) target_semaphore(%arg19 : memref<!tpu.dma_semaphore, #tpu.memory_space<semaphore_mem>>)
    %dma_wait3A_127 = arith.constant 0 : i32
    %dma_wait3A_128 = arith.constant 0 : i32
    %dma_wait3A_129 = arith.constant 0 : i32
    %dma_wait3A_130 = tpu.memref_slice %arg3[%dma_wait3A_127, %dma_wait3A_128, %dma_wait3A_129] : memref<2500x2x128xi32, #tpu.memory_space<hbm>> -> memref<1x2x128xi32, #tpu.memory_space<hbm>>
    %dma_wait3A_131 = tpu.memref_squeeze %dma_wait3A_130 : memref<1x2x128xi32, #tpu.memory_space<hbm>> -> memref<2x128xi32, #tpu.memory_space<hbm>>
    %dma_wait3A_132 = arith.constant 0 : i32
    %dma_wait3A_133 = arith.constant 0 : i32
    %dma_wait3A_134 = tpu.memref_slice %arg3[%dma_wait3A_127, %dma_wait3A_132, %dma_wait3A_133] : memref<2500x2x128xi32, #tpu.memory_space<hbm>> -> memref<1x2x128xi32, #tpu.memory_space<hbm>>
    %dma_wait3A_135 = tpu.memref_squeeze %dma_wait3A_134 : memref<1x2x128xi32, #tpu.memory_space<hbm>> -> memref<2x128xi32, #tpu.memory_space<hbm>>
    tpu.wait_dma2 semaphore(%arg18 : memref<!tpu.dma_semaphore, #tpu.memory_space<semaphore_mem>>) src(%dma_wait3A_135 : memref<2x128xi32, #tpu.memory_space<hbm>>) dst(%arg7 : memref<2x128xi32, #tpu.memory_space<vmem>>)
    %dma_start3A_136 = arith.constant 0 : i32
    %dma_start3A_137 = arith.constant 0 : i32
    %dma_start3A_138 = tpu.memref_slice %arg7[%dma_start3A_136, %dma_start3A_137] : memref<2x128xi32, #tpu.memory_space<vmem>> -> memref<1x128xi32, #tpu.memory_space<vmem>>
    %dma_start3A_139 = tpu.memref_squeeze %dma_start3A_138 : memref<1x128xi32, #tpu.memory_space<vmem>> -> memref<128xi32, #tpu.memory_space<vmem>>
    %dma_start3A_140 = arith.constant 0 : i32
    %dma_start3A_141 = arith.constant 0 : i32
    %dma_start3A_142 = tpu.memref_slice %arg2[%dma_start3A_140, %dma_start3A_141] : memref<10000x144xf32, #tpu.memory_space<hbm>> -> memref<10000x144xf32, #tpu.memory_space<hbm>>
    tpu.enqueue_indirect_dma source(%dma_start3A_142 : memref<10000x144xf32, #tpu.memory_space<hbm>>) target(%arg9 : memref<128x144xf32, #tpu.memory_space<vmem>>) offsets(%dma_start3A_139 : memref<128xi32, #tpu.memory_space<vmem>>) semaphore(%arg12 : memref<!tpu.dma_semaphore, #tpu.memory_space<semaphore_mem>>)
    %dma_wait3A_143 = arith.constant 0 : i32
    %dma_wait3A_144 = arith.constant 0 : i32
    %dma_wait3A_145 = tpu.memref_slice %arg5[%dma_wait3A_143, %dma_wait3A_144] : memref<2x128xi32, #tpu.memory_space<vmem>> -> memref<1x128xi32, #tpu.memory_space<vmem>>
    %dma_wait3A_146 = tpu.memref_squeeze %dma_wait3A_145 : memref<1x128xi32, #tpu.memory_space<vmem>> -> memref<128xi32, #tpu.memory_space<vmem>>
    %dma_wait3A_147 = arith.constant 0 : i32
    %dma_wait3A_148 = arith.constant 0 : i32
    %dma_wait3A_149 = tpu.memref_slice %arg2[%dma_wait3A_147, %dma_wait3A_148] : memref<10000x144xf32, #tpu.memory_space<hbm>> -> memref<10000x144xf32, #tpu.memory_space<hbm>>
    tpu.wait_indirect_dma semaphore(%arg12 : memref<!tpu.dma_semaphore, #tpu.memory_space<semaphore_mem>>) src(%dma_wait3A_149 : memref<10000x144xf32, #tpu.memory_space<hbm>>) dst(%arg9 : memref<128x144xf32, #tpu.memory_space<vmem>>)
    %dma_start3A_150 = arith.constant 1 : i32
    %dma_start3A_151 = arith.constant 0 : i32
    %dma_start3A_152 = tpu.memref_slice %arg7[%dma_start3A_150, %dma_start3A_151] : memref<2x128xi32, #tpu.memory_space<vmem>> -> memref<1x128xi32, #tpu.memory_space<vmem>>
    %dma_start3A_153 = tpu.memref_squeeze %dma_start3A_152 : memref<1x128xi32, #tpu.memory_space<vmem>> -> memref<128xi32, #tpu.memory_space<vmem>>
    %dma_start3A_154 = arith.constant 0 : i32
    %dma_start3A_155 = arith.constant 0 : i32
    %dma_start3A_156 = tpu.memref_slice %arg11[%dma_start3A_154, %dma_start3A_155] : memref<10000x144xf32, #tpu.memory_space<vmem_shared>> -> memref<10000x144xf32, #tpu.memory_space<vmem_shared>>
    tpu.enqueue_indirect_dma source(%arg9 : memref<128x144xf32, #tpu.memory_space<vmem>>) target(%dma_start3A_156 : memref<10000x144xf32, #tpu.memory_space<vmem_shared>>) offsets(%dma_start3A_153 : memref<128xi32, #tpu.memory_space<vmem>>) semaphore(%arg14 : memref<!tpu.dma_semaphore, #tpu.memory_space<semaphore_mem>>) {add = true}
    %dma_wait3A_157 = arith.constant 1 : i32
    %dma_wait3A_158 = arith.constant 0 : i32
    %dma_wait3A_159 = tpu.memref_slice %arg5[%dma_wait3A_157, %dma_wait3A_158] : memref<2x128xi32, #tpu.memory_space<vmem>> -> memref<1x128xi32, #tpu.memory_space<vmem>>
    %dma_wait3A_160 = tpu.memref_squeeze %dma_wait3A_159 : memref<1x128xi32, #tpu.memory_space<vmem>> -> memref<128xi32, #tpu.memory_space<vmem>>
    %dma_wait3A_161 = arith.constant 0 : i32
    %dma_wait3A_162 = arith.constant 0 : i32
    %dma_wait3A_163 = tpu.memref_slice %arg11[%dma_wait3A_161, %dma_wait3A_162] : memref<10000x144xf32, #tpu.memory_space<vmem_shared>> -> memref<10000x144xf32, #tpu.memory_space<vmem_shared>>
    tpu.wait_indirect_dma semaphore(%arg15 : memref<!tpu.dma_semaphore, #tpu.memory_space<semaphore_mem>>) src(%arg10 : memref<128x144xf32, #tpu.memory_space<vmem>>) dst(%dma_wait3A_163 : memref<10000x144xf32, #tpu.memory_space<vmem_shared>>)
    %add3A_164 = arith.constant 128 : i32
    %add3A_165 = arith.addi %add3A, %add3A_164 : i32
    %dma_start3A_166 = arith.constant 0 : i32
    %dma_start3A_167 = arith.constant 0 : i32
    %dma_start3A_168 = tpu.memref_slice %arg3[%add3A_165, %dma_start3A_166, %dma_start3A_167] : memref<2500x2x128xi32, #tpu.memory_space<hbm>> -> memref<1x2x128xi32, #tpu.memory_space<hbm>>
    %dma_start3A_169 = tpu.memref_squeeze %dma_start3A_168 : memref<1x2x128xi32, #tpu.memory_space<hbm>> -> memref<2x128xi32, #tpu.memory_space<hbm>>
    %dma_start3A_170 = arith.constant 0 : i32
    %dma_start3A_171 = arith.constant 0 : i32
    %dma_start3A_172 = tpu.memref_slice %arg3[%add3A_165, %dma_start3A_170, %dma_start3A_171] : memref<2500x2x128xi32, #tpu.memory_space<hbm>> -> memref<1x2x128xi32, #tpu.memory_space<hbm>>
    %dma_start3A_173 = tpu.memref_squeeze %dma_start3A_172 : memref<1x2x128xi32, #tpu.memory_space<hbm>> -> memref<2x128xi32, #tpu.memory_space<hbm>>
    tpu.enqueue_dma source(%dma_start3A_173 : memref<2x128xi32, #tpu.memory_space<hbm>>) target(%arg5 : memref<2x128xi32, #tpu.memory_space<vmem>>) target_semaphore(%arg16 : memref<!tpu.dma_semaphore, #tpu.memory_space<semaphore_mem>>)
    %dma_wait3A_174 = arith.constant 0 : i32
    %dma_wait3A_175 = arith.constant 0 : i32
    %dma_wait3A_176 = arith.constant 0 : i32
    %dma_wait3A_177 = tpu.memref_slice %arg3[%dma_wait3A_174, %dma_wait3A_175, %dma_wait3A_176] : memref<2500x2x128xi32, #tpu.memory_space<hbm>> -> memref<1x2x128xi32, #tpu.memory_space<hbm>>
    %dma_wait3A_178 = tpu.memref_squeeze %dma_wait3A_177 : memref<1x2x128xi32, #tpu.memory_space<hbm>> -> memref<2x128xi32, #tpu.memory_space<hbm>>
    %dma_wait3A_179 = arith.constant 0 : i32
    %dma_wait3A_180 = arith.constant 0 : i32
    %dma_wait3A_181 = tpu.memref_slice %arg3[%dma_wait3A_174, %dma_wait3A_179, %dma_wait3A_180] : memref<2500x2x128xi32, #tpu.memory_space<hbm>> -> memref<1x2x128xi32, #tpu.memory_space<hbm>>
    %dma_wait3A_182 = tpu.memref_squeeze %dma_wait3A_181 : memref<1x2x128xi32, #tpu.memory_space<hbm>> -> memref<2x128xi32, #tpu.memory_space<hbm>>
    tpu.wait_dma2 semaphore(%arg19 : memref<!tpu.dma_semaphore, #tpu.memory_space<semaphore_mem>>) src(%dma_wait3A_182 : memref<2x128xi32, #tpu.memory_space<hbm>>) dst(%arg8 : memref<2x128xi32, #tpu.memory_space<vmem>>)
    %dma_start3A_183 = arith.constant 0 : i32
    %dma_start3A_184 = arith.constant 0 : i32
    %dma_start3A_185 = tpu.memref_slice %arg8[%dma_start3A_183, %dma_start3A_184] : memref<2x128xi32, #tpu.memory_space<vmem>> -> memref<1x128xi32, #tpu.memory_space<vmem>>
    %dma_start3A_186 = tpu.memref_squeeze %dma_start3A_185 : memref<1x128xi32, #tpu.memory_space<vmem>> -> memref<128xi32, #tpu.memory_space<vmem>>
    %dma_start3A_187 = arith.constant 0 : i32
    %dma_start3A_188 = arith.constant 0 : i32
    %dma_start3A_189 = tpu.memref_slice %arg2[%dma_start3A_187, %dma_start3A_188] : memref<10000x144xf32, #tpu.memory_space<hbm>> -> memref<10000x144xf32, #tpu.memory_space<hbm>>
    tpu.enqueue_indirect_dma source(%dma_start3A_189 : memref<10000x144xf32, #tpu.memory_space<hbm>>) target(%arg10 : memref<128x144xf32, #tpu.memory_space<vmem>>) offsets(%dma_start3A_186 : memref<128xi32, #tpu.memory_space<vmem>>) semaphore(%arg13 : memref<!tpu.dma_semaphore, #tpu.memory_space<semaphore_mem>>)
    %dma_wait3A_190 = arith.constant 0 : i32
    %dma_wait3A_191 = arith.constant 0 : i32
    %dma_wait3A_192 = tpu.memref_slice %arg5[%dma_wait3A_190, %dma_wait3A_191] : memref<2x128xi32, #tpu.memory_space<vmem>> -> memref<1x128xi32, #tpu.memory_space<vmem>>
    %dma_wait3A_193 = tpu.memref_squeeze %dma_wait3A_192 : memref<1x128xi32, #tpu.memory_space<vmem>> -> memref<128xi32, #tpu.memory_space<vmem>>
    %dma_wait3A_194 = arith.constant 0 : i32
    %dma_wait3A_195 = arith.constant 0 : i32
    %dma_wait3A_196 = tpu.memref_slice %arg2[%dma_wait3A_194, %dma_wait3A_195] : memref<10000x144xf32, #tpu.memory_space<hbm>> -> memref<10000x144xf32, #tpu.memory_space<hbm>>
    tpu.wait_indirect_dma semaphore(%arg13 : memref<!tpu.dma_semaphore, #tpu.memory_space<semaphore_mem>>) src(%dma_wait3A_196 : memref<10000x144xf32, #tpu.memory_space<hbm>>) dst(%arg10 : memref<128x144xf32, #tpu.memory_space<vmem>>)
    %dma_start3A_197 = arith.constant 1 : i32
    %dma_start3A_198 = arith.constant 0 : i32
    %dma_start3A_199 = tpu.memref_slice %arg8[%dma_start3A_197, %dma_start3A_198] : memref<2x128xi32, #tpu.memory_space<vmem>> -> memref<1x128xi32, #tpu.memory_space<vmem>>
    %dma_start3A_200 = tpu.memref_squeeze %dma_start3A_199 : memref<1x128xi32, #tpu.memory_space<vmem>> -> memref<128xi32, #tpu.memory_space<vmem>>
    %dma_start3A_201 = arith.constant 0 : i32
    %dma_start3A_202 = arith.constant 0 : i32
    %dma_start3A_203 = tpu.memref_slice %arg11[%dma_start3A_201, %dma_start3A_202] : memref<10000x144xf32, #tpu.memory_space<vmem_shared>> -> memref<10000x144xf32, #tpu.memory_space<vmem_shared>>
    tpu.enqueue_indirect_dma source(%arg10 : memref<128x144xf32, #tpu.memory_space<vmem>>) target(%dma_start3A_203 : memref<10000x144xf32, #tpu.memory_space<vmem_shared>>) offsets(%dma_start3A_200 : memref<128xi32, #tpu.memory_space<vmem>>) semaphore(%arg15 : memref<!tpu.dma_semaphore, #tpu.memory_space<semaphore_mem>>) {add = true}
    %dma_wait3A_204 = arith.constant 1 : i32
    %dma_wait3A_205 = arith.constant 0 : i32
    %dma_wait3A_206 = tpu.memref_slice %arg5[%dma_wait3A_204, %dma_wait3A_205] : memref<2x128xi32, #tpu.memory_space<vmem>> -> memref<1x128xi32, #tpu.memory_space<vmem>>
    %dma_wait3A_207 = tpu.memref_squeeze %dma_wait3A_206 : memref<1x128xi32, #tpu.memory_space<vmem>> -> memref<128xi32, #tpu.memory_space<vmem>>
    %dma_wait3A_208 = arith.constant 0 : i32
    %dma_wait3A_209 = arith.constant 0 : i32
    %dma_wait3A_210 = tpu.memref_slice %arg11[%dma_wait3A_208, %dma_wait3A_209] : memref<10000x144xf32, #tpu.memory_space<vmem_shared>> -> memref<10000x144xf32, #tpu.memory_space<vmem_shared>>
    tpu.wait_indirect_dma semaphore(%arg14 : memref<!tpu.dma_semaphore, #tpu.memory_space<semaphore_mem>>) src(%arg9 : memref<128x144xf32, #tpu.memory_space<vmem>>) dst(%dma_wait3A_210 : memref<10000x144xf32, #tpu.memory_space<vmem_shared>>)
    %add3A_211 = arith.constant 160 : i32
    %add3A_212 = arith.addi %add3A, %add3A_211 : i32
    %dma_start3A_213 = arith.constant 0 : i32
    %dma_start3A_214 = arith.constant 0 : i32
    %dma_start3A_215 = tpu.memref_slice %arg3[%add3A_212, %dma_start3A_213, %dma_start3A_214] : memref<2500x2x128xi32, #tpu.memory_space<hbm>> -> memref<1x2x128xi32, #tpu.memory_space<hbm>>
    %dma_start3A_216 = tpu.memref_squeeze %dma_start3A_215 : memref<1x2x128xi32, #tpu.memory_space<hbm>> -> memref<2x128xi32, #tpu.memory_space<hbm>>
    %dma_start3A_217 = arith.constant 0 : i32
    %dma_start3A_218 = arith.constant 0 : i32
    %dma_start3A_219 = tpu.memref_slice %arg3[%add3A_212, %dma_start3A_217, %dma_start3A_218] : memref<2500x2x128xi32, #tpu.memory_space<hbm>> -> memref<1x2x128xi32, #tpu.memory_space<hbm>>
    %dma_start3A_220 = tpu.memref_squeeze %dma_start3A_219 : memref<1x2x128xi32, #tpu.memory_space<hbm>> -> memref<2x128xi32, #tpu.memory_space<hbm>>
    tpu.enqueue_dma source(%dma_start3A_220 : memref<2x128xi32, #tpu.memory_space<hbm>>) target(%arg6 : memref<2x128xi32, #tpu.memory_space<vmem>>) target_semaphore(%arg17 : memref<!tpu.dma_semaphore, #tpu.memory_space<semaphore_mem>>)
    %dma_wait3A_221 = arith.constant 0 : i32
    %dma_wait3A_222 = arith.constant 0 : i32
    %dma_wait3A_223 = arith.constant 0 : i32
    %dma_wait3A_224 = tpu.memref_slice %arg3[%dma_wait3A_221, %dma_wait3A_222, %dma_wait3A_223] : memref<2500x2x128xi32, #tpu.memory_space<hbm>> -> memref<1x2x128xi32, #tpu.memory_space<hbm>>
    %dma_wait3A_225 = tpu.memref_squeeze %dma_wait3A_224 : memref<1x2x128xi32, #tpu.memory_space<hbm>> -> memref<2x128xi32, #tpu.memory_space<hbm>>
    %dma_wait3A_226 = arith.constant 0 : i32
    %dma_wait3A_227 = arith.constant 0 : i32
    %dma_wait3A_228 = tpu.memref_slice %arg3[%dma_wait3A_221, %dma_wait3A_226, %dma_wait3A_227] : memref<2500x2x128xi32, #tpu.memory_space<hbm>> -> memref<1x2x128xi32, #tpu.memory_space<hbm>>
    %dma_wait3A_229 = tpu.memref_squeeze %dma_wait3A_228 : memref<1x2x128xi32, #tpu.memory_space<hbm>> -> memref<2x128xi32, #tpu.memory_space<hbm>>
    tpu.wait_dma2 semaphore(%arg16 : memref<!tpu.dma_semaphore, #tpu.memory_space<semaphore_mem>>) src(%dma_wait3A_229 : memref<2x128xi32, #tpu.memory_space<hbm>>) dst(%arg5 : memref<2x128xi32, #tpu.memory_space<vmem>>)
    %dma_start3A_230 = arith.constant 0 : i32
    %dma_start3A_231 = arith.constant 0 : i32
    %dma_start3A_232 = tpu.memref_slice %arg5[%dma_start3A_230, %dma_start3A_231] : memref<2x128xi32, #tpu.memory_space<vmem>> -> memref<1x128xi32, #tpu.memory_space<vmem>>
    %dma_start3A_233 = tpu.memref_squeeze %dma_start3A_232 : memref<1x128xi32, #tpu.memory_space<vmem>> -> memref<128xi32, #tpu.memory_space<vmem>>
    %dma_start3A_234 = arith.constant 0 : i32
    %dma_start3A_235 = arith.constant 0 : i32
    %dma_start3A_236 = tpu.memref_slice %arg2[%dma_start3A_234, %dma_start3A_235] : memref<10000x144xf32, #tpu.memory_space<hbm>> -> memref<10000x144xf32, #tpu.memory_space<hbm>>
    tpu.enqueue_indirect_dma source(%dma_start3A_236 : memref<10000x144xf32, #tpu.memory_space<hbm>>) target(%arg9 : memref<128x144xf32, #tpu.memory_space<vmem>>) offsets(%dma_start3A_233 : memref<128xi32, #tpu.memory_space<vmem>>) semaphore(%arg12 : memref<!tpu.dma_semaphore, #tpu.memory_space<semaphore_mem>>)
    %scan3A_237 = arith.constant 0 : i32
    %scan3A_238 = arith.constant 1 : i32
    %scan3A_239 = arith.constant 18 : i32
    %scan3A_240 = arith.addi %scan3A_238, %scan3A_239 : i32
    %scan3A_241 = arith.constant 1 : i32
    scf.for %scan3A_325 = %scan3A_238 to %scan3A_240 step %scan3A_241  : i32 {
      %mul3A_326 = arith.constant 4 : i32
      %mul3A_327 = arith.muli %mul3A_326, %scan3A_325 : i32
      %add3A_328 = arith.constant 0 : i32
      %add3A_329 = arith.addi %mul3A_327, %add3A_328 : i32
      %dma_wait3A_330 = arith.constant 0 : i32
      %dma_wait3A_331 = arith.constant 0 : i32
      %dma_wait3A_332 = tpu.memref_slice %arg5[%dma_wait3A_330, %dma_wait3A_331] : memref<2x128xi32, #tpu.memory_space<vmem>> -> memref<1x128xi32, #tpu.memory_space<vmem>>
      %dma_wait3A_333 = tpu.memref_squeeze %dma_wait3A_332 : memref<1x128xi32, #tpu.memory_space<vmem>> -> memref<128xi32, #tpu.memory_space<vmem>>
      %dma_wait3A_334 = arith.constant 0 : i32
      %dma_wait3A_335 = arith.constant 0 : i32
      %dma_wait3A_336 = tpu.memref_slice %arg2[%dma_wait3A_334, %dma_wait3A_335] : memref<10000x144xf32, #tpu.memory_space<hbm>> -> memref<10000x144xf32, #tpu.memory_space<hbm>>
      tpu.wait_indirect_dma semaphore(%arg12 : memref<!tpu.dma_semaphore, #tpu.memory_space<semaphore_mem>>) src(%dma_wait3A_336 : memref<10000x144xf32, #tpu.memory_space<hbm>>) dst(%arg9 : memref<128x144xf32, #tpu.memory_space<vmem>>)
      %dma_start3A_337 = arith.constant 1 : i32
      %dma_start3A_338 = arith.constant 0 : i32
      %dma_start3A_339 = tpu.memref_slice %arg5[%dma_start3A_337, %dma_start3A_338] : memref<2x128xi32, #tpu.memory_space<vmem>> -> memref<1x128xi32, #tpu.memory_space<vmem>>
      %dma_start3A_340 = tpu.memref_squeeze %dma_start3A_339 : memref<1x128xi32, #tpu.memory_space<vmem>> -> memref<128xi32, #tpu.memory_space<vmem>>
      %dma_start3A_341 = arith.constant 0 : i32
      %dma_start3A_342 = arith.constant 0 : i32
      %dma_start3A_343 = tpu.memref_slice %arg11[%dma_start3A_341, %dma_start3A_342] : memref<10000x144xf32, #tpu.memory_space<vmem_shared>> -> memref<10000x144xf32, #tpu.memory_space<vmem_shared>>
      tpu.enqueue_indirect_dma source(%arg9 : memref<128x144xf32, #tpu.memory_space<vmem>>) target(%dma_start3A_343 : memref<10000x144xf32, #tpu.memory_space<vmem_shared>>) offsets(%dma_start3A_340 : memref<128xi32, #tpu.memory_space<vmem>>) semaphore(%arg14 : memref<!tpu.dma_semaphore, #tpu.memory_space<semaphore_mem>>) {add = true}
      %dma_wait3A_344 = arith.constant 1 : i32
      %dma_wait3A_345 = arith.constant 0 : i32
      %dma_wait3A_346 = tpu.memref_slice %arg5[%dma_wait3A_344, %dma_wait3A_345] : memref<2x128xi32, #tpu.memory_space<vmem>> -> memref<1x128xi32, #tpu.memory_space<vmem>>
      %dma_wait3A_347 = tpu.memref_squeeze %dma_wait3A_346 : memref<1x128xi32, #tpu.memory_space<vmem>> -> memref<128xi32, #tpu.memory_space<vmem>>
      %dma_wait3A_348 = arith.constant 0 : i32
      %dma_wait3A_349 = arith.constant 0 : i32
      %dma_wait3A_350 = tpu.memref_slice %arg11[%dma_wait3A_348, %dma_wait3A_349] : memref<10000x144xf32, #tpu.memory_space<vmem_shared>> -> memref<10000x144xf32, #tpu.memory_space<vmem_shared>>
      tpu.wait_indirect_dma semaphore(%arg15 : memref<!tpu.dma_semaphore, #tpu.memory_space<semaphore_mem>>) src(%arg10 : memref<128x144xf32, #tpu.memory_space<vmem>>) dst(%dma_wait3A_350 : memref<10000x144xf32, #tpu.memory_space<vmem_shared>>)
      %add3A_351 = arith.constant 2 : i32
      %add3A_352 = arith.addi %add3A_329, %add3A_351 : i32
      %mul3A_353 = arith.constant 32 : i32
      %mul3A_354 = arith.muli %add3A_352, %mul3A_353 : i32
      %add3A_355 = arith.addi %add3A, %mul3A_354 : i32
      %dma_start3A_356 = arith.constant 0 : i32
      %dma_start3A_357 = arith.constant 0 : i32
      %dma_start3A_358 = tpu.memref_slice %arg3[%add3A_355, %dma_start3A_356, %dma_start3A_357] : memref<2500x2x128xi32, #tpu.memory_space<hbm>> -> memref<1x2x128xi32, #tpu.memory_space<hbm>>
      %dma_start3A_359 = tpu.memref_squeeze %dma_start3A_358 : memref<1x2x128xi32, #tpu.memory_space<hbm>> -> memref<2x128xi32, #tpu.memory_space<hbm>>
      %dma_start3A_360 = arith.constant 0 : i32
      %dma_start3A_361 = arith.constant 0 : i32
      %dma_start3A_362 = tpu.memref_slice %arg3[%add3A_355, %dma_start3A_360, %dma_start3A_361] : memref<2500x2x128xi32, #tpu.memory_space<hbm>> -> memref<1x2x128xi32, #tpu.memory_space<hbm>>
      %dma_start3A_363 = tpu.memref_squeeze %dma_start3A_362 : memref<1x2x128xi32, #tpu.memory_space<hbm>> -> memref<2x128xi32, #tpu.memory_space<hbm>>
      tpu.enqueue_dma source(%dma_start3A_363 : memref<2x128xi32, #tpu.memory_space<hbm>>) target(%arg7 : memref<2x128xi32, #tpu.memory_space<vmem>>) target_semaphore(%arg18 : memref<!tpu.dma_semaphore, #tpu.memory_space<semaphore_mem>>)
      %dma_wait3A_364 = arith.constant 0 : i32
      %dma_wait3A_365 = arith.constant 0 : i32
      %dma_wait3A_366 = arith.constant 0 : i32
      %dma_wait3A_367 = tpu.memref_slice %arg3[%dma_wait3A_364, %dma_wait3A_365, %dma_wait3A_366] : memref<2500x2x128xi32, #tpu.memory_space<hbm>> -> memref<1x2x128xi32, #tpu.memory_space<hbm>>
      %dma_wait3A_368 = tpu.memref_squeeze %dma_wait3A_367 : memref<1x2x128xi32, #tpu.memory_space<hbm>> -> memref<2x128xi32, #tpu.memory_space<hbm>>
      %dma_wait3A_369 = arith.constant 0 : i32
      %dma_wait3A_370 = arith.constant 0 : i32
      %dma_wait3A_371 = tpu.memref_slice %arg3[%dma_wait3A_364, %dma_wait3A_369, %dma_wait3A_370] : memref<2500x2x128xi32, #tpu.memory_space<hbm>> -> memref<1x2x128xi32, #tpu.memory_space<hbm>>
      %dma_wait3A_372 = tpu.memref_squeeze %dma_wait3A_371 : memref<1x2x128xi32, #tpu.memory_space<hbm>> -> memref<2x128xi32, #tpu.memory_space<hbm>>
      tpu.wait_dma2 semaphore(%arg17 : memref<!tpu.dma_semaphore, #tpu.memory_space<semaphore_mem>>) src(%dma_wait3A_372 : memref<2x128xi32, #tpu.memory_space<hbm>>) dst(%arg6 : memref<2x128xi32, #tpu.memory_space<vmem>>)
      %dma_start3A_373 = arith.constant 0 : i32
      %dma_start3A_374 = arith.constant 0 : i32
      %dma_start3A_375 = tpu.memref_slice %arg6[%dma_start3A_373, %dma_start3A_374] : memref<2x128xi32, #tpu.memory_space<vmem>> -> memref<1x128xi32, #tpu.memory_space<vmem>>
      %dma_start3A_376 = tpu.memref_squeeze %dma_start3A_375 : memref<1x128xi32, #tpu.memory_space<vmem>> -> memref<128xi32, #tpu.memory_space<vmem>>
      %dma_start3A_377 = arith.constant 0 : i32
      %dma_start3A_378 = arith.constant 0 : i32
      %dma_start3A_379 = tpu.memref_slice %arg2[%dma_start3A_377, %dma_start3A_378] : memref<10000x144xf32, #tpu.memory_space<hbm>> -> memref<10000x144xf32, #tpu.memory_space<hbm>>
      tpu.enqueue_indirect_dma source(%dma_start3A_379 : memref<10000x144xf32, #tpu.memory_space<hbm>>) target(%arg10 : memref<128x144xf32, #tpu.memory_space<vmem>>) offsets(%dma_start3A_376 : memref<128xi32, #tpu.memory_space<vmem>>) semaphore(%arg13 : memref<!tpu.dma_semaphore, #tpu.memory_space<semaphore_mem>>)
      %mul3A_380 = arith.constant 4 : i32
      %mul3A_381 = arith.muli %mul3A_380, %scan3A_325 : i32
      %add3A_382 = arith.constant 1 : i32
      %add3A_383 = arith.addi %mul3A_381, %add3A_382 : i32
      %dma_wait3A_384 = arith.constant 0 : i32
      %dma_wait3A_385 = arith.constant 0 : i32
      %dma_wait3A_386 = tpu.memref_slice %arg5[%dma_wait3A_384, %dma_wait3A_385] : memref<2x128xi32, #tpu.memory_space<vmem>> -> memref<1x128xi32, #tpu.memory_space<vmem>>
      %dma_wait3A_387 = tpu.memref_squeeze %dma_wait3A_386 : memref<1x128xi32, #tpu.memory_space<vmem>> -> memref<128xi32, #tpu.memory_space<vmem>>
      %dma_wait3A_388 = arith.constant 0 : i32
      %dma_wait3A_389 = arith.constant 0 : i32
      %dma_wait3A_390 = tpu.memref_slice %arg2[%dma_wait3A_388, %dma_wait3A_389] : memref<10000x144xf32, #tpu.memory_space<hbm>> -> memref<10000x144xf32, #tpu.memory_space<hbm>>
      tpu.wait_indirect_dma semaphore(%arg13 : memref<!tpu.dma_semaphore, #tpu.memory_space<semaphore_mem>>) src(%dma_wait3A_390 : memref<10000x144xf32, #tpu.memory_space<hbm>>) dst(%arg10 : memref<128x144xf32, #tpu.memory_space<vmem>>)
      %dma_start3A_391 = arith.constant 1 : i32
      %dma_start3A_392 = arith.constant 0 : i32
      %dma_start3A_393 = tpu.memref_slice %arg6[%dma_start3A_391, %dma_start3A_392] : memref<2x128xi32, #tpu.memory_space<vmem>> -> memref<1x128xi32, #tpu.memory_space<vmem>>
      %dma_start3A_394 = tpu.memref_squeeze %dma_start3A_393 : memref<1x128xi32, #tpu.memory_space<vmem>> -> memref<128xi32, #tpu.memory_space<vmem>>
      %dma_start3A_395 = arith.constant 0 : i32
      %dma_start3A_396 = arith.constant 0 : i32
      %dma_start3A_397 = tpu.memref_slice %arg11[%dma_start3A_395, %dma_start3A_396] : memref<10000x144xf32, #tpu.memory_space<vmem_shared>> -> memref<10000x144xf32, #tpu.memory_space<vmem_shared>>
      tpu.enqueue_indirect_dma source(%arg10 : memref<128x144xf32, #tpu.memory_space<vmem>>) target(%dma_start3A_397 : memref<10000x144xf32, #tpu.memory_space<vmem_shared>>) offsets(%dma_start3A_394 : memref<128xi32, #tpu.memory_space<vmem>>) semaphore(%arg15 : memref<!tpu.dma_semaphore, #tpu.memory_space<semaphore_mem>>) {add = true}
      %dma_wait3A_398 = arith.constant 1 : i32
      %dma_wait3A_399 = arith.constant 0 : i32
      %dma_wait3A_400 = tpu.memref_slice %arg5[%dma_wait3A_398, %dma_wait3A_399] : memref<2x128xi32, #tpu.memory_space<vmem>> -> memref<1x128xi32, #tpu.memory_space<vmem>>
      %dma_wait3A_401 = tpu.memref_squeeze %dma_wait3A_400 : memref<1x128xi32, #tpu.memory_space<vmem>> -> memref<128xi32, #tpu.memory_space<vmem>>
      %dma_wait3A_402 = arith.constant 0 : i32
      %dma_wait3A_403 = arith.constant 0 : i32
      %dma_wait3A_404 = tpu.memref_slice %arg11[%dma_wait3A_402, %dma_wait3A_403] : memref<10000x144xf32, #tpu.memory_space<vmem_shared>> -> memref<10000x144xf32, #tpu.memory_space<vmem_shared>>
      tpu.wait_indirect_dma semaphore(%arg14 : memref<!tpu.dma_semaphore, #tpu.memory_space<semaphore_mem>>) src(%arg9 : memref<128x144xf32, #tpu.memory_space<vmem>>) dst(%dma_wait3A_404 : memref<10000x144xf32, #tpu.memory_space<vmem_shared>>)
      %add3A_405 = arith.constant 2 : i32
      %add3A_406 = arith.addi %add3A_383, %add3A_405 : i32
      %mul3A_407 = arith.constant 32 : i32
      %mul3A_408 = arith.muli %add3A_406, %mul3A_407 : i32
      %add3A_409 = arith.addi %add3A, %mul3A_408 : i32
      %dma_start3A_410 = arith.constant 0 : i32
      %dma_start3A_411 = arith.constant 0 : i32
      %dma_start3A_412 = tpu.memref_slice %arg3[%add3A_409, %dma_start3A_410, %dma_start3A_411] : memref<2500x2x128xi32, #tpu.memory_space<hbm>> -> memref<1x2x128xi32, #tpu.memory_space<hbm>>
      %dma_start3A_413 = tpu.memref_squeeze %dma_start3A_412 : memref<1x2x128xi32, #tpu.memory_space<hbm>> -> memref<2x128xi32, #tpu.memory_space<hbm>>
      %dma_start3A_414 = arith.constant 0 : i32
      %dma_start3A_415 = arith.constant 0 : i32
      %dma_start3A_416 = tpu.memref_slice %arg3[%add3A_409, %dma_start3A_414, %dma_start3A_415] : memref<2500x2x128xi32, #tpu.memory_space<hbm>> -> memref<1x2x128xi32, #tpu.memory_space<hbm>>
      %dma_start3A_417 = tpu.memref_squeeze %dma_start3A_416 : memref<1x2x128xi32, #tpu.memory_space<hbm>> -> memref<2x128xi32, #tpu.memory_space<hbm>>
      tpu.enqueue_dma source(%dma_start3A_417 : memref<2x128xi32, #tpu.memory_space<hbm>>) target(%arg8 : memref<2x128xi32, #tpu.memory_space<vmem>>) target_semaphore(%arg19 : memref<!tpu.dma_semaphore, #tpu.memory_space<semaphore_mem>>)
      %dma_wait3A_418 = arith.constant 0 : i32
      %dma_wait3A_419 = arith.constant 0 : i32
      %dma_wait3A_420 = arith.constant 0 : i32
      %dma_wait3A_421 = tpu.memref_slice %arg3[%dma_wait3A_418, %dma_wait3A_419, %dma_wait3A_420] : memref<2500x2x128xi32, #tpu.memory_space<hbm>> -> memref<1x2x128xi32, #tpu.memory_space<hbm>>
      %dma_wait3A_422 = tpu.memref_squeeze %dma_wait3A_421 : memref<1x2x128xi32, #tpu.memory_space<hbm>> -> memref<2x128xi32, #tpu.memory_space<hbm>>
      %dma_wait3A_423 = arith.constant 0 : i32
      %dma_wait3A_424 = arith.constant 0 : i32
      %dma_wait3A_425 = tpu.memref_slice %arg3[%dma_wait3A_418, %dma_wait3A_423, %dma_wait3A_424] : memref<2500x2x128xi32, #tpu.memory_space<hbm>> -> memref<1x2x128xi32, #tpu.memory_space<hbm>>
      %dma_wait3A_426 = tpu.memref_squeeze %dma_wait3A_425 : memref<1x2x128xi32, #tpu.memory_space<hbm>> -> memref<2x128xi32, #tpu.memory_space<hbm>>
      tpu.wait_dma2 semaphore(%arg18 : memref<!tpu.dma_semaphore, #tpu.memory_space<semaphore_mem>>) src(%dma_wait3A_426 : memref<2x128xi32, #tpu.memory_space<hbm>>) dst(%arg7 : memref<2x128xi32, #tpu.memory_space<vmem>>)
      %dma_start3A_427 = arith.constant 0 : i32
      %dma_start3A_428 = arith.constant 0 : i32
      %dma_start3A_429 = tpu.memref_slice %arg7[%dma_start3A_427, %dma_start3A_428] : memref<2x128xi32, #tpu.memory_space<vmem>> -> memref<1x128xi32, #tpu.memory_space<vmem>>
      %dma_start3A_430 = tpu.memref_squeeze %dma_start3A_429 : memref<1x128xi32, #tpu.memory_space<vmem>> -> memref<128xi32, #tpu.memory_space<vmem>>
      %dma_start3A_431 = arith.constant 0 : i32
      %dma_start3A_432 = arith.constant 0 : i32
      %dma_start3A_433 = tpu.memref_slice %arg2[%dma_start3A_431, %dma_start3A_432] : memref<10000x144xf32, #tpu.memory_space<hbm>> -> memref<10000x144xf32, #tpu.memory_space<hbm>>
      tpu.enqueue_indirect_dma source(%dma_start3A_433 : memref<10000x144xf32, #tpu.memory_space<hbm>>) target(%arg9 : memref<128x144xf32, #tpu.memory_space<vmem>>) offsets(%dma_start3A_430 : memref<128xi32, #tpu.memory_space<vmem>>) semaphore(%arg12 : memref<!tpu.dma_semaphore, #tpu.memory_space<semaphore_mem>>)
      %mul3A_434 = arith.constant 4 : i32
      %mul3A_435 = arith.muli %mul3A_434, %scan3A_325 : i32
      %add3A_436 = arith.constant 2 : i32
      %add3A_437 = arith.addi %mul3A_435, %add3A_436 : i32
      %dma_wait3A_438 = arith.constant 0 : i32
      %dma_wait3A_439 = arith.constant 0 : i32
      %dma_wait3A_440 = tpu.memref_slice %arg5[%dma_wait3A_438, %dma_wait3A_439] : memref<2x128xi32, #tpu.memory_space<vmem>> -> memref<1x128xi32, #tpu.memory_space<vmem>>
      %dma_wait3A_441 = tpu.memref_squeeze %dma_wait3A_440 : memref<1x128xi32, #tpu.memory_space<vmem>> -> memref<128xi32, #tpu.memory_space<vmem>>
      %dma_wait3A_442 = arith.constant 0 : i32
      %dma_wait3A_443 = arith.constant 0 : i32
      %dma_wait3A_444 = tpu.memref_slice %arg2[%dma_wait3A_442, %dma_wait3A_443] : memref<10000x144xf32, #tpu.memory_space<hbm>> -> memref<10000x144xf32, #tpu.memory_space<hbm>>
      tpu.wait_indirect_dma semaphore(%arg12 : memref<!tpu.dma_semaphore, #tpu.memory_space<semaphore_mem>>) src(%dma_wait3A_444 : memref<10000x144xf32, #tpu.memory_space<hbm>>) dst(%arg9 : memref<128x144xf32, #tpu.memory_space<vmem>>)
      %dma_start3A_445 = arith.constant 1 : i32
      %dma_start3A_446 = arith.constant 0 : i32
      %dma_start3A_447 = tpu.memref_slice %arg7[%dma_start3A_445, %dma_start3A_446] : memref<2x128xi32, #tpu.memory_space<vmem>> -> memref<1x128xi32, #tpu.memory_space<vmem>>
      %dma_start3A_448 = tpu.memref_squeeze %dma_start3A_447 : memref<1x128xi32, #tpu.memory_space<vmem>> -> memref<128xi32, #tpu.memory_space<vmem>>
      %dma_start3A_449 = arith.constant 0 : i32
      %dma_start3A_450 = arith.constant 0 : i32
      %dma_start3A_451 = tpu.memref_slice %arg11[%dma_start3A_449, %dma_start3A_450] : memref<10000x144xf32, #tpu.memory_space<vmem_shared>> -> memref<10000x144xf32, #tpu.memory_space<vmem_shared>>
      tpu.enqueue_indirect_dma source(%arg9 : memref<128x144xf32, #tpu.memory_space<vmem>>) target(%dma_start3A_451 : memref<10000x144xf32, #tpu.memory_space<vmem_shared>>) offsets(%dma_start3A_448 : memref<128xi32, #tpu.memory_space<vmem>>) semaphore(%arg14 : memref<!tpu.dma_semaphore, #tpu.memory_space<semaphore_mem>>) {add = true}
      %dma_wait3A_452 = arith.constant 1 : i32
      %dma_wait3A_453 = arith.constant 0 : i32
      %dma_wait3A_454 = tpu.memref_slice %arg5[%dma_wait3A_452, %dma_wait3A_453] : memref<2x128xi32, #tpu.memory_space<vmem>> -> memref<1x128xi32, #tpu.memory_space<vmem>>
      %dma_wait3A_455 = tpu.memref_squeeze %dma_wait3A_454 : memref<1x128xi32, #tpu.memory_space<vmem>> -> memref<128xi32, #tpu.memory_space<vmem>>
      %dma_wait3A_456 = arith.constant 0 : i32
      %dma_wait3A_457 = arith.constant 0 : i32
      %dma_wait3A_458 = tpu.memref_slice %arg11[%dma_wait3A_456, %dma_wait3A_457] : memref<10000x144xf32, #tpu.memory_space<vmem_shared>> -> memref<10000x144xf32, #tpu.memory_space<vmem_shared>>
      tpu.wait_indirect_dma semaphore(%arg15 : memref<!tpu.dma_semaphore, #tpu.memory_space<semaphore_mem>>) src(%arg10 : memref<128x144xf32, #tpu.memory_space<vmem>>) dst(%dma_wait3A_458 : memref<10000x144xf32, #tpu.memory_space<vmem_shared>>)
      %add3A_459 = arith.constant 2 : i32
      %add3A_460 = arith.addi %add3A_437, %add3A_459 : i32
      %mul3A_461 = arith.constant 32 : i32
      %mul3A_462 = arith.muli %add3A_460, %mul3A_461 : i32
      %add3A_463 = arith.addi %add3A, %mul3A_462 : i32
      %dma_start3A_464 = arith.constant 0 : i32
      %dma_start3A_465 = arith.constant 0 : i32
      %dma_start3A_466 = tpu.memref_slice %arg3[%add3A_463, %dma_start3A_464, %dma_start3A_465] : memref<2500x2x128xi32, #tpu.memory_space<hbm>> -> memref<1x2x128xi32, #tpu.memory_space<hbm>>
      %dma_start3A_467 = tpu.memref_squeeze %dma_start3A_466 : memref<1x2x128xi32, #tpu.memory_space<hbm>> -> memref<2x128xi32, #tpu.memory_space<hbm>>
      %dma_start3A_468 = arith.constant 0 : i32
      %dma_start3A_469 = arith.constant 0 : i32
      %dma_start3A_470 = tpu.memref_slice %arg3[%add3A_463, %dma_start3A_468, %dma_start3A_469] : memref<2500x2x128xi32, #tpu.memory_space<hbm>> -> memref<1x2x128xi32, #tpu.memory_space<hbm>>
      %dma_start3A_471 = tpu.memref_squeeze %dma_start3A_470 : memref<1x2x128xi32, #tpu.memory_space<hbm>> -> memref<2x128xi32, #tpu.memory_space<hbm>>
      tpu.enqueue_dma source(%dma_start3A_471 : memref<2x128xi32, #tpu.memory_space<hbm>>) target(%arg5 : memref<2x128xi32, #tpu.memory_space<vmem>>) target_semaphore(%arg16 : memref<!tpu.dma_semaphore, #tpu.memory_space<semaphore_mem>>)
      %dma_wait3A_472 = arith.constant 0 : i32
      %dma_wait3A_473 = arith.constant 0 : i32
      %dma_wait3A_474 = arith.constant 0 : i32
      %dma_wait3A_475 = tpu.memref_slice %arg3[%dma_wait3A_472, %dma_wait3A_473, %dma_wait3A_474] : memref<2500x2x128xi32, #tpu.memory_space<hbm>> -> memref<1x2x128xi32, #tpu.memory_space<hbm>>
      %dma_wait3A_476 = tpu.memref_squeeze %dma_wait3A_475 : memref<1x2x128xi32, #tpu.memory_space<hbm>> -> memref<2x128xi32, #tpu.memory_space<hbm>>
      %dma_wait3A_477 = arith.constant 0 : i32
      %dma_wait3A_478 = arith.constant 0 : i32
      %dma_wait3A_479 = tpu.memref_slice %arg3[%dma_wait3A_472, %dma_wait3A_477, %dma_wait3A_478] : memref<2500x2x128xi32, #tpu.memory_space<hbm>> -> memref<1x2x128xi32, #tpu.memory_space<hbm>>
      %dma_wait3A_480 = tpu.memref_squeeze %dma_wait3A_479 : memref<1x2x128xi32, #tpu.memory_space<hbm>> -> memref<2x128xi32, #tpu.memory_space<hbm>>
      tpu.wait_dma2 semaphore(%arg19 : memref<!tpu.dma_semaphore, #tpu.memory_space<semaphore_mem>>) src(%dma_wait3A_480 : memref<2x128xi32, #tpu.memory_space<hbm>>) dst(%arg8 : memref<2x128xi32, #tpu.memory_space<vmem>>)
      %dma_start3A_481 = arith.constant 0 : i32
      %dma_start3A_482 = arith.constant 0 : i32
      %dma_start3A_483 = tpu.memref_slice %arg8[%dma_start3A_481, %dma_start3A_482] : memref<2x128xi32, #tpu.memory_space<vmem>> -> memref<1x128xi32, #tpu.memory_space<vmem>>
      %dma_start3A_484 = tpu.memref_squeeze %dma_start3A_483 : memref<1x128xi32, #tpu.memory_space<vmem>> -> memref<128xi32, #tpu.memory_space<vmem>>
      %dma_start3A_485 = arith.constant 0 : i32
      %dma_start3A_486 = arith.constant 0 : i32
      %dma_start3A_487 = tpu.memref_slice %arg2[%dma_start3A_485, %dma_start3A_486] : memref<10000x144xf32, #tpu.memory_space<hbm>> -> memref<10000x144xf32, #tpu.memory_space<hbm>>
      tpu.enqueue_indirect_dma source(%dma_start3A_487 : memref<10000x144xf32, #tpu.memory_space<hbm>>) target(%arg10 : memref<128x144xf32, #tpu.memory_space<vmem>>) offsets(%dma_start3A_484 : memref<128xi32, #tpu.memory_space<vmem>>) semaphore(%arg13 : memref<!tpu.dma_semaphore, #tpu.memory_space<semaphore_mem>>)
      %mul3A_488 = arith.constant 4 : i32
      %mul3A_489 = arith.muli %mul3A_488, %scan3A_325 : i32
      %add3A_490 = arith.constant 3 : i32
      %add3A_491 = arith.addi %mul3A_489, %add3A_490 : i32
      %dma_wait3A_492 = arith.constant 0 : i32
      %dma_wait3A_493 = arith.constant 0 : i32
      %dma_wait3A_494 = tpu.memref_slice %arg5[%dma_wait3A_492, %dma_wait3A_493] : memref<2x128xi32, #tpu.memory_space<vmem>> -> memref<1x128xi32, #tpu.memory_space<vmem>>
      %dma_wait3A_495 = tpu.memref_squeeze %dma_wait3A_494 : memref<1x128xi32, #tpu.memory_space<vmem>> -> memref<128xi32, #tpu.memory_space<vmem>>
      %dma_wait3A_496 = arith.constant 0 : i32
      %dma_wait3A_497 = arith.constant 0 : i32
      %dma_wait3A_498 = tpu.memref_slice %arg2[%dma_wait3A_496, %dma_wait3A_497] : memref<10000x144xf32, #tpu.memory_space<hbm>> -> memref<10000x144xf32, #tpu.memory_space<hbm>>
      tpu.wait_indirect_dma semaphore(%arg13 : memref<!tpu.dma_semaphore, #tpu.memory_space<semaphore_mem>>) src(%dma_wait3A_498 : memref<10000x144xf32, #tpu.memory_space<hbm>>) dst(%arg10 : memref<128x144xf32, #tpu.memory_space<vmem>>)
      %dma_start3A_499 = arith.constant 1 : i32
      %dma_start3A_500 = arith.constant 0 : i32
      %dma_start3A_501 = tpu.memref_slice %arg8[%dma_start3A_499, %dma_start3A_500] : memref<2x128xi32, #tpu.memory_space<vmem>> -> memref<1x128xi32, #tpu.memory_space<vmem>>
      %dma_start3A_502 = tpu.memref_squeeze %dma_start3A_501 : memref<1x128xi32, #tpu.memory_space<vmem>> -> memref<128xi32, #tpu.memory_space<vmem>>
      %dma_start3A_503 = arith.constant 0 : i32
      %dma_start3A_504 = arith.constant 0 : i32
      %dma_start3A_505 = tpu.memref_slice %arg11[%dma_start3A_503, %dma_start3A_504] : memref<10000x144xf32, #tpu.memory_space<vmem_shared>> -> memref<10000x144xf32, #tpu.memory_space<vmem_shared>>
      tpu.enqueue_indirect_dma source(%arg10 : memref<128x144xf32, #tpu.memory_space<vmem>>) target(%dma_start3A_505 : memref<10000x144xf32, #tpu.memory_space<vmem_shared>>) offsets(%dma_start3A_502 : memref<128xi32, #tpu.memory_space<vmem>>) semaphore(%arg15 : memref<!tpu.dma_semaphore, #tpu.memory_space<semaphore_mem>>) {add = true}
      %dma_wait3A_506 = arith.constant 1 : i32
      %dma_wait3A_507 = arith.constant 0 : i32
      %dma_wait3A_508 = tpu.memref_slice %arg5[%dma_wait3A_506, %dma_wait3A_507] : memref<2x128xi32, #tpu.memory_space<vmem>> -> memref<1x128xi32, #tpu.memory_space<vmem>>
      %dma_wait3A_509 = tpu.memref_squeeze %dma_wait3A_508 : memref<1x128xi32, #tpu.memory_space<vmem>> -> memref<128xi32, #tpu.memory_space<vmem>>
      %dma_wait3A_510 = arith.constant 0 : i32
      %dma_wait3A_511 = arith.constant 0 : i32
      %dma_wait3A_512 = tpu.memref_slice %arg11[%dma_wait3A_510, %dma_wait3A_511] : memref<10000x144xf32, #tpu.memory_space<vmem_shared>> -> memref<10000x144xf32, #tpu.memory_space<vmem_shared>>
      tpu.wait_indirect_dma semaphore(%arg14 : memref<!tpu.dma_semaphore, #tpu.memory_space<semaphore_mem>>) src(%arg9 : memref<128x144xf32, #tpu.memory_space<vmem>>) dst(%dma_wait3A_512 : memref<10000x144xf32, #tpu.memory_space<vmem_shared>>)
      %add3A_513 = arith.constant 2 : i32
      %add3A_514 = arith.addi %add3A_491, %add3A_513 : i32
      %mul3A_515 = arith.constant 32 : i32
      %mul3A_516 = arith.muli %add3A_514, %mul3A_515 : i32
      %add3A_517 = arith.addi %add3A, %mul3A_516 : i32
      %dma_start3A_518 = arith.constant 0 : i32
      %dma_start3A_519 = arith.constant 0 : i32
      %dma_start3A_520 = tpu.memref_slice %arg3[%add3A_517, %dma_start3A_518, %dma_start3A_519] : memref<2500x2x128xi32, #tpu.memory_space<hbm>> -> memref<1x2x128xi32, #tpu.memory_space<hbm>>
      %dma_start3A_521 = tpu.memref_squeeze %dma_start3A_520 : memref<1x2x128xi32, #tpu.memory_space<hbm>> -> memref<2x128xi32, #tpu.memory_space<hbm>>
      %dma_start3A_522 = arith.constant 0 : i32
      %dma_start3A_523 = arith.constant 0 : i32
      %dma_start3A_524 = tpu.memref_slice %arg3[%add3A_517, %dma_start3A_522, %dma_start3A_523] : memref<2500x2x128xi32, #tpu.memory_space<hbm>> -> memref<1x2x128xi32, #tpu.memory_space<hbm>>
      %dma_start3A_525 = tpu.memref_squeeze %dma_start3A_524 : memref<1x2x128xi32, #tpu.memory_space<hbm>> -> memref<2x128xi32, #tpu.memory_space<hbm>>
      tpu.enqueue_dma source(%dma_start3A_525 : memref<2x128xi32, #tpu.memory_space<hbm>>) target(%arg6 : memref<2x128xi32, #tpu.memory_space<vmem>>) target_semaphore(%arg17 : memref<!tpu.dma_semaphore, #tpu.memory_space<semaphore_mem>>)
      %dma_wait3A_526 = arith.constant 0 : i32
      %dma_wait3A_527 = arith.constant 0 : i32
      %dma_wait3A_528 = arith.constant 0 : i32
      %dma_wait3A_529 = tpu.memref_slice %arg3[%dma_wait3A_526, %dma_wait3A_527, %dma_wait3A_528] : memref<2500x2x128xi32, #tpu.memory_space<hbm>> -> memref<1x2x128xi32, #tpu.memory_space<hbm>>
      %dma_wait3A_530 = tpu.memref_squeeze %dma_wait3A_529 : memref<1x2x128xi32, #tpu.memory_space<hbm>> -> memref<2x128xi32, #tpu.memory_space<hbm>>
      %dma_wait3A_531 = arith.constant 0 : i32
      %dma_wait3A_532 = arith.constant 0 : i32
      %dma_wait3A_533 = tpu.memref_slice %arg3[%dma_wait3A_526, %dma_wait3A_531, %dma_wait3A_532] : memref<2500x2x128xi32, #tpu.memory_space<hbm>> -> memref<1x2x128xi32, #tpu.memory_space<hbm>>
      %dma_wait3A_534 = tpu.memref_squeeze %dma_wait3A_533 : memref<1x2x128xi32, #tpu.memory_space<hbm>> -> memref<2x128xi32, #tpu.memory_space<hbm>>
      tpu.wait_dma2 semaphore(%arg16 : memref<!tpu.dma_semaphore, #tpu.memory_space<semaphore_mem>>) src(%dma_wait3A_534 : memref<2x128xi32, #tpu.memory_space<hbm>>) dst(%arg5 : memref<2x128xi32, #tpu.memory_space<vmem>>)
      %dma_start3A_535 = arith.constant 0 : i32
      %dma_start3A_536 = arith.constant 0 : i32
      %dma_start3A_537 = tpu.memref_slice %arg5[%dma_start3A_535, %dma_start3A_536] : memref<2x128xi32, #tpu.memory_space<vmem>> -> memref<1x128xi32, #tpu.memory_space<vmem>>
      %dma_start3A_538 = tpu.memref_squeeze %dma_start3A_537 : memref<1x128xi32, #tpu.memory_space<vmem>> -> memref<128xi32, #tpu.memory_space<vmem>>
      %dma_start3A_539 = arith.constant 0 : i32
      %dma_start3A_540 = arith.constant 0 : i32
      %dma_start3A_541 = tpu.memref_slice %arg2[%dma_start3A_539, %dma_start3A_540] : memref<10000x144xf32, #tpu.memory_space<hbm>> -> memref<10000x144xf32, #tpu.memory_space<hbm>>
      tpu.enqueue_indirect_dma source(%dma_start3A_541 : memref<10000x144xf32, #tpu.memory_space<hbm>>) target(%arg9 : memref<128x144xf32, #tpu.memory_space<vmem>>) offsets(%dma_start3A_538 : memref<128xi32, #tpu.memory_space<vmem>>) semaphore(%arg12 : memref<!tpu.dma_semaphore, #tpu.memory_space<semaphore_mem>>)
    }
    %scan3A_242 = arith.constant 18 : i32
    %gt3A = arith.constant 76 : i32
    %gt3A_243 = arith.cmpi sgt, %add3A_4, %gt3A : i32
    %convert_element_type3A = arith.extui %gt3A_243 : i1 to i32
    %cond3A = arith.constant 0 : i32
    %cond3A_244 = arith.cmpi ne, %convert_element_type3A, %cond3A : i32
    scf.if %cond3A_244 {
      %dma_wait3A_325 = arith.constant 0 : i32
      %dma_wait3A_326 = arith.constant 0 : i32
      %dma_wait3A_327 = tpu.memref_slice %arg5[%dma_wait3A_325, %dma_wait3A_326] : memref<2x128xi32, #tpu.memory_space<vmem>> -> memref<1x128xi32, #tpu.memory_space<vmem>>
      %dma_wait3A_328 = tpu.memref_squeeze %dma_wait3A_327 : memref<1x128xi32, #tpu.memory_space<vmem>> -> memref<128xi32, #tpu.memory_space<vmem>>
      %dma_wait3A_329 = arith.constant 0 : i32
      %dma_wait3A_330 = arith.constant 0 : i32
      %dma_wait3A_331 = tpu.memref_slice %arg2[%dma_wait3A_329, %dma_wait3A_330] : memref<10000x144xf32, #tpu.memory_space<hbm>> -> memref<10000x144xf32, #tpu.memory_space<hbm>>
      tpu.wait_indirect_dma semaphore(%arg12 : memref<!tpu.dma_semaphore, #tpu.memory_space<semaphore_mem>>) src(%dma_wait3A_331 : memref<10000x144xf32, #tpu.memory_space<hbm>>) dst(%arg9 : memref<128x144xf32, #tpu.memory_space<vmem>>)
      %dma_start3A_332 = arith.constant 1 : i32
      %dma_start3A_333 = arith.constant 0 : i32
      %dma_start3A_334 = tpu.memref_slice %arg5[%dma_start3A_332, %dma_start3A_333] : memref<2x128xi32, #tpu.memory_space<vmem>> -> memref<1x128xi32, #tpu.memory_space<vmem>>
      %dma_start3A_335 = tpu.memref_squeeze %dma_start3A_334 : memref<1x128xi32, #tpu.memory_space<vmem>> -> memref<128xi32, #tpu.memory_space<vmem>>
      %dma_start3A_336 = arith.constant 0 : i32
      %dma_start3A_337 = arith.constant 0 : i32
      %dma_start3A_338 = tpu.memref_slice %arg11[%dma_start3A_336, %dma_start3A_337] : memref<10000x144xf32, #tpu.memory_space<vmem_shared>> -> memref<10000x144xf32, #tpu.memory_space<vmem_shared>>
      tpu.enqueue_indirect_dma source(%arg9 : memref<128x144xf32, #tpu.memory_space<vmem>>) target(%dma_start3A_338 : memref<10000x144xf32, #tpu.memory_space<vmem_shared>>) offsets(%dma_start3A_335 : memref<128xi32, #tpu.memory_space<vmem>>) semaphore(%arg14 : memref<!tpu.dma_semaphore, #tpu.memory_space<semaphore_mem>>) {add = true}
    } else {
    }
    %gt3A_245 = arith.constant 75 : i32
    %gt3A_246 = arith.cmpi sgt, %add3A_4, %gt3A_245 : i32
    %convert_element_type3A_247 = arith.extui %gt3A_246 : i1 to i32
    %cond3A_248 = arith.constant 0 : i32
    %cond3A_249 = arith.cmpi ne, %convert_element_type3A_247, %cond3A_248 : i32
    scf.if %cond3A_249 {
      %dma_wait3A_325 = arith.constant 1 : i32
      %dma_wait3A_326 = arith.constant 0 : i32
      %dma_wait3A_327 = tpu.memref_slice %arg5[%dma_wait3A_325, %dma_wait3A_326] : memref<2x128xi32, #tpu.memory_space<vmem>> -> memref<1x128xi32, #tpu.memory_space<vmem>>
      %dma_wait3A_328 = tpu.memref_squeeze %dma_wait3A_327 : memref<1x128xi32, #tpu.memory_space<vmem>> -> memref<128xi32, #tpu.memory_space<vmem>>
      %dma_wait3A_329 = arith.constant 0 : i32
      %dma_wait3A_330 = arith.constant 0 : i32
      %dma_wait3A_331 = tpu.memref_slice %arg11[%dma_wait3A_329, %dma_wait3A_330] : memref<10000x144xf32, #tpu.memory_space<vmem_shared>> -> memref<10000x144xf32, #tpu.memory_space<vmem_shared>>
      tpu.wait_indirect_dma semaphore(%arg15 : memref<!tpu.dma_semaphore, #tpu.memory_space<semaphore_mem>>) src(%arg10 : memref<128x144xf32, #tpu.memory_space<vmem>>) dst(%dma_wait3A_331 : memref<10000x144xf32, #tpu.memory_space<vmem_shared>>)
    } else {
    }
    %gt3A_250 = arith.constant 78 : i32
    %gt3A_251 = arith.cmpi sgt, %add3A_4, %gt3A_250 : i32
    %convert_element_type3A_252 = arith.extui %gt3A_251 : i1 to i32
    %cond3A_253 = arith.constant 0 : i32
    %cond3A_254 = arith.cmpi ne, %convert_element_type3A_252, %cond3A_253 : i32
    scf.if %cond3A_254 {
      %add3A_325 = arith.constant 2496 : i32
      %add3A_326 = arith.addi %add3A, %add3A_325 : i32
      %dma_start3A_327 = arith.constant 0 : i32
      %dma_start3A_328 = arith.constant 0 : i32
      %dma_start3A_329 = tpu.memref_slice %arg3[%add3A_326, %dma_start3A_327, %dma_start3A_328] : memref<2500x2x128xi32, #tpu.memory_space<hbm>> -> memref<1x2x128xi32, #tpu.memory_space<hbm>>
      %dma_start3A_330 = tpu.memref_squeeze %dma_start3A_329 : memref<1x2x128xi32, #tpu.memory_space<hbm>> -> memref<2x128xi32, #tpu.memory_space<hbm>>
      %dma_start3A_331 = arith.constant 0 : i32
      %dma_start3A_332 = arith.constant 0 : i32
      %dma_start3A_333 = tpu.memref_slice %arg3[%add3A_326, %dma_start3A_331, %dma_start3A_332] : memref<2500x2x128xi32, #tpu.memory_space<hbm>> -> memref<1x2x128xi32, #tpu.memory_space<hbm>>
      %dma_start3A_334 = tpu.memref_squeeze %dma_start3A_333 : memref<1x2x128xi32, #tpu.memory_space<hbm>> -> memref<2x128xi32, #tpu.memory_space<hbm>>
      tpu.enqueue_dma source(%dma_start3A_334 : memref<2x128xi32, #tpu.memory_space<hbm>>) target(%arg7 : memref<2x128xi32, #tpu.memory_space<vmem>>) target_semaphore(%arg18 : memref<!tpu.dma_semaphore, #tpu.memory_space<semaphore_mem>>)
    } else {
    }
    %gt3A_255 = arith.constant 77 : i32
    %gt3A_256 = arith.cmpi sgt, %add3A_4, %gt3A_255 : i32
    %convert_element_type3A_257 = arith.extui %gt3A_256 : i1 to i32
    %cond3A_258 = arith.constant 0 : i32
    %cond3A_259 = arith.cmpi ne, %convert_element_type3A_257, %cond3A_258 : i32
    scf.if %cond3A_259 {
      %dma_wait3A_325 = arith.constant 0 : i32
      %dma_wait3A_326 = arith.constant 0 : i32
      %dma_wait3A_327 = arith.constant 0 : i32
      %dma_wait3A_328 = tpu.memref_slice %arg3[%dma_wait3A_325, %dma_wait3A_326, %dma_wait3A_327] : memref<2500x2x128xi32, #tpu.memory_space<hbm>> -> memref<1x2x128xi32, #tpu.memory_space<hbm>>
      %dma_wait3A_329 = tpu.memref_squeeze %dma_wait3A_328 : memref<1x2x128xi32, #tpu.memory_space<hbm>> -> memref<2x128xi32, #tpu.memory_space<hbm>>
      %dma_wait3A_330 = arith.constant 0 : i32
      %dma_wait3A_331 = arith.constant 0 : i32
      %dma_wait3A_332 = tpu.memref_slice %arg3[%dma_wait3A_325, %dma_wait3A_330, %dma_wait3A_331] : memref<2500x2x128xi32, #tpu.memory_space<hbm>> -> memref<1x2x128xi32, #tpu.memory_space<hbm>>
      %dma_wait3A_333 = tpu.memref_squeeze %dma_wait3A_332 : memref<1x2x128xi32, #tpu.memory_space<hbm>> -> memref<2x128xi32, #tpu.memory_space<hbm>>
      tpu.wait_dma2 semaphore(%arg17 : memref<!tpu.dma_semaphore, #tpu.memory_space<semaphore_mem>>) src(%dma_wait3A_333 : memref<2x128xi32, #tpu.memory_space<hbm>>) dst(%arg6 : memref<2x128xi32, #tpu.memory_space<vmem>>)
      %dma_start3A_334 = arith.constant 0 : i32
      %dma_start3A_335 = arith.constant 0 : i32
      %dma_start3A_336 = tpu.memref_slice %arg6[%dma_start3A_334, %dma_start3A_335] : memref<2x128xi32, #tpu.memory_space<vmem>> -> memref<1x128xi32, #tpu.memory_space<vmem>>
      %dma_start3A_337 = tpu.memref_squeeze %dma_start3A_336 : memref<1x128xi32, #tpu.memory_space<vmem>> -> memref<128xi32, #tpu.memory_space<vmem>>
      %dma_start3A_338 = arith.constant 0 : i32
      %dma_start3A_339 = arith.constant 0 : i32
      %dma_start3A_340 = tpu.memref_slice %arg2[%dma_start3A_338, %dma_start3A_339] : memref<10000x144xf32, #tpu.memory_space<hbm>> -> memref<10000x144xf32, #tpu.memory_space<hbm>>
      tpu.enqueue_indirect_dma source(%dma_start3A_340 : memref<10000x144xf32, #tpu.memory_space<hbm>>) target(%arg10 : memref<128x144xf32, #tpu.memory_space<vmem>>) offsets(%dma_start3A_337 : memref<128xi32, #tpu.memory_space<vmem>>) semaphore(%arg13 : memref<!tpu.dma_semaphore, #tpu.memory_space<semaphore_mem>>)
    } else {
    }
    %gt3A_260 = arith.constant 77 : i32
    %gt3A_261 = arith.cmpi sgt, %add3A_4, %gt3A_260 : i32
    %convert_element_type3A_262 = arith.extui %gt3A_261 : i1 to i32
    %cond3A_263 = arith.constant 0 : i32
    %cond3A_264 = arith.cmpi ne, %convert_element_type3A_262, %cond3A_263 : i32
    scf.if %cond3A_264 {
      %dma_wait3A_325 = arith.constant 0 : i32
      %dma_wait3A_326 = arith.constant 0 : i32
      %dma_wait3A_327 = tpu.memref_slice %arg5[%dma_wait3A_325, %dma_wait3A_326] : memref<2x128xi32, #tpu.memory_space<vmem>> -> memref<1x128xi32, #tpu.memory_space<vmem>>
      %dma_wait3A_328 = tpu.memref_squeeze %dma_wait3A_327 : memref<1x128xi32, #tpu.memory_space<vmem>> -> memref<128xi32, #tpu.memory_space<vmem>>
      %dma_wait3A_329 = arith.constant 0 : i32
      %dma_wait3A_330 = arith.constant 0 : i32
      %dma_wait3A_331 = tpu.memref_slice %arg2[%dma_wait3A_329, %dma_wait3A_330] : memref<10000x144xf32, #tpu.memory_space<hbm>> -> memref<10000x144xf32, #tpu.memory_space<hbm>>
      tpu.wait_indirect_dma semaphore(%arg13 : memref<!tpu.dma_semaphore, #tpu.memory_space<semaphore_mem>>) src(%dma_wait3A_331 : memref<10000x144xf32, #tpu.memory_space<hbm>>) dst(%arg10 : memref<128x144xf32, #tpu.memory_space<vmem>>)
      %dma_start3A_332 = arith.constant 1 : i32
      %dma_start3A_333 = arith.constant 0 : i32
      %dma_start3A_334 = tpu.memref_slice %arg6[%dma_start3A_332, %dma_start3A_333] : memref<2x128xi32, #tpu.memory_space<vmem>> -> memref<1x128xi32, #tpu.memory_space<vmem>>
      %dma_start3A_335 = tpu.memref_squeeze %dma_start3A_334 : memref<1x128xi32, #tpu.memory_space<vmem>> -> memref<128xi32, #tpu.memory_space<vmem>>
      %dma_start3A_336 = arith.constant 0 : i32
      %dma_start3A_337 = arith.constant 0 : i32
      %dma_start3A_338 = tpu.memref_slice %arg11[%dma_start3A_336, %dma_start3A_337] : memref<10000x144xf32, #tpu.memory_space<vmem_shared>> -> memref<10000x144xf32, #tpu.memory_space<vmem_shared>>
      tpu.enqueue_indirect_dma source(%arg10 : memref<128x144xf32, #tpu.memory_space<vmem>>) target(%dma_start3A_338 : memref<10000x144xf32, #tpu.memory_space<vmem_shared>>) offsets(%dma_start3A_335 : memref<128xi32, #tpu.memory_space<vmem>>) semaphore(%arg15 : memref<!tpu.dma_semaphore, #tpu.memory_space<semaphore_mem>>) {add = true}
    } else {
    }
    %gt3A_265 = arith.constant 76 : i32
    %gt3A_266 = arith.cmpi sgt, %add3A_4, %gt3A_265 : i32
    %convert_element_type3A_267 = arith.extui %gt3A_266 : i1 to i32
    %cond3A_268 = arith.constant 0 : i32
    %cond3A_269 = arith.cmpi ne, %convert_element_type3A_267, %cond3A_268 : i32
    scf.if %cond3A_269 {
      %dma_wait3A_325 = arith.constant 1 : i32
      %dma_wait3A_326 = arith.constant 0 : i32
      %dma_wait3A_327 = tpu.memref_slice %arg5[%dma_wait3A_325, %dma_wait3A_326] : memref<2x128xi32, #tpu.memory_space<vmem>> -> memref<1x128xi32, #tpu.memory_space<vmem>>
      %dma_wait3A_328 = tpu.memref_squeeze %dma_wait3A_327 : memref<1x128xi32, #tpu.memory_space<vmem>> -> memref<128xi32, #tpu.memory_space<vmem>>
      %dma_wait3A_329 = arith.constant 0 : i32
      %dma_wait3A_330 = arith.constant 0 : i32
      %dma_wait3A_331 = tpu.memref_slice %arg11[%dma_wait3A_329, %dma_wait3A_330] : memref<10000x144xf32, #tpu.memory_space<vmem_shared>> -> memref<10000x144xf32, #tpu.memory_space<vmem_shared>>
      tpu.wait_indirect_dma semaphore(%arg14 : memref<!tpu.dma_semaphore, #tpu.memory_space<semaphore_mem>>) src(%arg9 : memref<128x144xf32, #tpu.memory_space<vmem>>) dst(%dma_wait3A_331 : memref<10000x144xf32, #tpu.memory_space<vmem_shared>>)
    } else {
    }
    %gt3A_270 = arith.constant 79 : i32
    %gt3A_271 = arith.cmpi sgt, %add3A_4, %gt3A_270 : i32
    %convert_element_type3A_272 = arith.extui %gt3A_271 : i1 to i32
    %cond3A_273 = arith.constant 0 : i32
    %cond3A_274 = arith.cmpi ne, %convert_element_type3A_272, %cond3A_273 : i32
    scf.if %cond3A_274 {
      %add3A_325 = arith.constant 2528 : i32
      %add3A_326 = arith.addi %add3A, %add3A_325 : i32
      %dma_start3A_327 = arith.constant 0 : i32
      %dma_start3A_328 = arith.constant 0 : i32
      %dma_start3A_329 = tpu.memref_slice %arg3[%add3A_326, %dma_start3A_327, %dma_start3A_328] : memref<2500x2x128xi32, #tpu.memory_space<hbm>> -> memref<1x2x128xi32, #tpu.memory_space<hbm>>
      %dma_start3A_330 = tpu.memref_squeeze %dma_start3A_329 : memref<1x2x128xi32, #tpu.memory_space<hbm>> -> memref<2x128xi32, #tpu.memory_space<hbm>>
      %dma_start3A_331 = arith.constant 0 : i32
      %dma_start3A_332 = arith.constant 0 : i32
      %dma_start3A_333 = tpu.memref_slice %arg3[%add3A_326, %dma_start3A_331, %dma_start3A_332] : memref<2500x2x128xi32, #tpu.memory_space<hbm>> -> memref<1x2x128xi32, #tpu.memory_space<hbm>>
      %dma_start3A_334 = tpu.memref_squeeze %dma_start3A_333 : memref<1x2x128xi32, #tpu.memory_space<hbm>> -> memref<2x128xi32, #tpu.memory_space<hbm>>
      tpu.enqueue_dma source(%dma_start3A_334 : memref<2x128xi32, #tpu.memory_space<hbm>>) target(%arg8 : memref<2x128xi32, #tpu.memory_space<vmem>>) target_semaphore(%arg19 : memref<!tpu.dma_semaphore, #tpu.memory_space<semaphore_mem>>)
    } else {
    }
    %gt3A_275 = arith.constant 78 : i32
    %gt3A_276 = arith.cmpi sgt, %add3A_4, %gt3A_275 : i32
    %convert_element_type3A_277 = arith.extui %gt3A_276 : i1 to i32
    %cond3A_278 = arith.constant 0 : i32
    %cond3A_279 = arith.cmpi ne, %convert_element_type3A_277, %cond3A_278 : i32
    scf.if %cond3A_279 {
      %dma_wait3A_325 = arith.constant 0 : i32
      %dma_wait3A_326 = arith.constant 0 : i32
      %dma_wait3A_327 = arith.constant 0 : i32
      %dma_wait3A_328 = tpu.memref_slice %arg3[%dma_wait3A_325, %dma_wait3A_326, %dma_wait3A_327] : memref<2500x2x128xi32, #tpu.memory_space<hbm>> -> memref<1x2x128xi32, #tpu.memory_space<hbm>>
      %dma_wait3A_329 = tpu.memref_squeeze %dma_wait3A_328 : memref<1x2x128xi32, #tpu.memory_space<hbm>> -> memref<2x128xi32, #tpu.memory_space<hbm>>
      %dma_wait3A_330 = arith.constant 0 : i32
      %dma_wait3A_331 = arith.constant 0 : i32
      %dma_wait3A_332 = tpu.memref_slice %arg3[%dma_wait3A_325, %dma_wait3A_330, %dma_wait3A_331] : memref<2500x2x128xi32, #tpu.memory_space<hbm>> -> memref<1x2x128xi32, #tpu.memory_space<hbm>>
      %dma_wait3A_333 = tpu.memref_squeeze %dma_wait3A_332 : memref<1x2x128xi32, #tpu.memory_space<hbm>> -> memref<2x128xi32, #tpu.memory_space<hbm>>
      tpu.wait_dma2 semaphore(%arg18 : memref<!tpu.dma_semaphore, #tpu.memory_space<semaphore_mem>>) src(%dma_wait3A_333 : memref<2x128xi32, #tpu.memory_space<hbm>>) dst(%arg7 : memref<2x128xi32, #tpu.memory_space<vmem>>)
      %dma_start3A_334 = arith.constant 0 : i32
      %dma_start3A_335 = arith.constant 0 : i32
      %dma_start3A_336 = tpu.memref_slice %arg7[%dma_start3A_334, %dma_start3A_335] : memref<2x128xi32, #tpu.memory_space<vmem>> -> memref<1x128xi32, #tpu.memory_space<vmem>>
      %dma_start3A_337 = tpu.memref_squeeze %dma_start3A_336 : memref<1x128xi32, #tpu.memory_space<vmem>> -> memref<128xi32, #tpu.memory_space<vmem>>
      %dma_start3A_338 = arith.constant 0 : i32
      %dma_start3A_339 = arith.constant 0 : i32
      %dma_start3A_340 = tpu.memref_slice %arg2[%dma_start3A_338, %dma_start3A_339] : memref<10000x144xf32, #tpu.memory_space<hbm>> -> memref<10000x144xf32, #tpu.memory_space<hbm>>
      tpu.enqueue_indirect_dma source(%dma_start3A_340 : memref<10000x144xf32, #tpu.memory_space<hbm>>) target(%arg9 : memref<128x144xf32, #tpu.memory_space<vmem>>) offsets(%dma_start3A_337 : memref<128xi32, #tpu.memory_space<vmem>>) semaphore(%arg12 : memref<!tpu.dma_semaphore, #tpu.memory_space<semaphore_mem>>)
    } else {
    }
    %gt3A_280 = arith.constant 78 : i32
    %gt3A_281 = arith.cmpi sgt, %add3A_4, %gt3A_280 : i32
    %convert_element_type3A_282 = arith.extui %gt3A_281 : i1 to i32
    %cond3A_283 = arith.constant 0 : i32
    %cond3A_284 = arith.cmpi ne, %convert_element_type3A_282, %cond3A_283 : i32
    scf.if %cond3A_284 {
      %dma_wait3A_325 = arith.constant 0 : i32
      %dma_wait3A_326 = arith.constant 0 : i32
      %dma_wait3A_327 = tpu.memref_slice %arg5[%dma_wait3A_325, %dma_wait3A_326] : memref<2x128xi32, #tpu.memory_space<vmem>> -> memref<1x128xi32, #tpu.memory_space<vmem>>
      %dma_wait3A_328 = tpu.memref_squeeze %dma_wait3A_327 : memref<1x128xi32, #tpu.memory_space<vmem>> -> memref<128xi32, #tpu.memory_space<vmem>>
      %dma_wait3A_329 = arith.constant 0 : i32
      %dma_wait3A_330 = arith.constant 0 : i32
      %dma_wait3A_331 = tpu.memref_slice %arg2[%dma_wait3A_329, %dma_wait3A_330] : memref<10000x144xf32, #tpu.memory_space<hbm>> -> memref<10000x144xf32, #tpu.memory_space<hbm>>
      tpu.wait_indirect_dma semaphore(%arg12 : memref<!tpu.dma_semaphore, #tpu.memory_space<semaphore_mem>>) src(%dma_wait3A_331 : memref<10000x144xf32, #tpu.memory_space<hbm>>) dst(%arg9 : memref<128x144xf32, #tpu.memory_space<vmem>>)
      %dma_start3A_332 = arith.constant 1 : i32
      %dma_start3A_333 = arith.constant 0 : i32
      %dma_start3A_334 = tpu.memref_slice %arg7[%dma_start3A_332, %dma_start3A_333] : memref<2x128xi32, #tpu.memory_space<vmem>> -> memref<1x128xi32, #tpu.memory_space<vmem>>
      %dma_start3A_335 = tpu.memref_squeeze %dma_start3A_334 : memref<1x128xi32, #tpu.memory_space<vmem>> -> memref<128xi32, #tpu.memory_space<vmem>>
      %dma_start3A_336 = arith.constant 0 : i32
      %dma_start3A_337 = arith.constant 0 : i32
      %dma_start3A_338 = tpu.memref_slice %arg11[%dma_start3A_336, %dma_start3A_337] : memref<10000x144xf32, #tpu.memory_space<vmem_shared>> -> memref<10000x144xf32, #tpu.memory_space<vmem_shared>>
      tpu.enqueue_indirect_dma source(%arg9 : memref<128x144xf32, #tpu.memory_space<vmem>>) target(%dma_start3A_338 : memref<10000x144xf32, #tpu.memory_space<vmem_shared>>) offsets(%dma_start3A_335 : memref<128xi32, #tpu.memory_space<vmem>>) semaphore(%arg14 : memref<!tpu.dma_semaphore, #tpu.memory_space<semaphore_mem>>) {add = true}
    } else {
    }
    %gt3A_285 = arith.constant 77 : i32
    %gt3A_286 = arith.cmpi sgt, %add3A_4, %gt3A_285 : i32
    %convert_element_type3A_287 = arith.extui %gt3A_286 : i1 to i32
    %cond3A_288 = arith.constant 0 : i32
    %cond3A_289 = arith.cmpi ne, %convert_element_type3A_287, %cond3A_288 : i32
    scf.if %cond3A_289 {
      %dma_wait3A_325 = arith.constant 1 : i32
      %dma_wait3A_326 = arith.constant 0 : i32
      %dma_wait3A_327 = tpu.memref_slice %arg5[%dma_wait3A_325, %dma_wait3A_326] : memref<2x128xi32, #tpu.memory_space<vmem>> -> memref<1x128xi32, #tpu.memory_space<vmem>>
      %dma_wait3A_328 = tpu.memref_squeeze %dma_wait3A_327 : memref<1x128xi32, #tpu.memory_space<vmem>> -> memref<128xi32, #tpu.memory_space<vmem>>
      %dma_wait3A_329 = arith.constant 0 : i32
      %dma_wait3A_330 = arith.constant 0 : i32
      %dma_wait3A_331 = tpu.memref_slice %arg11[%dma_wait3A_329, %dma_wait3A_330] : memref<10000x144xf32, #tpu.memory_space<vmem_shared>> -> memref<10000x144xf32, #tpu.memory_space<vmem_shared>>
      tpu.wait_indirect_dma semaphore(%arg15 : memref<!tpu.dma_semaphore, #tpu.memory_space<semaphore_mem>>) src(%arg10 : memref<128x144xf32, #tpu.memory_space<vmem>>) dst(%dma_wait3A_331 : memref<10000x144xf32, #tpu.memory_space<vmem_shared>>)
    } else {
    }
    %gt3A_290 = arith.constant 80 : i32
    %gt3A_291 = arith.cmpi sgt, %add3A_4, %gt3A_290 : i32
    %convert_element_type3A_292 = arith.extui %gt3A_291 : i1 to i32
    %cond3A_293 = arith.constant 0 : i32
    %cond3A_294 = arith.cmpi ne, %convert_element_type3A_292, %cond3A_293 : i32
    scf.if %cond3A_294 {
      %add3A_325 = arith.constant 2560 : i32
      %add3A_326 = arith.addi %add3A, %add3A_325 : i32
      %dma_start3A_327 = arith.constant 0 : i32
      %dma_start3A_328 = arith.constant 0 : i32
      %dma_start3A_329 = tpu.memref_slice %arg3[%add3A_326, %dma_start3A_327, %dma_start3A_328] : memref<2500x2x128xi32, #tpu.memory_space<hbm>> -> memref<1x2x128xi32, #tpu.memory_space<hbm>>
      %dma_start3A_330 = tpu.memref_squeeze %dma_start3A_329 : memref<1x2x128xi32, #tpu.memory_space<hbm>> -> memref<2x128xi32, #tpu.memory_space<hbm>>
      %dma_start3A_331 = arith.constant 0 : i32
      %dma_start3A_332 = arith.constant 0 : i32
      %dma_start3A_333 = tpu.memref_slice %arg3[%add3A_326, %dma_start3A_331, %dma_start3A_332] : memref<2500x2x128xi32, #tpu.memory_space<hbm>> -> memref<1x2x128xi32, #tpu.memory_space<hbm>>
      %dma_start3A_334 = tpu.memref_squeeze %dma_start3A_333 : memref<1x2x128xi32, #tpu.memory_space<hbm>> -> memref<2x128xi32, #tpu.memory_space<hbm>>
      tpu.enqueue_dma source(%dma_start3A_334 : memref<2x128xi32, #tpu.memory_space<hbm>>) target(%arg5 : memref<2x128xi32, #tpu.memory_space<vmem>>) target_semaphore(%arg16 : memref<!tpu.dma_semaphore, #tpu.memory_space<semaphore_mem>>)
    } else {
    }
    %gt3A_295 = arith.constant 79 : i32
    %gt3A_296 = arith.cmpi sgt, %add3A_4, %gt3A_295 : i32
    %convert_element_type3A_297 = arith.extui %gt3A_296 : i1 to i32
    %cond3A_298 = arith.constant 0 : i32
    %cond3A_299 = arith.cmpi ne, %convert_element_type3A_297, %cond3A_298 : i32
    scf.if %cond3A_299 {
      %dma_wait3A_325 = arith.constant 0 : i32
      %dma_wait3A_326 = arith.constant 0 : i32
      %dma_wait3A_327 = arith.constant 0 : i32
      %dma_wait3A_328 = tpu.memref_slice %arg3[%dma_wait3A_325, %dma_wait3A_326, %dma_wait3A_327] : memref<2500x2x128xi32, #tpu.memory_space<hbm>> -> memref<1x2x128xi32, #tpu.memory_space<hbm>>
      %dma_wait3A_329 = tpu.memref_squeeze %dma_wait3A_328 : memref<1x2x128xi32, #tpu.memory_space<hbm>> -> memref<2x128xi32, #tpu.memory_space<hbm>>
      %dma_wait3A_330 = arith.constant 0 : i32
      %dma_wait3A_331 = arith.constant 0 : i32
      %dma_wait3A_332 = tpu.memref_slice %arg3[%dma_wait3A_325, %dma_wait3A_330, %dma_wait3A_331] : memref<2500x2x128xi32, #tpu.memory_space<hbm>> -> memref<1x2x128xi32, #tpu.memory_space<hbm>>
      %dma_wait3A_333 = tpu.memref_squeeze %dma_wait3A_332 : memref<1x2x128xi32, #tpu.memory_space<hbm>> -> memref<2x128xi32, #tpu.memory_space<hbm>>
      tpu.wait_dma2 semaphore(%arg19 : memref<!tpu.dma_semaphore, #tpu.memory_space<semaphore_mem>>) src(%dma_wait3A_333 : memref<2x128xi32, #tpu.memory_space<hbm>>) dst(%arg8 : memref<2x128xi32, #tpu.memory_space<vmem>>)
      %dma_start3A_334 = arith.constant 0 : i32
      %dma_start3A_335 = arith.constant 0 : i32
      %dma_start3A_336 = tpu.memref_slice %arg8[%dma_start3A_334, %dma_start3A_335] : memref<2x128xi32, #tpu.memory_space<vmem>> -> memref<1x128xi32, #tpu.memory_space<vmem>>
      %dma_start3A_337 = tpu.memref_squeeze %dma_start3A_336 : memref<1x128xi32, #tpu.memory_space<vmem>> -> memref<128xi32, #tpu.memory_space<vmem>>
      %dma_start3A_338 = arith.constant 0 : i32
      %dma_start3A_339 = arith.constant 0 : i32
      %dma_start3A_340 = tpu.memref_slice %arg2[%dma_start3A_338, %dma_start3A_339] : memref<10000x144xf32, #tpu.memory_space<hbm>> -> memref<10000x144xf32, #tpu.memory_space<hbm>>
      tpu.enqueue_indirect_dma source(%dma_start3A_340 : memref<10000x144xf32, #tpu.memory_space<hbm>>) target(%arg10 : memref<128x144xf32, #tpu.memory_space<vmem>>) offsets(%dma_start3A_337 : memref<128xi32, #tpu.memory_space<vmem>>) semaphore(%arg13 : memref<!tpu.dma_semaphore, #tpu.memory_space<semaphore_mem>>)
    } else {
    }
    %gt3A_300 = arith.constant 79 : i32
    %gt3A_301 = arith.cmpi sgt, %add3A_4, %gt3A_300 : i32
    %convert_element_type3A_302 = arith.extui %gt3A_301 : i1 to i32
    %cond3A_303 = arith.constant 0 : i32
    %cond3A_304 = arith.cmpi ne, %convert_element_type3A_302, %cond3A_303 : i32
    scf.if %cond3A_304 {
      %dma_wait3A_325 = arith.constant 0 : i32
      %dma_wait3A_326 = arith.constant 0 : i32
      %dma_wait3A_327 = tpu.memref_slice %arg5[%dma_wait3A_325, %dma_wait3A_326] : memref<2x128xi32, #tpu.memory_space<vmem>> -> memref<1x128xi32, #tpu.memory_space<vmem>>
      %dma_wait3A_328 = tpu.memref_squeeze %dma_wait3A_327 : memref<1x128xi32, #tpu.memory_space<vmem>> -> memref<128xi32, #tpu.memory_space<vmem>>
      %dma_wait3A_329 = arith.constant 0 : i32
      %dma_wait3A_330 = arith.constant 0 : i32
      %dma_wait3A_331 = tpu.memref_slice %arg2[%dma_wait3A_329, %dma_wait3A_330] : memref<10000x144xf32, #tpu.memory_space<hbm>> -> memref<10000x144xf32, #tpu.memory_space<hbm>>
      tpu.wait_indirect_dma semaphore(%arg13 : memref<!tpu.dma_semaphore, #tpu.memory_space<semaphore_mem>>) src(%dma_wait3A_331 : memref<10000x144xf32, #tpu.memory_space<hbm>>) dst(%arg10 : memref<128x144xf32, #tpu.memory_space<vmem>>)
      %dma_start3A_332 = arith.constant 1 : i32
      %dma_start3A_333 = arith.constant 0 : i32
      %dma_start3A_334 = tpu.memref_slice %arg8[%dma_start3A_332, %dma_start3A_333] : memref<2x128xi32, #tpu.memory_space<vmem>> -> memref<1x128xi32, #tpu.memory_space<vmem>>
      %dma_start3A_335 = tpu.memref_squeeze %dma_start3A_334 : memref<1x128xi32, #tpu.memory_space<vmem>> -> memref<128xi32, #tpu.memory_space<vmem>>
      %dma_start3A_336 = arith.constant 0 : i32
      %dma_start3A_337 = arith.constant 0 : i32
      %dma_start3A_338 = tpu.memref_slice %arg11[%dma_start3A_336, %dma_start3A_337] : memref<10000x144xf32, #tpu.memory_space<vmem_shared>> -> memref<10000x144xf32, #tpu.memory_space<vmem_shared>>
      tpu.enqueue_indirect_dma source(%arg10 : memref<128x144xf32, #tpu.memory_space<vmem>>) target(%dma_start3A_338 : memref<10000x144xf32, #tpu.memory_space<vmem_shared>>) offsets(%dma_start3A_335 : memref<128xi32, #tpu.memory_space<vmem>>) semaphore(%arg15 : memref<!tpu.dma_semaphore, #tpu.memory_space<semaphore_mem>>) {add = true}
    } else {
    }
    %gt3A_305 = arith.constant 78 : i32
    %gt3A_306 = arith.cmpi sgt, %add3A_4, %gt3A_305 : i32
    %convert_element_type3A_307 = arith.extui %gt3A_306 : i1 to i32
    %cond3A_308 = arith.constant 0 : i32
    %cond3A_309 = arith.cmpi ne, %convert_element_type3A_307, %cond3A_308 : i32
    scf.if %cond3A_309 {
      %dma_wait3A_325 = arith.constant 1 : i32
      %dma_wait3A_326 = arith.constant 0 : i32
      %dma_wait3A_327 = tpu.memref_slice %arg5[%dma_wait3A_325, %dma_wait3A_326] : memref<2x128xi32, #tpu.memory_space<vmem>> -> memref<1x128xi32, #tpu.memory_space<vmem>>
      %dma_wait3A_328 = tpu.memref_squeeze %dma_wait3A_327 : memref<1x128xi32, #tpu.memory_space<vmem>> -> memref<128xi32, #tpu.memory_space<vmem>>
      %dma_wait3A_329 = arith.constant 0 : i32
      %dma_wait3A_330 = arith.constant 0 : i32
      %dma_wait3A_331 = tpu.memref_slice %arg11[%dma_wait3A_329, %dma_wait3A_330] : memref<10000x144xf32, #tpu.memory_space<vmem_shared>> -> memref<10000x144xf32, #tpu.memory_space<vmem_shared>>
      tpu.wait_indirect_dma semaphore(%arg14 : memref<!tpu.dma_semaphore, #tpu.memory_space<semaphore_mem>>) src(%arg9 : memref<128x144xf32, #tpu.memory_space<vmem>>) dst(%dma_wait3A_331 : memref<10000x144xf32, #tpu.memory_space<vmem_shared>>)
    } else {
    }
    %gt3A_310 = arith.constant 81 : i32
    %gt3A_311 = arith.cmpi sgt, %add3A_4, %gt3A_310 : i32
    %convert_element_type3A_312 = arith.extui %gt3A_311 : i1 to i32
    %cond3A_313 = arith.constant 0 : i32
    %cond3A_314 = arith.cmpi ne, %convert_element_type3A_312, %cond3A_313 : i32
    scf.if %cond3A_314 {
      %add3A_325 = arith.constant 2592 : i32
      %add3A_326 = arith.addi %add3A, %add3A_325 : i32
      %dma_start3A_327 = arith.constant 0 : i32
      %dma_start3A_328 = arith.constant 0 : i32
      %dma_start3A_329 = tpu.memref_slice %arg3[%add3A_326, %dma_start3A_327, %dma_start3A_328] : memref<2500x2x128xi32, #tpu.memory_space<hbm>> -> memref<1x2x128xi32, #tpu.memory_space<hbm>>
      %dma_start3A_330 = tpu.memref_squeeze %dma_start3A_329 : memref<1x2x128xi32, #tpu.memory_space<hbm>> -> memref<2x128xi32, #tpu.memory_space<hbm>>
      %dma_start3A_331 = arith.constant 0 : i32
      %dma_start3A_332 = arith.constant 0 : i32
      %dma_start3A_333 = tpu.memref_slice %arg3[%add3A_326, %dma_start3A_331, %dma_start3A_332] : memref<2500x2x128xi32, #tpu.memory_space<hbm>> -> memref<1x2x128xi32, #tpu.memory_space<hbm>>
      %dma_start3A_334 = tpu.memref_squeeze %dma_start3A_333 : memref<1x2x128xi32, #tpu.memory_space<hbm>> -> memref<2x128xi32, #tpu.memory_space<hbm>>
      tpu.enqueue_dma source(%dma_start3A_334 : memref<2x128xi32, #tpu.memory_space<hbm>>) target(%arg6 : memref<2x128xi32, #tpu.memory_space<vmem>>) target_semaphore(%arg17 : memref<!tpu.dma_semaphore, #tpu.memory_space<semaphore_mem>>)
    } else {
    }
    %gt3A_315 = arith.constant 80 : i32
    %gt3A_316 = arith.cmpi sgt, %add3A_4, %gt3A_315 : i32
    %convert_element_type3A_317 = arith.extui %gt3A_316 : i1 to i32
    %cond3A_318 = arith.constant 0 : i32
    %cond3A_319 = arith.cmpi ne, %convert_element_type3A_317, %cond3A_318 : i32
    scf.if %cond3A_319 {
      %dma_wait3A_325 = arith.constant 0 : i32
      %dma_wait3A_326 = arith.constant 0 : i32
      %dma_wait3A_327 = arith.constant 0 : i32
      %dma_wait3A_328 = tpu.memref_slice %arg3[%dma_wait3A_325, %dma_wait3A_326, %dma_wait3A_327] : memref<2500x2x128xi32, #tpu.memory_space<hbm>> -> memref<1x2x128xi32, #tpu.memory_space<hbm>>
      %dma_wait3A_329 = tpu.memref_squeeze %dma_wait3A_328 : memref<1x2x128xi32, #tpu.memory_space<hbm>> -> memref<2x128xi32, #tpu.memory_space<hbm>>
      %dma_wait3A_330 = arith.constant 0 : i32
      %dma_wait3A_331 = arith.constant 0 : i32
      %dma_wait3A_332 = tpu.memref_slice %arg3[%dma_wait3A_325, %dma_wait3A_330, %dma_wait3A_331] : memref<2500x2x128xi32, #tpu.memory_space<hbm>> -> memref<1x2x128xi32, #tpu.memory_space<hbm>>
      %dma_wait3A_333 = tpu.memref_squeeze %dma_wait3A_332 : memref<1x2x128xi32, #tpu.memory_space<hbm>> -> memref<2x128xi32, #tpu.memory_space<hbm>>
      tpu.wait_dma2 semaphore(%arg16 : memref<!tpu.dma_semaphore, #tpu.memory_space<semaphore_mem>>) src(%dma_wait3A_333 : memref<2x128xi32, #tpu.memory_space<hbm>>) dst(%arg5 : memref<2x128xi32, #tpu.memory_space<vmem>>)
      %dma_start3A_334 = arith.constant 0 : i32
      %dma_start3A_335 = arith.constant 0 : i32
      %dma_start3A_336 = tpu.memref_slice %arg5[%dma_start3A_334, %dma_start3A_335] : memref<2x128xi32, #tpu.memory_space<vmem>> -> memref<1x128xi32, #tpu.memory_space<vmem>>
      %dma_start3A_337 = tpu.memref_squeeze %dma_start3A_336 : memref<1x128xi32, #tpu.memory_space<vmem>> -> memref<128xi32, #tpu.memory_space<vmem>>
      %dma_start3A_338 = arith.constant 0 : i32
      %dma_start3A_339 = arith.constant 0 : i32
      %dma_start3A_340 = tpu.memref_slice %arg2[%dma_start3A_338, %dma_start3A_339] : memref<10000x144xf32, #tpu.memory_space<hbm>> -> memref<10000x144xf32, #tpu.memory_space<hbm>>
      tpu.enqueue_indirect_dma source(%dma_start3A_340 : memref<10000x144xf32, #tpu.memory_space<hbm>>) target(%arg9 : memref<128x144xf32, #tpu.memory_space<vmem>>) offsets(%dma_start3A_337 : memref<128xi32, #tpu.memory_space<vmem>>) semaphore(%arg12 : memref<!tpu.dma_semaphore, #tpu.memory_space<semaphore_mem>>)
    } else {
    }
    %barrier3A_320 = arith.constant 0 : index
    tpu.barrier barrier_id(%barrier3A_320)
    %mul3A_321 = arith.constant 625 : i32
    %mul3A_322 = arith.muli %arg1, %mul3A_321 : i32
    %mul3A_323 = arith.constant 625 : i32
    %mul3A_324 = arith.muli %arg1, %mul3A_323 : i32
    "tpu.region"() ({
      %run_scoped3A = tpu.sem_alloc : memref<!tpu.dma_semaphore, #tpu.memory_space<semaphore_mem>>
      %dma_start3A_325 = arith.constant 0 : i32
      %dma_start3A_326 = tpu.memref_slice %arg4[%arg0, %mul3A_324, %dma_start3A_325] : memref<2x10000x144xf32, #tpu.memory_space<hbm>> -> memref<1x625x144xf32, #tpu.memory_space<hbm>>
      %dma_start3A_327 = tpu.memref_squeeze %dma_start3A_326 : memref<1x625x144xf32, #tpu.memory_space<hbm>> -> memref<625x144xf32, #tpu.memory_space<hbm>>
      %dma_start3A_328 = arith.constant 0 : i32
      %dma_start3A_329 = tpu.memref_slice %arg11[%mul3A_322, %dma_start3A_328] : memref<10000x144xf32, #tpu.memory_space<vmem_shared>> -> memref<625x144xf32, #tpu.memory_space<vmem_shared>>
      tpu.enqueue_dma source(%dma_start3A_329 : memref<625x144xf32, #tpu.memory_space<vmem_shared>>) target(%dma_start3A_327 : memref<625x144xf32, #tpu.memory_space<hbm>>) target_semaphore(%run_scoped3A : memref<!tpu.dma_semaphore, #tpu.memory_space<semaphore_mem>>)
      %dma_wait3A_330 = arith.constant 0 : i32
      %dma_wait3A_331 = tpu.memref_slice %arg4[%arg0, %mul3A_324, %dma_wait3A_330] : memref<2x10000x144xf32, #tpu.memory_space<hbm>> -> memref<1x625x144xf32, #tpu.memory_space<hbm>>
      %dma_wait3A_332 = tpu.memref_squeeze %dma_wait3A_331 : memref<1x625x144xf32, #tpu.memory_space<hbm>> -> memref<625x144xf32, #tpu.memory_space<hbm>>
      %dma_wait3A_333 = arith.constant 0 : i32
      %dma_wait3A_334 = tpu.memref_slice %arg11[%mul3A_322, %dma_wait3A_333] : memref<10000x144xf32, #tpu.memory_space<vmem_shared>> -> memref<625x144xf32, #tpu.memory_space<vmem_shared>>
      tpu.wait_dma2 semaphore(%run_scoped3A : memref<!tpu.dma_semaphore, #tpu.memory_space<semaphore_mem>>) src(%dma_wait3A_334 : memref<625x144xf32, #tpu.memory_space<vmem_shared>>) dst(%dma_wait3A_332 : memref<625x144xf32, #tpu.memory_space<hbm>>)
      tpu.yield
    }) : () -> ()
    return
  }
}

#map = affine_map<(d0, d1) -> (0, 0)>
#map1 = affine_map<(d0, d1) -> (0)>
module attributes {stable_mosaic.version = 14 : i64} {
  func.func @hek(%arg0: i32, %arg1: i32, %arg2: memref<100000x16xf32, #tpu.memory_space<hbm>>, %arg3: memref<10000xi32, #tpu.memory_space<hbm>>, %arg4: memref<10000x16xf32, #tpu.memory_space<hbm>>, %arg5: memref<312xi32, #tpu.memory_space<vmem>>, %arg6: memref<312x16xf32, #tpu.memory_space<vmem>>, %arg7: memref<16xi32, #tpu.memory_space<vmem>>, %arg8: memref<16x16xf32, #tpu.memory_space<vmem>>, %arg9: memref<!tpu.dma_semaphore, #tpu.memory_space<semaphore_mem>>) attributes {dimension_semantics = [#tpu.dimension_semantics<core_parallel>, #tpu.dimension_semantics<subcore_parallel>], iteration_bounds = array<i64: 2, 16>, scalar_prefetch = 0 : i64, scratch_operands = 5 : i64, tpu.core_type = #tpu.core_type<sc_vector_subcore>, window_params = [{transform_indices = #map}, {transform_indices = #map1}, {transform_indices = #map}]} {
    %mul3A = arith.constant 16 : i32
    %mul3A_0 = arith.muli %arg0, %mul3A : i32
    %add3A = arith.addi %mul3A_0, %arg1 : i32
    %mul3A_1 = arith.constant 312 : i32
    %mul3A_2 = arith.muli %add3A, %mul3A_1 : i32
    %add3A_3 = arith.constant 0 : i32
    %add3A_4 = arith.addi %mul3A_2, %add3A_3 : i32
    "tpu.region"() ({
      %run_scoped3A = tpu.sem_alloc : memref<!tpu.dma_semaphore, #tpu.memory_space<semaphore_mem>>
      %dma_start3A_11 = tpu.memref_slice %arg3[%add3A_4] : memref<10000xi32, #tpu.memory_space<hbm>> -> memref<312xi32, #tpu.memory_space<hbm>>
      %dma_start3A_12 = tpu.memref_slice %arg3[%add3A_4] : memref<10000xi32, #tpu.memory_space<hbm>> -> memref<312xi32, #tpu.memory_space<hbm>>
      tpu.enqueue_dma source(%dma_start3A_12 : memref<312xi32, #tpu.memory_space<hbm>>) target(%arg5 : memref<312xi32, #tpu.memory_space<vmem>>) target_semaphore(%run_scoped3A : memref<!tpu.dma_semaphore, #tpu.memory_space<semaphore_mem>>)
      %dma_wait3A_13 = tpu.memref_slice %arg3[%add3A_4] : memref<10000xi32, #tpu.memory_space<hbm>> -> memref<312xi32, #tpu.memory_space<hbm>>
      %dma_wait3A_14 = tpu.memref_slice %arg3[%add3A_4] : memref<10000xi32, #tpu.memory_space<hbm>> -> memref<312xi32, #tpu.memory_space<hbm>>
      tpu.wait_dma2 semaphore(%run_scoped3A : memref<!tpu.dma_semaphore, #tpu.memory_space<semaphore_mem>>) src(%dma_wait3A_14 : memref<312xi32, #tpu.memory_space<hbm>>) dst(%arg5 : memref<312xi32, #tpu.memory_space<vmem>>)
      tpu.yield
    }) : () -> ()
    %dma_start3A = arith.constant 0 : i32
    %dma_start3A_5 = arith.constant 0 : i32
    %dma_start3A_6 = tpu.memref_slice %arg2[%dma_start3A, %dma_start3A_5] : memref<100000x16xf32, #tpu.memory_space<hbm>> -> memref<100000x16xf32, #tpu.memory_space<hbm>>
    tpu.enqueue_indirect_dma source(%dma_start3A_6 : memref<100000x16xf32, #tpu.memory_space<hbm>>) target(%arg6 : memref<312x16xf32, #tpu.memory_space<vmem>>) offsets(%arg5 : memref<312xi32, #tpu.memory_space<vmem>>) semaphore(%arg9 : memref<!tpu.dma_semaphore, #tpu.memory_space<semaphore_mem>>)
    %dma_wait3A = arith.constant 0 : i32
    %dma_wait3A_7 = arith.constant 0 : i32
    %dma_wait3A_8 = tpu.memref_slice %arg2[%dma_wait3A, %dma_wait3A_7] : memref<100000x16xf32, #tpu.memory_space<hbm>> -> memref<100000x16xf32, #tpu.memory_space<hbm>>
    tpu.wait_indirect_dma semaphore(%arg9 : memref<!tpu.dma_semaphore, #tpu.memory_space<semaphore_mem>>) src(%dma_wait3A_8 : memref<100000x16xf32, #tpu.memory_space<hbm>>) dst(%arg6 : memref<312x16xf32, #tpu.memory_space<vmem>>)
    "tpu.region"() ({
      %run_scoped3A = tpu.sem_alloc : memref<!tpu.dma_semaphore, #tpu.memory_space<semaphore_mem>>
      %dma_start3A_11 = arith.constant 0 : i32
      %dma_start3A_12 = tpu.memref_slice %arg4[%add3A_4, %dma_start3A_11] : memref<10000x16xf32, #tpu.memory_space<hbm>> -> memref<312x16xf32, #tpu.memory_space<hbm>>
      %dma_start3A_13 = arith.constant 0 : i32
      %dma_start3A_14 = tpu.memref_slice %arg4[%add3A_4, %dma_start3A_13] : memref<10000x16xf32, #tpu.memory_space<hbm>> -> memref<312x16xf32, #tpu.memory_space<hbm>>
      tpu.enqueue_dma source(%arg6 : memref<312x16xf32, #tpu.memory_space<vmem>>) target(%dma_start3A_14 : memref<312x16xf32, #tpu.memory_space<hbm>>) target_semaphore(%run_scoped3A : memref<!tpu.dma_semaphore, #tpu.memory_space<semaphore_mem>>)
      %dma_wait3A_15 = arith.constant 0 : i32
      %dma_wait3A_16 = tpu.memref_slice %arg4[%add3A_4, %dma_wait3A_15] : memref<10000x16xf32, #tpu.memory_space<hbm>> -> memref<312x16xf32, #tpu.memory_space<hbm>>
      %dma_wait3A_17 = arith.constant 0 : i32
      %dma_wait3A_18 = tpu.memref_slice %arg4[%add3A_4, %dma_wait3A_17] : memref<10000x16xf32, #tpu.memory_space<hbm>> -> memref<312x16xf32, #tpu.memory_space<hbm>>
      tpu.wait_dma2 semaphore(%run_scoped3A : memref<!tpu.dma_semaphore, #tpu.memory_space<semaphore_mem>>) src(%arg6 : memref<312x16xf32, #tpu.memory_space<vmem>>) dst(%dma_wait3A_18 : memref<312x16xf32, #tpu.memory_space<hbm>>)
      tpu.yield
    }) : () -> ()
    %eq3A = arith.constant 0 : i32
    %eq3A_9 = arith.cmpi eq, %add3A, %eq3A : i32
    %convert_element_type3A = arith.extui %eq3A_9 : i1 to i32
    %cond3A = arith.constant 0 : i32
    %cond3A_10 = arith.cmpi ne, %convert_element_type3A, %cond3A : i32
    scf.if %cond3A_10 {
      "tpu.region"() ({
        %run_scoped3A = tpu.sem_alloc : memref<!tpu.dma_semaphore, #tpu.memory_space<semaphore_mem>>
        %dma_start3A_17 = arith.constant 9984 : i32
        %dma_start3A_18 = tpu.memref_slice %arg3[%dma_start3A_17] : memref<10000xi32, #tpu.memory_space<hbm>> -> memref<16xi32, #tpu.memory_space<hbm>>
        %dma_start3A_19 = arith.constant 9984 : i32
        %dma_start3A_20 = tpu.memref_slice %arg3[%dma_start3A_19] : memref<10000xi32, #tpu.memory_space<hbm>> -> memref<16xi32, #tpu.memory_space<hbm>>
        tpu.enqueue_dma source(%dma_start3A_20 : memref<16xi32, #tpu.memory_space<hbm>>) target(%arg7 : memref<16xi32, #tpu.memory_space<vmem>>) target_semaphore(%run_scoped3A : memref<!tpu.dma_semaphore, #tpu.memory_space<semaphore_mem>>)
        %dma_wait3A_21 = arith.constant 9984 : i32
        %dma_wait3A_22 = tpu.memref_slice %arg3[%dma_wait3A_21] : memref<10000xi32, #tpu.memory_space<hbm>> -> memref<16xi32, #tpu.memory_space<hbm>>
        %dma_wait3A_23 = arith.constant 9984 : i32
        %dma_wait3A_24 = tpu.memref_slice %arg3[%dma_wait3A_23] : memref<10000xi32, #tpu.memory_space<hbm>> -> memref<16xi32, #tpu.memory_space<hbm>>
        tpu.wait_dma2 semaphore(%run_scoped3A : memref<!tpu.dma_semaphore, #tpu.memory_space<semaphore_mem>>) src(%dma_wait3A_24 : memref<16xi32, #tpu.memory_space<hbm>>) dst(%arg7 : memref<16xi32, #tpu.memory_space<vmem>>)
        tpu.yield
      }) : () -> ()
      %dma_start3A_11 = arith.constant 0 : i32
      %dma_start3A_12 = arith.constant 0 : i32
      %dma_start3A_13 = tpu.memref_slice %arg2[%dma_start3A_11, %dma_start3A_12] : memref<100000x16xf32, #tpu.memory_space<hbm>> -> memref<100000x16xf32, #tpu.memory_space<hbm>>
      tpu.enqueue_indirect_dma source(%dma_start3A_13 : memref<100000x16xf32, #tpu.memory_space<hbm>>) target(%arg8 : memref<16x16xf32, #tpu.memory_space<vmem>>) offsets(%arg7 : memref<16xi32, #tpu.memory_space<vmem>>) semaphore(%arg9 : memref<!tpu.dma_semaphore, #tpu.memory_space<semaphore_mem>>)
      %dma_wait3A_14 = arith.constant 0 : i32
      %dma_wait3A_15 = arith.constant 0 : i32
      %dma_wait3A_16 = tpu.memref_slice %arg2[%dma_wait3A_14, %dma_wait3A_15] : memref<100000x16xf32, #tpu.memory_space<hbm>> -> memref<100000x16xf32, #tpu.memory_space<hbm>>
      tpu.wait_indirect_dma semaphore(%arg9 : memref<!tpu.dma_semaphore, #tpu.memory_space<semaphore_mem>>) src(%dma_wait3A_16 : memref<100000x16xf32, #tpu.memory_space<hbm>>) dst(%arg8 : memref<16x16xf32, #tpu.memory_space<vmem>>)
      "tpu.region"() ({
        %run_scoped3A = tpu.sem_alloc : memref<!tpu.dma_semaphore, #tpu.memory_space<semaphore_mem>>
        %dma_start3A_17 = arith.constant 9984 : i32
        %dma_start3A_18 = arith.constant 0 : i32
        %dma_start3A_19 = tpu.memref_slice %arg4[%dma_start3A_17, %dma_start3A_18] : memref<10000x16xf32, #tpu.memory_space<hbm>> -> memref<16x16xf32, #tpu.memory_space<hbm>>
        %dma_start3A_20 = arith.constant 9984 : i32
        %dma_start3A_21 = arith.constant 0 : i32
        %dma_start3A_22 = tpu.memref_slice %arg4[%dma_start3A_20, %dma_start3A_21] : memref<10000x16xf32, #tpu.memory_space<hbm>> -> memref<16x16xf32, #tpu.memory_space<hbm>>
        tpu.enqueue_dma source(%arg8 : memref<16x16xf32, #tpu.memory_space<vmem>>) target(%dma_start3A_22 : memref<16x16xf32, #tpu.memory_space<hbm>>) target_semaphore(%run_scoped3A : memref<!tpu.dma_semaphore, #tpu.memory_space<semaphore_mem>>)
        %dma_wait3A_23 = arith.constant 9984 : i32
        %dma_wait3A_24 = arith.constant 0 : i32
        %dma_wait3A_25 = tpu.memref_slice %arg4[%dma_wait3A_23, %dma_wait3A_24] : memref<10000x16xf32, #tpu.memory_space<hbm>> -> memref<16x16xf32, #tpu.memory_space<hbm>>
        %dma_wait3A_26 = arith.constant 9984 : i32
        %dma_wait3A_27 = arith.constant 0 : i32
        %dma_wait3A_28 = tpu.memref_slice %arg4[%dma_wait3A_26, %dma_wait3A_27] : memref<10000x16xf32, #tpu.memory_space<hbm>> -> memref<16x16xf32, #tpu.memory_space<hbm>>
        tpu.wait_dma2 semaphore(%run_scoped3A : memref<!tpu.dma_semaphore, #tpu.memory_space<semaphore_mem>>) src(%arg8 : memref<16x16xf32, #tpu.memory_space<vmem>>) dst(%dma_wait3A_28 : memref<16x16xf32, #tpu.memory_space<hbm>>)
        tpu.yield
      }) : () -> ()
    } else {
    }
    return
  }
}

#map = affine_map<(d0, d1) -> (0, 0)>
#map1 = affine_map<(d0, d1) -> (0, 0, 0)>
module attributes {stable_mosaic.version = 14 : i64} {
  func.func @seg(%arg0: i32, %arg1: i32, %arg2: memref<10000x144xf32, #tpu.memory_space<hbm>>, %arg3: memref<2500x2x128xi32, #tpu.memory_space<hbm>>, %arg4: memref<2x10000x144xf32, #tpu.memory_space<hbm>>, %arg5: memref<2x128xi32, #tpu.memory_space<vmem>>, %arg6: memref<2x128xi32, #tpu.memory_space<vmem>>, %arg7: memref<2x128xi32, #tpu.memory_space<vmem>>, %arg8: memref<2x128xi32, #tpu.memory_space<vmem>>, %arg9: memref<128x144xf32, #tpu.memory_space<vmem>>, %arg10: memref<128x144xf32, #tpu.memory_space<vmem>>, %arg11: memref<10000x144xf32, #tpu.memory_space<vmem_shared>>, %arg12: memref<!tpu.dma_semaphore, #tpu.memory_space<semaphore_mem>>, %arg13: memref<!tpu.dma_semaphore, #tpu.memory_space<semaphore_mem>>, %arg14: memref<!tpu.dma_semaphore, #tpu.memory_space<semaphore_mem>>, %arg15: memref<!tpu.dma_semaphore, #tpu.memory_space<semaphore_mem>>, %arg16: memref<!tpu.dma_semaphore, #tpu.memory_space<semaphore_mem>>, %arg17: memref<!tpu.dma_semaphore, #tpu.memory_space<semaphore_mem>>, %arg18: memref<!tpu.dma_semaphore, #tpu.memory_space<semaphore_mem>>, %arg19: memref<!tpu.dma_semaphore, #tpu.memory_space<semaphore_mem>>) attributes {dimension_semantics = [#tpu.dimension_semantics<core_parallel>, #tpu.dimension_semantics<subcore_parallel>], iteration_bounds = array<i64: 2, 16>, scalar_prefetch = 0 : i64, scratch_operands = 15 : i64, tpu.core_type = #tpu.core_type<sc_vector_subcore>, window_params = [{transform_indices = #map}, {transform_indices = #map1}, {transform_indices = #map1}]} {
    %mul3A = arith.constant 16 : i32
    %mul3A_0 = arith.muli %arg0, %mul3A : i32
    %add3A = arith.addi %mul3A_0, %arg1 : i32
    %lt3A = arith.constant 4 : i32
    %lt3A_1 = arith.cmpi slt, %add3A, %lt3A : i32
    %jit3A = arith.constant 1 : i32
    %jit3A_2 = arith.constant 0 : i32
    %select_n3A = arith.select %lt3A_1, %jit3A, %jit3A_2 : i32
    %add3A_3 = arith.constant 78 : i32
    %add3A_4 = arith.addi %add3A_3, %select_n3A : i32
    %scan3A = arith.constant 0 : i32
    %scan3A_5 = arith.constant 0 : i32
    %scan3A_6 = arith.constant 128 : i32
    %scan3A_7 = arith.addi %scan3A_5, %scan3A_6 : i32
    %scan3A_8 = arith.constant 1 : i32
    scf.for %scan3A_325 = %scan3A_5 to %scan3A_7 step %scan3A_8  : i32 {
      %broadcast_in_dim3A = arith.constant 0.000000e+00 : f32
      %broadcast_in_dim3A_326 = vector.broadcast %broadcast_in_dim3A : f32 to vector<16xf32>
      %swap3A = arith.index_cast %scan3A_325 : i32 to index
      %swap3A_327 = arith.constant 0 : index
      %swap3A_328 = tpu.vector_load %arg9[%swap3A, %swap3A_327] {strides = array<i32>} : memref<128x144xf32, #tpu.memory_space<vmem>>, vector<1x16xf32>,
      %swap3A_329 = vector.shape_cast %swap3A_328 : vector<1x16xf32> to vector<16xf32>
      %swap3A_330 = vector.shape_cast %broadcast_in_dim3A_326 : vector<16xf32> to vector<1x16xf32>
      tpu.vector_store %arg9[%swap3A, %swap3A_327], %swap3A_330 {strides = array<i32>} : memref<128x144xf32, #tpu.memory_space<vmem>>, vector<1x16xf32>,
      %broadcast_in_dim3A_331 = arith.constant 0.000000e+00 : f32
      %broadcast_in_dim3A_332 = vector.broadcast %broadcast_in_dim3A_331 : f32 to vector<16xf32>
      %swap3A_333 = arith.index_cast %scan3A_325 : i32 to index
      %swap3A_334 = arith.constant 16 : index
      %swap3A_335 = tpu.vector_load %arg9[%swap3A_333, %swap3A_334] {strides = array<i32>} : memref<128x144xf32, #tpu.memory_space<vmem>>, vector<1x16xf32>,
      %swap3A_336 = vector.shape_cast %swap3A_335 : vector<1x16xf32> to vector<16xf32>
      %swap3A_337 = vector.shape_cast %broadcast_in_dim3A_332 : vector<16xf32> to vector<1x16xf32>
      tpu.vector_store %arg9[%swap3A_333, %swap3A_334], %swap3A_337 {strides = array<i32>} : memref<128x144xf32, #tpu.memory_space<vmem>>, vector<1x16xf32>,
      %broadcast_in_dim3A_338 = arith.constant 0.000000e+00 : f32
      %broadcast_in_dim3A_339 = vector.broadcast %broadcast_in_dim3A_338 : f32 to vector<16xf32>
      %swap3A_340 = arith.index_cast %scan3A_325 : i32 to index
      %swap3A_341 = arith.constant 32 : index
      %swap3A_342 = tpu.vector_load %arg9[%swap3A_340, %swap3A_341] {strides = array<i32>} : memref<128x144xf32, #tpu.memory_space<vmem>>, vector<1x16xf32>,
      %swap3A_343 = vector.shape_cast %swap3A_342 : vector<1x16xf32> to vector<16xf32>
      %swap3A_344 = vector.shape_cast %broadcast_in_dim3A_339 : vector<16xf32> to vector<1x16xf32>
      tpu.vector_store %arg9[%swap3A_340, %swap3A_341], %swap3A_344 {strides = array<i32>} : memref<128x144xf32, #tpu.memory_space<vmem>>, vector<1x16xf32>,
      %broadcast_in_dim3A_345 = arith.constant 0.000000e+00 : f32
      %broadcast_in_dim3A_346 = vector.broadcast %broadcast_in_dim3A_345 : f32 to vector<16xf32>
      %swap3A_347 = arith.index_cast %scan3A_325 : i32 to index
      %swap3A_348 = arith.constant 48 : index
      %swap3A_349 = tpu.vector_load %arg9[%swap3A_347, %swap3A_348] {strides = array<i32>} : memref<128x144xf32, #tpu.memory_space<vmem>>, vector<1x16xf32>,
      %swap3A_350 = vector.shape_cast %swap3A_349 : vector<1x16xf32> to vector<16xf32>
      %swap3A_351 = vector.shape_cast %broadcast_in_dim3A_346 : vector<16xf32> to vector<1x16xf32>
      tpu.vector_store %arg9[%swap3A_347, %swap3A_348], %swap3A_351 {strides = array<i32>} : memref<128x144xf32, #tpu.memory_space<vmem>>, vector<1x16xf32>,
      %broadcast_in_dim3A_352 = arith.constant 0.000000e+00 : f32
      %broadcast_in_dim3A_353 = vector.broadcast %broadcast_in_dim3A_352 : f32 to vector<16xf32>
      %swap3A_354 = arith.index_cast %scan3A_325 : i32 to index
      %swap3A_355 = arith.constant 64 : index
      %swap3A_356 = tpu.vector_load %arg9[%swap3A_354, %swap3A_355] {strides = array<i32>} : memref<128x144xf32, #tpu.memory_space<vmem>>, vector<1x16xf32>,
      %swap3A_357 = vector.shape_cast %swap3A_356 : vector<1x16xf32> to vector<16xf32>
      %swap3A_358 = vector.shape_cast %broadcast_in_dim3A_353 : vector<16xf32> to vector<1x16xf32>
      tpu.vector_store %arg9[%swap3A_354, %swap3A_355], %swap3A_358 {strides = array<i32>} : memref<128x144xf32, #tpu.memory_space<vmem>>, vector<1x16xf32>,
      %broadcast_in_dim3A_359 = arith.constant 0.000000e+00 : f32
      %broadcast_in_dim3A_360 = vector.broadcast %broadcast_in_dim3A_359 : f32 to vector<16xf32>
      %swap3A_361 = arith.index_cast %scan3A_325 : i32 to index
      %swap3A_362 = arith.constant 80 : index
      %swap3A_363 = tpu.vector_load %arg9[%swap3A_361, %swap3A_362] {strides = array<i32>} : memref<128x144xf32, #tpu.memory_space<vmem>>, vector<1x16xf32>,
      %swap3A_364 = vector.shape_cast %swap3A_363 : vector<1x16xf32> to vector<16xf32>
      %swap3A_365 = vector.shape_cast %broadcast_in_dim3A_360 : vector<16xf32> to vector<1x16xf32>
      tpu.vector_store %arg9[%swap3A_361, %swap3A_362], %swap3A_365 {strides = array<i32>} : memref<128x144xf32, #tpu.memory_space<vmem>>, vector<1x16xf32>,
      %broadcast_in_dim3A_366 = arith.constant 0.000000e+00 : f32
      %broadcast_in_dim3A_367 = vector.broadcast %broadcast_in_dim3A_366 : f32 to vector<16xf32>
      %swap3A_368 = arith.index_cast %scan3A_325 : i32 to index
      %swap3A_369 = arith.constant 96 : index
      %swap3A_370 = tpu.vector_load %arg9[%swap3A_368, %swap3A_369] {strides = array<i32>} : memref<128x144xf32, #tpu.memory_space<vmem>>, vector<1x16xf32>,
      %swap3A_371 = vector.shape_cast %swap3A_370 : vector<1x16xf32> to vector<16xf32>
      %swap3A_372 = vector.shape_cast %broadcast_in_dim3A_367 : vector<16xf32> to vector<1x16xf32>
      tpu.vector_store %arg9[%swap3A_368, %swap3A_369], %swap3A_372 {strides = array<i32>} : memref<128x144xf32, #tpu.memory_space<vmem>>, vector<1x16xf32>,
      %broadcast_in_dim3A_373 = arith.constant 0.000000e+00 : f32
      %broadcast_in_dim3A_374 = vector.broadcast %broadcast_in_dim3A_373 : f32 to vector<16xf32>
      %swap3A_375 = arith.index_cast %scan3A_325 : i32 to index
      %swap3A_376 = arith.constant 112 : index
      %swap3A_377 = tpu.vector_load %arg9[%swap3A_375, %swap3A_376] {strides = array<i32>} : memref<128x144xf32, #tpu.memory_space<vmem>>, vector<1x16xf32>,
      %swap3A_378 = vector.shape_cast %swap3A_377 : vector<1x16xf32> to vector<16xf32>
      %swap3A_379 = vector.shape_cast %broadcast_in_dim3A_374 : vector<16xf32> to vector<1x16xf32>
      tpu.vector_store %arg9[%swap3A_375, %swap3A_376], %swap3A_379 {strides = array<i32>} : memref<128x144xf32, #tpu.memory_space<vmem>>, vector<1x16xf32>,
      %broadcast_in_dim3A_380 = arith.constant 0.000000e+00 : f32
      %broadcast_in_dim3A_381 = vector.broadcast %broadcast_in_dim3A_380 : f32 to vector<16xf32>
      %swap3A_382 = arith.index_cast %scan3A_325 : i32 to index
      %swap3A_383 = arith.constant 128 : index
      %swap3A_384 = tpu.vector_load %arg9[%swap3A_382, %swap3A_383] {strides = array<i32>} : memref<128x144xf32, #tpu.memory_space<vmem>>, vector<1x16xf32>,
      %swap3A_385 = vector.shape_cast %swap3A_384 : vector<1x16xf32> to vector<16xf32>
      %swap3A_386 = vector.shape_cast %broadcast_in_dim3A_381 : vector<16xf32> to vector<1x16xf32>
      tpu.vector_store %arg9[%swap3A_382, %swap3A_383], %swap3A_386 {strides = array<i32>} : memref<128x144xf32, #tpu.memory_space<vmem>>, vector<1x16xf32>,
    }
    %scan3A_9 = arith.constant 128 : i32
    %mul3A_10 = arith.constant 625 : i32
    %mul3A_11 = arith.muli %arg1, %mul3A_10 : i32
    %add3A_12 = arith.constant 0 : i32
    %add3A_13 = arith.addi %mul3A_11, %add3A_12 : i32
    "tpu.region"() ({
      %run_scoped3A = tpu.sem_alloc : memref<!tpu.dma_semaphore, #tpu.memory_space<semaphore_mem>>
      %dma_start3A_325 = arith.constant 0 : i32
      %dma_start3A_326 = tpu.memref_slice %arg11[%add3A_13, %dma_start3A_325] : memref<10000x144xf32, #tpu.memory_space<vmem_shared>> -> memref<128x144xf32, #tpu.memory_space<vmem_shared>>
      %dma_start3A_327 = arith.constant 0 : i32
      %dma_start3A_328 = tpu.memref_slice %arg11[%add3A_13, %dma_start3A_327] : memref<10000x144xf32, #tpu.memory_space<vmem_shared>> -> memref<128x144xf32, #tpu.memory_space<vmem_shared>>
      tpu.enqueue_dma source(%arg9 : memref<128x144xf32, #tpu.memory_space<vmem>>) target(%dma_start3A_328 : memref<128x144xf32, #tpu.memory_space<vmem_shared>>) target_semaphore(%run_scoped3A : memref<!tpu.dma_semaphore, #tpu.memory_space<semaphore_mem>>)
      %dma_wait3A_329 = arith.constant 0 : i32
      %dma_wait3A_330 = tpu.memref_slice %arg11[%add3A_13, %dma_wait3A_329] : memref<10000x144xf32, #tpu.memory_space<vmem_shared>> -> memref<128x144xf32, #tpu.memory_space<vmem_shared>>
      %dma_wait3A_331 = arith.constant 0 : i32
      %dma_wait3A_332 = tpu.memref_slice %arg11[%add3A_13, %dma_wait3A_331] : memref<10000x144xf32, #tpu.memory_space<vmem_shared>> -> memref<128x144xf32, #tpu.memory_space<vmem_shared>>
      tpu.wait_dma2 semaphore(%run_scoped3A : memref<!tpu.dma_semaphore, #tpu.memory_space<semaphore_mem>>) src(%arg9 : memref<128x144xf32, #tpu.memory_space<vmem>>) dst(%dma_wait3A_332 : memref<128x144xf32, #tpu.memory_space<vmem_shared>>)
      tpu.yield
    }) : () -> ()
    %add3A_14 = arith.constant 128 : i32
    %add3A_15 = arith.addi %mul3A_11, %add3A_14 : i32
    "tpu.region"() ({
      %run_scoped3A = tpu.sem_alloc : memref<!tpu.dma_semaphore, #tpu.memory_space<semaphore_mem>>
      %dma_start3A_325 = arith.constant 0 : i32
      %dma_start3A_326 = tpu.memref_slice %arg11[%add3A_15, %dma_start3A_325] : memref<10000x144xf32, #tpu.memory_space<vmem_shared>> -> memref<128x144xf32, #tpu.memory_space<vmem_shared>>
      %dma_start3A_327 = arith.constant 0 : i32
      %dma_start3A_328 = tpu.memref_slice %arg11[%add3A_15, %dma_start3A_327] : memref<10000x144xf32, #tpu.memory_space<vmem_shared>> -> memref<128x144xf32, #tpu.memory_space<vmem_shared>>
      tpu.enqueue_dma source(%arg9 : memref<128x144xf32, #tpu.memory_space<vmem>>) target(%dma_start3A_328 : memref<128x144xf32, #tpu.memory_space<vmem_shared>>) target_semaphore(%run_scoped3A : memref<!tpu.dma_semaphore, #tpu.memory_space<semaphore_mem>>)
      %dma_wait3A_329 = arith.constant 0 : i32
      %dma_wait3A_330 = tpu.memref_slice %arg11[%add3A_15, %dma_wait3A_329] : memref<10000x144xf32, #tpu.memory_space<vmem_shared>> -> memref<128x144xf32, #tpu.memory_space<vmem_shared>>
      %dma_wait3A_331 = arith.constant 0 : i32
      %dma_wait3A_332 = tpu.memref_slice %arg11[%add3A_15, %dma_wait3A_331] : memref<10000x144xf32, #tpu.memory_space<vmem_shared>> -> memref<128x144xf32, #tpu.memory_space<vmem_shared>>
      tpu.wait_dma2 semaphore(%run_scoped3A : memref<!tpu.dma_semaphore, #tpu.memory_space<semaphore_mem>>) src(%arg9 : memref<128x144xf32, #tpu.memory_space<vmem>>) dst(%dma_wait3A_332 : memref<128x144xf32, #tpu.memory_space<vmem_shared>>)
      tpu.yield
    }) : () -> ()
    %add3A_16 = arith.constant 256 : i32
    %add3A_17 = arith.addi %mul3A_11, %add3A_16 : i32
    "tpu.region"() ({
      %run_scoped3A = tpu.sem_alloc : memref<!tpu.dma_semaphore, #tpu.memory_space<semaphore_mem>>
      %dma_start3A_325 = arith.constant 0 : i32
      %dma_start3A_326 = tpu.memref_slice %arg11[%add3A_17, %dma_start3A_325] : memref<10000x144xf32, #tpu.memory_space<vmem_shared>> -> memref<128x144xf32, #tpu.memory_space<vmem_shared>>
      %dma_start3A_327 = arith.constant 0 : i32
      %dma_start3A_328 = tpu.memref_slice %arg11[%add3A_17, %dma_start3A_327] : memref<10000x144xf32, #tpu.memory_space<vmem_shared>> -> memref<128x144xf32, #tpu.memory_space<vmem_shared>>
      tpu.enqueue_dma source(%arg9 : memref<128x144xf32, #tpu.memory_space<vmem>>) target(%dma_start3A_328 : memref<128x144xf32, #tpu.memory_space<vmem_shared>>) target_semaphore(%run_scoped3A : memref<!tpu.dma_semaphore, #tpu.memory_space<semaphore_mem>>)
      %dma_wait3A_329 = arith.constant 0 : i32
      %dma_wait3A_330 = tpu.memref_slice %arg11[%add3A_17, %dma_wait3A_329] : memref<10000x144xf32, #tpu.memory_space<vmem_shared>> -> memref<128x144xf32, #tpu.memory_space<vmem_shared>>
      %dma_wait3A_331 = arith.constant 0 : i32
      %dma_wait3A_332 = tpu.memref_slice %arg11[%add3A_17, %dma_wait3A_331] : memref<10000x144xf32, #tpu.memory_space<vmem_shared>> -> memref<128x144xf32, #tpu.memory_space<vmem_shared>>
      tpu.wait_dma2 semaphore(%run_scoped3A : memref<!tpu.dma_semaphore, #tpu.memory_space<semaphore_mem>>) src(%arg9 : memref<128x144xf32, #tpu.memory_space<vmem>>) dst(%dma_wait3A_332 : memref<128x144xf32, #tpu.memory_space<vmem_shared>>)
      tpu.yield
    }) : () -> ()
    %add3A_18 = arith.constant 384 : i32
    %add3A_19 = arith.addi %mul3A_11, %add3A_18 : i32
    "tpu.region"() ({
      %run_scoped3A = tpu.sem_alloc : memref<!tpu.dma_semaphore, #tpu.memory_space<semaphore_mem>>
      %dma_start3A_325 = arith.constant 0 : i32
      %dma_start3A_326 = tpu.memref_slice %arg11[%add3A_19, %dma_start3A_325] : memref<10000x144xf32, #tpu.memory_space<vmem_shared>> -> memref<128x144xf32, #tpu.memory_space<vmem_shared>>
      %dma_start3A_327 = arith.constant 0 : i32
      %dma_start3A_328 = tpu.memref_slice %arg11[%add3A_19, %dma_start3A_327] : memref<10000x144xf32, #tpu.memory_space<vmem_shared>> -> memref<128x144xf32, #tpu.memory_space<vmem_shared>>
      tpu.enqueue_dma source(%arg9 : memref<128x144xf32, #tpu.memory_space<vmem>>) target(%dma_start3A_328 : memref<128x144xf32, #tpu.memory_space<vmem_shared>>) target_semaphore(%run_scoped3A : memref<!tpu.dma_semaphore, #tpu.memory_space<semaphore_mem>>)
      %dma_wait3A_329 = arith.constant 0 : i32
      %dma_wait3A_330 = tpu.memref_slice %arg11[%add3A_19, %dma_wait3A_329] : memref<10000x144xf32, #tpu.memory_space<vmem_shared>> -> memref<128x144xf32, #tpu.memory_space<vmem_shared>>
      %dma_wait3A_331 = arith.constant 0 : i32
      %dma_wait3A_332 = tpu.memref_slice %arg11[%add3A_19, %dma_wait3A_331] : memref<10000x144xf32, #tpu.memory_space<vmem_shared>> -> memref<128x144xf32, #tpu.memory_space<vmem_shared>>
      tpu.wait_dma2 semaphore(%run_scoped3A : memref<!tpu.dma_semaphore, #tpu.memory_space<semaphore_mem>>) src(%arg9 : memref<128x144xf32, #tpu.memory_space<vmem>>) dst(%dma_wait3A_332 : memref<128x144xf32, #tpu.memory_space<vmem_shared>>)
      tpu.yield
    }) : () -> ()
    %add3A_20 = arith.constant 512 : i32
    %add3A_21 = arith.addi %mul3A_11, %add3A_20 : i32
    "tpu.region"() ({
      %run_scoped3A = tpu.sem_alloc : memref<!tpu.dma_semaphore, #tpu.memory_space<semaphore_mem>>
      %dma_start3A_325 = arith.constant 0 : i32
      %dma_start3A_326 = arith.constant 0 : i32
      %dma_start3A_327 = tpu.memref_slice %arg9[%dma_start3A_325, %dma_start3A_326] : memref<128x144xf32, #tpu.memory_space<vmem>> -> memref<113x144xf32, #tpu.memory_space<vmem>>
      %dma_start3A_328 = arith.constant 0 : i32
      %dma_start3A_329 = tpu.memref_slice %arg11[%add3A_21, %dma_start3A_328] : memref<10000x144xf32, #tpu.memory_space<vmem_shared>> -> memref<113x144xf32, #tpu.memory_space<vmem_shared>>
      %dma_start3A_330 = arith.constant 0 : i32
      %dma_start3A_331 = tpu.memref_slice %arg11[%add3A_21, %dma_start3A_330] : memref<10000x144xf32, #tpu.memory_space<vmem_shared>> -> memref<113x144xf32, #tpu.memory_space<vmem_shared>>
      %dma_start3A_332 = arith.constant 0 : i32
      %dma_start3A_333 = arith.constant 0 : i32
      %dma_start3A_334 = tpu.memref_slice %arg9[%dma_start3A_332, %dma_start3A_333] : memref<128x144xf32, #tpu.memory_space<vmem>> -> memref<113x144xf32, #tpu.memory_space<vmem>>
      tpu.enqueue_dma source(%dma_start3A_334 : memref<113x144xf32, #tpu.memory_space<vmem>>) target(%dma_start3A_331 : memref<113x144xf32, #tpu.memory_space<vmem_shared>>) target_semaphore(%run_scoped3A : memref<!tpu.dma_semaphore, #tpu.memory_space<semaphore_mem>>)
      %dma_wait3A_335 = arith.constant 0 : i32
      %dma_wait3A_336 = arith.constant 0 : i32
      %dma_wait3A_337 = tpu.memref_slice %arg9[%dma_wait3A_335, %dma_wait3A_336] : memref<128x144xf32, #tpu.memory_space<vmem>> -> memref<113x144xf32, #tpu.memory_space<vmem>>
      %dma_wait3A_338 = arith.constant 0 : i32
      %dma_wait3A_339 = tpu.memref_slice %arg11[%add3A_21, %dma_wait3A_338] : memref<10000x144xf32, #tpu.memory_space<vmem_shared>> -> memref<113x144xf32, #tpu.memory_space<vmem_shared>>
      %dma_wait3A_340 = arith.constant 0 : i32
      %dma_wait3A_341 = tpu.memref_slice %arg11[%add3A_21, %dma_wait3A_340] : memref<10000x144xf32, #tpu.memory_space<vmem_shared>> -> memref<113x144xf32, #tpu.memory_space<vmem_shared>>
      %dma_wait3A_342 = arith.constant 0 : i32
      %dma_wait3A_343 = arith.constant 0 : i32
      %dma_wait3A_344 = tpu.memref_slice %arg9[%dma_wait3A_342, %dma_wait3A_343] : memref<128x144xf32, #tpu.memory_space<vmem>> -> memref<113x144xf32, #tpu.memory_space<vmem>>
      tpu.wait_dma2 semaphore(%run_scoped3A : memref<!tpu.dma_semaphore, #tpu.memory_space<semaphore_mem>>) src(%dma_wait3A_344 : memref<113x144xf32, #tpu.memory_space<vmem>>) dst(%dma_wait3A_341 : memref<113x144xf32, #tpu.memory_space<vmem_shared>>)
      tpu.yield
    }) : () -> ()
    %barrier3A = arith.constant 0 : index
    tpu.barrier barrier_id(%barrier3A)
    %add3A_22 = arith.constant 0 : i32
    %add3A_23 = arith.addi %add3A, %add3A_22 : i32
    %dma_start3A = arith.constant 0 : i32
    %dma_start3A_24 = arith.constant 0 : i32
    %dma_start3A_25 = tpu.memref_slice %arg3[%add3A_23, %dma_start3A, %dma_start3A_24] : memref<2500x2x128xi32, #tpu.memory_space<hbm>> -> memref<1x2x128xi32, #tpu.memory_space<hbm>>
    %dma_start3A_26 = tpu.memref_squeeze %dma_start3A_25 : memref<1x2x128xi32, #tpu.memory_space<hbm>> -> memref<2x128xi32, #tpu.memory_space<hbm>>
    %dma_start3A_27 = arith.constant 0 : i32
    %dma_start3A_28 = arith.constant 0 : i32
    %dma_start3A_29 = tpu.memref_slice %arg3[%add3A_23, %dma_start3A_27, %dma_start3A_28] : memref<2500x2x128xi32, #tpu.memory_space<hbm>> -> memref<1x2x128xi32, #tpu.memory_space<hbm>>
    %dma_start3A_30 = tpu.memref_squeeze %dma_start3A_29 : memref<1x2x128xi32, #tpu.memory_space<hbm>> -> memref<2x128xi32, #tpu.memory_space<hbm>>
    tpu.enqueue_dma source(%dma_start3A_30 : memref<2x128xi32, #tpu.memory_space<hbm>>) target(%arg5 : memref<2x128xi32, #tpu.memory_space<vmem>>) target_semaphore(%arg16 : memref<!tpu.dma_semaphore, #tpu.memory_space<semaphore_mem>>)
    %add3A_31 = arith.constant 32 : i32
    %add3A_32 = arith.addi %add3A, %add3A_31 : i32
    %dma_start3A_33 = arith.constant 0 : i32
    %dma_start3A_34 = arith.constant 0 : i32
    %dma_start3A_35 = tpu.memref_slice %arg3[%add3A_32, %dma_start3A_33, %dma_start3A_34] : memref<2500x2x128xi32, #tpu.memory_space<hbm>> -> memref<1x2x128xi32, #tpu.memory_space<hbm>>
    %dma_start3A_36 = tpu.memref_squeeze %dma_start3A_35 : memref<1x2x128xi32, #tpu.memory_space<hbm>> -> memref<2x128xi32, #tpu.memory_space<hbm>>
    %dma_start3A_37 = arith.constant 0 : i32
    %dma_start3A_38 = arith.constant 0 : i32
    %dma_start3A_39 = tpu.memref_slice %arg3[%add3A_32, %dma_start3A_37, %dma_start3A_38] : memref<2500x2x128xi32, #tpu.memory_space<hbm>> -> memref<1x2x128xi32, #tpu.memory_space<hbm>>
    %dma_start3A_40 = tpu.memref_squeeze %dma_start3A_39 : memref<1x2x128xi32, #tpu.memory_space<hbm>> -> memref<2x128xi32, #tpu.memory_space<hbm>>
    tpu.enqueue_dma source(%dma_start3A_40 : memref<2x128xi32, #tpu.memory_space<hbm>>) target(%arg6 : memref<2x128xi32, #tpu.memory_space<vmem>>) target_semaphore(%arg17 : memref<!tpu.dma_semaphore, #tpu.memory_space<semaphore_mem>>)
    %dma_wait3A = arith.constant 0 : i32
    %dma_wait3A_41 = arith.constant 0 : i32
    %dma_wait3A_42 = arith.constant 0 : i32
    %dma_wait3A_43 = tpu.memref_slice %arg3[%dma_wait3A, %dma_wait3A_41, %dma_wait3A_42] : memref<2500x2x128xi32, #tpu.memory_space<hbm>> -> memref<1x2x128xi32, #tpu.memory_space<hbm>>
    %dma_wait3A_44 = tpu.memref_squeeze %dma_wait3A_43 : memref<1x2x128xi32, #tpu.memory_space<hbm>> -> memref<2x128xi32, #tpu.memory_space<hbm>>
    %dma_wait3A_45 = arith.constant 0 : i32
    %dma_wait3A_46 = arith.constant 0 : i32
    %dma_wait3A_47 = tpu.memref_slice %arg3[%dma_wait3A, %dma_wait3A_45, %dma_wait3A_46] : memref<2500x2x128xi32, #tpu.memory_space<hbm>> -> memref<1x2x128xi32, #tpu.memory_space<hbm>>
    %dma_wait3A_48 = tpu.memref_squeeze %dma_wait3A_47 : memref<1x2x128xi32, #tpu.memory_space<hbm>> -> memref<2x128xi32, #tpu.memory_space<hbm>>
    tpu.wait_dma2 semaphore(%arg16 : memref<!tpu.dma_semaphore, #tpu.memory_space<semaphore_mem>>) src(%dma_wait3A_48 : memref<2x128xi32, #tpu.memory_space<hbm>>) dst(%arg5 : memref<2x128xi32, #tpu.memory_space<vmem>>)
    %dma_start3A_49 = arith.constant 0 : i32
    %dma_start3A_50 = arith.constant 0 : i32
    %dma_start3A_51 = tpu.memref_slice %arg5[%dma_start3A_49, %dma_start3A_50] : memref<2x128xi32, #tpu.memory_space<vmem>> -> memref<1x128xi32, #tpu.memory_space<vmem>>
    %dma_start3A_52 = tpu.memref_squeeze %dma_start3A_51 : memref<1x128xi32, #tpu.memory_space<vmem>> -> memref<128xi32, #tpu.memory_space<vmem>>
    %dma_start3A_53 = arith.constant 0 : i32
    %dma_start3A_54 = arith.constant 0 : i32
    %dma_start3A_55 = tpu.memref_slice %arg2[%dma_start3A_53, %dma_start3A_54] : memref<10000x144xf32, #tpu.memory_space<hbm>> -> memref<10000x144xf32, #tpu.memory_space<hbm>>
    tpu.enqueue_indirect_dma source(%dma_start3A_55 : memref<10000x144xf32, #tpu.memory_space<hbm>>) target(%arg9 : memref<128x144xf32, #tpu.memory_space<vmem>>) offsets(%dma_start3A_52 : memref<128xi32, #tpu.memory_space<vmem>>) semaphore(%arg12 : memref<!tpu.dma_semaphore, #tpu.memory_space<semaphore_mem>>)
    %dma_wait3A_56 = arith.constant 0 : i32
    %dma_wait3A_57 = arith.constant 0 : i32
    %dma_wait3A_58 = tpu.memref_slice %arg5[%dma_wait3A_56, %dma_wait3A_57] : memref<2x128xi32, #tpu.memory_space<vmem>> -> memref<1x128xi32, #tpu.memory_space<vmem>>
    %dma_wait3A_59 = tpu.memref_squeeze %dma_wait3A_58 : memref<1x128xi32, #tpu.memory_space<vmem>> -> memref<128xi32, #tpu.memory_space<vmem>>
    %dma_wait3A_60 = arith.constant 0 : i32
    %dma_wait3A_61 = arith.constant 0 : i32
    %dma_wait3A_62 = tpu.memref_slice %arg2[%dma_wait3A_60, %dma_wait3A_61] : memref<10000x144xf32, #tpu.memory_space<hbm>> -> memref<10000x144xf32, #tpu.memory_space<hbm>>
    tpu.wait_indirect_dma semaphore(%arg12 : memref<!tpu.dma_semaphore, #tpu.memory_space<semaphore_mem>>) src(%dma_wait3A_62 : memref<10000x144xf32, #tpu.memory_space<hbm>>) dst(%arg9 : memref<128x144xf32, #tpu.memory_space<vmem>>)
    %dma_start3A_63 = arith.constant 1 : i32
    %dma_start3A_64 = arith.constant 0 : i32
    %dma_start3A_65 = tpu.memref_slice %arg5[%dma_start3A_63, %dma_start3A_64] : memref<2x128xi32, #tpu.memory_space<vmem>> -> memref<1x128xi32, #tpu.memory_space<vmem>>
    %dma_start3A_66 = tpu.memref_squeeze %dma_start3A_65 : memref<1x128xi32, #tpu.memory_space<vmem>> -> memref<128xi32, #tpu.memory_space<vmem>>
    %dma_start3A_67 = arith.constant 0 : i32
    %dma_start3A_68 = arith.constant 0 : i32
    %dma_start3A_69 = tpu.memref_slice %arg11[%dma_start3A_67, %dma_start3A_68] : memref<10000x144xf32, #tpu.memory_space<vmem_shared>> -> memref<10000x144xf32, #tpu.memory_space<vmem_shared>>
    tpu.enqueue_indirect_dma source(%arg9 : memref<128x144xf32, #tpu.memory_space<vmem>>) target(%dma_start3A_69 : memref<10000x144xf32, #tpu.memory_space<vmem_shared>>) offsets(%dma_start3A_66 : memref<128xi32, #tpu.memory_space<vmem>>) semaphore(%arg14 : memref<!tpu.dma_semaphore, #tpu.memory_space<semaphore_mem>>) {add = true}
    %add3A_70 = arith.constant 64 : i32
    %add3A_71 = arith.addi %add3A, %add3A_70 : i32
    %dma_start3A_72 = arith.constant 0 : i32
    %dma_start3A_73 = arith.constant 0 : i32
    %dma_start3A_74 = tpu.memref_slice %arg3[%add3A_71, %dma_start3A_72, %dma_start3A_73] : memref<2500x2x128xi32, #tpu.memory_space<hbm>> -> memref<1x2x128xi32, #tpu.memory_space<hbm>>
    %dma_start3A_75 = tpu.memref_squeeze %dma_start3A_74 : memref<1x2x128xi32, #tpu.memory_space<hbm>> -> memref<2x128xi32, #tpu.memory_space<hbm>>
    %dma_start3A_76 = arith.constant 0 : i32
    %dma_start3A_77 = arith.constant 0 : i32
    %dma_start3A_78 = tpu.memref_slice %arg3[%add3A_71, %dma_start3A_76, %dma_start3A_77] : memref<2500x2x128xi32, #tpu.memory_space<hbm>> -> memref<1x2x128xi32, #tpu.memory_space<hbm>>
    %dma_start3A_79 = tpu.memref_squeeze %dma_start3A_78 : memref<1x2x128xi32, #tpu.memory_space<hbm>> -> memref<2x128xi32, #tpu.memory_space<hbm>>
    tpu.enqueue_dma source(%dma_start3A_79 : memref<2x128xi32, #tpu.memory_space<hbm>>) target(%arg7 : memref<2x128xi32, #tpu.memory_space<vmem>>) target_semaphore(%arg18 : memref<!tpu.dma_semaphore, #tpu.memory_space<semaphore_mem>>)
    %dma_wait3A_80 = arith.constant 0 : i32
    %dma_wait3A_81 = arith.constant 0 : i32
    %dma_wait3A_82 = arith.constant 0 : i32
    %dma_wait3A_83 = tpu.memref_slice %arg3[%dma_wait3A_80, %dma_wait3A_81, %dma_wait3A_82] : memref<2500x2x128xi32, #tpu.memory_space<hbm>> -> memref<1x2x128xi32, #tpu.memory_space<hbm>>
    %dma_wait3A_84 = tpu.memref_squeeze %dma_wait3A_83 : memref<1x2x128xi32, #tpu.memory_space<hbm>> -> memref<2x128xi32, #tpu.memory_space<hbm>>
    %dma_wait3A_85 = arith.constant 0 : i32
    %dma_wait3A_86 = arith.constant 0 : i32
    %dma_wait3A_87 = tpu.memref_slice %arg3[%dma_wait3A_80, %dma_wait3A_85, %dma_wait3A_86] : memref<2500x2x128xi32, #tpu.memory_space<hbm>> -> memref<1x2x128xi32, #tpu.memory_space<hbm>>
    %dma_wait3A_88 = tpu.memref_squeeze %dma_wait3A_87 : memref<1x2x128xi32, #tpu.memory_space<hbm>> -> memref<2x128xi32, #tpu.memory_space<hbm>>
    tpu.wait_dma2 semaphore(%arg17 : memref<!tpu.dma_semaphore, #tpu.memory_space<semaphore_mem>>) src(%dma_wait3A_88 : memref<2x128xi32, #tpu.memory_space<hbm>>) dst(%arg6 : memref<2x128xi32, #tpu.memory_space<vmem>>)
    %dma_start3A_89 = arith.constant 0 : i32
    %dma_start3A_90 = arith.constant 0 : i32
    %dma_start3A_91 = tpu.memref_slice %arg6[%dma_start3A_89, %dma_start3A_90] : memref<2x128xi32, #tpu.memory_space<vmem>> -> memref<1x128xi32, #tpu.memory_space<vmem>>
    %dma_start3A_92 = tpu.memref_squeeze %dma_start3A_91 : memref<1x128xi32, #tpu.memory_space<vmem>> -> memref<128xi32, #tpu.memory_space<vmem>>
    %dma_start3A_93 = arith.constant 0 : i32
    %dma_start3A_94 = arith.constant 0 : i32
    %dma_start3A_95 = tpu.memref_slice %arg2[%dma_start3A_93, %dma_start3A_94] : memref<10000x144xf32, #tpu.memory_space<hbm>> -> memref<10000x144xf32, #tpu.memory_space<hbm>>
    tpu.enqueue_indirect_dma source(%dma_start3A_95 : memref<10000x144xf32, #tpu.memory_space<hbm>>) target(%arg10 : memref<128x144xf32, #tpu.memory_space<vmem>>) offsets(%dma_start3A_92 : memref<128xi32, #tpu.memory_space<vmem>>) semaphore(%arg13 : memref<!tpu.dma_semaphore, #tpu.memory_space<semaphore_mem>>)
    %dma_wait3A_96 = arith.constant 0 : i32
    %dma_wait3A_97 = arith.constant 0 : i32
    %dma_wait3A_98 = tpu.memref_slice %arg5[%dma_wait3A_96, %dma_wait3A_97] : memref<2x128xi32, #tpu.memory_space<vmem>> -> memref<1x128xi32, #tpu.memory_space<vmem>>
    %dma_wait3A_99 = tpu.memref_squeeze %dma_wait3A_98 : memref<1x128xi32, #tpu.memory_space<vmem>> -> memref<128xi32, #tpu.memory_space<vmem>>
    %dma_wait3A_100 = arith.constant 0 : i32
    %dma_wait3A_101 = arith.constant 0 : i32
    %dma_wait3A_102 = tpu.memref_slice %arg2[%dma_wait3A_100, %dma_wait3A_101] : memref<10000x144xf32, #tpu.memory_space<hbm>> -> memref<10000x144xf32, #tpu.memory_space<hbm>>
    tpu.wait_indirect_dma semaphore(%arg13 : memref<!tpu.dma_semaphore, #tpu.memory_space<semaphore_mem>>) src(%dma_wait3A_102 : memref<10000x144xf32, #tpu.memory_space<hbm>>) dst(%arg10 : memref<128x144xf32, #tpu.memory_space<vmem>>)
    %dma_start3A_103 = arith.constant 1 : i32
    %dma_start3A_104 = arith.constant 0 : i32
    %dma_start3A_105 = tpu.memref_slice %arg6[%dma_start3A_103, %dma_start3A_104] : memref<2x128xi32, #tpu.memory_space<vmem>> -> memref<1x128xi32, #tpu.memory_space<vmem>>
    %dma_start3A_106 = tpu.memref_squeeze %dma_start3A_105 : memref<1x128xi32, #tpu.memory_space<vmem>> -> memref<128xi32, #tpu.memory_space<vmem>>
    %dma_start3A_107 = arith.constant 0 : i32
    %dma_start3A_108 = arith.constant 0 : i32
    %dma_start3A_109 = tpu.memref_slice %arg11[%dma_start3A_107, %dma_start3A_108] : memref<10000x144xf32, #tpu.memory_space<vmem_shared>> -> memref<10000x144xf32, #tpu.memory_space<vmem_shared>>
    tpu.enqueue_indirect_dma source(%arg10 : memref<128x144xf32, #tpu.memory_space<vmem>>) target(%dma_start3A_109 : memref<10000x144xf32, #tpu.memory_space<vmem_shared>>) offsets(%dma_start3A_106 : memref<128xi32, #tpu.memory_space<vmem>>) semaphore(%arg15 : memref<!tpu.dma_semaphore, #tpu.memory_space<semaphore_mem>>) {add = true}
    %dma_wait3A_110 = arith.constant 1 : i32
    %dma_wait3A_111 = arith.constant 0 : i32
    %dma_wait3A_112 = tpu.memref_slice %arg5[%dma_wait3A_110, %dma_wait3A_111] : memref<2x128xi32, #tpu.memory_space<vmem>> -> memref<1x128xi32, #tpu.memory_space<vmem>>
    %dma_wait3A_113 = tpu.memref_squeeze %dma_wait3A_112 : memref<1x128xi32, #tpu.memory_space<vmem>> -> memref<128xi32, #tpu.memory_space<vmem>>
    %dma_wait3A_114 = arith.constant 0 : i32
    %dma_wait3A_115 = arith.constant 0 : i32
    %dma_wait3A_116 = tpu.memref_slice %arg11[%dma_wait3A_114, %dma_wait3A_115] : memref<10000x144xf32, #tpu.memory_space<vmem_shared>> -> memref<10000x144xf32, #tpu.memory_space<vmem_shared>>
    tpu.wait_indirect_dma semaphore(%arg14 : memref<!tpu.dma_semaphore, #tpu.memory_space<semaphore_mem>>) src(%arg9 : memref<128x144xf32, #tpu.memory_space<vmem>>) dst(%dma_wait3A_116 : memref<10000x144xf32, #tpu.memory_space<vmem_shared>>)
    %add3A_117 = arith.constant 96 : i32
    %add3A_118 = arith.addi %add3A, %add3A_117 : i32
    %dma_start3A_119 = arith.constant 0 : i32
    %dma_start3A_120 = arith.constant 0 : i32
    %dma_start3A_121 = tpu.memref_slice %arg3[%add3A_118, %dma_start3A_119, %dma_start3A_120] : memref<2500x2x128xi32, #tpu.memory_space<hbm>> -> memref<1x2x128xi32, #tpu.memory_space<hbm>>
    %dma_start3A_122 = tpu.memref_squeeze %dma_start3A_121 : memref<1x2x128xi32, #tpu.memory_space<hbm>> -> memref<2x128xi32, #tpu.memory_space<hbm>>
    %dma_start3A_123 = arith.constant 0 : i32
    %dma_start3A_124 = arith.constant 0 : i32
    %dma_start3A_125 = tpu.memref_slice %arg3[%add3A_118, %dma_start3A_123, %dma_start3A_124] : memref<2500x2x128xi32, #tpu.memory_space<hbm>> -> memref<1x2x128xi32, #tpu.memory_space<hbm>>
    %dma_start3A_126 = tpu.memref_squeeze %dma_start3A_125 : memref<1x2x128xi32, #tpu.memory_space<hbm>> -> memref<2x128xi32, #tpu.memory_space<hbm>>
    tpu.enqueue_dma source(%dma_start3A_126 : memref<2x128xi32, #tpu.memory_space<hbm>>) target(%arg8 : memref<2x128xi32, #tpu.memory_space<vmem>>) target_semaphore(%arg19 : memref<!tpu.dma_semaphore, #tpu.memory_space<semaphore_mem>>)
    %dma_wait3A_127 = arith.constant 0 : i32
    %dma_wait3A_128 = arith.constant 0 : i32
    %dma_wait3A_129 = arith.constant 0 : i32
    %dma_wait3A_130 = tpu.memref_slice %arg3[%dma_wait3A_127, %dma_wait3A_128, %dma_wait3A_129] : memref<2500x2x128xi32, #tpu.memory_space<hbm>> -> memref<1x2x128xi32, #tpu.memory_space<hbm>>
    %dma_wait3A_131 = tpu.memref_squeeze %dma_wait3A_130 : memref<1x2x128xi32, #tpu.memory_space<hbm>> -> memref<2x128xi32, #tpu.memory_space<hbm>>
    %dma_wait3A_132 = arith.constant 0 : i32
    %dma_wait3A_133 = arith.constant 0 : i32
    %dma_wait3A_134 = tpu.memref_slice %arg3[%dma_wait3A_127, %dma_wait3A_132, %dma_wait3A_133] : memref<2500x2x128xi32, #tpu.memory_space<hbm>> -> memref<1x2x128xi32, #tpu.memory_space<hbm>>
    %dma_wait3A_135 = tpu.memref_squeeze %dma_wait3A_134 : memref<1x2x128xi32, #tpu.memory_space<hbm>> -> memref<2x128xi32, #tpu.memory_space<hbm>>
    tpu.wait_dma2 semaphore(%arg18 : memref<!tpu.dma_semaphore, #tpu.memory_space<semaphore_mem>>) src(%dma_wait3A_135 : memref<2x128xi32, #tpu.memory_space<hbm>>) dst(%arg7 : memref<2x128xi32, #tpu.memory_space<vmem>>)
    %dma_start3A_136 = arith.constant 0 : i32
    %dma_start3A_137 = arith.constant 0 : i32
    %dma_start3A_138 = tpu.memref_slice %arg7[%dma_start3A_136, %dma_start3A_137] : memref<2x128xi32, #tpu.memory_space<vmem>> -> memref<1x128xi32, #tpu.memory_space<vmem>>
    %dma_start3A_139 = tpu.memref_squeeze %dma_start3A_138 : memref<1x128xi32, #tpu.memory_space<vmem>> -> memref<128xi32, #tpu.memory_space<vmem>>
    %dma_start3A_140 = arith.constant 0 : i32
    %dma_start3A_141 = arith.constant 0 : i32
    %dma_start3A_142 = tpu.memref_slice %arg2[%dma_start3A_140, %dma_start3A_141] : memref<10000x144xf32, #tpu.memory_space<hbm>> -> memref<10000x144xf32, #tpu.memory_space<hbm>>
    tpu.enqueue_indirect_dma source(%dma_start3A_142 : memref<10000x144xf32, #tpu.memory_space<hbm>>) target(%arg9 : memref<128x144xf32, #tpu.memory_space<vmem>>) offsets(%dma_start3A_139 : memref<128xi32, #tpu.memory_space<vmem>>) semaphore(%arg12 : memref<!tpu.dma_semaphore, #tpu.memory_space<semaphore_mem>>)
    %dma_wait3A_143 = arith.constant 0 : i32
    %dma_wait3A_144 = arith.constant 0 : i32
    %dma_wait3A_145 = tpu.memref_slice %arg5[%dma_wait3A_143, %dma_wait3A_144] : memref<2x128xi32, #tpu.memory_space<vmem>> -> memref<1x128xi32, #tpu.memory_space<vmem>>
    %dma_wait3A_146 = tpu.memref_squeeze %dma_wait3A_145 : memref<1x128xi32, #tpu.memory_space<vmem>> -> memref<128xi32, #tpu.memory_space<vmem>>
    %dma_wait3A_147 = arith.constant 0 : i32
    %dma_wait3A_148 = arith.constant 0 : i32
    %dma_wait3A_149 = tpu.memref_slice %arg2[%dma_wait3A_147, %dma_wait3A_148] : memref<10000x144xf32, #tpu.memory_space<hbm>> -> memref<10000x144xf32, #tpu.memory_space<hbm>>
    tpu.wait_indirect_dma semaphore(%arg12 : memref<!tpu.dma_semaphore, #tpu.memory_space<semaphore_mem>>) src(%dma_wait3A_149 : memref<10000x144xf32, #tpu.memory_space<hbm>>) dst(%arg9 : memref<128x144xf32, #tpu.memory_space<vmem>>)
    %dma_start3A_150 = arith.constant 1 : i32
    %dma_start3A_151 = arith.constant 0 : i32
    %dma_start3A_152 = tpu.memref_slice %arg7[%dma_start3A_150, %dma_start3A_151] : memref<2x128xi32, #tpu.memory_space<vmem>> -> memref<1x128xi32, #tpu.memory_space<vmem>>
    %dma_start3A_153 = tpu.memref_squeeze %dma_start3A_152 : memref<1x128xi32, #tpu.memory_space<vmem>> -> memref<128xi32, #tpu.memory_space<vmem>>
    %dma_start3A_154 = arith.constant 0 : i32
    %dma_start3A_155 = arith.constant 0 : i32
    %dma_start3A_156 = tpu.memref_slice %arg11[%dma_start3A_154, %dma_start3A_155] : memref<10000x144xf32, #tpu.memory_space<vmem_shared>> -> memref<10000x144xf32, #tpu.memory_space<vmem_shared>>
    tpu.enqueue_indirect_dma source(%arg9 : memref<128x144xf32, #tpu.memory_space<vmem>>) target(%dma_start3A_156 : memref<10000x144xf32, #tpu.memory_space<vmem_shared>>) offsets(%dma_start3A_153 : memref<128xi32, #tpu.memory_space<vmem>>) semaphore(%arg14 : memref<!tpu.dma_semaphore, #tpu.memory_space<semaphore_mem>>) {add = true}
    %dma_wait3A_157 = arith.constant 1 : i32
    %dma_wait3A_158 = arith.constant 0 : i32
    %dma_wait3A_159 = tpu.memref_slice %arg5[%dma_wait3A_157, %dma_wait3A_158] : memref<2x128xi32, #tpu.memory_space<vmem>> -> memref<1x128xi32, #tpu.memory_space<vmem>>
    %dma_wait3A_160 = tpu.memref_squeeze %dma_wait3A_159 : memref<1x128xi32, #tpu.memory_space<vmem>> -> memref<128xi32, #tpu.memory_space<vmem>>
    %dma_wait3A_161 = arith.constant 0 : i32
    %dma_wait3A_162 = arith.constant 0 : i32
    %dma_wait3A_163 = tpu.memref_slice %arg11[%dma_wait3A_161, %dma_wait3A_162] : memref<10000x144xf32, #tpu.memory_space<vmem_shared>> -> memref<10000x144xf32, #tpu.memory_space<vmem_shared>>
    tpu.wait_indirect_dma semaphore(%arg15 : memref<!tpu.dma_semaphore, #tpu.memory_space<semaphore_mem>>) src(%arg10 : memref<128x144xf32, #tpu.memory_space<vmem>>) dst(%dma_wait3A_163 : memref<10000x144xf32, #tpu.memory_space<vmem_shared>>)
    %add3A_164 = arith.constant 128 : i32
    %add3A_165 = arith.addi %add3A, %add3A_164 : i32
    %dma_start3A_166 = arith.constant 0 : i32
    %dma_start3A_167 = arith.constant 0 : i32
    %dma_start3A_168 = tpu.memref_slice %arg3[%add3A_165, %dma_start3A_166, %dma_start3A_167] : memref<2500x2x128xi32, #tpu.memory_space<hbm>> -> memref<1x2x128xi32, #tpu.memory_space<hbm>>
    %dma_start3A_169 = tpu.memref_squeeze %dma_start3A_168 : memref<1x2x128xi32, #tpu.memory_space<hbm>> -> memref<2x128xi32, #tpu.memory_space<hbm>>
    %dma_start3A_170 = arith.constant 0 : i32
    %dma_start3A_171 = arith.constant 0 : i32
    %dma_start3A_172 = tpu.memref_slice %arg3[%add3A_165, %dma_start3A_170, %dma_start3A_171] : memref<2500x2x128xi32, #tpu.memory_space<hbm>> -> memref<1x2x128xi32, #tpu.memory_space<hbm>>
    %dma_start3A_173 = tpu.memref_squeeze %dma_start3A_172 : memref<1x2x128xi32, #tpu.memory_space<hbm>> -> memref<2x128xi32, #tpu.memory_space<hbm>>
    tpu.enqueue_dma source(%dma_start3A_173 : memref<2x128xi32, #tpu.memory_space<hbm>>) target(%arg5 : memref<2x128xi32, #tpu.memory_space<vmem>>) target_semaphore(%arg16 : memref<!tpu.dma_semaphore, #tpu.memory_space<semaphore_mem>>)
    %dma_wait3A_174 = arith.constant 0 : i32
    %dma_wait3A_175 = arith.constant 0 : i32
    %dma_wait3A_176 = arith.constant 0 : i32
    %dma_wait3A_177 = tpu.memref_slice %arg3[%dma_wait3A_174, %dma_wait3A_175, %dma_wait3A_176] : memref<2500x2x128xi32, #tpu.memory_space<hbm>> -> memref<1x2x128xi32, #tpu.memory_space<hbm>>
    %dma_wait3A_178 = tpu.memref_squeeze %dma_wait3A_177 : memref<1x2x128xi32, #tpu.memory_space<hbm>> -> memref<2x128xi32, #tpu.memory_space<hbm>>
    %dma_wait3A_179 = arith.constant 0 : i32
    %dma_wait3A_180 = arith.constant 0 : i32
    %dma_wait3A_181 = tpu.memref_slice %arg3[%dma_wait3A_174, %dma_wait3A_179, %dma_wait3A_180] : memref<2500x2x128xi32, #tpu.memory_space<hbm>> -> memref<1x2x128xi32, #tpu.memory_space<hbm>>
    %dma_wait3A_182 = tpu.memref_squeeze %dma_wait3A_181 : memref<1x2x128xi32, #tpu.memory_space<hbm>> -> memref<2x128xi32, #tpu.memory_space<hbm>>
    tpu.wait_dma2 semaphore(%arg19 : memref<!tpu.dma_semaphore, #tpu.memory_space<semaphore_mem>>) src(%dma_wait3A_182 : memref<2x128xi32, #tpu.memory_space<hbm>>) dst(%arg8 : memref<2x128xi32, #tpu.memory_space<vmem>>)
    %dma_start3A_183 = arith.constant 0 : i32
    %dma_start3A_184 = arith.constant 0 : i32
    %dma_start3A_185 = tpu.memref_slice %arg8[%dma_start3A_183, %dma_start3A_184] : memref<2x128xi32, #tpu.memory_space<vmem>> -> memref<1x128xi32, #tpu.memory_space<vmem>>
    %dma_start3A_186 = tpu.memref_squeeze %dma_start3A_185 : memref<1x128xi32, #tpu.memory_space<vmem>> -> memref<128xi32, #tpu.memory_space<vmem>>
    %dma_start3A_187 = arith.constant 0 : i32
    %dma_start3A_188 = arith.constant 0 : i32
    %dma_start3A_189 = tpu.memref_slice %arg2[%dma_start3A_187, %dma_start3A_188] : memref<10000x144xf32, #tpu.memory_space<hbm>> -> memref<10000x144xf32, #tpu.memory_space<hbm>>
    tpu.enqueue_indirect_dma source(%dma_start3A_189 : memref<10000x144xf32, #tpu.memory_space<hbm>>) target(%arg10 : memref<128x144xf32, #tpu.memory_space<vmem>>) offsets(%dma_start3A_186 : memref<128xi32, #tpu.memory_space<vmem>>) semaphore(%arg13 : memref<!tpu.dma_semaphore, #tpu.memory_space<semaphore_mem>>)
    %dma_wait3A_190 = arith.constant 0 : i32
    %dma_wait3A_191 = arith.constant 0 : i32
    %dma_wait3A_192 = tpu.memref_slice %arg5[%dma_wait3A_190, %dma_wait3A_191] : memref<2x128xi32, #tpu.memory_space<vmem>> -> memref<1x128xi32, #tpu.memory_space<vmem>>
    %dma_wait3A_193 = tpu.memref_squeeze %dma_wait3A_192 : memref<1x128xi32, #tpu.memory_space<vmem>> -> memref<128xi32, #tpu.memory_space<vmem>>
    %dma_wait3A_194 = arith.constant 0 : i32
    %dma_wait3A_195 = arith.constant 0 : i32
    %dma_wait3A_196 = tpu.memref_slice %arg2[%dma_wait3A_194, %dma_wait3A_195] : memref<10000x144xf32, #tpu.memory_space<hbm>> -> memref<10000x144xf32, #tpu.memory_space<hbm>>
    tpu.wait_indirect_dma semaphore(%arg13 : memref<!tpu.dma_semaphore, #tpu.memory_space<semaphore_mem>>) src(%dma_wait3A_196 : memref<10000x144xf32, #tpu.memory_space<hbm>>) dst(%arg10 : memref<128x144xf32, #tpu.memory_space<vmem>>)
    %dma_start3A_197 = arith.constant 1 : i32
    %dma_start3A_198 = arith.constant 0 : i32
    %dma_start3A_199 = tpu.memref_slice %arg8[%dma_start3A_197, %dma_start3A_198] : memref<2x128xi32, #tpu.memory_space<vmem>> -> memref<1x128xi32, #tpu.memory_space<vmem>>
    %dma_start3A_200 = tpu.memref_squeeze %dma_start3A_199 : memref<1x128xi32, #tpu.memory_space<vmem>> -> memref<128xi32, #tpu.memory_space<vmem>>
    %dma_start3A_201 = arith.constant 0 : i32
    %dma_start3A_202 = arith.constant 0 : i32
    %dma_start3A_203 = tpu.memref_slice %arg11[%dma_start3A_201, %dma_start3A_202] : memref<10000x144xf32, #tpu.memory_space<vmem_shared>> -> memref<10000x144xf32, #tpu.memory_space<vmem_shared>>
    tpu.enqueue_indirect_dma source(%arg10 : memref<128x144xf32, #tpu.memory_space<vmem>>) target(%dma_start3A_203 : memref<10000x144xf32, #tpu.memory_space<vmem_shared>>) offsets(%dma_start3A_200 : memref<128xi32, #tpu.memory_space<vmem>>) semaphore(%arg15 : memref<!tpu.dma_semaphore, #tpu.memory_space<semaphore_mem>>) {add = true}
    %dma_wait3A_204 = arith.constant 1 : i32
    %dma_wait3A_205 = arith.constant 0 : i32
    %dma_wait3A_206 = tpu.memref_slice %arg5[%dma_wait3A_204, %dma_wait3A_205] : memref<2x128xi32, #tpu.memory_space<vmem>> -> memref<1x128xi32, #tpu.memory_space<vmem>>
    %dma_wait3A_207 = tpu.memref_squeeze %dma_wait3A_206 : memref<1x128xi32, #tpu.memory_space<vmem>> -> memref<128xi32, #tpu.memory_space<vmem>>
    %dma_wait3A_208 = arith.constant 0 : i32
    %dma_wait3A_209 = arith.constant 0 : i32
    %dma_wait3A_210 = tpu.memref_slice %arg11[%dma_wait3A_208, %dma_wait3A_209] : memref<10000x144xf32, #tpu.memory_space<vmem_shared>> -> memref<10000x144xf32, #tpu.memory_space<vmem_shared>>
    tpu.wait_indirect_dma semaphore(%arg14 : memref<!tpu.dma_semaphore, #tpu.memory_space<semaphore_mem>>) src(%arg9 : memref<128x144xf32, #tpu.memory_space<vmem>>) dst(%dma_wait3A_210 : memref<10000x144xf32, #tpu.memory_space<vmem_shared>>)
    %add3A_211 = arith.constant 160 : i32
    %add3A_212 = arith.addi %add3A, %add3A_211 : i32
    %dma_start3A_213 = arith.constant 0 : i32
    %dma_start3A_214 = arith.constant 0 : i32
    %dma_start3A_215 = tpu.memref_slice %arg3[%add3A_212, %dma_start3A_213, %dma_start3A_214] : memref<2500x2x128xi32, #tpu.memory_space<hbm>> -> memref<1x2x128xi32, #tpu.memory_space<hbm>>
    %dma_start3A_216 = tpu.memref_squeeze %dma_start3A_215 : memref<1x2x128xi32, #tpu.memory_space<hbm>> -> memref<2x128xi32, #tpu.memory_space<hbm>>
    %dma_start3A_217 = arith.constant 0 : i32
    %dma_start3A_218 = arith.constant 0 : i32
    %dma_start3A_219 = tpu.memref_slice %arg3[%add3A_212, %dma_start3A_217, %dma_start3A_218] : memref<2500x2x128xi32, #tpu.memory_space<hbm>> -> memref<1x2x128xi32, #tpu.memory_space<hbm>>
    %dma_start3A_220 = tpu.memref_squeeze %dma_start3A_219 : memref<1x2x128xi32, #tpu.memory_space<hbm>> -> memref<2x128xi32, #tpu.memory_space<hbm>>
    tpu.enqueue_dma source(%dma_start3A_220 : memref<2x128xi32, #tpu.memory_space<hbm>>) target(%arg6 : memref<2x128xi32, #tpu.memory_space<vmem>>) target_semaphore(%arg17 : memref<!tpu.dma_semaphore, #tpu.memory_space<semaphore_mem>>)
    %dma_wait3A_221 = arith.constant 0 : i32
    %dma_wait3A_222 = arith.constant 0 : i32
    %dma_wait3A_223 = arith.constant 0 : i32
    %dma_wait3A_224 = tpu.memref_slice %arg3[%dma_wait3A_221, %dma_wait3A_222, %dma_wait3A_223] : memref<2500x2x128xi32, #tpu.memory_space<hbm>> -> memref<1x2x128xi32, #tpu.memory_space<hbm>>
    %dma_wait3A_225 = tpu.memref_squeeze %dma_wait3A_224 : memref<1x2x128xi32, #tpu.memory_space<hbm>> -> memref<2x128xi32, #tpu.memory_space<hbm>>
    %dma_wait3A_226 = arith.constant 0 : i32
    %dma_wait3A_227 = arith.constant 0 : i32
    %dma_wait3A_228 = tpu.memref_slice %arg3[%dma_wait3A_221, %dma_wait3A_226, %dma_wait3A_227] : memref<2500x2x128xi32, #tpu.memory_space<hbm>> -> memref<1x2x128xi32, #tpu.memory_space<hbm>>
    %dma_wait3A_229 = tpu.memref_squeeze %dma_wait3A_228 : memref<1x2x128xi32, #tpu.memory_space<hbm>> -> memref<2x128xi32, #tpu.memory_space<hbm>>
    tpu.wait_dma2 semaphore(%arg16 : memref<!tpu.dma_semaphore, #tpu.memory_space<semaphore_mem>>) src(%dma_wait3A_229 : memref<2x128xi32, #tpu.memory_space<hbm>>) dst(%arg5 : memref<2x128xi32, #tpu.memory_space<vmem>>)
    %dma_start3A_230 = arith.constant 0 : i32
    %dma_start3A_231 = arith.constant 0 : i32
    %dma_start3A_232 = tpu.memref_slice %arg5[%dma_start3A_230, %dma_start3A_231] : memref<2x128xi32, #tpu.memory_space<vmem>> -> memref<1x128xi32, #tpu.memory_space<vmem>>
    %dma_start3A_233 = tpu.memref_squeeze %dma_start3A_232 : memref<1x128xi32, #tpu.memory_space<vmem>> -> memref<128xi32, #tpu.memory_space<vmem>>
    %dma_start3A_234 = arith.constant 0 : i32
    %dma_start3A_235 = arith.constant 0 : i32
    %dma_start3A_236 = tpu.memref_slice %arg2[%dma_start3A_234, %dma_start3A_235] : memref<10000x144xf32, #tpu.memory_space<hbm>> -> memref<10000x144xf32, #tpu.memory_space<hbm>>
    tpu.enqueue_indirect_dma source(%dma_start3A_236 : memref<10000x144xf32, #tpu.memory_space<hbm>>) target(%arg9 : memref<128x144xf32, #tpu.memory_space<vmem>>) offsets(%dma_start3A_233 : memref<128xi32, #tpu.memory_space<vmem>>) semaphore(%arg12 : memref<!tpu.dma_semaphore, #tpu.memory_space<semaphore_mem>>)
    %scan3A_237 = arith.constant 0 : i32
    %scan3A_238 = arith.constant 1 : i32
    %scan3A_239 = arith.constant 18 : i32
    %scan3A_240 = arith.addi %scan3A_238, %scan3A_239 : i32
    %scan3A_241 = arith.constant 1 : i32
    scf.for %scan3A_325 = %scan3A_238 to %scan3A_240 step %scan3A_241  : i32 {
      %mul3A_326 = arith.constant 4 : i32
      %mul3A_327 = arith.muli %mul3A_326, %scan3A_325 : i32
      %add3A_328 = arith.constant 0 : i32
      %add3A_329 = arith.addi %mul3A_327, %add3A_328 : i32
      %dma_wait3A_330 = arith.constant 0 : i32
      %dma_wait3A_331 = arith.constant 0 : i32
      %dma_wait3A_332 = tpu.memref_slice %arg5[%dma_wait3A_330, %dma_wait3A_331] : memref<2x128xi32, #tpu.memory_space<vmem>> -> memref<1x128xi32, #tpu.memory_space<vmem>>
      %dma_wait3A_333 = tpu.memref_squeeze %dma_wait3A_332 : memref<1x128xi32, #tpu.memory_space<vmem>> -> memref<128xi32, #tpu.memory_space<vmem>>
      %dma_wait3A_334 = arith.constant 0 : i32
      %dma_wait3A_335 = arith.constant 0 : i32
      %dma_wait3A_336 = tpu.memref_slice %arg2[%dma_wait3A_334, %dma_wait3A_335] : memref<10000x144xf32, #tpu.memory_space<hbm>> -> memref<10000x144xf32, #tpu.memory_space<hbm>>
      tpu.wait_indirect_dma semaphore(%arg12 : memref<!tpu.dma_semaphore, #tpu.memory_space<semaphore_mem>>) src(%dma_wait3A_336 : memref<10000x144xf32, #tpu.memory_space<hbm>>) dst(%arg9 : memref<128x144xf32, #tpu.memory_space<vmem>>)
      %dma_start3A_337 = arith.constant 1 : i32
      %dma_start3A_338 = arith.constant 0 : i32
      %dma_start3A_339 = tpu.memref_slice %arg5[%dma_start3A_337, %dma_start3A_338] : memref<2x128xi32, #tpu.memory_space<vmem>> -> memref<1x128xi32, #tpu.memory_space<vmem>>
      %dma_start3A_340 = tpu.memref_squeeze %dma_start3A_339 : memref<1x128xi32, #tpu.memory_space<vmem>> -> memref<128xi32, #tpu.memory_space<vmem>>
      %dma_start3A_341 = arith.constant 0 : i32
      %dma_start3A_342 = arith.constant 0 : i32
      %dma_start3A_343 = tpu.memref_slice %arg11[%dma_start3A_341, %dma_start3A_342] : memref<10000x144xf32, #tpu.memory_space<vmem_shared>> -> memref<10000x144xf32, #tpu.memory_space<vmem_shared>>
      tpu.enqueue_indirect_dma source(%arg9 : memref<128x144xf32, #tpu.memory_space<vmem>>) target(%dma_start3A_343 : memref<10000x144xf32, #tpu.memory_space<vmem_shared>>) offsets(%dma_start3A_340 : memref<128xi32, #tpu.memory_space<vmem>>) semaphore(%arg14 : memref<!tpu.dma_semaphore, #tpu.memory_space<semaphore_mem>>) {add = true}
      %dma_wait3A_344 = arith.constant 1 : i32
      %dma_wait3A_345 = arith.constant 0 : i32
      %dma_wait3A_346 = tpu.memref_slice %arg5[%dma_wait3A_344, %dma_wait3A_345] : memref<2x128xi32, #tpu.memory_space<vmem>> -> memref<1x128xi32, #tpu.memory_space<vmem>>
      %dma_wait3A_347 = tpu.memref_squeeze %dma_wait3A_346 : memref<1x128xi32, #tpu.memory_space<vmem>> -> memref<128xi32, #tpu.memory_space<vmem>>
      %dma_wait3A_348 = arith.constant 0 : i32
      %dma_wait3A_349 = arith.constant 0 : i32
      %dma_wait3A_350 = tpu.memref_slice %arg11[%dma_wait3A_348, %dma_wait3A_349] : memref<10000x144xf32, #tpu.memory_space<vmem_shared>> -> memref<10000x144xf32, #tpu.memory_space<vmem_shared>>
      tpu.wait_indirect_dma semaphore(%arg15 : memref<!tpu.dma_semaphore, #tpu.memory_space<semaphore_mem>>) src(%arg10 : memref<128x144xf32, #tpu.memory_space<vmem>>) dst(%dma_wait3A_350 : memref<10000x144xf32, #tpu.memory_space<vmem_shared>>)
      %add3A_351 = arith.constant 2 : i32
      %add3A_352 = arith.addi %add3A_329, %add3A_351 : i32
      %mul3A_353 = arith.constant 32 : i32
      %mul3A_354 = arith.muli %add3A_352, %mul3A_353 : i32
      %add3A_355 = arith.addi %add3A, %mul3A_354 : i32
      %dma_start3A_356 = arith.constant 0 : i32
      %dma_start3A_357 = arith.constant 0 : i32
      %dma_start3A_358 = tpu.memref_slice %arg3[%add3A_355, %dma_start3A_356, %dma_start3A_357] : memref<2500x2x128xi32, #tpu.memory_space<hbm>> -> memref<1x2x128xi32, #tpu.memory_space<hbm>>
      %dma_start3A_359 = tpu.memref_squeeze %dma_start3A_358 : memref<1x2x128xi32, #tpu.memory_space<hbm>> -> memref<2x128xi32, #tpu.memory_space<hbm>>
      %dma_start3A_360 = arith.constant 0 : i32
      %dma_start3A_361 = arith.constant 0 : i32
      %dma_start3A_362 = tpu.memref_slice %arg3[%add3A_355, %dma_start3A_360, %dma_start3A_361] : memref<2500x2x128xi32, #tpu.memory_space<hbm>> -> memref<1x2x128xi32, #tpu.memory_space<hbm>>
      %dma_start3A_363 = tpu.memref_squeeze %dma_start3A_362 : memref<1x2x128xi32, #tpu.memory_space<hbm>> -> memref<2x128xi32, #tpu.memory_space<hbm>>
      tpu.enqueue_dma source(%dma_start3A_363 : memref<2x128xi32, #tpu.memory_space<hbm>>) target(%arg7 : memref<2x128xi32, #tpu.memory_space<vmem>>) target_semaphore(%arg18 : memref<!tpu.dma_semaphore, #tpu.memory_space<semaphore_mem>>)
      %dma_wait3A_364 = arith.constant 0 : i32
      %dma_wait3A_365 = arith.constant 0 : i32
      %dma_wait3A_366 = arith.constant 0 : i32
      %dma_wait3A_367 = tpu.memref_slice %arg3[%dma_wait3A_364, %dma_wait3A_365, %dma_wait3A_366] : memref<2500x2x128xi32, #tpu.memory_space<hbm>> -> memref<1x2x128xi32, #tpu.memory_space<hbm>>
      %dma_wait3A_368 = tpu.memref_squeeze %dma_wait3A_367 : memref<1x2x128xi32, #tpu.memory_space<hbm>> -> memref<2x128xi32, #tpu.memory_space<hbm>>
      %dma_wait3A_369 = arith.constant 0 : i32
      %dma_wait3A_370 = arith.constant 0 : i32
      %dma_wait3A_371 = tpu.memref_slice %arg3[%dma_wait3A_364, %dma_wait3A_369, %dma_wait3A_370] : memref<2500x2x128xi32, #tpu.memory_space<hbm>> -> memref<1x2x128xi32, #tpu.memory_space<hbm>>
      %dma_wait3A_372 = tpu.memref_squeeze %dma_wait3A_371 : memref<1x2x128xi32, #tpu.memory_space<hbm>> -> memref<2x128xi32, #tpu.memory_space<hbm>>
      tpu.wait_dma2 semaphore(%arg17 : memref<!tpu.dma_semaphore, #tpu.memory_space<semaphore_mem>>) src(%dma_wait3A_372 : memref<2x128xi32, #tpu.memory_space<hbm>>) dst(%arg6 : memref<2x128xi32, #tpu.memory_space<vmem>>)
      %dma_start3A_373 = arith.constant 0 : i32
      %dma_start3A_374 = arith.constant 0 : i32
      %dma_start3A_375 = tpu.memref_slice %arg6[%dma_start3A_373, %dma_start3A_374] : memref<2x128xi32, #tpu.memory_space<vmem>> -> memref<1x128xi32, #tpu.memory_space<vmem>>
      %dma_start3A_376 = tpu.memref_squeeze %dma_start3A_375 : memref<1x128xi32, #tpu.memory_space<vmem>> -> memref<128xi32, #tpu.memory_space<vmem>>
      %dma_start3A_377 = arith.constant 0 : i32
      %dma_start3A_378 = arith.constant 0 : i32
      %dma_start3A_379 = tpu.memref_slice %arg2[%dma_start3A_377, %dma_start3A_378] : memref<10000x144xf32, #tpu.memory_space<hbm>> -> memref<10000x144xf32, #tpu.memory_space<hbm>>
      tpu.enqueue_indirect_dma source(%dma_start3A_379 : memref<10000x144xf32, #tpu.memory_space<hbm>>) target(%arg10 : memref<128x144xf32, #tpu.memory_space<vmem>>) offsets(%dma_start3A_376 : memref<128xi32, #tpu.memory_space<vmem>>) semaphore(%arg13 : memref<!tpu.dma_semaphore, #tpu.memory_space<semaphore_mem>>)
      %mul3A_380 = arith.constant 4 : i32
      %mul3A_381 = arith.muli %mul3A_380, %scan3A_325 : i32
      %add3A_382 = arith.constant 1 : i32
      %add3A_383 = arith.addi %mul3A_381, %add3A_382 : i32
      %dma_wait3A_384 = arith.constant 0 : i32
      %dma_wait3A_385 = arith.constant 0 : i32
      %dma_wait3A_386 = tpu.memref_slice %arg5[%dma_wait3A_384, %dma_wait3A_385] : memref<2x128xi32, #tpu.memory_space<vmem>> -> memref<1x128xi32, #tpu.memory_space<vmem>>
      %dma_wait3A_387 = tpu.memref_squeeze %dma_wait3A_386 : memref<1x128xi32, #tpu.memory_space<vmem>> -> memref<128xi32, #tpu.memory_space<vmem>>
      %dma_wait3A_388 = arith.constant 0 : i32
      %dma_wait3A_389 = arith.constant 0 : i32
      %dma_wait3A_390 = tpu.memref_slice %arg2[%dma_wait3A_388, %dma_wait3A_389] : memref<10000x144xf32, #tpu.memory_space<hbm>> -> memref<10000x144xf32, #tpu.memory_space<hbm>>
      tpu.wait_indirect_dma semaphore(%arg13 : memref<!tpu.dma_semaphore, #tpu.memory_space<semaphore_mem>>) src(%dma_wait3A_390 : memref<10000x144xf32, #tpu.memory_space<hbm>>) dst(%arg10 : memref<128x144xf32, #tpu.memory_space<vmem>>)
      %dma_start3A_391 = arith.constant 1 : i32
      %dma_start3A_392 = arith.constant 0 : i32
      %dma_start3A_393 = tpu.memref_slice %arg6[%dma_start3A_391, %dma_start3A_392] : memref<2x128xi32, #tpu.memory_space<vmem>> -> memref<1x128xi32, #tpu.memory_space<vmem>>
      %dma_start3A_394 = tpu.memref_squeeze %dma_start3A_393 : memref<1x128xi32, #tpu.memory_space<vmem>> -> memref<128xi32, #tpu.memory_space<vmem>>
      %dma_start3A_395 = arith.constant 0 : i32
      %dma_start3A_396 = arith.constant 0 : i32
      %dma_start3A_397 = tpu.memref_slice %arg11[%dma_start3A_395, %dma_start3A_396] : memref<10000x144xf32, #tpu.memory_space<vmem_shared>> -> memref<10000x144xf32, #tpu.memory_space<vmem_shared>>
      tpu.enqueue_indirect_dma source(%arg10 : memref<128x144xf32, #tpu.memory_space<vmem>>) target(%dma_start3A_397 : memref<10000x144xf32, #tpu.memory_space<vmem_shared>>) offsets(%dma_start3A_394 : memref<128xi32, #tpu.memory_space<vmem>>) semaphore(%arg15 : memref<!tpu.dma_semaphore, #tpu.memory_space<semaphore_mem>>) {add = true}
      %dma_wait3A_398 = arith.constant 1 : i32
      %dma_wait3A_399 = arith.constant 0 : i32
      %dma_wait3A_400 = tpu.memref_slice %arg5[%dma_wait3A_398, %dma_wait3A_399] : memref<2x128xi32, #tpu.memory_space<vmem>> -> memref<1x128xi32, #tpu.memory_space<vmem>>
      %dma_wait3A_401 = tpu.memref_squeeze %dma_wait3A_400 : memref<1x128xi32, #tpu.memory_space<vmem>> -> memref<128xi32, #tpu.memory_space<vmem>>
      %dma_wait3A_402 = arith.constant 0 : i32
      %dma_wait3A_403 = arith.constant 0 : i32
      %dma_wait3A_404 = tpu.memref_slice %arg11[%dma_wait3A_402, %dma_wait3A_403] : memref<10000x144xf32, #tpu.memory_space<vmem_shared>> -> memref<10000x144xf32, #tpu.memory_space<vmem_shared>>
      tpu.wait_indirect_dma semaphore(%arg14 : memref<!tpu.dma_semaphore, #tpu.memory_space<semaphore_mem>>) src(%arg9 : memref<128x144xf32, #tpu.memory_space<vmem>>) dst(%dma_wait3A_404 : memref<10000x144xf32, #tpu.memory_space<vmem_shared>>)
      %add3A_405 = arith.constant 2 : i32
      %add3A_406 = arith.addi %add3A_383, %add3A_405 : i32
      %mul3A_407 = arith.constant 32 : i32
      %mul3A_408 = arith.muli %add3A_406, %mul3A_407 : i32
      %add3A_409 = arith.addi %add3A, %mul3A_408 : i32
      %dma_start3A_410 = arith.constant 0 : i32
      %dma_start3A_411 = arith.constant 0 : i32
      %dma_start3A_412 = tpu.memref_slice %arg3[%add3A_409, %dma_start3A_410, %dma_start3A_411] : memref<2500x2x128xi32, #tpu.memory_space<hbm>> -> memref<1x2x128xi32, #tpu.memory_space<hbm>>
      %dma_start3A_413 = tpu.memref_squeeze %dma_start3A_412 : memref<1x2x128xi32, #tpu.memory_space<hbm>> -> memref<2x128xi32, #tpu.memory_space<hbm>>
      %dma_start3A_414 = arith.constant 0 : i32
      %dma_start3A_415 = arith.constant 0 : i32
      %dma_start3A_416 = tpu.memref_slice %arg3[%add3A_409, %dma_start3A_414, %dma_start3A_415] : memref<2500x2x128xi32, #tpu.memory_space<hbm>> -> memref<1x2x128xi32, #tpu.memory_space<hbm>>
      %dma_start3A_417 = tpu.memref_squeeze %dma_start3A_416 : memref<1x2x128xi32, #tpu.memory_space<hbm>> -> memref<2x128xi32, #tpu.memory_space<hbm>>
      tpu.enqueue_dma source(%dma_start3A_417 : memref<2x128xi32, #tpu.memory_space<hbm>>) target(%arg8 : memref<2x128xi32, #tpu.memory_space<vmem>>) target_semaphore(%arg19 : memref<!tpu.dma_semaphore, #tpu.memory_space<semaphore_mem>>)
      %dma_wait3A_418 = arith.constant 0 : i32
      %dma_wait3A_419 = arith.constant 0 : i32
      %dma_wait3A_420 = arith.constant 0 : i32
      %dma_wait3A_421 = tpu.memref_slice %arg3[%dma_wait3A_418, %dma_wait3A_419, %dma_wait3A_420] : memref<2500x2x128xi32, #tpu.memory_space<hbm>> -> memref<1x2x128xi32, #tpu.memory_space<hbm>>
      %dma_wait3A_422 = tpu.memref_squeeze %dma_wait3A_421 : memref<1x2x128xi32, #tpu.memory_space<hbm>> -> memref<2x128xi32, #tpu.memory_space<hbm>>
      %dma_wait3A_423 = arith.constant 0 : i32
      %dma_wait3A_424 = arith.constant 0 : i32
      %dma_wait3A_425 = tpu.memref_slice %arg3[%dma_wait3A_418, %dma_wait3A_423, %dma_wait3A_424] : memref<2500x2x128xi32, #tpu.memory_space<hbm>> -> memref<1x2x128xi32, #tpu.memory_space<hbm>>
      %dma_wait3A_426 = tpu.memref_squeeze %dma_wait3A_425 : memref<1x2x128xi32, #tpu.memory_space<hbm>> -> memref<2x128xi32, #tpu.memory_space<hbm>>
      tpu.wait_dma2 semaphore(%arg18 : memref<!tpu.dma_semaphore, #tpu.memory_space<semaphore_mem>>) src(%dma_wait3A_426 : memref<2x128xi32, #tpu.memory_space<hbm>>) dst(%arg7 : memref<2x128xi32, #tpu.memory_space<vmem>>)
      %dma_start3A_427 = arith.constant 0 : i32
      %dma_start3A_428 = arith.constant 0 : i32
      %dma_start3A_429 = tpu.memref_slice %arg7[%dma_start3A_427, %dma_start3A_428] : memref<2x128xi32, #tpu.memory_space<vmem>> -> memref<1x128xi32, #tpu.memory_space<vmem>>
      %dma_start3A_430 = tpu.memref_squeeze %dma_start3A_429 : memref<1x128xi32, #tpu.memory_space<vmem>> -> memref<128xi32, #tpu.memory_space<vmem>>
      %dma_start3A_431 = arith.constant 0 : i32
      %dma_start3A_432 = arith.constant 0 : i32
      %dma_start3A_433 = tpu.memref_slice %arg2[%dma_start3A_431, %dma_start3A_432] : memref<10000x144xf32, #tpu.memory_space<hbm>> -> memref<10000x144xf32, #tpu.memory_space<hbm>>
      tpu.enqueue_indirect_dma source(%dma_start3A_433 : memref<10000x144xf32, #tpu.memory_space<hbm>>) target(%arg9 : memref<128x144xf32, #tpu.memory_space<vmem>>) offsets(%dma_start3A_430 : memref<128xi32, #tpu.memory_space<vmem>>) semaphore(%arg12 : memref<!tpu.dma_semaphore, #tpu.memory_space<semaphore_mem>>)
      %mul3A_434 = arith.constant 4 : i32
      %mul3A_435 = arith.muli %mul3A_434, %scan3A_325 : i32
      %add3A_436 = arith.constant 2 : i32
      %add3A_437 = arith.addi %mul3A_435, %add3A_436 : i32
      %dma_wait3A_438 = arith.constant 0 : i32
      %dma_wait3A_439 = arith.constant 0 : i32
      %dma_wait3A_440 = tpu.memref_slice %arg5[%dma_wait3A_438, %dma_wait3A_439] : memref<2x128xi32, #tpu.memory_space<vmem>> -> memref<1x128xi32, #tpu.memory_space<vmem>>
      %dma_wait3A_441 = tpu.memref_squeeze %dma_wait3A_440 : memref<1x128xi32, #tpu.memory_space<vmem>> -> memref<128xi32, #tpu.memory_space<vmem>>
      %dma_wait3A_442 = arith.constant 0 : i32
      %dma_wait3A_443 = arith.constant 0 : i32
      %dma_wait3A_444 = tpu.memref_slice %arg2[%dma_wait3A_442, %dma_wait3A_443] : memref<10000x144xf32, #tpu.memory_space<hbm>> -> memref<10000x144xf32, #tpu.memory_space<hbm>>
      tpu.wait_indirect_dma semaphore(%arg12 : memref<!tpu.dma_semaphore, #tpu.memory_space<semaphore_mem>>) src(%dma_wait3A_444 : memref<10000x144xf32, #tpu.memory_space<hbm>>) dst(%arg9 : memref<128x144xf32, #tpu.memory_space<vmem>>)
      %dma_start3A_445 = arith.constant 1 : i32
      %dma_start3A_446 = arith.constant 0 : i32
      %dma_start3A_447 = tpu.memref_slice %arg7[%dma_start3A_445, %dma_start3A_446] : memref<2x128xi32, #tpu.memory_space<vmem>> -> memref<1x128xi32, #tpu.memory_space<vmem>>
      %dma_start3A_448 = tpu.memref_squeeze %dma_start3A_447 : memref<1x128xi32, #tpu.memory_space<vmem>> -> memref<128xi32, #tpu.memory_space<vmem>>
      %dma_start3A_449 = arith.constant 0 : i32
      %dma_start3A_450 = arith.constant 0 : i32
      %dma_start3A_451 = tpu.memref_slice %arg11[%dma_start3A_449, %dma_start3A_450] : memref<10000x144xf32, #tpu.memory_space<vmem_shared>> -> memref<10000x144xf32, #tpu.memory_space<vmem_shared>>
      tpu.enqueue_indirect_dma source(%arg9 : memref<128x144xf32, #tpu.memory_space<vmem>>) target(%dma_start3A_451 : memref<10000x144xf32, #tpu.memory_space<vmem_shared>>) offsets(%dma_start3A_448 : memref<128xi32, #tpu.memory_space<vmem>>) semaphore(%arg14 : memref<!tpu.dma_semaphore, #tpu.memory_space<semaphore_mem>>) {add = true}
      %dma_wait3A_452 = arith.constant 1 : i32
      %dma_wait3A_453 = arith.constant 0 : i32
      %dma_wait3A_454 = tpu.memref_slice %arg5[%dma_wait3A_452, %dma_wait3A_453] : memref<2x128xi32, #tpu.memory_space<vmem>> -> memref<1x128xi32, #tpu.memory_space<vmem>>
      %dma_wait3A_455 = tpu.memref_squeeze %dma_wait3A_454 : memref<1x128xi32, #tpu.memory_space<vmem>> -> memref<128xi32, #tpu.memory_space<vmem>>
      %dma_wait3A_456 = arith.constant 0 : i32
      %dma_wait3A_457 = arith.constant 0 : i32
      %dma_wait3A_458 = tpu.memref_slice %arg11[%dma_wait3A_456, %dma_wait3A_457] : memref<10000x144xf32, #tpu.memory_space<vmem_shared>> -> memref<10000x144xf32, #tpu.memory_space<vmem_shared>>
      tpu.wait_indirect_dma semaphore(%arg15 : memref<!tpu.dma_semaphore, #tpu.memory_space<semaphore_mem>>) src(%arg10 : memref<128x144xf32, #tpu.memory_space<vmem>>) dst(%dma_wait3A_458 : memref<10000x144xf32, #tpu.memory_space<vmem_shared>>)
      %add3A_459 = arith.constant 2 : i32
      %add3A_460 = arith.addi %add3A_437, %add3A_459 : i32
      %mul3A_461 = arith.constant 32 : i32
      %mul3A_462 = arith.muli %add3A_460, %mul3A_461 : i32
      %add3A_463 = arith.addi %add3A, %mul3A_462 : i32
      %dma_start3A_464 = arith.constant 0 : i32
      %dma_start3A_465 = arith.constant 0 : i32
      %dma_start3A_466 = tpu.memref_slice %arg3[%add3A_463, %dma_start3A_464, %dma_start3A_465] : memref<2500x2x128xi32, #tpu.memory_space<hbm>> -> memref<1x2x128xi32, #tpu.memory_space<hbm>>
      %dma_start3A_467 = tpu.memref_squeeze %dma_start3A_466 : memref<1x2x128xi32, #tpu.memory_space<hbm>> -> memref<2x128xi32, #tpu.memory_space<hbm>>
      %dma_start3A_468 = arith.constant 0 : i32
      %dma_start3A_469 = arith.constant 0 : i32
      %dma_start3A_470 = tpu.memref_slice %arg3[%add3A_463, %dma_start3A_468, %dma_start3A_469] : memref<2500x2x128xi32, #tpu.memory_space<hbm>> -> memref<1x2x128xi32, #tpu.memory_space<hbm>>
      %dma_start3A_471 = tpu.memref_squeeze %dma_start3A_470 : memref<1x2x128xi32, #tpu.memory_space<hbm>> -> memref<2x128xi32, #tpu.memory_space<hbm>>
      tpu.enqueue_dma source(%dma_start3A_471 : memref<2x128xi32, #tpu.memory_space<hbm>>) target(%arg5 : memref<2x128xi32, #tpu.memory_space<vmem>>) target_semaphore(%arg16 : memref<!tpu.dma_semaphore, #tpu.memory_space<semaphore_mem>>)
      %dma_wait3A_472 = arith.constant 0 : i32
      %dma_wait3A_473 = arith.constant 0 : i32
      %dma_wait3A_474 = arith.constant 0 : i32
      %dma_wait3A_475 = tpu.memref_slice %arg3[%dma_wait3A_472, %dma_wait3A_473, %dma_wait3A_474] : memref<2500x2x128xi32, #tpu.memory_space<hbm>> -> memref<1x2x128xi32, #tpu.memory_space<hbm>>
      %dma_wait3A_476 = tpu.memref_squeeze %dma_wait3A_475 : memref<1x2x128xi32, #tpu.memory_space<hbm>> -> memref<2x128xi32, #tpu.memory_space<hbm>>
      %dma_wait3A_477 = arith.constant 0 : i32
      %dma_wait3A_478 = arith.constant 0 : i32
      %dma_wait3A_479 = tpu.memref_slice %arg3[%dma_wait3A_472, %dma_wait3A_477, %dma_wait3A_478] : memref<2500x2x128xi32, #tpu.memory_space<hbm>> -> memref<1x2x128xi32, #tpu.memory_space<hbm>>
      %dma_wait3A_480 = tpu.memref_squeeze %dma_wait3A_479 : memref<1x2x128xi32, #tpu.memory_space<hbm>> -> memref<2x128xi32, #tpu.memory_space<hbm>>
      tpu.wait_dma2 semaphore(%arg19 : memref<!tpu.dma_semaphore, #tpu.memory_space<semaphore_mem>>) src(%dma_wait3A_480 : memref<2x128xi32, #tpu.memory_space<hbm>>) dst(%arg8 : memref<2x128xi32, #tpu.memory_space<vmem>>)
      %dma_start3A_481 = arith.constant 0 : i32
      %dma_start3A_482 = arith.constant 0 : i32
      %dma_start3A_483 = tpu.memref_slice %arg8[%dma_start3A_481, %dma_start3A_482] : memref<2x128xi32, #tpu.memory_space<vmem>> -> memref<1x128xi32, #tpu.memory_space<vmem>>
      %dma_start3A_484 = tpu.memref_squeeze %dma_start3A_483 : memref<1x128xi32, #tpu.memory_space<vmem>> -> memref<128xi32, #tpu.memory_space<vmem>>
      %dma_start3A_485 = arith.constant 0 : i32
      %dma_start3A_486 = arith.constant 0 : i32
      %dma_start3A_487 = tpu.memref_slice %arg2[%dma_start3A_485, %dma_start3A_486] : memref<10000x144xf32, #tpu.memory_space<hbm>> -> memref<10000x144xf32, #tpu.memory_space<hbm>>
      tpu.enqueue_indirect_dma source(%dma_start3A_487 : memref<10000x144xf32, #tpu.memory_space<hbm>>) target(%arg10 : memref<128x144xf32, #tpu.memory_space<vmem>>) offsets(%dma_start3A_484 : memref<128xi32, #tpu.memory_space<vmem>>) semaphore(%arg13 : memref<!tpu.dma_semaphore, #tpu.memory_space<semaphore_mem>>)
      %mul3A_488 = arith.constant 4 : i32
      %mul3A_489 = arith.muli %mul3A_488, %scan3A_325 : i32
      %add3A_490 = arith.constant 3 : i32
      %add3A_491 = arith.addi %mul3A_489, %add3A_490 : i32
      %dma_wait3A_492 = arith.constant 0 : i32
      %dma_wait3A_493 = arith.constant 0 : i32
      %dma_wait3A_494 = tpu.memref_slice %arg5[%dma_wait3A_492, %dma_wait3A_493] : memref<2x128xi32, #tpu.memory_space<vmem>> -> memref<1x128xi32, #tpu.memory_space<vmem>>
      %dma_wait3A_495 = tpu.memref_squeeze %dma_wait3A_494 : memref<1x128xi32, #tpu.memory_space<vmem>> -> memref<128xi32, #tpu.memory_space<vmem>>
      %dma_wait3A_496 = arith.constant 0 : i32
      %dma_wait3A_497 = arith.constant 0 : i32
      %dma_wait3A_498 = tpu.memref_slice %arg2[%dma_wait3A_496, %dma_wait3A_497] : memref<10000x144xf32, #tpu.memory_space<hbm>> -> memref<10000x144xf32, #tpu.memory_space<hbm>>
      tpu.wait_indirect_dma semaphore(%arg13 : memref<!tpu.dma_semaphore, #tpu.memory_space<semaphore_mem>>) src(%dma_wait3A_498 : memref<10000x144xf32, #tpu.memory_space<hbm>>) dst(%arg10 : memref<128x144xf32, #tpu.memory_space<vmem>>)
      %dma_start3A_499 = arith.constant 1 : i32
      %dma_start3A_500 = arith.constant 0 : i32
      %dma_start3A_501 = tpu.memref_slice %arg8[%dma_start3A_499, %dma_start3A_500] : memref<2x128xi32, #tpu.memory_space<vmem>> -> memref<1x128xi32, #tpu.memory_space<vmem>>
      %dma_start3A_502 = tpu.memref_squeeze %dma_start3A_501 : memref<1x128xi32, #tpu.memory_space<vmem>> -> memref<128xi32, #tpu.memory_space<vmem>>
      %dma_start3A_503 = arith.constant 0 : i32
      %dma_start3A_504 = arith.constant 0 : i32
      %dma_start3A_505 = tpu.memref_slice %arg11[%dma_start3A_503, %dma_start3A_504] : memref<10000x144xf32, #tpu.memory_space<vmem_shared>> -> memref<10000x144xf32, #tpu.memory_space<vmem_shared>>
      tpu.enqueue_indirect_dma source(%arg10 : memref<128x144xf32, #tpu.memory_space<vmem>>) target(%dma_start3A_505 : memref<10000x144xf32, #tpu.memory_space<vmem_shared>>) offsets(%dma_start3A_502 : memref<128xi32, #tpu.memory_space<vmem>>) semaphore(%arg15 : memref<!tpu.dma_semaphore, #tpu.memory_space<semaphore_mem>>) {add = true}
      %dma_wait3A_506 = arith.constant 1 : i32
      %dma_wait3A_507 = arith.constant 0 : i32
      %dma_wait3A_508 = tpu.memref_slice %arg5[%dma_wait3A_506, %dma_wait3A_507] : memref<2x128xi32, #tpu.memory_space<vmem>> -> memref<1x128xi32, #tpu.memory_space<vmem>>
      %dma_wait3A_509 = tpu.memref_squeeze %dma_wait3A_508 : memref<1x128xi32, #tpu.memory_space<vmem>> -> memref<128xi32, #tpu.memory_space<vmem>>
      %dma_wait3A_510 = arith.constant 0 : i32
      %dma_wait3A_511 = arith.constant 0 : i32
      %dma_wait3A_512 = tpu.memref_slice %arg11[%dma_wait3A_510, %dma_wait3A_511] : memref<10000x144xf32, #tpu.memory_space<vmem_shared>> -> memref<10000x144xf32, #tpu.memory_space<vmem_shared>>
      tpu.wait_indirect_dma semaphore(%arg14 : memref<!tpu.dma_semaphore, #tpu.memory_space<semaphore_mem>>) src(%arg9 : memref<128x144xf32, #tpu.memory_space<vmem>>) dst(%dma_wait3A_512 : memref<10000x144xf32, #tpu.memory_space<vmem_shared>>)
      %add3A_513 = arith.constant 2 : i32
      %add3A_514 = arith.addi %add3A_491, %add3A_513 : i32
      %mul3A_515 = arith.constant 32 : i32
      %mul3A_516 = arith.muli %add3A_514, %mul3A_515 : i32
      %add3A_517 = arith.addi %add3A, %mul3A_516 : i32
      %dma_start3A_518 = arith.constant 0 : i32
      %dma_start3A_519 = arith.constant 0 : i32
      %dma_start3A_520 = tpu.memref_slice %arg3[%add3A_517, %dma_start3A_518, %dma_start3A_519] : memref<2500x2x128xi32, #tpu.memory_space<hbm>> -> memref<1x2x128xi32, #tpu.memory_space<hbm>>
      %dma_start3A_521 = tpu.memref_squeeze %dma_start3A_520 : memref<1x2x128xi32, #tpu.memory_space<hbm>> -> memref<2x128xi32, #tpu.memory_space<hbm>>
      %dma_start3A_522 = arith.constant 0 : i32
      %dma_start3A_523 = arith.constant 0 : i32
      %dma_start3A_524 = tpu.memref_slice %arg3[%add3A_517, %dma_start3A_522, %dma_start3A_523] : memref<2500x2x128xi32, #tpu.memory_space<hbm>> -> memref<1x2x128xi32, #tpu.memory_space<hbm>>
      %dma_start3A_525 = tpu.memref_squeeze %dma_start3A_524 : memref<1x2x128xi32, #tpu.memory_space<hbm>> -> memref<2x128xi32, #tpu.memory_space<hbm>>
      tpu.enqueue_dma source(%dma_start3A_525 : memref<2x128xi32, #tpu.memory_space<hbm>>) target(%arg6 : memref<2x128xi32, #tpu.memory_space<vmem>>) target_semaphore(%arg17 : memref<!tpu.dma_semaphore, #tpu.memory_space<semaphore_mem>>)
      %dma_wait3A_526 = arith.constant 0 : i32
      %dma_wait3A_527 = arith.constant 0 : i32
      %dma_wait3A_528 = arith.constant 0 : i32
      %dma_wait3A_529 = tpu.memref_slice %arg3[%dma_wait3A_526, %dma_wait3A_527, %dma_wait3A_528] : memref<2500x2x128xi32, #tpu.memory_space<hbm>> -> memref<1x2x128xi32, #tpu.memory_space<hbm>>
      %dma_wait3A_530 = tpu.memref_squeeze %dma_wait3A_529 : memref<1x2x128xi32, #tpu.memory_space<hbm>> -> memref<2x128xi32, #tpu.memory_space<hbm>>
      %dma_wait3A_531 = arith.constant 0 : i32
      %dma_wait3A_532 = arith.constant 0 : i32
      %dma_wait3A_533 = tpu.memref_slice %arg3[%dma_wait3A_526, %dma_wait3A_531, %dma_wait3A_532] : memref<2500x2x128xi32, #tpu.memory_space<hbm>> -> memref<1x2x128xi32, #tpu.memory_space<hbm>>
      %dma_wait3A_534 = tpu.memref_squeeze %dma_wait3A_533 : memref<1x2x128xi32, #tpu.memory_space<hbm>> -> memref<2x128xi32, #tpu.memory_space<hbm>>
      tpu.wait_dma2 semaphore(%arg16 : memref<!tpu.dma_semaphore, #tpu.memory_space<semaphore_mem>>) src(%dma_wait3A_534 : memref<2x128xi32, #tpu.memory_space<hbm>>) dst(%arg5 : memref<2x128xi32, #tpu.memory_space<vmem>>)
      %dma_start3A_535 = arith.constant 0 : i32
      %dma_start3A_536 = arith.constant 0 : i32
      %dma_start3A_537 = tpu.memref_slice %arg5[%dma_start3A_535, %dma_start3A_536] : memref<2x128xi32, #tpu.memory_space<vmem>> -> memref<1x128xi32, #tpu.memory_space<vmem>>
      %dma_start3A_538 = tpu.memref_squeeze %dma_start3A_537 : memref<1x128xi32, #tpu.memory_space<vmem>> -> memref<128xi32, #tpu.memory_space<vmem>>
      %dma_start3A_539 = arith.constant 0 : i32
      %dma_start3A_540 = arith.constant 0 : i32
      %dma_start3A_541 = tpu.memref_slice %arg2[%dma_start3A_539, %dma_start3A_540] : memref<10000x144xf32, #tpu.memory_space<hbm>> -> memref<10000x144xf32, #tpu.memory_space<hbm>>
      tpu.enqueue_indirect_dma source(%dma_start3A_541 : memref<10000x144xf32, #tpu.memory_space<hbm>>) target(%arg9 : memref<128x144xf32, #tpu.memory_space<vmem>>) offsets(%dma_start3A_538 : memref<128xi32, #tpu.memory_space<vmem>>) semaphore(%arg12 : memref<!tpu.dma_semaphore, #tpu.memory_space<semaphore_mem>>)
    }
    %scan3A_242 = arith.constant 18 : i32
    %gt3A = arith.constant 76 : i32
    %gt3A_243 = arith.cmpi sgt, %add3A_4, %gt3A : i32
    %convert_element_type3A = arith.extui %gt3A_243 : i1 to i32
    %cond3A = arith.constant 0 : i32
    %cond3A_244 = arith.cmpi ne, %convert_element_type3A, %cond3A : i32
    scf.if %cond3A_244 {
      %dma_wait3A_325 = arith.constant 0 : i32
      %dma_wait3A_326 = arith.constant 0 : i32
      %dma_wait3A_327 = tpu.memref_slice %arg5[%dma_wait3A_325, %dma_wait3A_326] : memref<2x128xi32, #tpu.memory_space<vmem>> -> memref<1x128xi32, #tpu.memory_space<vmem>>
      %dma_wait3A_328 = tpu.memref_squeeze %dma_wait3A_327 : memref<1x128xi32, #tpu.memory_space<vmem>> -> memref<128xi32, #tpu.memory_space<vmem>>
      %dma_wait3A_329 = arith.constant 0 : i32
      %dma_wait3A_330 = arith.constant 0 : i32
      %dma_wait3A_331 = tpu.memref_slice %arg2[%dma_wait3A_329, %dma_wait3A_330] : memref<10000x144xf32, #tpu.memory_space<hbm>> -> memref<10000x144xf32, #tpu.memory_space<hbm>>
      tpu.wait_indirect_dma semaphore(%arg12 : memref<!tpu.dma_semaphore, #tpu.memory_space<semaphore_mem>>) src(%dma_wait3A_331 : memref<10000x144xf32, #tpu.memory_space<hbm>>) dst(%arg9 : memref<128x144xf32, #tpu.memory_space<vmem>>)
      %dma_start3A_332 = arith.constant 1 : i32
      %dma_start3A_333 = arith.constant 0 : i32
      %dma_start3A_334 = tpu.memref_slice %arg5[%dma_start3A_332, %dma_start3A_333] : memref<2x128xi32, #tpu.memory_space<vmem>> -> memref<1x128xi32, #tpu.memory_space<vmem>>
      %dma_start3A_335 = tpu.memref_squeeze %dma_start3A_334 : memref<1x128xi32, #tpu.memory_space<vmem>> -> memref<128xi32, #tpu.memory_space<vmem>>
      %dma_start3A_336 = arith.constant 0 : i32
      %dma_start3A_337 = arith.constant 0 : i32
      %dma_start3A_338 = tpu.memref_slice %arg11[%dma_start3A_336, %dma_start3A_337] : memref<10000x144xf32, #tpu.memory_space<vmem_shared>> -> memref<10000x144xf32, #tpu.memory_space<vmem_shared>>
      tpu.enqueue_indirect_dma source(%arg9 : memref<128x144xf32, #tpu.memory_space<vmem>>) target(%dma_start3A_338 : memref<10000x144xf32, #tpu.memory_space<vmem_shared>>) offsets(%dma_start3A_335 : memref<128xi32, #tpu.memory_space<vmem>>) semaphore(%arg14 : memref<!tpu.dma_semaphore, #tpu.memory_space<semaphore_mem>>) {add = true}
    } else {
    }
    %gt3A_245 = arith.constant 75 : i32
    %gt3A_246 = arith.cmpi sgt, %add3A_4, %gt3A_245 : i32
    %convert_element_type3A_247 = arith.extui %gt3A_246 : i1 to i32
    %cond3A_248 = arith.constant 0 : i32
    %cond3A_249 = arith.cmpi ne, %convert_element_type3A_247, %cond3A_248 : i32
    scf.if %cond3A_249 {
      %dma_wait3A_325 = arith.constant 1 : i32
      %dma_wait3A_326 = arith.constant 0 : i32
      %dma_wait3A_327 = tpu.memref_slice %arg5[%dma_wait3A_325, %dma_wait3A_326] : memref<2x128xi32, #tpu.memory_space<vmem>> -> memref<1x128xi32, #tpu.memory_space<vmem>>
      %dma_wait3A_328 = tpu.memref_squeeze %dma_wait3A_327 : memref<1x128xi32, #tpu.memory_space<vmem>> -> memref<128xi32, #tpu.memory_space<vmem>>
      %dma_wait3A_329 = arith.constant 0 : i32
      %dma_wait3A_330 = arith.constant 0 : i32
      %dma_wait3A_331 = tpu.memref_slice %arg11[%dma_wait3A_329, %dma_wait3A_330] : memref<10000x144xf32, #tpu.memory_space<vmem_shared>> -> memref<10000x144xf32, #tpu.memory_space<vmem_shared>>
      tpu.wait_indirect_dma semaphore(%arg15 : memref<!tpu.dma_semaphore, #tpu.memory_space<semaphore_mem>>) src(%arg10 : memref<128x144xf32, #tpu.memory_space<vmem>>) dst(%dma_wait3A_331 : memref<10000x144xf32, #tpu.memory_space<vmem_shared>>)
    } else {
    }
    %gt3A_250 = arith.constant 78 : i32
    %gt3A_251 = arith.cmpi sgt, %add3A_4, %gt3A_250 : i32
    %convert_element_type3A_252 = arith.extui %gt3A_251 : i1 to i32
    %cond3A_253 = arith.constant 0 : i32
    %cond3A_254 = arith.cmpi ne, %convert_element_type3A_252, %cond3A_253 : i32
    scf.if %cond3A_254 {
      %add3A_325 = arith.constant 2496 : i32
      %add3A_326 = arith.addi %add3A, %add3A_325 : i32
      %dma_start3A_327 = arith.constant 0 : i32
      %dma_start3A_328 = arith.constant 0 : i32
      %dma_start3A_329 = tpu.memref_slice %arg3[%add3A_326, %dma_start3A_327, %dma_start3A_328] : memref<2500x2x128xi32, #tpu.memory_space<hbm>> -> memref<1x2x128xi32, #tpu.memory_space<hbm>>
      %dma_start3A_330 = tpu.memref_squeeze %dma_start3A_329 : memref<1x2x128xi32, #tpu.memory_space<hbm>> -> memref<2x128xi32, #tpu.memory_space<hbm>>
      %dma_start3A_331 = arith.constant 0 : i32
      %dma_start3A_332 = arith.constant 0 : i32
      %dma_start3A_333 = tpu.memref_slice %arg3[%add3A_326, %dma_start3A_331, %dma_start3A_332] : memref<2500x2x128xi32, #tpu.memory_space<hbm>> -> memref<1x2x128xi32, #tpu.memory_space<hbm>>
      %dma_start3A_334 = tpu.memref_squeeze %dma_start3A_333 : memref<1x2x128xi32, #tpu.memory_space<hbm>> -> memref<2x128xi32, #tpu.memory_space<hbm>>
      tpu.enqueue_dma source(%dma_start3A_334 : memref<2x128xi32, #tpu.memory_space<hbm>>) target(%arg7 : memref<2x128xi32, #tpu.memory_space<vmem>>) target_semaphore(%arg18 : memref<!tpu.dma_semaphore, #tpu.memory_space<semaphore_mem>>)
    } else {
    }
    %gt3A_255 = arith.constant 77 : i32
    %gt3A_256 = arith.cmpi sgt, %add3A_4, %gt3A_255 : i32
    %convert_element_type3A_257 = arith.extui %gt3A_256 : i1 to i32
    %cond3A_258 = arith.constant 0 : i32
    %cond3A_259 = arith.cmpi ne, %convert_element_type3A_257, %cond3A_258 : i32
    scf.if %cond3A_259 {
      %dma_wait3A_325 = arith.constant 0 : i32
      %dma_wait3A_326 = arith.constant 0 : i32
      %dma_wait3A_327 = arith.constant 0 : i32
      %dma_wait3A_328 = tpu.memref_slice %arg3[%dma_wait3A_325, %dma_wait3A_326, %dma_wait3A_327] : memref<2500x2x128xi32, #tpu.memory_space<hbm>> -> memref<1x2x128xi32, #tpu.memory_space<hbm>>
      %dma_wait3A_329 = tpu.memref_squeeze %dma_wait3A_328 : memref<1x2x128xi32, #tpu.memory_space<hbm>> -> memref<2x128xi32, #tpu.memory_space<hbm>>
      %dma_wait3A_330 = arith.constant 0 : i32
      %dma_wait3A_331 = arith.constant 0 : i32
      %dma_wait3A_332 = tpu.memref_slice %arg3[%dma_wait3A_325, %dma_wait3A_330, %dma_wait3A_331] : memref<2500x2x128xi32, #tpu.memory_space<hbm>> -> memref<1x2x128xi32, #tpu.memory_space<hbm>>
      %dma_wait3A_333 = tpu.memref_squeeze %dma_wait3A_332 : memref<1x2x128xi32, #tpu.memory_space<hbm>> -> memref<2x128xi32, #tpu.memory_space<hbm>>
      tpu.wait_dma2 semaphore(%arg17 : memref<!tpu.dma_semaphore, #tpu.memory_space<semaphore_mem>>) src(%dma_wait3A_333 : memref<2x128xi32, #tpu.memory_space<hbm>>) dst(%arg6 : memref<2x128xi32, #tpu.memory_space<vmem>>)
      %dma_start3A_334 = arith.constant 0 : i32
      %dma_start3A_335 = arith.constant 0 : i32
      %dma_start3A_336 = tpu.memref_slice %arg6[%dma_start3A_334, %dma_start3A_335] : memref<2x128xi32, #tpu.memory_space<vmem>> -> memref<1x128xi32, #tpu.memory_space<vmem>>
      %dma_start3A_337 = tpu.memref_squeeze %dma_start3A_336 : memref<1x128xi32, #tpu.memory_space<vmem>> -> memref<128xi32, #tpu.memory_space<vmem>>
      %dma_start3A_338 = arith.constant 0 : i32
      %dma_start3A_339 = arith.constant 0 : i32
      %dma_start3A_340 = tpu.memref_slice %arg2[%dma_start3A_338, %dma_start3A_339] : memref<10000x144xf32, #tpu.memory_space<hbm>> -> memref<10000x144xf32, #tpu.memory_space<hbm>>
      tpu.enqueue_indirect_dma source(%dma_start3A_340 : memref<10000x144xf32, #tpu.memory_space<hbm>>) target(%arg10 : memref<128x144xf32, #tpu.memory_space<vmem>>) offsets(%dma_start3A_337 : memref<128xi32, #tpu.memory_space<vmem>>) semaphore(%arg13 : memref<!tpu.dma_semaphore, #tpu.memory_space<semaphore_mem>>)
    } else {
    }
    %gt3A_260 = arith.constant 77 : i32
    %gt3A_261 = arith.cmpi sgt, %add3A_4, %gt3A_260 : i32
    %convert_element_type3A_262 = arith.extui %gt3A_261 : i1 to i32
    %cond3A_263 = arith.constant 0 : i32
    %cond3A_264 = arith.cmpi ne, %convert_element_type3A_262, %cond3A_263 : i32
    scf.if %cond3A_264 {
      %dma_wait3A_325 = arith.constant 0 : i32
      %dma_wait3A_326 = arith.constant 0 : i32
      %dma_wait3A_327 = tpu.memref_slice %arg5[%dma_wait3A_325, %dma_wait3A_326] : memref<2x128xi32, #tpu.memory_space<vmem>> -> memref<1x128xi32, #tpu.memory_space<vmem>>
      %dma_wait3A_328 = tpu.memref_squeeze %dma_wait3A_327 : memref<1x128xi32, #tpu.memory_space<vmem>> -> memref<128xi32, #tpu.memory_space<vmem>>
      %dma_wait3A_329 = arith.constant 0 : i32
      %dma_wait3A_330 = arith.constant 0 : i32
      %dma_wait3A_331 = tpu.memref_slice %arg2[%dma_wait3A_329, %dma_wait3A_330] : memref<10000x144xf32, #tpu.memory_space<hbm>> -> memref<10000x144xf32, #tpu.memory_space<hbm>>
      tpu.wait_indirect_dma semaphore(%arg13 : memref<!tpu.dma_semaphore, #tpu.memory_space<semaphore_mem>>) src(%dma_wait3A_331 : memref<10000x144xf32, #tpu.memory_space<hbm>>) dst(%arg10 : memref<128x144xf32, #tpu.memory_space<vmem>>)
      %dma_start3A_332 = arith.constant 1 : i32
      %dma_start3A_333 = arith.constant 0 : i32
      %dma_start3A_334 = tpu.memref_slice %arg6[%dma_start3A_332, %dma_start3A_333] : memref<2x128xi32, #tpu.memory_space<vmem>> -> memref<1x128xi32, #tpu.memory_space<vmem>>
      %dma_start3A_335 = tpu.memref_squeeze %dma_start3A_334 : memref<1x128xi32, #tpu.memory_space<vmem>> -> memref<128xi32, #tpu.memory_space<vmem>>
      %dma_start3A_336 = arith.constant 0 : i32
      %dma_start3A_337 = arith.constant 0 : i32
      %dma_start3A_338 = tpu.memref_slice %arg11[%dma_start3A_336, %dma_start3A_337] : memref<10000x144xf32, #tpu.memory_space<vmem_shared>> -> memref<10000x144xf32, #tpu.memory_space<vmem_shared>>
      tpu.enqueue_indirect_dma source(%arg10 : memref<128x144xf32, #tpu.memory_space<vmem>>) target(%dma_start3A_338 : memref<10000x144xf32, #tpu.memory_space<vmem_shared>>) offsets(%dma_start3A_335 : memref<128xi32, #tpu.memory_space<vmem>>) semaphore(%arg15 : memref<!tpu.dma_semaphore, #tpu.memory_space<semaphore_mem>>) {add = true}
    } else {
    }
    %gt3A_265 = arith.constant 76 : i32
    %gt3A_266 = arith.cmpi sgt, %add3A_4, %gt3A_265 : i32
    %convert_element_type3A_267 = arith.extui %gt3A_266 : i1 to i32
    %cond3A_268 = arith.constant 0 : i32
    %cond3A_269 = arith.cmpi ne, %convert_element_type3A_267, %cond3A_268 : i32
    scf.if %cond3A_269 {
      %dma_wait3A_325 = arith.constant 1 : i32
      %dma_wait3A_326 = arith.constant 0 : i32
      %dma_wait3A_327 = tpu.memref_slice %arg5[%dma_wait3A_325, %dma_wait3A_326] : memref<2x128xi32, #tpu.memory_space<vmem>> -> memref<1x128xi32, #tpu.memory_space<vmem>>
      %dma_wait3A_328 = tpu.memref_squeeze %dma_wait3A_327 : memref<1x128xi32, #tpu.memory_space<vmem>> -> memref<128xi32, #tpu.memory_space<vmem>>
      %dma_wait3A_329 = arith.constant 0 : i32
      %dma_wait3A_330 = arith.constant 0 : i32
      %dma_wait3A_331 = tpu.memref_slice %arg11[%dma_wait3A_329, %dma_wait3A_330] : memref<10000x144xf32, #tpu.memory_space<vmem_shared>> -> memref<10000x144xf32, #tpu.memory_space<vmem_shared>>
      tpu.wait_indirect_dma semaphore(%arg14 : memref<!tpu.dma_semaphore, #tpu.memory_space<semaphore_mem>>) src(%arg9 : memref<128x144xf32, #tpu.memory_space<vmem>>) dst(%dma_wait3A_331 : memref<10000x144xf32, #tpu.memory_space<vmem_shared>>)
    } else {
    }
    %gt3A_270 = arith.constant 79 : i32
    %gt3A_271 = arith.cmpi sgt, %add3A_4, %gt3A_270 : i32
    %convert_element_type3A_272 = arith.extui %gt3A_271 : i1 to i32
    %cond3A_273 = arith.constant 0 : i32
    %cond3A_274 = arith.cmpi ne, %convert_element_type3A_272, %cond3A_273 : i32
    scf.if %cond3A_274 {
      %add3A_325 = arith.constant 2528 : i32
      %add3A_326 = arith.addi %add3A, %add3A_325 : i32
      %dma_start3A_327 = arith.constant 0 : i32
      %dma_start3A_328 = arith.constant 0 : i32
      %dma_start3A_329 = tpu.memref_slice %arg3[%add3A_326, %dma_start3A_327, %dma_start3A_328] : memref<2500x2x128xi32, #tpu.memory_space<hbm>> -> memref<1x2x128xi32, #tpu.memory_space<hbm>>
      %dma_start3A_330 = tpu.memref_squeeze %dma_start3A_329 : memref<1x2x128xi32, #tpu.memory_space<hbm>> -> memref<2x128xi32, #tpu.memory_space<hbm>>
      %dma_start3A_331 = arith.constant 0 : i32
      %dma_start3A_332 = arith.constant 0 : i32
      %dma_start3A_333 = tpu.memref_slice %arg3[%add3A_326, %dma_start3A_331, %dma_start3A_332] : memref<2500x2x128xi32, #tpu.memory_space<hbm>> -> memref<1x2x128xi32, #tpu.memory_space<hbm>>
      %dma_start3A_334 = tpu.memref_squeeze %dma_start3A_333 : memref<1x2x128xi32, #tpu.memory_space<hbm>> -> memref<2x128xi32, #tpu.memory_space<hbm>>
      tpu.enqueue_dma source(%dma_start3A_334 : memref<2x128xi32, #tpu.memory_space<hbm>>) target(%arg8 : memref<2x128xi32, #tpu.memory_space<vmem>>) target_semaphore(%arg19 : memref<!tpu.dma_semaphore, #tpu.memory_space<semaphore_mem>>)
    } else {
    }
    %gt3A_275 = arith.constant 78 : i32
    %gt3A_276 = arith.cmpi sgt, %add3A_4, %gt3A_275 : i32
    %convert_element_type3A_277 = arith.extui %gt3A_276 : i1 to i32
    %cond3A_278 = arith.constant 0 : i32
    %cond3A_279 = arith.cmpi ne, %convert_element_type3A_277, %cond3A_278 : i32
    scf.if %cond3A_279 {
      %dma_wait3A_325 = arith.constant 0 : i32
      %dma_wait3A_326 = arith.constant 0 : i32
      %dma_wait3A_327 = arith.constant 0 : i32
      %dma_wait3A_328 = tpu.memref_slice %arg3[%dma_wait3A_325, %dma_wait3A_326, %dma_wait3A_327] : memref<2500x2x128xi32, #tpu.memory_space<hbm>> -> memref<1x2x128xi32, #tpu.memory_space<hbm>>
      %dma_wait3A_329 = tpu.memref_squeeze %dma_wait3A_328 : memref<1x2x128xi32, #tpu.memory_space<hbm>> -> memref<2x128xi32, #tpu.memory_space<hbm>>
      %dma_wait3A_330 = arith.constant 0 : i32
      %dma_wait3A_331 = arith.constant 0 : i32
      %dma_wait3A_332 = tpu.memref_slice %arg3[%dma_wait3A_325, %dma_wait3A_330, %dma_wait3A_331] : memref<2500x2x128xi32, #tpu.memory_space<hbm>> -> memref<1x2x128xi32, #tpu.memory_space<hbm>>
      %dma_wait3A_333 = tpu.memref_squeeze %dma_wait3A_332 : memref<1x2x128xi32, #tpu.memory_space<hbm>> -> memref<2x128xi32, #tpu.memory_space<hbm>>
      tpu.wait_dma2 semaphore(%arg18 : memref<!tpu.dma_semaphore, #tpu.memory_space<semaphore_mem>>) src(%dma_wait3A_333 : memref<2x128xi32, #tpu.memory_space<hbm>>) dst(%arg7 : memref<2x128xi32, #tpu.memory_space<vmem>>)
      %dma_start3A_334 = arith.constant 0 : i32
      %dma_start3A_335 = arith.constant 0 : i32
      %dma_start3A_336 = tpu.memref_slice %arg7[%dma_start3A_334, %dma_start3A_335] : memref<2x128xi32, #tpu.memory_space<vmem>> -> memref<1x128xi32, #tpu.memory_space<vmem>>
      %dma_start3A_337 = tpu.memref_squeeze %dma_start3A_336 : memref<1x128xi32, #tpu.memory_space<vmem>> -> memref<128xi32, #tpu.memory_space<vmem>>
      %dma_start3A_338 = arith.constant 0 : i32
      %dma_start3A_339 = arith.constant 0 : i32
      %dma_start3A_340 = tpu.memref_slice %arg2[%dma_start3A_338, %dma_start3A_339] : memref<10000x144xf32, #tpu.memory_space<hbm>> -> memref<10000x144xf32, #tpu.memory_space<hbm>>
      tpu.enqueue_indirect_dma source(%dma_start3A_340 : memref<10000x144xf32, #tpu.memory_space<hbm>>) target(%arg9 : memref<128x144xf32, #tpu.memory_space<vmem>>) offsets(%dma_start3A_337 : memref<128xi32, #tpu.memory_space<vmem>>) semaphore(%arg12 : memref<!tpu.dma_semaphore, #tpu.memory_space<semaphore_mem>>)
    } else {
    }
    %gt3A_280 = arith.constant 78 : i32
    %gt3A_281 = arith.cmpi sgt, %add3A_4, %gt3A_280 : i32
    %convert_element_type3A_282 = arith.extui %gt3A_281 : i1 to i32
    %cond3A_283 = arith.constant 0 : i32
    %cond3A_284 = arith.cmpi ne, %convert_element_type3A_282, %cond3A_283 : i32
    scf.if %cond3A_284 {
      %dma_wait3A_325 = arith.constant 0 : i32
      %dma_wait3A_326 = arith.constant 0 : i32
      %dma_wait3A_327 = tpu.memref_slice %arg5[%dma_wait3A_325, %dma_wait3A_326] : memref<2x128xi32, #tpu.memory_space<vmem>> -> memref<1x128xi32, #tpu.memory_space<vmem>>
      %dma_wait3A_328 = tpu.memref_squeeze %dma_wait3A_327 : memref<1x128xi32, #tpu.memory_space<vmem>> -> memref<128xi32, #tpu.memory_space<vmem>>
      %dma_wait3A_329 = arith.constant 0 : i32
      %dma_wait3A_330 = arith.constant 0 : i32
      %dma_wait3A_331 = tpu.memref_slice %arg2[%dma_wait3A_329, %dma_wait3A_330] : memref<10000x144xf32, #tpu.memory_space<hbm>> -> memref<10000x144xf32, #tpu.memory_space<hbm>>
      tpu.wait_indirect_dma semaphore(%arg12 : memref<!tpu.dma_semaphore, #tpu.memory_space<semaphore_mem>>) src(%dma_wait3A_331 : memref<10000x144xf32, #tpu.memory_space<hbm>>) dst(%arg9 : memref<128x144xf32, #tpu.memory_space<vmem>>)
      %dma_start3A_332 = arith.constant 1 : i32
      %dma_start3A_333 = arith.constant 0 : i32
      %dma_start3A_334 = tpu.memref_slice %arg7[%dma_start3A_332, %dma_start3A_333] : memref<2x128xi32, #tpu.memory_space<vmem>> -> memref<1x128xi32, #tpu.memory_space<vmem>>
      %dma_start3A_335 = tpu.memref_squeeze %dma_start3A_334 : memref<1x128xi32, #tpu.memory_space<vmem>> -> memref<128xi32, #tpu.memory_space<vmem>>
      %dma_start3A_336 = arith.constant 0 : i32
      %dma_start3A_337 = arith.constant 0 : i32
      %dma_start3A_338 = tpu.memref_slice %arg11[%dma_start3A_336, %dma_start3A_337] : memref<10000x144xf32, #tpu.memory_space<vmem_shared>> -> memref<10000x144xf32, #tpu.memory_space<vmem_shared>>
      tpu.enqueue_indirect_dma source(%arg9 : memref<128x144xf32, #tpu.memory_space<vmem>>) target(%dma_start3A_338 : memref<10000x144xf32, #tpu.memory_space<vmem_shared>>) offsets(%dma_start3A_335 : memref<128xi32, #tpu.memory_space<vmem>>) semaphore(%arg14 : memref<!tpu.dma_semaphore, #tpu.memory_space<semaphore_mem>>) {add = true}
    } else {
    }
    %gt3A_285 = arith.constant 77 : i32
    %gt3A_286 = arith.cmpi sgt, %add3A_4, %gt3A_285 : i32
    %convert_element_type3A_287 = arith.extui %gt3A_286 : i1 to i32
    %cond3A_288 = arith.constant 0 : i32
    %cond3A_289 = arith.cmpi ne, %convert_element_type3A_287, %cond3A_288 : i32
    scf.if %cond3A_289 {
      %dma_wait3A_325 = arith.constant 1 : i32
      %dma_wait3A_326 = arith.constant 0 : i32
      %dma_wait3A_327 = tpu.memref_slice %arg5[%dma_wait3A_325, %dma_wait3A_326] : memref<2x128xi32, #tpu.memory_space<vmem>> -> memref<1x128xi32, #tpu.memory_space<vmem>>
      %dma_wait3A_328 = tpu.memref_squeeze %dma_wait3A_327 : memref<1x128xi32, #tpu.memory_space<vmem>> -> memref<128xi32, #tpu.memory_space<vmem>>
      %dma_wait3A_329 = arith.constant 0 : i32
      %dma_wait3A_330 = arith.constant 0 : i32
      %dma_wait3A_331 = tpu.memref_slice %arg11[%dma_wait3A_329, %dma_wait3A_330] : memref<10000x144xf32, #tpu.memory_space<vmem_shared>> -> memref<10000x144xf32, #tpu.memory_space<vmem_shared>>
      tpu.wait_indirect_dma semaphore(%arg15 : memref<!tpu.dma_semaphore, #tpu.memory_space<semaphore_mem>>) src(%arg10 : memref<128x144xf32, #tpu.memory_space<vmem>>) dst(%dma_wait3A_331 : memref<10000x144xf32, #tpu.memory_space<vmem_shared>>)
    } else {
    }
    %gt3A_290 = arith.constant 80 : i32
    %gt3A_291 = arith.cmpi sgt, %add3A_4, %gt3A_290 : i32
    %convert_element_type3A_292 = arith.extui %gt3A_291 : i1 to i32
    %cond3A_293 = arith.constant 0 : i32
    %cond3A_294 = arith.cmpi ne, %convert_element_type3A_292, %cond3A_293 : i32
    scf.if %cond3A_294 {
      %add3A_325 = arith.constant 2560 : i32
      %add3A_326 = arith.addi %add3A, %add3A_325 : i32
      %dma_start3A_327 = arith.constant 0 : i32
      %dma_start3A_328 = arith.constant 0 : i32
      %dma_start3A_329 = tpu.memref_slice %arg3[%add3A_326, %dma_start3A_327, %dma_start3A_328] : memref<2500x2x128xi32, #tpu.memory_space<hbm>> -> memref<1x2x128xi32, #tpu.memory_space<hbm>>
      %dma_start3A_330 = tpu.memref_squeeze %dma_start3A_329 : memref<1x2x128xi32, #tpu.memory_space<hbm>> -> memref<2x128xi32, #tpu.memory_space<hbm>>
      %dma_start3A_331 = arith.constant 0 : i32
      %dma_start3A_332 = arith.constant 0 : i32
      %dma_start3A_333 = tpu.memref_slice %arg3[%add3A_326, %dma_start3A_331, %dma_start3A_332] : memref<2500x2x128xi32, #tpu.memory_space<hbm>> -> memref<1x2x128xi32, #tpu.memory_space<hbm>>
      %dma_start3A_334 = tpu.memref_squeeze %dma_start3A_333 : memref<1x2x128xi32, #tpu.memory_space<hbm>> -> memref<2x128xi32, #tpu.memory_space<hbm>>
      tpu.enqueue_dma source(%dma_start3A_334 : memref<2x128xi32, #tpu.memory_space<hbm>>) target(%arg5 : memref<2x128xi32, #tpu.memory_space<vmem>>) target_semaphore(%arg16 : memref<!tpu.dma_semaphore, #tpu.memory_space<semaphore_mem>>)
    } else {
    }
    %gt3A_295 = arith.constant 79 : i32
    %gt3A_296 = arith.cmpi sgt, %add3A_4, %gt3A_295 : i32
    %convert_element_type3A_297 = arith.extui %gt3A_296 : i1 to i32
    %cond3A_298 = arith.constant 0 : i32
    %cond3A_299 = arith.cmpi ne, %convert_element_type3A_297, %cond3A_298 : i32
    scf.if %cond3A_299 {
      %dma_wait3A_325 = arith.constant 0 : i32
      %dma_wait3A_326 = arith.constant 0 : i32
      %dma_wait3A_327 = arith.constant 0 : i32
      %dma_wait3A_328 = tpu.memref_slice %arg3[%dma_wait3A_325, %dma_wait3A_326, %dma_wait3A_327] : memref<2500x2x128xi32, #tpu.memory_space<hbm>> -> memref<1x2x128xi32, #tpu.memory_space<hbm>>
      %dma_wait3A_329 = tpu.memref_squeeze %dma_wait3A_328 : memref<1x2x128xi32, #tpu.memory_space<hbm>> -> memref<2x128xi32, #tpu.memory_space<hbm>>
      %dma_wait3A_330 = arith.constant 0 : i32
      %dma_wait3A_331 = arith.constant 0 : i32
      %dma_wait3A_332 = tpu.memref_slice %arg3[%dma_wait3A_325, %dma_wait3A_330, %dma_wait3A_331] : memref<2500x2x128xi32, #tpu.memory_space<hbm>> -> memref<1x2x128xi32, #tpu.memory_space<hbm>>
      %dma_wait3A_333 = tpu.memref_squeeze %dma_wait3A_332 : memref<1x2x128xi32, #tpu.memory_space<hbm>> -> memref<2x128xi32, #tpu.memory_space<hbm>>
      tpu.wait_dma2 semaphore(%arg19 : memref<!tpu.dma_semaphore, #tpu.memory_space<semaphore_mem>>) src(%dma_wait3A_333 : memref<2x128xi32, #tpu.memory_space<hbm>>) dst(%arg8 : memref<2x128xi32, #tpu.memory_space<vmem>>)
      %dma_start3A_334 = arith.constant 0 : i32
      %dma_start3A_335 = arith.constant 0 : i32
      %dma_start3A_336 = tpu.memref_slice %arg8[%dma_start3A_334, %dma_start3A_335] : memref<2x128xi32, #tpu.memory_space<vmem>> -> memref<1x128xi32, #tpu.memory_space<vmem>>
      %dma_start3A_337 = tpu.memref_squeeze %dma_start3A_336 : memref<1x128xi32, #tpu.memory_space<vmem>> -> memref<128xi32, #tpu.memory_space<vmem>>
      %dma_start3A_338 = arith.constant 0 : i32
      %dma_start3A_339 = arith.constant 0 : i32
      %dma_start3A_340 = tpu.memref_slice %arg2[%dma_start3A_338, %dma_start3A_339] : memref<10000x144xf32, #tpu.memory_space<hbm>> -> memref<10000x144xf32, #tpu.memory_space<hbm>>
      tpu.enqueue_indirect_dma source(%dma_start3A_340 : memref<10000x144xf32, #tpu.memory_space<hbm>>) target(%arg10 : memref<128x144xf32, #tpu.memory_space<vmem>>) offsets(%dma_start3A_337 : memref<128xi32, #tpu.memory_space<vmem>>) semaphore(%arg13 : memref<!tpu.dma_semaphore, #tpu.memory_space<semaphore_mem>>)
    } else {
    }
    %gt3A_300 = arith.constant 79 : i32
    %gt3A_301 = arith.cmpi sgt, %add3A_4, %gt3A_300 : i32
    %convert_element_type3A_302 = arith.extui %gt3A_301 : i1 to i32
    %cond3A_303 = arith.constant 0 : i32
    %cond3A_304 = arith.cmpi ne, %convert_element_type3A_302, %cond3A_303 : i32
    scf.if %cond3A_304 {
      %dma_wait3A_325 = arith.constant 0 : i32
      %dma_wait3A_326 = arith.constant 0 : i32
      %dma_wait3A_327 = tpu.memref_slice %arg5[%dma_wait3A_325, %dma_wait3A_326] : memref<2x128xi32, #tpu.memory_space<vmem>> -> memref<1x128xi32, #tpu.memory_space<vmem>>
      %dma_wait3A_328 = tpu.memref_squeeze %dma_wait3A_327 : memref<1x128xi32, #tpu.memory_space<vmem>> -> memref<128xi32, #tpu.memory_space<vmem>>
      %dma_wait3A_329 = arith.constant 0 : i32
      %dma_wait3A_330 = arith.constant 0 : i32
      %dma_wait3A_331 = tpu.memref_slice %arg2[%dma_wait3A_329, %dma_wait3A_330] : memref<10000x144xf32, #tpu.memory_space<hbm>> -> memref<10000x144xf32, #tpu.memory_space<hbm>>
      tpu.wait_indirect_dma semaphore(%arg13 : memref<!tpu.dma_semaphore, #tpu.memory_space<semaphore_mem>>) src(%dma_wait3A_331 : memref<10000x144xf32, #tpu.memory_space<hbm>>) dst(%arg10 : memref<128x144xf32, #tpu.memory_space<vmem>>)
      %dma_start3A_332 = arith.constant 1 : i32
      %dma_start3A_333 = arith.constant 0 : i32
      %dma_start3A_334 = tpu.memref_slice %arg8[%dma_start3A_332, %dma_start3A_333] : memref<2x128xi32, #tpu.memory_space<vmem>> -> memref<1x128xi32, #tpu.memory_space<vmem>>
      %dma_start3A_335 = tpu.memref_squeeze %dma_start3A_334 : memref<1x128xi32, #tpu.memory_space<vmem>> -> memref<128xi32, #tpu.memory_space<vmem>>
      %dma_start3A_336 = arith.constant 0 : i32
      %dma_start3A_337 = arith.constant 0 : i32
      %dma_start3A_338 = tpu.memref_slice %arg11[%dma_start3A_336, %dma_start3A_337] : memref<10000x144xf32, #tpu.memory_space<vmem_shared>> -> memref<10000x144xf32, #tpu.memory_space<vmem_shared>>
      tpu.enqueue_indirect_dma source(%arg10 : memref<128x144xf32, #tpu.memory_space<vmem>>) target(%dma_start3A_338 : memref<10000x144xf32, #tpu.memory_space<vmem_shared>>) offsets(%dma_start3A_335 : memref<128xi32, #tpu.memory_space<vmem>>) semaphore(%arg15 : memref<!tpu.dma_semaphore, #tpu.memory_space<semaphore_mem>>) {add = true}
    } else {
    }
    %gt3A_305 = arith.constant 78 : i32
    %gt3A_306 = arith.cmpi sgt, %add3A_4, %gt3A_305 : i32
    %convert_element_type3A_307 = arith.extui %gt3A_306 : i1 to i32
    %cond3A_308 = arith.constant 0 : i32
    %cond3A_309 = arith.cmpi ne, %convert_element_type3A_307, %cond3A_308 : i32
    scf.if %cond3A_309 {
      %dma_wait3A_325 = arith.constant 1 : i32
      %dma_wait3A_326 = arith.constant 0 : i32
      %dma_wait3A_327 = tpu.memref_slice %arg5[%dma_wait3A_325, %dma_wait3A_326] : memref<2x128xi32, #tpu.memory_space<vmem>> -> memref<1x128xi32, #tpu.memory_space<vmem>>
      %dma_wait3A_328 = tpu.memref_squeeze %dma_wait3A_327 : memref<1x128xi32, #tpu.memory_space<vmem>> -> memref<128xi32, #tpu.memory_space<vmem>>
      %dma_wait3A_329 = arith.constant 0 : i32
      %dma_wait3A_330 = arith.constant 0 : i32
      %dma_wait3A_331 = tpu.memref_slice %arg11[%dma_wait3A_329, %dma_wait3A_330] : memref<10000x144xf32, #tpu.memory_space<vmem_shared>> -> memref<10000x144xf32, #tpu.memory_space<vmem_shared>>
      tpu.wait_indirect_dma semaphore(%arg14 : memref<!tpu.dma_semaphore, #tpu.memory_space<semaphore_mem>>) src(%arg9 : memref<128x144xf32, #tpu.memory_space<vmem>>) dst(%dma_wait3A_331 : memref<10000x144xf32, #tpu.memory_space<vmem_shared>>)
    } else {
    }
    %gt3A_310 = arith.constant 81 : i32
    %gt3A_311 = arith.cmpi sgt, %add3A_4, %gt3A_310 : i32
    %convert_element_type3A_312 = arith.extui %gt3A_311 : i1 to i32
    %cond3A_313 = arith.constant 0 : i32
    %cond3A_314 = arith.cmpi ne, %convert_element_type3A_312, %cond3A_313 : i32
    scf.if %cond3A_314 {
      %add3A_325 = arith.constant 2592 : i32
      %add3A_326 = arith.addi %add3A, %add3A_325 : i32
      %dma_start3A_327 = arith.constant 0 : i32
      %dma_start3A_328 = arith.constant 0 : i32
      %dma_start3A_329 = tpu.memref_slice %arg3[%add3A_326, %dma_start3A_327, %dma_start3A_328] : memref<2500x2x128xi32, #tpu.memory_space<hbm>> -> memref<1x2x128xi32, #tpu.memory_space<hbm>>
      %dma_start3A_330 = tpu.memref_squeeze %dma_start3A_329 : memref<1x2x128xi32, #tpu.memory_space<hbm>> -> memref<2x128xi32, #tpu.memory_space<hbm>>
      %dma_start3A_331 = arith.constant 0 : i32
      %dma_start3A_332 = arith.constant 0 : i32
      %dma_start3A_333 = tpu.memref_slice %arg3[%add3A_326, %dma_start3A_331, %dma_start3A_332] : memref<2500x2x128xi32, #tpu.memory_space<hbm>> -> memref<1x2x128xi32, #tpu.memory_space<hbm>>
      %dma_start3A_334 = tpu.memref_squeeze %dma_start3A_333 : memref<1x2x128xi32, #tpu.memory_space<hbm>> -> memref<2x128xi32, #tpu.memory_space<hbm>>
      tpu.enqueue_dma source(%dma_start3A_334 : memref<2x128xi32, #tpu.memory_space<hbm>>) target(%arg6 : memref<2x128xi32, #tpu.memory_space<vmem>>) target_semaphore(%arg17 : memref<!tpu.dma_semaphore, #tpu.memory_space<semaphore_mem>>)
    } else {
    }
    %gt3A_315 = arith.constant 80 : i32
    %gt3A_316 = arith.cmpi sgt, %add3A_4, %gt3A_315 : i32
    %convert_element_type3A_317 = arith.extui %gt3A_316 : i1 to i32
    %cond3A_318 = arith.constant 0 : i32
    %cond3A_319 = arith.cmpi ne, %convert_element_type3A_317, %cond3A_318 : i32
    scf.if %cond3A_319 {
      %dma_wait3A_325 = arith.constant 0 : i32
      %dma_wait3A_326 = arith.constant 0 : i32
      %dma_wait3A_327 = arith.constant 0 : i32
      %dma_wait3A_328 = tpu.memref_slice %arg3[%dma_wait3A_325, %dma_wait3A_326, %dma_wait3A_327] : memref<2500x2x128xi32, #tpu.memory_space<hbm>> -> memref<1x2x128xi32, #tpu.memory_space<hbm>>
      %dma_wait3A_329 = tpu.memref_squeeze %dma_wait3A_328 : memref<1x2x128xi32, #tpu.memory_space<hbm>> -> memref<2x128xi32, #tpu.memory_space<hbm>>
      %dma_wait3A_330 = arith.constant 0 : i32
      %dma_wait3A_331 = arith.constant 0 : i32
      %dma_wait3A_332 = tpu.memref_slice %arg3[%dma_wait3A_325, %dma_wait3A_330, %dma_wait3A_331] : memref<2500x2x128xi32, #tpu.memory_space<hbm>> -> memref<1x2x128xi32, #tpu.memory_space<hbm>>
      %dma_wait3A_333 = tpu.memref_squeeze %dma_wait3A_332 : memref<1x2x128xi32, #tpu.memory_space<hbm>> -> memref<2x128xi32, #tpu.memory_space<hbm>>
      tpu.wait_dma2 semaphore(%arg16 : memref<!tpu.dma_semaphore, #tpu.memory_space<semaphore_mem>>) src(%dma_wait3A_333 : memref<2x128xi32, #tpu.memory_space<hbm>>) dst(%arg5 : memref<2x128xi32, #tpu.memory_space<vmem>>)
      %dma_start3A_334 = arith.constant 0 : i32
      %dma_start3A_335 = arith.constant 0 : i32
      %dma_start3A_336 = tpu.memref_slice %arg5[%dma_start3A_334, %dma_start3A_335] : memref<2x128xi32, #tpu.memory_space<vmem>> -> memref<1x128xi32, #tpu.memory_space<vmem>>
      %dma_start3A_337 = tpu.memref_squeeze %dma_start3A_336 : memref<1x128xi32, #tpu.memory_space<vmem>> -> memref<128xi32, #tpu.memory_space<vmem>>
      %dma_start3A_338 = arith.constant 0 : i32
      %dma_start3A_339 = arith.constant 0 : i32
      %dma_start3A_340 = tpu.memref_slice %arg2[%dma_start3A_338, %dma_start3A_339] : memref<10000x144xf32, #tpu.memory_space<hbm>> -> memref<10000x144xf32, #tpu.memory_space<hbm>>
      tpu.enqueue_indirect_dma source(%dma_start3A_340 : memref<10000x144xf32, #tpu.memory_space<hbm>>) target(%arg9 : memref<128x144xf32, #tpu.memory_space<vmem>>) offsets(%dma_start3A_337 : memref<128xi32, #tpu.memory_space<vmem>>) semaphore(%arg12 : memref<!tpu.dma_semaphore, #tpu.memory_space<semaphore_mem>>)
    } else {
    }
    %barrier3A_320 = arith.constant 0 : index
    tpu.barrier barrier_id(%barrier3A_320)
    %mul3A_321 = arith.constant 625 : i32
    %mul3A_322 = arith.muli %arg1, %mul3A_321 : i32
    %mul3A_323 = arith.constant 625 : i32
    %mul3A_324 = arith.muli %arg1, %mul3A_323 : i32
    "tpu.region"() ({
      %run_scoped3A = tpu.sem_alloc : memref<!tpu.dma_semaphore, #tpu.memory_space<semaphore_mem>>
      %dma_start3A_325 = arith.constant 0 : i32
      %dma_start3A_326 = tpu.memref_slice %arg4[%arg0, %mul3A_324, %dma_start3A_325] : memref<2x10000x144xf32, #tpu.memory_space<hbm>> -> memref<1x625x144xf32, #tpu.memory_space<hbm>>
      %dma_start3A_327 = tpu.memref_squeeze %dma_start3A_326 : memref<1x625x144xf32, #tpu.memory_space<hbm>> -> memref<625x144xf32, #tpu.memory_space<hbm>>
      %dma_start3A_328 = arith.constant 0 : i32
      %dma_start3A_329 = tpu.memref_slice %arg11[%mul3A_322, %dma_start3A_328] : memref<10000x144xf32, #tpu.memory_space<vmem_shared>> -> memref<625x144xf32, #tpu.memory_space<vmem_shared>>
      tpu.enqueue_dma source(%dma_start3A_329 : memref<625x144xf32, #tpu.memory_space<vmem_shared>>) target(%dma_start3A_327 : memref<625x144xf32, #tpu.memory_space<hbm>>) target_semaphore(%run_scoped3A : memref<!tpu.dma_semaphore, #tpu.memory_space<semaphore_mem>>)
      %dma_wait3A_330 = arith.constant 0 : i32
      %dma_wait3A_331 = tpu.memref_slice %arg4[%arg0, %mul3A_324, %dma_wait3A_330] : memref<2x10000x144xf32, #tpu.memory_space<hbm>> -> memref<1x625x144xf32, #tpu.memory_space<hbm>>
      %dma_wait3A_332 = tpu.memref_squeeze %dma_wait3A_331 : memref<1x625x144xf32, #tpu.memory_space<hbm>> -> memref<625x144xf32, #tpu.memory_space<hbm>>
      %dma_wait3A_333 = arith.constant 0 : i32
      %dma_wait3A_334 = tpu.memref_slice %arg11[%mul3A_322, %dma_wait3A_333] : memref<10000x144xf32, #tpu.memory_space<vmem_shared>> -> memref<625x144xf32, #tpu.memory_space<vmem_shared>>
      tpu.wait_dma2 semaphore(%run_scoped3A : memref<!tpu.dma_semaphore, #tpu.memory_space<semaphore_mem>>) src(%dma_wait3A_334 : memref<625x144xf32, #tpu.memory_space<vmem_shared>>) dst(%dma_wait3A_332 : memref<625x144xf32, #tpu.memory_space<hbm>>)
      tpu.yield
    }) : () -> ()
    return
  }
}

#map = affine_map<(d0, d1) -> (0, 0)>
#map1 = affine_map<(d0, d1) -> (0, 0, 0)>
module attributes {stable_mosaic.version = 14 : i64} {
  func.func @seg(%arg0: i32, %arg1: i32, %arg2: memref<10000x16xf32, #tpu.memory_space<hbm>>, %arg3: memref<625x2x512xi32, #tpu.memory_space<hbm>>, %arg4: memref<2x10000x16xf32, #tpu.memory_space<hbm>>, %arg5: memref<2x512xi32, #tpu.memory_space<vmem>>, %arg6: memref<2x512xi32, #tpu.memory_space<vmem>>, %arg7: memref<2x512xi32, #tpu.memory_space<vmem>>, %arg8: memref<2x512xi32, #tpu.memory_space<vmem>>, %arg9: memref<512x16xf32, #tpu.memory_space<vmem>>, %arg10: memref<512x16xf32, #tpu.memory_space<vmem>>, %arg11: memref<10000x16xf32, #tpu.memory_space<vmem_shared>>, %arg12: memref<!tpu.dma_semaphore, #tpu.memory_space<semaphore_mem>>, %arg13: memref<!tpu.dma_semaphore, #tpu.memory_space<semaphore_mem>>, %arg14: memref<!tpu.dma_semaphore, #tpu.memory_space<semaphore_mem>>, %arg15: memref<!tpu.dma_semaphore, #tpu.memory_space<semaphore_mem>>, %arg16: memref<!tpu.dma_semaphore, #tpu.memory_space<semaphore_mem>>, %arg17: memref<!tpu.dma_semaphore, #tpu.memory_space<semaphore_mem>>, %arg18: memref<!tpu.dma_semaphore, #tpu.memory_space<semaphore_mem>>, %arg19: memref<!tpu.dma_semaphore, #tpu.memory_space<semaphore_mem>>) attributes {dimension_semantics = [#tpu.dimension_semantics<core_parallel>, #tpu.dimension_semantics<subcore_parallel>], iteration_bounds = array<i64: 2, 16>, scalar_prefetch = 0 : i64, scratch_operands = 15 : i64, tpu.core_type = #tpu.core_type<sc_vector_subcore>, window_params = [{transform_indices = #map}, {transform_indices = #map1}, {transform_indices = #map1}]} {
    %mul3A = arith.constant 16 : i32
    %mul3A_0 = arith.muli %arg0, %mul3A : i32
    %add3A = arith.addi %mul3A_0, %arg1 : i32
    %lt3A = arith.constant 17 : i32
    %lt3A_1 = arith.cmpi slt, %add3A, %lt3A : i32
    %jit3A = arith.constant 1 : i32
    %jit3A_2 = arith.constant 0 : i32
    %select_n3A = arith.select %lt3A_1, %jit3A, %jit3A_2 : i32
    %add3A_3 = arith.constant 19 : i32
    %add3A_4 = arith.addi %add3A_3, %select_n3A : i32
    %scan3A = arith.constant 0 : i32
    %scan3A_5 = arith.constant 0 : i32
    %scan3A_6 = arith.constant 512 : i32
    %scan3A_7 = arith.addi %scan3A_5, %scan3A_6 : i32
    %scan3A_8 = arith.constant 1 : i32
    scf.for %scan3A_339 = %scan3A_5 to %scan3A_7 step %scan3A_8  : i32 {
      %broadcast_in_dim3A = arith.constant 0.000000e+00 : f32
      %broadcast_in_dim3A_340 = vector.broadcast %broadcast_in_dim3A : f32 to vector<16xf32>
      %swap3A = arith.index_cast %scan3A_339 : i32 to index
      %swap3A_341 = arith.constant 0 : index
      %swap3A_342 = tpu.vector_load %arg9[%swap3A, %swap3A_341] {strides = array<i32>} : memref<512x16xf32, #tpu.memory_space<vmem>>, vector<1x16xf32>,
      %swap3A_343 = vector.shape_cast %swap3A_342 : vector<1x16xf32> to vector<16xf32>
      %swap3A_344 = vector.shape_cast %broadcast_in_dim3A_340 : vector<16xf32> to vector<1x16xf32>
      tpu.vector_store %arg9[%swap3A, %swap3A_341], %swap3A_344 {strides = array<i32>} : memref<512x16xf32, #tpu.memory_space<vmem>>, vector<1x16xf32>,
    }
    %scan3A_9 = arith.constant 512 : i32
    %mul3A_10 = arith.constant 625 : i32
    %mul3A_11 = arith.muli %arg1, %mul3A_10 : i32
    %add3A_12 = arith.constant 0 : i32
    %add3A_13 = arith.addi %mul3A_11, %add3A_12 : i32
    "tpu.region"() ({
      %run_scoped3A = tpu.sem_alloc : memref<!tpu.dma_semaphore, #tpu.memory_space<semaphore_mem>>
      %dma_start3A_339 = arith.constant 0 : i32
      %dma_start3A_340 = tpu.memref_slice %arg11[%add3A_13, %dma_start3A_339] : memref<10000x16xf32, #tpu.memory_space<vmem_shared>> -> memref<512x16xf32, #tpu.memory_space<vmem_shared>>
      %dma_start3A_341 = arith.constant 0 : i32
      %dma_start3A_342 = tpu.memref_slice %arg11[%add3A_13, %dma_start3A_341] : memref<10000x16xf32, #tpu.memory_space<vmem_shared>> -> memref<512x16xf32, #tpu.memory_space<vmem_shared>>
      tpu.enqueue_dma source(%arg9 : memref<512x16xf32, #tpu.memory_space<vmem>>) target(%dma_start3A_342 : memref<512x16xf32, #tpu.memory_space<vmem_shared>>) target_semaphore(%run_scoped3A : memref<!tpu.dma_semaphore, #tpu.memory_space<semaphore_mem>>)
      %dma_wait3A_343 = arith.constant 0 : i32
      %dma_wait3A_344 = tpu.memref_slice %arg11[%add3A_13, %dma_wait3A_343] : memref<10000x16xf32, #tpu.memory_space<vmem_shared>> -> memref<512x16xf32, #tpu.memory_space<vmem_shared>>
      %dma_wait3A_345 = arith.constant 0 : i32
      %dma_wait3A_346 = tpu.memref_slice %arg11[%add3A_13, %dma_wait3A_345] : memref<10000x16xf32, #tpu.memory_space<vmem_shared>> -> memref<512x16xf32, #tpu.memory_space<vmem_shared>>
      tpu.wait_dma2 semaphore(%run_scoped3A : memref<!tpu.dma_semaphore, #tpu.memory_space<semaphore_mem>>) src(%arg9 : memref<512x16xf32, #tpu.memory_space<vmem>>) dst(%dma_wait3A_346 : memref<512x16xf32, #tpu.memory_space<vmem_shared>>)
      tpu.yield
    }) : () -> ()
    %add3A_14 = arith.constant 512 : i32
    %add3A_15 = arith.addi %mul3A_11, %add3A_14 : i32
    "tpu.region"() ({
      %run_scoped3A = tpu.sem_alloc : memref<!tpu.dma_semaphore, #tpu.memory_space<semaphore_mem>>
      %dma_start3A_339 = arith.constant 0 : i32
      %dma_start3A_340 = arith.constant 0 : i32
      %dma_start3A_341 = tpu.memref_slice %arg9[%dma_start3A_339, %dma_start3A_340] : memref<512x16xf32, #tpu.memory_space<vmem>> -> memref<113x16xf32, #tpu.memory_space<vmem>>
      %dma_start3A_342 = arith.constant 0 : i32
      %dma_start3A_343 = tpu.memref_slice %arg11[%add3A_15, %dma_start3A_342] : memref<10000x16xf32, #tpu.memory_space<vmem_shared>> -> memref<113x16xf32, #tpu.memory_space<vmem_shared>>
      %dma_start3A_344 = arith.constant 0 : i32
      %dma_start3A_345 = tpu.memref_slice %arg11[%add3A_15, %dma_start3A_344] : memref<10000x16xf32, #tpu.memory_space<vmem_shared>> -> memref<113x16xf32, #tpu.memory_space<vmem_shared>>
      %dma_start3A_346 = arith.constant 0 : i32
      %dma_start3A_347 = arith.constant 0 : i32
      %dma_start3A_348 = tpu.memref_slice %arg9[%dma_start3A_346, %dma_start3A_347] : memref<512x16xf32, #tpu.memory_space<vmem>> -> memref<113x16xf32, #tpu.memory_space<vmem>>
      tpu.enqueue_dma source(%dma_start3A_348 : memref<113x16xf32, #tpu.memory_space<vmem>>) target(%dma_start3A_345 : memref<113x16xf32, #tpu.memory_space<vmem_shared>>) target_semaphore(%run_scoped3A : memref<!tpu.dma_semaphore, #tpu.memory_space<semaphore_mem>>)
      %dma_wait3A_349 = arith.constant 0 : i32
      %dma_wait3A_350 = arith.constant 0 : i32
      %dma_wait3A_351 = tpu.memref_slice %arg9[%dma_wait3A_349, %dma_wait3A_350] : memref<512x16xf32, #tpu.memory_space<vmem>> -> memref<113x16xf32, #tpu.memory_space<vmem>>
      %dma_wait3A_352 = arith.constant 0 : i32
      %dma_wait3A_353 = tpu.memref_slice %arg11[%add3A_15, %dma_wait3A_352] : memref<10000x16xf32, #tpu.memory_space<vmem_shared>> -> memref<113x16xf32, #tpu.memory_space<vmem_shared>>
      %dma_wait3A_354 = arith.constant 0 : i32
      %dma_wait3A_355 = tpu.memref_slice %arg11[%add3A_15, %dma_wait3A_354] : memref<10000x16xf32, #tpu.memory_space<vmem_shared>> -> memref<113x16xf32, #tpu.memory_space<vmem_shared>>
      %dma_wait3A_356 = arith.constant 0 : i32
      %dma_wait3A_357 = arith.constant 0 : i32
      %dma_wait3A_358 = tpu.memref_slice %arg9[%dma_wait3A_356, %dma_wait3A_357] : memref<512x16xf32, #tpu.memory_space<vmem>> -> memref<113x16xf32, #tpu.memory_space<vmem>>
      tpu.wait_dma2 semaphore(%run_scoped3A : memref<!tpu.dma_semaphore, #tpu.memory_space<semaphore_mem>>) src(%dma_wait3A_358 : memref<113x16xf32, #tpu.memory_space<vmem>>) dst(%dma_wait3A_355 : memref<113x16xf32, #tpu.memory_space<vmem_shared>>)
      tpu.yield
    }) : () -> ()
    %barrier3A = arith.constant 0 : index
    tpu.barrier barrier_id(%barrier3A)
    %add3A_16 = arith.constant 0 : i32
    %add3A_17 = arith.addi %add3A, %add3A_16 : i32
    %dma_start3A = arith.constant 0 : i32
    %dma_start3A_18 = arith.constant 0 : i32
    %dma_start3A_19 = tpu.memref_slice %arg3[%add3A_17, %dma_start3A, %dma_start3A_18] : memref<625x2x512xi32, #tpu.memory_space<hbm>> -> memref<1x2x512xi32, #tpu.memory_space<hbm>>
    %dma_start3A_20 = tpu.memref_squeeze %dma_start3A_19 : memref<1x2x512xi32, #tpu.memory_space<hbm>> -> memref<2x512xi32, #tpu.memory_space<hbm>>
    %dma_start3A_21 = arith.constant 0 : i32
    %dma_start3A_22 = arith.constant 0 : i32
    %dma_start3A_23 = tpu.memref_slice %arg3[%add3A_17, %dma_start3A_21, %dma_start3A_22] : memref<625x2x512xi32, #tpu.memory_space<hbm>> -> memref<1x2x512xi32, #tpu.memory_space<hbm>>
    %dma_start3A_24 = tpu.memref_squeeze %dma_start3A_23 : memref<1x2x512xi32, #tpu.memory_space<hbm>> -> memref<2x512xi32, #tpu.memory_space<hbm>>
    tpu.enqueue_dma source(%dma_start3A_24 : memref<2x512xi32, #tpu.memory_space<hbm>>) target(%arg5 : memref<2x512xi32, #tpu.memory_space<vmem>>) target_semaphore(%arg16 : memref<!tpu.dma_semaphore, #tpu.memory_space<semaphore_mem>>)
    %add3A_25 = arith.constant 32 : i32
    %add3A_26 = arith.addi %add3A, %add3A_25 : i32
    %dma_start3A_27 = arith.constant 0 : i32
    %dma_start3A_28 = arith.constant 0 : i32
    %dma_start3A_29 = tpu.memref_slice %arg3[%add3A_26, %dma_start3A_27, %dma_start3A_28] : memref<625x2x512xi32, #tpu.memory_space<hbm>> -> memref<1x2x512xi32, #tpu.memory_space<hbm>>
    %dma_start3A_30 = tpu.memref_squeeze %dma_start3A_29 : memref<1x2x512xi32, #tpu.memory_space<hbm>> -> memref<2x512xi32, #tpu.memory_space<hbm>>
    %dma_start3A_31 = arith.constant 0 : i32
    %dma_start3A_32 = arith.constant 0 : i32
    %dma_start3A_33 = tpu.memref_slice %arg3[%add3A_26, %dma_start3A_31, %dma_start3A_32] : memref<625x2x512xi32, #tpu.memory_space<hbm>> -> memref<1x2x512xi32, #tpu.memory_space<hbm>>
    %dma_start3A_34 = tpu.memref_squeeze %dma_start3A_33 : memref<1x2x512xi32, #tpu.memory_space<hbm>> -> memref<2x512xi32, #tpu.memory_space<hbm>>
    tpu.enqueue_dma source(%dma_start3A_34 : memref<2x512xi32, #tpu.memory_space<hbm>>) target(%arg6 : memref<2x512xi32, #tpu.memory_space<vmem>>) target_semaphore(%arg17 : memref<!tpu.dma_semaphore, #tpu.memory_space<semaphore_mem>>)
    %dma_wait3A = arith.constant 0 : i32
    %dma_wait3A_35 = arith.constant 0 : i32
    %dma_wait3A_36 = arith.constant 0 : i32
    %dma_wait3A_37 = tpu.memref_slice %arg3[%dma_wait3A, %dma_wait3A_35, %dma_wait3A_36] : memref<625x2x512xi32, #tpu.memory_space<hbm>> -> memref<1x2x512xi32, #tpu.memory_space<hbm>>
    %dma_wait3A_38 = tpu.memref_squeeze %dma_wait3A_37 : memref<1x2x512xi32, #tpu.memory_space<hbm>> -> memref<2x512xi32, #tpu.memory_space<hbm>>
    %dma_wait3A_39 = arith.constant 0 : i32
    %dma_wait3A_40 = arith.constant 0 : i32
    %dma_wait3A_41 = tpu.memref_slice %arg3[%dma_wait3A, %dma_wait3A_39, %dma_wait3A_40] : memref<625x2x512xi32, #tpu.memory_space<hbm>> -> memref<1x2x512xi32, #tpu.memory_space<hbm>>
    %dma_wait3A_42 = tpu.memref_squeeze %dma_wait3A_41 : memref<1x2x512xi32, #tpu.memory_space<hbm>> -> memref<2x512xi32, #tpu.memory_space<hbm>>
    tpu.wait_dma2 semaphore(%arg16 : memref<!tpu.dma_semaphore, #tpu.memory_space<semaphore_mem>>) src(%dma_wait3A_42 : memref<2x512xi32, #tpu.memory_space<hbm>>) dst(%arg5 : memref<2x512xi32, #tpu.memory_space<vmem>>)
    %dma_start3A_43 = arith.constant 0 : i32
    %dma_start3A_44 = arith.constant 0 : i32
    %dma_start3A_45 = tpu.memref_slice %arg5[%dma_start3A_43, %dma_start3A_44] : memref<2x512xi32, #tpu.memory_space<vmem>> -> memref<1x512xi32, #tpu.memory_space<vmem>>
    %dma_start3A_46 = tpu.memref_squeeze %dma_start3A_45 : memref<1x512xi32, #tpu.memory_space<vmem>> -> memref<512xi32, #tpu.memory_space<vmem>>
    %dma_start3A_47 = arith.constant 0 : i32
    %dma_start3A_48 = arith.constant 0 : i32
    %dma_start3A_49 = tpu.memref_slice %arg2[%dma_start3A_47, %dma_start3A_48] : memref<10000x16xf32, #tpu.memory_space<hbm>> -> memref<10000x16xf32, #tpu.memory_space<hbm>>
    tpu.enqueue_indirect_dma source(%dma_start3A_49 : memref<10000x16xf32, #tpu.memory_space<hbm>>) target(%arg9 : memref<512x16xf32, #tpu.memory_space<vmem>>) offsets(%dma_start3A_46 : memref<512xi32, #tpu.memory_space<vmem>>) semaphore(%arg12 : memref<!tpu.dma_semaphore, #tpu.memory_space<semaphore_mem>>)
    %dma_wait3A_50 = arith.constant 0 : i32
    %dma_wait3A_51 = arith.constant 0 : i32
    %dma_wait3A_52 = tpu.memref_slice %arg5[%dma_wait3A_50, %dma_wait3A_51] : memref<2x512xi32, #tpu.memory_space<vmem>> -> memref<1x512xi32, #tpu.memory_space<vmem>>
    %dma_wait3A_53 = tpu.memref_squeeze %dma_wait3A_52 : memref<1x512xi32, #tpu.memory_space<vmem>> -> memref<512xi32, #tpu.memory_space<vmem>>
    %dma_wait3A_54 = arith.constant 0 : i32
    %dma_wait3A_55 = arith.constant 0 : i32
    %dma_wait3A_56 = tpu.memref_slice %arg2[%dma_wait3A_54, %dma_wait3A_55] : memref<10000x16xf32, #tpu.memory_space<hbm>> -> memref<10000x16xf32, #tpu.memory_space<hbm>>
    tpu.wait_indirect_dma semaphore(%arg12 : memref<!tpu.dma_semaphore, #tpu.memory_space<semaphore_mem>>) src(%dma_wait3A_56 : memref<10000x16xf32, #tpu.memory_space<hbm>>) dst(%arg9 : memref<512x16xf32, #tpu.memory_space<vmem>>)
    %dma_start3A_57 = arith.constant 1 : i32
    %dma_start3A_58 = arith.constant 0 : i32
    %dma_start3A_59 = tpu.memref_slice %arg5[%dma_start3A_57, %dma_start3A_58] : memref<2x512xi32, #tpu.memory_space<vmem>> -> memref<1x512xi32, #tpu.memory_space<vmem>>
    %dma_start3A_60 = tpu.memref_squeeze %dma_start3A_59 : memref<1x512xi32, #tpu.memory_space<vmem>> -> memref<512xi32, #tpu.memory_space<vmem>>
    %dma_start3A_61 = arith.constant 0 : i32
    %dma_start3A_62 = arith.constant 0 : i32
    %dma_start3A_63 = tpu.memref_slice %arg11[%dma_start3A_61, %dma_start3A_62] : memref<10000x16xf32, #tpu.memory_space<vmem_shared>> -> memref<10000x16xf32, #tpu.memory_space<vmem_shared>>
    tpu.enqueue_indirect_dma source(%arg9 : memref<512x16xf32, #tpu.memory_space<vmem>>) target(%dma_start3A_63 : memref<10000x16xf32, #tpu.memory_space<vmem_shared>>) offsets(%dma_start3A_60 : memref<512xi32, #tpu.memory_space<vmem>>) semaphore(%arg14 : memref<!tpu.dma_semaphore, #tpu.memory_space<semaphore_mem>>) {add = true}
    %add3A_64 = arith.constant 64 : i32
    %add3A_65 = arith.addi %add3A, %add3A_64 : i32
    %dma_start3A_66 = arith.constant 0 : i32
    %dma_start3A_67 = arith.constant 0 : i32
    %dma_start3A_68 = tpu.memref_slice %arg3[%add3A_65, %dma_start3A_66, %dma_start3A_67] : memref<625x2x512xi32, #tpu.memory_space<hbm>> -> memref<1x2x512xi32, #tpu.memory_space<hbm>>
    %dma_start3A_69 = tpu.memref_squeeze %dma_start3A_68 : memref<1x2x512xi32, #tpu.memory_space<hbm>> -> memref<2x512xi32, #tpu.memory_space<hbm>>
    %dma_start3A_70 = arith.constant 0 : i32
    %dma_start3A_71 = arith.constant 0 : i32
    %dma_start3A_72 = tpu.memref_slice %arg3[%add3A_65, %dma_start3A_70, %dma_start3A_71] : memref<625x2x512xi32, #tpu.memory_space<hbm>> -> memref<1x2x512xi32, #tpu.memory_space<hbm>>
    %dma_start3A_73 = tpu.memref_squeeze %dma_start3A_72 : memref<1x2x512xi32, #tpu.memory_space<hbm>> -> memref<2x512xi32, #tpu.memory_space<hbm>>
    tpu.enqueue_dma source(%dma_start3A_73 : memref<2x512xi32, #tpu.memory_space<hbm>>) target(%arg7 : memref<2x512xi32, #tpu.memory_space<vmem>>) target_semaphore(%arg18 : memref<!tpu.dma_semaphore, #tpu.memory_space<semaphore_mem>>)
    %dma_wait3A_74 = arith.constant 0 : i32
    %dma_wait3A_75 = arith.constant 0 : i32
    %dma_wait3A_76 = arith.constant 0 : i32
    %dma_wait3A_77 = tpu.memref_slice %arg3[%dma_wait3A_74, %dma_wait3A_75, %dma_wait3A_76] : memref<625x2x512xi32, #tpu.memory_space<hbm>> -> memref<1x2x512xi32, #tpu.memory_space<hbm>>
    %dma_wait3A_78 = tpu.memref_squeeze %dma_wait3A_77 : memref<1x2x512xi32, #tpu.memory_space<hbm>> -> memref<2x512xi32, #tpu.memory_space<hbm>>
    %dma_wait3A_79 = arith.constant 0 : i32
    %dma_wait3A_80 = arith.constant 0 : i32
    %dma_wait3A_81 = tpu.memref_slice %arg3[%dma_wait3A_74, %dma_wait3A_79, %dma_wait3A_80] : memref<625x2x512xi32, #tpu.memory_space<hbm>> -> memref<1x2x512xi32, #tpu.memory_space<hbm>>
    %dma_wait3A_82 = tpu.memref_squeeze %dma_wait3A_81 : memref<1x2x512xi32, #tpu.memory_space<hbm>> -> memref<2x512xi32, #tpu.memory_space<hbm>>
    tpu.wait_dma2 semaphore(%arg17 : memref<!tpu.dma_semaphore, #tpu.memory_space<semaphore_mem>>) src(%dma_wait3A_82 : memref<2x512xi32, #tpu.memory_space<hbm>>) dst(%arg6 : memref<2x512xi32, #tpu.memory_space<vmem>>)
    %dma_start3A_83 = arith.constant 0 : i32
    %dma_start3A_84 = arith.constant 0 : i32
    %dma_start3A_85 = tpu.memref_slice %arg6[%dma_start3A_83, %dma_start3A_84] : memref<2x512xi32, #tpu.memory_space<vmem>> -> memref<1x512xi32, #tpu.memory_space<vmem>>
    %dma_start3A_86 = tpu.memref_squeeze %dma_start3A_85 : memref<1x512xi32, #tpu.memory_space<vmem>> -> memref<512xi32, #tpu.memory_space<vmem>>
    %dma_start3A_87 = arith.constant 0 : i32
    %dma_start3A_88 = arith.constant 0 : i32
    %dma_start3A_89 = tpu.memref_slice %arg2[%dma_start3A_87, %dma_start3A_88] : memref<10000x16xf32, #tpu.memory_space<hbm>> -> memref<10000x16xf32, #tpu.memory_space<hbm>>
    tpu.enqueue_indirect_dma source(%dma_start3A_89 : memref<10000x16xf32, #tpu.memory_space<hbm>>) target(%arg10 : memref<512x16xf32, #tpu.memory_space<vmem>>) offsets(%dma_start3A_86 : memref<512xi32, #tpu.memory_space<vmem>>) semaphore(%arg13 : memref<!tpu.dma_semaphore, #tpu.memory_space<semaphore_mem>>)
    %dma_wait3A_90 = arith.constant 0 : i32
    %dma_wait3A_91 = arith.constant 0 : i32
    %dma_wait3A_92 = tpu.memref_slice %arg5[%dma_wait3A_90, %dma_wait3A_91] : memref<2x512xi32, #tpu.memory_space<vmem>> -> memref<1x512xi32, #tpu.memory_space<vmem>>
    %dma_wait3A_93 = tpu.memref_squeeze %dma_wait3A_92 : memref<1x512xi32, #tpu.memory_space<vmem>> -> memref<512xi32, #tpu.memory_space<vmem>>
    %dma_wait3A_94 = arith.constant 0 : i32
    %dma_wait3A_95 = arith.constant 0 : i32
    %dma_wait3A_96 = tpu.memref_slice %arg2[%dma_wait3A_94, %dma_wait3A_95] : memref<10000x16xf32, #tpu.memory_space<hbm>> -> memref<10000x16xf32, #tpu.memory_space<hbm>>
    tpu.wait_indirect_dma semaphore(%arg13 : memref<!tpu.dma_semaphore, #tpu.memory_space<semaphore_mem>>) src(%dma_wait3A_96 : memref<10000x16xf32, #tpu.memory_space<hbm>>) dst(%arg10 : memref<512x16xf32, #tpu.memory_space<vmem>>)
    %dma_start3A_97 = arith.constant 1 : i32
    %dma_start3A_98 = arith.constant 0 : i32
    %dma_start3A_99 = tpu.memref_slice %arg6[%dma_start3A_97, %dma_start3A_98] : memref<2x512xi32, #tpu.memory_space<vmem>> -> memref<1x512xi32, #tpu.memory_space<vmem>>
    %dma_start3A_100 = tpu.memref_squeeze %dma_start3A_99 : memref<1x512xi32, #tpu.memory_space<vmem>> -> memref<512xi32, #tpu.memory_space<vmem>>
    %dma_start3A_101 = arith.constant 0 : i32
    %dma_start3A_102 = arith.constant 0 : i32
    %dma_start3A_103 = tpu.memref_slice %arg11[%dma_start3A_101, %dma_start3A_102] : memref<10000x16xf32, #tpu.memory_space<vmem_shared>> -> memref<10000x16xf32, #tpu.memory_space<vmem_shared>>
    tpu.enqueue_indirect_dma source(%arg10 : memref<512x16xf32, #tpu.memory_space<vmem>>) target(%dma_start3A_103 : memref<10000x16xf32, #tpu.memory_space<vmem_shared>>) offsets(%dma_start3A_100 : memref<512xi32, #tpu.memory_space<vmem>>) semaphore(%arg15 : memref<!tpu.dma_semaphore, #tpu.memory_space<semaphore_mem>>) {add = true}
    %dma_wait3A_104 = arith.constant 1 : i32
    %dma_wait3A_105 = arith.constant 0 : i32
    %dma_wait3A_106 = tpu.memref_slice %arg5[%dma_wait3A_104, %dma_wait3A_105] : memref<2x512xi32, #tpu.memory_space<vmem>> -> memref<1x512xi32, #tpu.memory_space<vmem>>
    %dma_wait3A_107 = tpu.memref_squeeze %dma_wait3A_106 : memref<1x512xi32, #tpu.memory_space<vmem>> -> memref<512xi32, #tpu.memory_space<vmem>>
    %dma_wait3A_108 = arith.constant 0 : i32
    %dma_wait3A_109 = arith.constant 0 : i32
    %dma_wait3A_110 = tpu.memref_slice %arg11[%dma_wait3A_108, %dma_wait3A_109] : memref<10000x16xf32, #tpu.memory_space<vmem_shared>> -> memref<10000x16xf32, #tpu.memory_space<vmem_shared>>
    tpu.wait_indirect_dma semaphore(%arg14 : memref<!tpu.dma_semaphore, #tpu.memory_space<semaphore_mem>>) src(%arg9 : memref<512x16xf32, #tpu.memory_space<vmem>>) dst(%dma_wait3A_110 : memref<10000x16xf32, #tpu.memory_space<vmem_shared>>)
    %add3A_111 = arith.constant 96 : i32
    %add3A_112 = arith.addi %add3A, %add3A_111 : i32
    %dma_start3A_113 = arith.constant 0 : i32
    %dma_start3A_114 = arith.constant 0 : i32
    %dma_start3A_115 = tpu.memref_slice %arg3[%add3A_112, %dma_start3A_113, %dma_start3A_114] : memref<625x2x512xi32, #tpu.memory_space<hbm>> -> memref<1x2x512xi32, #tpu.memory_space<hbm>>
    %dma_start3A_116 = tpu.memref_squeeze %dma_start3A_115 : memref<1x2x512xi32, #tpu.memory_space<hbm>> -> memref<2x512xi32, #tpu.memory_space<hbm>>
    %dma_start3A_117 = arith.constant 0 : i32
    %dma_start3A_118 = arith.constant 0 : i32
    %dma_start3A_119 = tpu.memref_slice %arg3[%add3A_112, %dma_start3A_117, %dma_start3A_118] : memref<625x2x512xi32, #tpu.memory_space<hbm>> -> memref<1x2x512xi32, #tpu.memory_space<hbm>>
    %dma_start3A_120 = tpu.memref_squeeze %dma_start3A_119 : memref<1x2x512xi32, #tpu.memory_space<hbm>> -> memref<2x512xi32, #tpu.memory_space<hbm>>
    tpu.enqueue_dma source(%dma_start3A_120 : memref<2x512xi32, #tpu.memory_space<hbm>>) target(%arg8 : memref<2x512xi32, #tpu.memory_space<vmem>>) target_semaphore(%arg19 : memref<!tpu.dma_semaphore, #tpu.memory_space<semaphore_mem>>)
    %dma_wait3A_121 = arith.constant 0 : i32
    %dma_wait3A_122 = arith.constant 0 : i32
    %dma_wait3A_123 = arith.constant 0 : i32
    %dma_wait3A_124 = tpu.memref_slice %arg3[%dma_wait3A_121, %dma_wait3A_122, %dma_wait3A_123] : memref<625x2x512xi32, #tpu.memory_space<hbm>> -> memref<1x2x512xi32, #tpu.memory_space<hbm>>
    %dma_wait3A_125 = tpu.memref_squeeze %dma_wait3A_124 : memref<1x2x512xi32, #tpu.memory_space<hbm>> -> memref<2x512xi32, #tpu.memory_space<hbm>>
    %dma_wait3A_126 = arith.constant 0 : i32
    %dma_wait3A_127 = arith.constant 0 : i32
    %dma_wait3A_128 = tpu.memref_slice %arg3[%dma_wait3A_121, %dma_wait3A_126, %dma_wait3A_127] : memref<625x2x512xi32, #tpu.memory_space<hbm>> -> memref<1x2x512xi32, #tpu.memory_space<hbm>>
    %dma_wait3A_129 = tpu.memref_squeeze %dma_wait3A_128 : memref<1x2x512xi32, #tpu.memory_space<hbm>> -> memref<2x512xi32, #tpu.memory_space<hbm>>
    tpu.wait_dma2 semaphore(%arg18 : memref<!tpu.dma_semaphore, #tpu.memory_space<semaphore_mem>>) src(%dma_wait3A_129 : memref<2x512xi32, #tpu.memory_space<hbm>>) dst(%arg7 : memref<2x512xi32, #tpu.memory_space<vmem>>)
    %dma_start3A_130 = arith.constant 0 : i32
    %dma_start3A_131 = arith.constant 0 : i32
    %dma_start3A_132 = tpu.memref_slice %arg7[%dma_start3A_130, %dma_start3A_131] : memref<2x512xi32, #tpu.memory_space<vmem>> -> memref<1x512xi32, #tpu.memory_space<vmem>>
    %dma_start3A_133 = tpu.memref_squeeze %dma_start3A_132 : memref<1x512xi32, #tpu.memory_space<vmem>> -> memref<512xi32, #tpu.memory_space<vmem>>
    %dma_start3A_134 = arith.constant 0 : i32
    %dma_start3A_135 = arith.constant 0 : i32
    %dma_start3A_136 = tpu.memref_slice %arg2[%dma_start3A_134, %dma_start3A_135] : memref<10000x16xf32, #tpu.memory_space<hbm>> -> memref<10000x16xf32, #tpu.memory_space<hbm>>
    tpu.enqueue_indirect_dma source(%dma_start3A_136 : memref<10000x16xf32, #tpu.memory_space<hbm>>) target(%arg9 : memref<512x16xf32, #tpu.memory_space<vmem>>) offsets(%dma_start3A_133 : memref<512xi32, #tpu.memory_space<vmem>>) semaphore(%arg12 : memref<!tpu.dma_semaphore, #tpu.memory_space<semaphore_mem>>)
    %dma_wait3A_137 = arith.constant 0 : i32
    %dma_wait3A_138 = arith.constant 0 : i32
    %dma_wait3A_139 = tpu.memref_slice %arg5[%dma_wait3A_137, %dma_wait3A_138] : memref<2x512xi32, #tpu.memory_space<vmem>> -> memref<1x512xi32, #tpu.memory_space<vmem>>
    %dma_wait3A_140 = tpu.memref_squeeze %dma_wait3A_139 : memref<1x512xi32, #tpu.memory_space<vmem>> -> memref<512xi32, #tpu.memory_space<vmem>>
    %dma_wait3A_141 = arith.constant 0 : i32
    %dma_wait3A_142 = arith.constant 0 : i32
    %dma_wait3A_143 = tpu.memref_slice %arg2[%dma_wait3A_141, %dma_wait3A_142] : memref<10000x16xf32, #tpu.memory_space<hbm>> -> memref<10000x16xf32, #tpu.memory_space<hbm>>
    tpu.wait_indirect_dma semaphore(%arg12 : memref<!tpu.dma_semaphore, #tpu.memory_space<semaphore_mem>>) src(%dma_wait3A_143 : memref<10000x16xf32, #tpu.memory_space<hbm>>) dst(%arg9 : memref<512x16xf32, #tpu.memory_space<vmem>>)
    %dma_start3A_144 = arith.constant 1 : i32
    %dma_start3A_145 = arith.constant 0 : i32
    %dma_start3A_146 = tpu.memref_slice %arg7[%dma_start3A_144, %dma_start3A_145] : memref<2x512xi32, #tpu.memory_space<vmem>> -> memref<1x512xi32, #tpu.memory_space<vmem>>
    %dma_start3A_147 = tpu.memref_squeeze %dma_start3A_146 : memref<1x512xi32, #tpu.memory_space<vmem>> -> memref<512xi32, #tpu.memory_space<vmem>>
    %dma_start3A_148 = arith.constant 0 : i32
    %dma_start3A_149 = arith.constant 0 : i32
    %dma_start3A_150 = tpu.memref_slice %arg11[%dma_start3A_148, %dma_start3A_149] : memref<10000x16xf32, #tpu.memory_space<vmem_shared>> -> memref<10000x16xf32, #tpu.memory_space<vmem_shared>>
    tpu.enqueue_indirect_dma source(%arg9 : memref<512x16xf32, #tpu.memory_space<vmem>>) target(%dma_start3A_150 : memref<10000x16xf32, #tpu.memory_space<vmem_shared>>) offsets(%dma_start3A_147 : memref<512xi32, #tpu.memory_space<vmem>>) semaphore(%arg14 : memref<!tpu.dma_semaphore, #tpu.memory_space<semaphore_mem>>) {add = true}
    %dma_wait3A_151 = arith.constant 1 : i32
    %dma_wait3A_152 = arith.constant 0 : i32
    %dma_wait3A_153 = tpu.memref_slice %arg5[%dma_wait3A_151, %dma_wait3A_152] : memref<2x512xi32, #tpu.memory_space<vmem>> -> memref<1x512xi32, #tpu.memory_space<vmem>>
    %dma_wait3A_154 = tpu.memref_squeeze %dma_wait3A_153 : memref<1x512xi32, #tpu.memory_space<vmem>> -> memref<512xi32, #tpu.memory_space<vmem>>
    %dma_wait3A_155 = arith.constant 0 : i32
    %dma_wait3A_156 = arith.constant 0 : i32
    %dma_wait3A_157 = tpu.memref_slice %arg11[%dma_wait3A_155, %dma_wait3A_156] : memref<10000x16xf32, #tpu.memory_space<vmem_shared>> -> memref<10000x16xf32, #tpu.memory_space<vmem_shared>>
    tpu.wait_indirect_dma semaphore(%arg15 : memref<!tpu.dma_semaphore, #tpu.memory_space<semaphore_mem>>) src(%arg10 : memref<512x16xf32, #tpu.memory_space<vmem>>) dst(%dma_wait3A_157 : memref<10000x16xf32, #tpu.memory_space<vmem_shared>>)
    %add3A_158 = arith.constant 128 : i32
    %add3A_159 = arith.addi %add3A, %add3A_158 : i32
    %dma_start3A_160 = arith.constant 0 : i32
    %dma_start3A_161 = arith.constant 0 : i32
    %dma_start3A_162 = tpu.memref_slice %arg3[%add3A_159, %dma_start3A_160, %dma_start3A_161] : memref<625x2x512xi32, #tpu.memory_space<hbm>> -> memref<1x2x512xi32, #tpu.memory_space<hbm>>
    %dma_start3A_163 = tpu.memref_squeeze %dma_start3A_162 : memref<1x2x512xi32, #tpu.memory_space<hbm>> -> memref<2x512xi32, #tpu.memory_space<hbm>>
    %dma_start3A_164 = arith.constant 0 : i32
    %dma_start3A_165 = arith.constant 0 : i32
    %dma_start3A_166 = tpu.memref_slice %arg3[%add3A_159, %dma_start3A_164, %dma_start3A_165] : memref<625x2x512xi32, #tpu.memory_space<hbm>> -> memref<1x2x512xi32, #tpu.memory_space<hbm>>
    %dma_start3A_167 = tpu.memref_squeeze %dma_start3A_166 : memref<1x2x512xi32, #tpu.memory_space<hbm>> -> memref<2x512xi32, #tpu.memory_space<hbm>>
    tpu.enqueue_dma source(%dma_start3A_167 : memref<2x512xi32, #tpu.memory_space<hbm>>) target(%arg5 : memref<2x512xi32, #tpu.memory_space<vmem>>) target_semaphore(%arg16 : memref<!tpu.dma_semaphore, #tpu.memory_space<semaphore_mem>>)
    %dma_wait3A_168 = arith.constant 0 : i32
    %dma_wait3A_169 = arith.constant 0 : i32
    %dma_wait3A_170 = arith.constant 0 : i32
    %dma_wait3A_171 = tpu.memref_slice %arg3[%dma_wait3A_168, %dma_wait3A_169, %dma_wait3A_170] : memref<625x2x512xi32, #tpu.memory_space<hbm>> -> memref<1x2x512xi32, #tpu.memory_space<hbm>>
    %dma_wait3A_172 = tpu.memref_squeeze %dma_wait3A_171 : memref<1x2x512xi32, #tpu.memory_space<hbm>> -> memref<2x512xi32, #tpu.memory_space<hbm>>
    %dma_wait3A_173 = arith.constant 0 : i32
    %dma_wait3A_174 = arith.constant 0 : i32
    %dma_wait3A_175 = tpu.memref_slice %arg3[%dma_wait3A_168, %dma_wait3A_173, %dma_wait3A_174] : memref<625x2x512xi32, #tpu.memory_space<hbm>> -> memref<1x2x512xi32, #tpu.memory_space<hbm>>
    %dma_wait3A_176 = tpu.memref_squeeze %dma_wait3A_175 : memref<1x2x512xi32, #tpu.memory_space<hbm>> -> memref<2x512xi32, #tpu.memory_space<hbm>>
    tpu.wait_dma2 semaphore(%arg19 : memref<!tpu.dma_semaphore, #tpu.memory_space<semaphore_mem>>) src(%dma_wait3A_176 : memref<2x512xi32, #tpu.memory_space<hbm>>) dst(%arg8 : memref<2x512xi32, #tpu.memory_space<vmem>>)
    %dma_start3A_177 = arith.constant 0 : i32
    %dma_start3A_178 = arith.constant 0 : i32
    %dma_start3A_179 = tpu.memref_slice %arg8[%dma_start3A_177, %dma_start3A_178] : memref<2x512xi32, #tpu.memory_space<vmem>> -> memref<1x512xi32, #tpu.memory_space<vmem>>
    %dma_start3A_180 = tpu.memref_squeeze %dma_start3A_179 : memref<1x512xi32, #tpu.memory_space<vmem>> -> memref<512xi32, #tpu.memory_space<vmem>>
    %dma_start3A_181 = arith.constant 0 : i32
    %dma_start3A_182 = arith.constant 0 : i32
    %dma_start3A_183 = tpu.memref_slice %arg2[%dma_start3A_181, %dma_start3A_182] : memref<10000x16xf32, #tpu.memory_space<hbm>> -> memref<10000x16xf32, #tpu.memory_space<hbm>>
    tpu.enqueue_indirect_dma source(%dma_start3A_183 : memref<10000x16xf32, #tpu.memory_space<hbm>>) target(%arg10 : memref<512x16xf32, #tpu.memory_space<vmem>>) offsets(%dma_start3A_180 : memref<512xi32, #tpu.memory_space<vmem>>) semaphore(%arg13 : memref<!tpu.dma_semaphore, #tpu.memory_space<semaphore_mem>>)
    %dma_wait3A_184 = arith.constant 0 : i32
    %dma_wait3A_185 = arith.constant 0 : i32
    %dma_wait3A_186 = tpu.memref_slice %arg5[%dma_wait3A_184, %dma_wait3A_185] : memref<2x512xi32, #tpu.memory_space<vmem>> -> memref<1x512xi32, #tpu.memory_space<vmem>>
    %dma_wait3A_187 = tpu.memref_squeeze %dma_wait3A_186 : memref<1x512xi32, #tpu.memory_space<vmem>> -> memref<512xi32, #tpu.memory_space<vmem>>
    %dma_wait3A_188 = arith.constant 0 : i32
    %dma_wait3A_189 = arith.constant 0 : i32
    %dma_wait3A_190 = tpu.memref_slice %arg2[%dma_wait3A_188, %dma_wait3A_189] : memref<10000x16xf32, #tpu.memory_space<hbm>> -> memref<10000x16xf32, #tpu.memory_space<hbm>>
    tpu.wait_indirect_dma semaphore(%arg13 : memref<!tpu.dma_semaphore, #tpu.memory_space<semaphore_mem>>) src(%dma_wait3A_190 : memref<10000x16xf32, #tpu.memory_space<hbm>>) dst(%arg10 : memref<512x16xf32, #tpu.memory_space<vmem>>)
    %dma_start3A_191 = arith.constant 1 : i32
    %dma_start3A_192 = arith.constant 0 : i32
    %dma_start3A_193 = tpu.memref_slice %arg8[%dma_start3A_191, %dma_start3A_192] : memref<2x512xi32, #tpu.memory_space<vmem>> -> memref<1x512xi32, #tpu.memory_space<vmem>>
    %dma_start3A_194 = tpu.memref_squeeze %dma_start3A_193 : memref<1x512xi32, #tpu.memory_space<vmem>> -> memref<512xi32, #tpu.memory_space<vmem>>
    %dma_start3A_195 = arith.constant 0 : i32
    %dma_start3A_196 = arith.constant 0 : i32
    %dma_start3A_197 = tpu.memref_slice %arg11[%dma_start3A_195, %dma_start3A_196] : memref<10000x16xf32, #tpu.memory_space<vmem_shared>> -> memref<10000x16xf32, #tpu.memory_space<vmem_shared>>
    tpu.enqueue_indirect_dma source(%arg10 : memref<512x16xf32, #tpu.memory_space<vmem>>) target(%dma_start3A_197 : memref<10000x16xf32, #tpu.memory_space<vmem_shared>>) offsets(%dma_start3A_194 : memref<512xi32, #tpu.memory_space<vmem>>) semaphore(%arg15 : memref<!tpu.dma_semaphore, #tpu.memory_space<semaphore_mem>>) {add = true}
    %dma_wait3A_198 = arith.constant 1 : i32
    %dma_wait3A_199 = arith.constant 0 : i32
    %dma_wait3A_200 = tpu.memref_slice %arg5[%dma_wait3A_198, %dma_wait3A_199] : memref<2x512xi32, #tpu.memory_space<vmem>> -> memref<1x512xi32, #tpu.memory_space<vmem>>
    %dma_wait3A_201 = tpu.memref_squeeze %dma_wait3A_200 : memref<1x512xi32, #tpu.memory_space<vmem>> -> memref<512xi32, #tpu.memory_space<vmem>>
    %dma_wait3A_202 = arith.constant 0 : i32
    %dma_wait3A_203 = arith.constant 0 : i32
    %dma_wait3A_204 = tpu.memref_slice %arg11[%dma_wait3A_202, %dma_wait3A_203] : memref<10000x16xf32, #tpu.memory_space<vmem_shared>> -> memref<10000x16xf32, #tpu.memory_space<vmem_shared>>
    tpu.wait_indirect_dma semaphore(%arg14 : memref<!tpu.dma_semaphore, #tpu.memory_space<semaphore_mem>>) src(%arg9 : memref<512x16xf32, #tpu.memory_space<vmem>>) dst(%dma_wait3A_204 : memref<10000x16xf32, #tpu.memory_space<vmem_shared>>)
    %add3A_205 = arith.constant 160 : i32
    %add3A_206 = arith.addi %add3A, %add3A_205 : i32
    %dma_start3A_207 = arith.constant 0 : i32
    %dma_start3A_208 = arith.constant 0 : i32
    %dma_start3A_209 = tpu.memref_slice %arg3[%add3A_206, %dma_start3A_207, %dma_start3A_208] : memref<625x2x512xi32, #tpu.memory_space<hbm>> -> memref<1x2x512xi32, #tpu.memory_space<hbm>>
    %dma_start3A_210 = tpu.memref_squeeze %dma_start3A_209 : memref<1x2x512xi32, #tpu.memory_space<hbm>> -> memref<2x512xi32, #tpu.memory_space<hbm>>
    %dma_start3A_211 = arith.constant 0 : i32
    %dma_start3A_212 = arith.constant 0 : i32
    %dma_start3A_213 = tpu.memref_slice %arg3[%add3A_206, %dma_start3A_211, %dma_start3A_212] : memref<625x2x512xi32, #tpu.memory_space<hbm>> -> memref<1x2x512xi32, #tpu.memory_space<hbm>>
    %dma_start3A_214 = tpu.memref_squeeze %dma_start3A_213 : memref<1x2x512xi32, #tpu.memory_space<hbm>> -> memref<2x512xi32, #tpu.memory_space<hbm>>
    tpu.enqueue_dma source(%dma_start3A_214 : memref<2x512xi32, #tpu.memory_space<hbm>>) target(%arg6 : memref<2x512xi32, #tpu.memory_space<vmem>>) target_semaphore(%arg17 : memref<!tpu.dma_semaphore, #tpu.memory_space<semaphore_mem>>)
    %dma_wait3A_215 = arith.constant 0 : i32
    %dma_wait3A_216 = arith.constant 0 : i32
    %dma_wait3A_217 = arith.constant 0 : i32
    %dma_wait3A_218 = tpu.memref_slice %arg3[%dma_wait3A_215, %dma_wait3A_216, %dma_wait3A_217] : memref<625x2x512xi32, #tpu.memory_space<hbm>> -> memref<1x2x512xi32, #tpu.memory_space<hbm>>
    %dma_wait3A_219 = tpu.memref_squeeze %dma_wait3A_218 : memref<1x2x512xi32, #tpu.memory_space<hbm>> -> memref<2x512xi32, #tpu.memory_space<hbm>>
    %dma_wait3A_220 = arith.constant 0 : i32
    %dma_wait3A_221 = arith.constant 0 : i32
    %dma_wait3A_222 = tpu.memref_slice %arg3[%dma_wait3A_215, %dma_wait3A_220, %dma_wait3A_221] : memref<625x2x512xi32, #tpu.memory_space<hbm>> -> memref<1x2x512xi32, #tpu.memory_space<hbm>>
    %dma_wait3A_223 = tpu.memref_squeeze %dma_wait3A_222 : memref<1x2x512xi32, #tpu.memory_space<hbm>> -> memref<2x512xi32, #tpu.memory_space<hbm>>
    tpu.wait_dma2 semaphore(%arg16 : memref<!tpu.dma_semaphore, #tpu.memory_space<semaphore_mem>>) src(%dma_wait3A_223 : memref<2x512xi32, #tpu.memory_space<hbm>>) dst(%arg5 : memref<2x512xi32, #tpu.memory_space<vmem>>)
    %dma_start3A_224 = arith.constant 0 : i32
    %dma_start3A_225 = arith.constant 0 : i32
    %dma_start3A_226 = tpu.memref_slice %arg5[%dma_start3A_224, %dma_start3A_225] : memref<2x512xi32, #tpu.memory_space<vmem>> -> memref<1x512xi32, #tpu.memory_space<vmem>>
    %dma_start3A_227 = tpu.memref_squeeze %dma_start3A_226 : memref<1x512xi32, #tpu.memory_space<vmem>> -> memref<512xi32, #tpu.memory_space<vmem>>
    %dma_start3A_228 = arith.constant 0 : i32
    %dma_start3A_229 = arith.constant 0 : i32
    %dma_start3A_230 = tpu.memref_slice %arg2[%dma_start3A_228, %dma_start3A_229] : memref<10000x16xf32, #tpu.memory_space<hbm>> -> memref<10000x16xf32, #tpu.memory_space<hbm>>
    tpu.enqueue_indirect_dma source(%dma_start3A_230 : memref<10000x16xf32, #tpu.memory_space<hbm>>) target(%arg9 : memref<512x16xf32, #tpu.memory_space<vmem>>) offsets(%dma_start3A_227 : memref<512xi32, #tpu.memory_space<vmem>>) semaphore(%arg12 : memref<!tpu.dma_semaphore, #tpu.memory_space<semaphore_mem>>)
    %scan3A_231 = arith.constant 0 : i32
    %scan3A_232 = arith.constant 1 : i32
    %scan3A_233 = arith.constant 3 : i32
    %scan3A_234 = arith.addi %scan3A_232, %scan3A_233 : i32
    %scan3A_235 = arith.constant 1 : i32
    scf.for %scan3A_339 = %scan3A_232 to %scan3A_234 step %scan3A_235  : i32 {
      %mul3A_340 = arith.constant 4 : i32
      %mul3A_341 = arith.muli %mul3A_340, %scan3A_339 : i32
      %add3A_342 = arith.constant 0 : i32
      %add3A_343 = arith.addi %mul3A_341, %add3A_342 : i32
      %dma_wait3A_344 = arith.constant 0 : i32
      %dma_wait3A_345 = arith.constant 0 : i32
      %dma_wait3A_346 = tpu.memref_slice %arg5[%dma_wait3A_344, %dma_wait3A_345] : memref<2x512xi32, #tpu.memory_space<vmem>> -> memref<1x512xi32, #tpu.memory_space<vmem>>
      %dma_wait3A_347 = tpu.memref_squeeze %dma_wait3A_346 : memref<1x512xi32, #tpu.memory_space<vmem>> -> memref<512xi32, #tpu.memory_space<vmem>>
      %dma_wait3A_348 = arith.constant 0 : i32
      %dma_wait3A_349 = arith.constant 0 : i32
      %dma_wait3A_350 = tpu.memref_slice %arg2[%dma_wait3A_348, %dma_wait3A_349] : memref<10000x16xf32, #tpu.memory_space<hbm>> -> memref<10000x16xf32, #tpu.memory_space<hbm>>
      tpu.wait_indirect_dma semaphore(%arg12 : memref<!tpu.dma_semaphore, #tpu.memory_space<semaphore_mem>>) src(%dma_wait3A_350 : memref<10000x16xf32, #tpu.memory_space<hbm>>) dst(%arg9 : memref<512x16xf32, #tpu.memory_space<vmem>>)
      %dma_start3A_351 = arith.constant 1 : i32
      %dma_start3A_352 = arith.constant 0 : i32
      %dma_start3A_353 = tpu.memref_slice %arg5[%dma_start3A_351, %dma_start3A_352] : memref<2x512xi32, #tpu.memory_space<vmem>> -> memref<1x512xi32, #tpu.memory_space<vmem>>
      %dma_start3A_354 = tpu.memref_squeeze %dma_start3A_353 : memref<1x512xi32, #tpu.memory_space<vmem>> -> memref<512xi32, #tpu.memory_space<vmem>>
      %dma_start3A_355 = arith.constant 0 : i32
      %dma_start3A_356 = arith.constant 0 : i32
      %dma_start3A_357 = tpu.memref_slice %arg11[%dma_start3A_355, %dma_start3A_356] : memref<10000x16xf32, #tpu.memory_space<vmem_shared>> -> memref<10000x16xf32, #tpu.memory_space<vmem_shared>>
      tpu.enqueue_indirect_dma source(%arg9 : memref<512x16xf32, #tpu.memory_space<vmem>>) target(%dma_start3A_357 : memref<10000x16xf32, #tpu.memory_space<vmem_shared>>) offsets(%dma_start3A_354 : memref<512xi32, #tpu.memory_space<vmem>>) semaphore(%arg14 : memref<!tpu.dma_semaphore, #tpu.memory_space<semaphore_mem>>) {add = true}
      %dma_wait3A_358 = arith.constant 1 : i32
      %dma_wait3A_359 = arith.constant 0 : i32
      %dma_wait3A_360 = tpu.memref_slice %arg5[%dma_wait3A_358, %dma_wait3A_359] : memref<2x512xi32, #tpu.memory_space<vmem>> -> memref<1x512xi32, #tpu.memory_space<vmem>>
      %dma_wait3A_361 = tpu.memref_squeeze %dma_wait3A_360 : memref<1x512xi32, #tpu.memory_space<vmem>> -> memref<512xi32, #tpu.memory_space<vmem>>
      %dma_wait3A_362 = arith.constant 0 : i32
      %dma_wait3A_363 = arith.constant 0 : i32
      %dma_wait3A_364 = tpu.memref_slice %arg11[%dma_wait3A_362, %dma_wait3A_363] : memref<10000x16xf32, #tpu.memory_space<vmem_shared>> -> memref<10000x16xf32, #tpu.memory_space<vmem_shared>>
      tpu.wait_indirect_dma semaphore(%arg15 : memref<!tpu.dma_semaphore, #tpu.memory_space<semaphore_mem>>) src(%arg10 : memref<512x16xf32, #tpu.memory_space<vmem>>) dst(%dma_wait3A_364 : memref<10000x16xf32, #tpu.memory_space<vmem_shared>>)
      %add3A_365 = arith.constant 2 : i32
      %add3A_366 = arith.addi %add3A_343, %add3A_365 : i32
      %mul3A_367 = arith.constant 32 : i32
      %mul3A_368 = arith.muli %add3A_366, %mul3A_367 : i32
      %add3A_369 = arith.addi %add3A, %mul3A_368 : i32
      %dma_start3A_370 = arith.constant 0 : i32
      %dma_start3A_371 = arith.constant 0 : i32
      %dma_start3A_372 = tpu.memref_slice %arg3[%add3A_369, %dma_start3A_370, %dma_start3A_371] : memref<625x2x512xi32, #tpu.memory_space<hbm>> -> memref<1x2x512xi32, #tpu.memory_space<hbm>>
      %dma_start3A_373 = tpu.memref_squeeze %dma_start3A_372 : memref<1x2x512xi32, #tpu.memory_space<hbm>> -> memref<2x512xi32, #tpu.memory_space<hbm>>
      %dma_start3A_374 = arith.constant 0 : i32
      %dma_start3A_375 = arith.constant 0 : i32
      %dma_start3A_376 = tpu.memref_slice %arg3[%add3A_369, %dma_start3A_374, %dma_start3A_375] : memref<625x2x512xi32, #tpu.memory_space<hbm>> -> memref<1x2x512xi32, #tpu.memory_space<hbm>>
      %dma_start3A_377 = tpu.memref_squeeze %dma_start3A_376 : memref<1x2x512xi32, #tpu.memory_space<hbm>> -> memref<2x512xi32, #tpu.memory_space<hbm>>
      tpu.enqueue_dma source(%dma_start3A_377 : memref<2x512xi32, #tpu.memory_space<hbm>>) target(%arg7 : memref<2x512xi32, #tpu.memory_space<vmem>>) target_semaphore(%arg18 : memref<!tpu.dma_semaphore, #tpu.memory_space<semaphore_mem>>)
      %dma_wait3A_378 = arith.constant 0 : i32
      %dma_wait3A_379 = arith.constant 0 : i32
      %dma_wait3A_380 = arith.constant 0 : i32
      %dma_wait3A_381 = tpu.memref_slice %arg3[%dma_wait3A_378, %dma_wait3A_379, %dma_wait3A_380] : memref<625x2x512xi32, #tpu.memory_space<hbm>> -> memref<1x2x512xi32, #tpu.memory_space<hbm>>
      %dma_wait3A_382 = tpu.memref_squeeze %dma_wait3A_381 : memref<1x2x512xi32, #tpu.memory_space<hbm>> -> memref<2x512xi32, #tpu.memory_space<hbm>>
      %dma_wait3A_383 = arith.constant 0 : i32
      %dma_wait3A_384 = arith.constant 0 : i32
      %dma_wait3A_385 = tpu.memref_slice %arg3[%dma_wait3A_378, %dma_wait3A_383, %dma_wait3A_384] : memref<625x2x512xi32, #tpu.memory_space<hbm>> -> memref<1x2x512xi32, #tpu.memory_space<hbm>>
      %dma_wait3A_386 = tpu.memref_squeeze %dma_wait3A_385 : memref<1x2x512xi32, #tpu.memory_space<hbm>> -> memref<2x512xi32, #tpu.memory_space<hbm>>
      tpu.wait_dma2 semaphore(%arg17 : memref<!tpu.dma_semaphore, #tpu.memory_space<semaphore_mem>>) src(%dma_wait3A_386 : memref<2x512xi32, #tpu.memory_space<hbm>>) dst(%arg6 : memref<2x512xi32, #tpu.memory_space<vmem>>)
      %dma_start3A_387 = arith.constant 0 : i32
      %dma_start3A_388 = arith.constant 0 : i32
      %dma_start3A_389 = tpu.memref_slice %arg6[%dma_start3A_387, %dma_start3A_388] : memref<2x512xi32, #tpu.memory_space<vmem>> -> memref<1x512xi32, #tpu.memory_space<vmem>>
      %dma_start3A_390 = tpu.memref_squeeze %dma_start3A_389 : memref<1x512xi32, #tpu.memory_space<vmem>> -> memref<512xi32, #tpu.memory_space<vmem>>
      %dma_start3A_391 = arith.constant 0 : i32
      %dma_start3A_392 = arith.constant 0 : i32
      %dma_start3A_393 = tpu.memref_slice %arg2[%dma_start3A_391, %dma_start3A_392] : memref<10000x16xf32, #tpu.memory_space<hbm>> -> memref<10000x16xf32, #tpu.memory_space<hbm>>
      tpu.enqueue_indirect_dma source(%dma_start3A_393 : memref<10000x16xf32, #tpu.memory_space<hbm>>) target(%arg10 : memref<512x16xf32, #tpu.memory_space<vmem>>) offsets(%dma_start3A_390 : memref<512xi32, #tpu.memory_space<vmem>>) semaphore(%arg13 : memref<!tpu.dma_semaphore, #tpu.memory_space<semaphore_mem>>)
      %mul3A_394 = arith.constant 4 : i32
      %mul3A_395 = arith.muli %mul3A_394, %scan3A_339 : i32
      %add3A_396 = arith.constant 1 : i32
      %add3A_397 = arith.addi %mul3A_395, %add3A_396 : i32
      %dma_wait3A_398 = arith.constant 0 : i32
      %dma_wait3A_399 = arith.constant 0 : i32
      %dma_wait3A_400 = tpu.memref_slice %arg5[%dma_wait3A_398, %dma_wait3A_399] : memref<2x512xi32, #tpu.memory_space<vmem>> -> memref<1x512xi32, #tpu.memory_space<vmem>>
      %dma_wait3A_401 = tpu.memref_squeeze %dma_wait3A_400 : memref<1x512xi32, #tpu.memory_space<vmem>> -> memref<512xi32, #tpu.memory_space<vmem>>
      %dma_wait3A_402 = arith.constant 0 : i32
      %dma_wait3A_403 = arith.constant 0 : i32
      %dma_wait3A_404 = tpu.memref_slice %arg2[%dma_wait3A_402, %dma_wait3A_403] : memref<10000x16xf32, #tpu.memory_space<hbm>> -> memref<10000x16xf32, #tpu.memory_space<hbm>>
      tpu.wait_indirect_dma semaphore(%arg13 : memref<!tpu.dma_semaphore, #tpu.memory_space<semaphore_mem>>) src(%dma_wait3A_404 : memref<10000x16xf32, #tpu.memory_space<hbm>>) dst(%arg10 : memref<512x16xf32, #tpu.memory_space<vmem>>)
      %dma_start3A_405 = arith.constant 1 : i32
      %dma_start3A_406 = arith.constant 0 : i32
      %dma_start3A_407 = tpu.memref_slice %arg6[%dma_start3A_405, %dma_start3A_406] : memref<2x512xi32, #tpu.memory_space<vmem>> -> memref<1x512xi32, #tpu.memory_space<vmem>>
      %dma_start3A_408 = tpu.memref_squeeze %dma_start3A_407 : memref<1x512xi32, #tpu.memory_space<vmem>> -> memref<512xi32, #tpu.memory_space<vmem>>
      %dma_start3A_409 = arith.constant 0 : i32
      %dma_start3A_410 = arith.constant 0 : i32
      %dma_start3A_411 = tpu.memref_slice %arg11[%dma_start3A_409, %dma_start3A_410] : memref<10000x16xf32, #tpu.memory_space<vmem_shared>> -> memref<10000x16xf32, #tpu.memory_space<vmem_shared>>
      tpu.enqueue_indirect_dma source(%arg10 : memref<512x16xf32, #tpu.memory_space<vmem>>) target(%dma_start3A_411 : memref<10000x16xf32, #tpu.memory_space<vmem_shared>>) offsets(%dma_start3A_408 : memref<512xi32, #tpu.memory_space<vmem>>) semaphore(%arg15 : memref<!tpu.dma_semaphore, #tpu.memory_space<semaphore_mem>>) {add = true}
      %dma_wait3A_412 = arith.constant 1 : i32
      %dma_wait3A_413 = arith.constant 0 : i32
      %dma_wait3A_414 = tpu.memref_slice %arg5[%dma_wait3A_412, %dma_wait3A_413] : memref<2x512xi32, #tpu.memory_space<vmem>> -> memref<1x512xi32, #tpu.memory_space<vmem>>
      %dma_wait3A_415 = tpu.memref_squeeze %dma_wait3A_414 : memref<1x512xi32, #tpu.memory_space<vmem>> -> memref<512xi32, #tpu.memory_space<vmem>>
      %dma_wait3A_416 = arith.constant 0 : i32
      %dma_wait3A_417 = arith.constant 0 : i32
      %dma_wait3A_418 = tpu.memref_slice %arg11[%dma_wait3A_416, %dma_wait3A_417] : memref<10000x16xf32, #tpu.memory_space<vmem_shared>> -> memref<10000x16xf32, #tpu.memory_space<vmem_shared>>
      tpu.wait_indirect_dma semaphore(%arg14 : memref<!tpu.dma_semaphore, #tpu.memory_space<semaphore_mem>>) src(%arg9 : memref<512x16xf32, #tpu.memory_space<vmem>>) dst(%dma_wait3A_418 : memref<10000x16xf32, #tpu.memory_space<vmem_shared>>)
      %add3A_419 = arith.constant 2 : i32
      %add3A_420 = arith.addi %add3A_397, %add3A_419 : i32
      %mul3A_421 = arith.constant 32 : i32
      %mul3A_422 = arith.muli %add3A_420, %mul3A_421 : i32
      %add3A_423 = arith.addi %add3A, %mul3A_422 : i32
      %dma_start3A_424 = arith.constant 0 : i32
      %dma_start3A_425 = arith.constant 0 : i32
      %dma_start3A_426 = tpu.memref_slice %arg3[%add3A_423, %dma_start3A_424, %dma_start3A_425] : memref<625x2x512xi32, #tpu.memory_space<hbm>> -> memref<1x2x512xi32, #tpu.memory_space<hbm>>
      %dma_start3A_427 = tpu.memref_squeeze %dma_start3A_426 : memref<1x2x512xi32, #tpu.memory_space<hbm>> -> memref<2x512xi32, #tpu.memory_space<hbm>>
      %dma_start3A_428 = arith.constant 0 : i32
      %dma_start3A_429 = arith.constant 0 : i32
      %dma_start3A_430 = tpu.memref_slice %arg3[%add3A_423, %dma_start3A_428, %dma_start3A_429] : memref<625x2x512xi32, #tpu.memory_space<hbm>> -> memref<1x2x512xi32, #tpu.memory_space<hbm>>
      %dma_start3A_431 = tpu.memref_squeeze %dma_start3A_430 : memref<1x2x512xi32, #tpu.memory_space<hbm>> -> memref<2x512xi32, #tpu.memory_space<hbm>>
      tpu.enqueue_dma source(%dma_start3A_431 : memref<2x512xi32, #tpu.memory_space<hbm>>) target(%arg8 : memref<2x512xi32, #tpu.memory_space<vmem>>) target_semaphore(%arg19 : memref<!tpu.dma_semaphore, #tpu.memory_space<semaphore_mem>>)
      %dma_wait3A_432 = arith.constant 0 : i32
      %dma_wait3A_433 = arith.constant 0 : i32
      %dma_wait3A_434 = arith.constant 0 : i32
      %dma_wait3A_435 = tpu.memref_slice %arg3[%dma_wait3A_432, %dma_wait3A_433, %dma_wait3A_434] : memref<625x2x512xi32, #tpu.memory_space<hbm>> -> memref<1x2x512xi32, #tpu.memory_space<hbm>>
      %dma_wait3A_436 = tpu.memref_squeeze %dma_wait3A_435 : memref<1x2x512xi32, #tpu.memory_space<hbm>> -> memref<2x512xi32, #tpu.memory_space<hbm>>
      %dma_wait3A_437 = arith.constant 0 : i32
      %dma_wait3A_438 = arith.constant 0 : i32
      %dma_wait3A_439 = tpu.memref_slice %arg3[%dma_wait3A_432, %dma_wait3A_437, %dma_wait3A_438] : memref<625x2x512xi32, #tpu.memory_space<hbm>> -> memref<1x2x512xi32, #tpu.memory_space<hbm>>
      %dma_wait3A_440 = tpu.memref_squeeze %dma_wait3A_439 : memref<1x2x512xi32, #tpu.memory_space<hbm>> -> memref<2x512xi32, #tpu.memory_space<hbm>>
      tpu.wait_dma2 semaphore(%arg18 : memref<!tpu.dma_semaphore, #tpu.memory_space<semaphore_mem>>) src(%dma_wait3A_440 : memref<2x512xi32, #tpu.memory_space<hbm>>) dst(%arg7 : memref<2x512xi32, #tpu.memory_space<vmem>>)
      %dma_start3A_441 = arith.constant 0 : i32
      %dma_start3A_442 = arith.constant 0 : i32
      %dma_start3A_443 = tpu.memref_slice %arg7[%dma_start3A_441, %dma_start3A_442] : memref<2x512xi32, #tpu.memory_space<vmem>> -> memref<1x512xi32, #tpu.memory_space<vmem>>
      %dma_start3A_444 = tpu.memref_squeeze %dma_start3A_443 : memref<1x512xi32, #tpu.memory_space<vmem>> -> memref<512xi32, #tpu.memory_space<vmem>>
      %dma_start3A_445 = arith.constant 0 : i32
      %dma_start3A_446 = arith.constant 0 : i32
      %dma_start3A_447 = tpu.memref_slice %arg2[%dma_start3A_445, %dma_start3A_446] : memref<10000x16xf32, #tpu.memory_space<hbm>> -> memref<10000x16xf32, #tpu.memory_space<hbm>>
      tpu.enqueue_indirect_dma source(%dma_start3A_447 : memref<10000x16xf32, #tpu.memory_space<hbm>>) target(%arg9 : memref<512x16xf32, #tpu.memory_space<vmem>>) offsets(%dma_start3A_444 : memref<512xi32, #tpu.memory_space<vmem>>) semaphore(%arg12 : memref<!tpu.dma_semaphore, #tpu.memory_space<semaphore_mem>>)
      %mul3A_448 = arith.constant 4 : i32
      %mul3A_449 = arith.muli %mul3A_448, %scan3A_339 : i32
      %add3A_450 = arith.constant 2 : i32
      %add3A_451 = arith.addi %mul3A_449, %add3A_450 : i32
      %dma_wait3A_452 = arith.constant 0 : i32
      %dma_wait3A_453 = arith.constant 0 : i32
      %dma_wait3A_454 = tpu.memref_slice %arg5[%dma_wait3A_452, %dma_wait3A_453] : memref<2x512xi32, #tpu.memory_space<vmem>> -> memref<1x512xi32, #tpu.memory_space<vmem>>
      %dma_wait3A_455 = tpu.memref_squeeze %dma_wait3A_454 : memref<1x512xi32, #tpu.memory_space<vmem>> -> memref<512xi32, #tpu.memory_space<vmem>>
      %dma_wait3A_456 = arith.constant 0 : i32
      %dma_wait3A_457 = arith.constant 0 : i32
      %dma_wait3A_458 = tpu.memref_slice %arg2[%dma_wait3A_456, %dma_wait3A_457] : memref<10000x16xf32, #tpu.memory_space<hbm>> -> memref<10000x16xf32, #tpu.memory_space<hbm>>
      tpu.wait_indirect_dma semaphore(%arg12 : memref<!tpu.dma_semaphore, #tpu.memory_space<semaphore_mem>>) src(%dma_wait3A_458 : memref<10000x16xf32, #tpu.memory_space<hbm>>) dst(%arg9 : memref<512x16xf32, #tpu.memory_space<vmem>>)
      %dma_start3A_459 = arith.constant 1 : i32
      %dma_start3A_460 = arith.constant 0 : i32
      %dma_start3A_461 = tpu.memref_slice %arg7[%dma_start3A_459, %dma_start3A_460] : memref<2x512xi32, #tpu.memory_space<vmem>> -> memref<1x512xi32, #tpu.memory_space<vmem>>
      %dma_start3A_462 = tpu.memref_squeeze %dma_start3A_461 : memref<1x512xi32, #tpu.memory_space<vmem>> -> memref<512xi32, #tpu.memory_space<vmem>>
      %dma_start3A_463 = arith.constant 0 : i32
      %dma_start3A_464 = arith.constant 0 : i32
      %dma_start3A_465 = tpu.memref_slice %arg11[%dma_start3A_463, %dma_start3A_464] : memref<10000x16xf32, #tpu.memory_space<vmem_shared>> -> memref<10000x16xf32, #tpu.memory_space<vmem_shared>>
      tpu.enqueue_indirect_dma source(%arg9 : memref<512x16xf32, #tpu.memory_space<vmem>>) target(%dma_start3A_465 : memref<10000x16xf32, #tpu.memory_space<vmem_shared>>) offsets(%dma_start3A_462 : memref<512xi32, #tpu.memory_space<vmem>>) semaphore(%arg14 : memref<!tpu.dma_semaphore, #tpu.memory_space<semaphore_mem>>) {add = true}
      %dma_wait3A_466 = arith.constant 1 : i32
      %dma_wait3A_467 = arith.constant 0 : i32
      %dma_wait3A_468 = tpu.memref_slice %arg5[%dma_wait3A_466, %dma_wait3A_467] : memref<2x512xi32, #tpu.memory_space<vmem>> -> memref<1x512xi32, #tpu.memory_space<vmem>>
      %dma_wait3A_469 = tpu.memref_squeeze %dma_wait3A_468 : memref<1x512xi32, #tpu.memory_space<vmem>> -> memref<512xi32, #tpu.memory_space<vmem>>
      %dma_wait3A_470 = arith.constant 0 : i32
      %dma_wait3A_471 = arith.constant 0 : i32
      %dma_wait3A_472 = tpu.memref_slice %arg11[%dma_wait3A_470, %dma_wait3A_471] : memref<10000x16xf32, #tpu.memory_space<vmem_shared>> -> memref<10000x16xf32, #tpu.memory_space<vmem_shared>>
      tpu.wait_indirect_dma semaphore(%arg15 : memref<!tpu.dma_semaphore, #tpu.memory_space<semaphore_mem>>) src(%arg10 : memref<512x16xf32, #tpu.memory_space<vmem>>) dst(%dma_wait3A_472 : memref<10000x16xf32, #tpu.memory_space<vmem_shared>>)
      %add3A_473 = arith.constant 2 : i32
      %add3A_474 = arith.addi %add3A_451, %add3A_473 : i32
      %mul3A_475 = arith.constant 32 : i32
      %mul3A_476 = arith.muli %add3A_474, %mul3A_475 : i32
      %add3A_477 = arith.addi %add3A, %mul3A_476 : i32
      %dma_start3A_478 = arith.constant 0 : i32
      %dma_start3A_479 = arith.constant 0 : i32
      %dma_start3A_480 = tpu.memref_slice %arg3[%add3A_477, %dma_start3A_478, %dma_start3A_479] : memref<625x2x512xi32, #tpu.memory_space<hbm>> -> memref<1x2x512xi32, #tpu.memory_space<hbm>>
      %dma_start3A_481 = tpu.memref_squeeze %dma_start3A_480 : memref<1x2x512xi32, #tpu.memory_space<hbm>> -> memref<2x512xi32, #tpu.memory_space<hbm>>
      %dma_start3A_482 = arith.constant 0 : i32
      %dma_start3A_483 = arith.constant 0 : i32
      %dma_start3A_484 = tpu.memref_slice %arg3[%add3A_477, %dma_start3A_482, %dma_start3A_483] : memref<625x2x512xi32, #tpu.memory_space<hbm>> -> memref<1x2x512xi32, #tpu.memory_space<hbm>>
      %dma_start3A_485 = tpu.memref_squeeze %dma_start3A_484 : memref<1x2x512xi32, #tpu.memory_space<hbm>> -> memref<2x512xi32, #tpu.memory_space<hbm>>
      tpu.enqueue_dma source(%dma_start3A_485 : memref<2x512xi32, #tpu.memory_space<hbm>>) target(%arg5 : memref<2x512xi32, #tpu.memory_space<vmem>>) target_semaphore(%arg16 : memref<!tpu.dma_semaphore, #tpu.memory_space<semaphore_mem>>)
      %dma_wait3A_486 = arith.constant 0 : i32
      %dma_wait3A_487 = arith.constant 0 : i32
      %dma_wait3A_488 = arith.constant 0 : i32
      %dma_wait3A_489 = tpu.memref_slice %arg3[%dma_wait3A_486, %dma_wait3A_487, %dma_wait3A_488] : memref<625x2x512xi32, #tpu.memory_space<hbm>> -> memref<1x2x512xi32, #tpu.memory_space<hbm>>
      %dma_wait3A_490 = tpu.memref_squeeze %dma_wait3A_489 : memref<1x2x512xi32, #tpu.memory_space<hbm>> -> memref<2x512xi32, #tpu.memory_space<hbm>>
      %dma_wait3A_491 = arith.constant 0 : i32
      %dma_wait3A_492 = arith.constant 0 : i32
      %dma_wait3A_493 = tpu.memref_slice %arg3[%dma_wait3A_486, %dma_wait3A_491, %dma_wait3A_492] : memref<625x2x512xi32, #tpu.memory_space<hbm>> -> memref<1x2x512xi32, #tpu.memory_space<hbm>>
      %dma_wait3A_494 = tpu.memref_squeeze %dma_wait3A_493 : memref<1x2x512xi32, #tpu.memory_space<hbm>> -> memref<2x512xi32, #tpu.memory_space<hbm>>
      tpu.wait_dma2 semaphore(%arg19 : memref<!tpu.dma_semaphore, #tpu.memory_space<semaphore_mem>>) src(%dma_wait3A_494 : memref<2x512xi32, #tpu.memory_space<hbm>>) dst(%arg8 : memref<2x512xi32, #tpu.memory_space<vmem>>)
      %dma_start3A_495 = arith.constant 0 : i32
      %dma_start3A_496 = arith.constant 0 : i32
      %dma_start3A_497 = tpu.memref_slice %arg8[%dma_start3A_495, %dma_start3A_496] : memref<2x512xi32, #tpu.memory_space<vmem>> -> memref<1x512xi32, #tpu.memory_space<vmem>>
      %dma_start3A_498 = tpu.memref_squeeze %dma_start3A_497 : memref<1x512xi32, #tpu.memory_space<vmem>> -> memref<512xi32, #tpu.memory_space<vmem>>
      %dma_start3A_499 = arith.constant 0 : i32
      %dma_start3A_500 = arith.constant 0 : i32
      %dma_start3A_501 = tpu.memref_slice %arg2[%dma_start3A_499, %dma_start3A_500] : memref<10000x16xf32, #tpu.memory_space<hbm>> -> memref<10000x16xf32, #tpu.memory_space<hbm>>
      tpu.enqueue_indirect_dma source(%dma_start3A_501 : memref<10000x16xf32, #tpu.memory_space<hbm>>) target(%arg10 : memref<512x16xf32, #tpu.memory_space<vmem>>) offsets(%dma_start3A_498 : memref<512xi32, #tpu.memory_space<vmem>>) semaphore(%arg13 : memref<!tpu.dma_semaphore, #tpu.memory_space<semaphore_mem>>)
      %mul3A_502 = arith.constant 4 : i32
      %mul3A_503 = arith.muli %mul3A_502, %scan3A_339 : i32
      %add3A_504 = arith.constant 3 : i32
      %add3A_505 = arith.addi %mul3A_503, %add3A_504 : i32
      %dma_wait3A_506 = arith.constant 0 : i32
      %dma_wait3A_507 = arith.constant 0 : i32
      %dma_wait3A_508 = tpu.memref_slice %arg5[%dma_wait3A_506, %dma_wait3A_507] : memref<2x512xi32, #tpu.memory_space<vmem>> -> memref<1x512xi32, #tpu.memory_space<vmem>>
      %dma_wait3A_509 = tpu.memref_squeeze %dma_wait3A_508 : memref<1x512xi32, #tpu.memory_space<vmem>> -> memref<512xi32, #tpu.memory_space<vmem>>
      %dma_wait3A_510 = arith.constant 0 : i32
      %dma_wait3A_511 = arith.constant 0 : i32
      %dma_wait3A_512 = tpu.memref_slice %arg2[%dma_wait3A_510, %dma_wait3A_511] : memref<10000x16xf32, #tpu.memory_space<hbm>> -> memref<10000x16xf32, #tpu.memory_space<hbm>>
      tpu.wait_indirect_dma semaphore(%arg13 : memref<!tpu.dma_semaphore, #tpu.memory_space<semaphore_mem>>) src(%dma_wait3A_512 : memref<10000x16xf32, #tpu.memory_space<hbm>>) dst(%arg10 : memref<512x16xf32, #tpu.memory_space<vmem>>)
      %dma_start3A_513 = arith.constant 1 : i32
      %dma_start3A_514 = arith.constant 0 : i32
      %dma_start3A_515 = tpu.memref_slice %arg8[%dma_start3A_513, %dma_start3A_514] : memref<2x512xi32, #tpu.memory_space<vmem>> -> memref<1x512xi32, #tpu.memory_space<vmem>>
      %dma_start3A_516 = tpu.memref_squeeze %dma_start3A_515 : memref<1x512xi32, #tpu.memory_space<vmem>> -> memref<512xi32, #tpu.memory_space<vmem>>
      %dma_start3A_517 = arith.constant 0 : i32
      %dma_start3A_518 = arith.constant 0 : i32
      %dma_start3A_519 = tpu.memref_slice %arg11[%dma_start3A_517, %dma_start3A_518] : memref<10000x16xf32, #tpu.memory_space<vmem_shared>> -> memref<10000x16xf32, #tpu.memory_space<vmem_shared>>
      tpu.enqueue_indirect_dma source(%arg10 : memref<512x16xf32, #tpu.memory_space<vmem>>) target(%dma_start3A_519 : memref<10000x16xf32, #tpu.memory_space<vmem_shared>>) offsets(%dma_start3A_516 : memref<512xi32, #tpu.memory_space<vmem>>) semaphore(%arg15 : memref<!tpu.dma_semaphore, #tpu.memory_space<semaphore_mem>>) {add = true}
      %dma_wait3A_520 = arith.constant 1 : i32
      %dma_wait3A_521 = arith.constant 0 : i32
      %dma_wait3A_522 = tpu.memref_slice %arg5[%dma_wait3A_520, %dma_wait3A_521] : memref<2x512xi32, #tpu.memory_space<vmem>> -> memref<1x512xi32, #tpu.memory_space<vmem>>
      %dma_wait3A_523 = tpu.memref_squeeze %dma_wait3A_522 : memref<1x512xi32, #tpu.memory_space<vmem>> -> memref<512xi32, #tpu.memory_space<vmem>>
      %dma_wait3A_524 = arith.constant 0 : i32
      %dma_wait3A_525 = arith.constant 0 : i32
      %dma_wait3A_526 = tpu.memref_slice %arg11[%dma_wait3A_524, %dma_wait3A_525] : memref<10000x16xf32, #tpu.memory_space<vmem_shared>> -> memref<10000x16xf32, #tpu.memory_space<vmem_shared>>
      tpu.wait_indirect_dma semaphore(%arg14 : memref<!tpu.dma_semaphore, #tpu.memory_space<semaphore_mem>>) src(%arg9 : memref<512x16xf32, #tpu.memory_space<vmem>>) dst(%dma_wait3A_526 : memref<10000x16xf32, #tpu.memory_space<vmem_shared>>)
      %add3A_527 = arith.constant 2 : i32
      %add3A_528 = arith.addi %add3A_505, %add3A_527 : i32
      %mul3A_529 = arith.constant 32 : i32
      %mul3A_530 = arith.muli %add3A_528, %mul3A_529 : i32
      %add3A_531 = arith.addi %add3A, %mul3A_530 : i32
      %dma_start3A_532 = arith.constant 0 : i32
      %dma_start3A_533 = arith.constant 0 : i32
      %dma_start3A_534 = tpu.memref_slice %arg3[%add3A_531, %dma_start3A_532, %dma_start3A_533] : memref<625x2x512xi32, #tpu.memory_space<hbm>> -> memref<1x2x512xi32, #tpu.memory_space<hbm>>
      %dma_start3A_535 = tpu.memref_squeeze %dma_start3A_534 : memref<1x2x512xi32, #tpu.memory_space<hbm>> -> memref<2x512xi32, #tpu.memory_space<hbm>>
      %dma_start3A_536 = arith.constant 0 : i32
      %dma_start3A_537 = arith.constant 0 : i32
      %dma_start3A_538 = tpu.memref_slice %arg3[%add3A_531, %dma_start3A_536, %dma_start3A_537] : memref<625x2x512xi32, #tpu.memory_space<hbm>> -> memref<1x2x512xi32, #tpu.memory_space<hbm>>
      %dma_start3A_539 = tpu.memref_squeeze %dma_start3A_538 : memref<1x2x512xi32, #tpu.memory_space<hbm>> -> memref<2x512xi32, #tpu.memory_space<hbm>>
      tpu.enqueue_dma source(%dma_start3A_539 : memref<2x512xi32, #tpu.memory_space<hbm>>) target(%arg6 : memref<2x512xi32, #tpu.memory_space<vmem>>) target_semaphore(%arg17 : memref<!tpu.dma_semaphore, #tpu.memory_space<semaphore_mem>>)
      %dma_wait3A_540 = arith.constant 0 : i32
      %dma_wait3A_541 = arith.constant 0 : i32
      %dma_wait3A_542 = arith.constant 0 : i32
      %dma_wait3A_543 = tpu.memref_slice %arg3[%dma_wait3A_540, %dma_wait3A_541, %dma_wait3A_542] : memref<625x2x512xi32, #tpu.memory_space<hbm>> -> memref<1x2x512xi32, #tpu.memory_space<hbm>>
      %dma_wait3A_544 = tpu.memref_squeeze %dma_wait3A_543 : memref<1x2x512xi32, #tpu.memory_space<hbm>> -> memref<2x512xi32, #tpu.memory_space<hbm>>
      %dma_wait3A_545 = arith.constant 0 : i32
      %dma_wait3A_546 = arith.constant 0 : i32
      %dma_wait3A_547 = tpu.memref_slice %arg3[%dma_wait3A_540, %dma_wait3A_545, %dma_wait3A_546] : memref<625x2x512xi32, #tpu.memory_space<hbm>> -> memref<1x2x512xi32, #tpu.memory_space<hbm>>
      %dma_wait3A_548 = tpu.memref_squeeze %dma_wait3A_547 : memref<1x2x512xi32, #tpu.memory_space<hbm>> -> memref<2x512xi32, #tpu.memory_space<hbm>>
      tpu.wait_dma2 semaphore(%arg16 : memref<!tpu.dma_semaphore, #tpu.memory_space<semaphore_mem>>) src(%dma_wait3A_548 : memref<2x512xi32, #tpu.memory_space<hbm>>) dst(%arg5 : memref<2x512xi32, #tpu.memory_space<vmem>>)
      %dma_start3A_549 = arith.constant 0 : i32
      %dma_start3A_550 = arith.constant 0 : i32
      %dma_start3A_551 = tpu.memref_slice %arg5[%dma_start3A_549, %dma_start3A_550] : memref<2x512xi32, #tpu.memory_space<vmem>> -> memref<1x512xi32, #tpu.memory_space<vmem>>
      %dma_start3A_552 = tpu.memref_squeeze %dma_start3A_551 : memref<1x512xi32, #tpu.memory_space<vmem>> -> memref<512xi32, #tpu.memory_space<vmem>>
      %dma_start3A_553 = arith.constant 0 : i32
      %dma_start3A_554 = arith.constant 0 : i32
      %dma_start3A_555 = tpu.memref_slice %arg2[%dma_start3A_553, %dma_start3A_554] : memref<10000x16xf32, #tpu.memory_space<hbm>> -> memref<10000x16xf32, #tpu.memory_space<hbm>>
      tpu.enqueue_indirect_dma source(%dma_start3A_555 : memref<10000x16xf32, #tpu.memory_space<hbm>>) target(%arg9 : memref<512x16xf32, #tpu.memory_space<vmem>>) offsets(%dma_start3A_552 : memref<512xi32, #tpu.memory_space<vmem>>) semaphore(%arg12 : memref<!tpu.dma_semaphore, #tpu.memory_space<semaphore_mem>>)
    }
    %scan3A_236 = arith.constant 3 : i32
    %gt3A = arith.constant 16 : i32
    %gt3A_237 = arith.cmpi sgt, %add3A_4, %gt3A : i32
    %convert_element_type3A = arith.extui %gt3A_237 : i1 to i32
    %cond3A = arith.constant 0 : i32
    %cond3A_238 = arith.cmpi ne, %convert_element_type3A, %cond3A : i32
    scf.if %cond3A_238 {
      %dma_wait3A_339 = arith.constant 0 : i32
      %dma_wait3A_340 = arith.constant 0 : i32
      %dma_wait3A_341 = tpu.memref_slice %arg5[%dma_wait3A_339, %dma_wait3A_340] : memref<2x512xi32, #tpu.memory_space<vmem>> -> memref<1x512xi32, #tpu.memory_space<vmem>>
      %dma_wait3A_342 = tpu.memref_squeeze %dma_wait3A_341 : memref<1x512xi32, #tpu.memory_space<vmem>> -> memref<512xi32, #tpu.memory_space<vmem>>
      %dma_wait3A_343 = arith.constant 0 : i32
      %dma_wait3A_344 = arith.constant 0 : i32
      %dma_wait3A_345 = tpu.memref_slice %arg2[%dma_wait3A_343, %dma_wait3A_344] : memref<10000x16xf32, #tpu.memory_space<hbm>> -> memref<10000x16xf32, #tpu.memory_space<hbm>>
      tpu.wait_indirect_dma semaphore(%arg12 : memref<!tpu.dma_semaphore, #tpu.memory_space<semaphore_mem>>) src(%dma_wait3A_345 : memref<10000x16xf32, #tpu.memory_space<hbm>>) dst(%arg9 : memref<512x16xf32, #tpu.memory_space<vmem>>)
      %dma_start3A_346 = arith.constant 1 : i32
      %dma_start3A_347 = arith.constant 0 : i32
      %dma_start3A_348 = tpu.memref_slice %arg5[%dma_start3A_346, %dma_start3A_347] : memref<2x512xi32, #tpu.memory_space<vmem>> -> memref<1x512xi32, #tpu.memory_space<vmem>>
      %dma_start3A_349 = tpu.memref_squeeze %dma_start3A_348 : memref<1x512xi32, #tpu.memory_space<vmem>> -> memref<512xi32, #tpu.memory_space<vmem>>
      %dma_start3A_350 = arith.constant 0 : i32
      %dma_start3A_351 = arith.constant 0 : i32
      %dma_start3A_352 = tpu.memref_slice %arg11[%dma_start3A_350, %dma_start3A_351] : memref<10000x16xf32, #tpu.memory_space<vmem_shared>> -> memref<10000x16xf32, #tpu.memory_space<vmem_shared>>
      tpu.enqueue_indirect_dma source(%arg9 : memref<512x16xf32, #tpu.memory_space<vmem>>) target(%dma_start3A_352 : memref<10000x16xf32, #tpu.memory_space<vmem_shared>>) offsets(%dma_start3A_349 : memref<512xi32, #tpu.memory_space<vmem>>) semaphore(%arg14 : memref<!tpu.dma_semaphore, #tpu.memory_space<semaphore_mem>>) {add = true}
    } else {
    }
    %gt3A_239 = arith.constant 15 : i32
    %gt3A_240 = arith.cmpi sgt, %add3A_4, %gt3A_239 : i32
    %convert_element_type3A_241 = arith.extui %gt3A_240 : i1 to i32
    %cond3A_242 = arith.constant 0 : i32
    %cond3A_243 = arith.cmpi ne, %convert_element_type3A_241, %cond3A_242 : i32
    scf.if %cond3A_243 {
      %dma_wait3A_339 = arith.constant 1 : i32
      %dma_wait3A_340 = arith.constant 0 : i32
      %dma_wait3A_341 = tpu.memref_slice %arg5[%dma_wait3A_339, %dma_wait3A_340] : memref<2x512xi32, #tpu.memory_space<vmem>> -> memref<1x512xi32, #tpu.memory_space<vmem>>
      %dma_wait3A_342 = tpu.memref_squeeze %dma_wait3A_341 : memref<1x512xi32, #tpu.memory_space<vmem>> -> memref<512xi32, #tpu.memory_space<vmem>>
      %dma_wait3A_343 = arith.constant 0 : i32
      %dma_wait3A_344 = arith.constant 0 : i32
      %dma_wait3A_345 = tpu.memref_slice %arg11[%dma_wait3A_343, %dma_wait3A_344] : memref<10000x16xf32, #tpu.memory_space<vmem_shared>> -> memref<10000x16xf32, #tpu.memory_space<vmem_shared>>
      tpu.wait_indirect_dma semaphore(%arg15 : memref<!tpu.dma_semaphore, #tpu.memory_space<semaphore_mem>>) src(%arg10 : memref<512x16xf32, #tpu.memory_space<vmem>>) dst(%dma_wait3A_345 : memref<10000x16xf32, #tpu.memory_space<vmem_shared>>)
    } else {
    }
    %gt3A_244 = arith.constant 18 : i32
    %gt3A_245 = arith.cmpi sgt, %add3A_4, %gt3A_244 : i32
    %convert_element_type3A_246 = arith.extui %gt3A_245 : i1 to i32
    %cond3A_247 = arith.constant 0 : i32
    %cond3A_248 = arith.cmpi ne, %convert_element_type3A_246, %cond3A_247 : i32
    scf.if %cond3A_248 {
      %add3A_339 = arith.constant 576 : i32
      %add3A_340 = arith.addi %add3A, %add3A_339 : i32
      %dma_start3A_341 = arith.constant 0 : i32
      %dma_start3A_342 = arith.constant 0 : i32
      %dma_start3A_343 = tpu.memref_slice %arg3[%add3A_340, %dma_start3A_341, %dma_start3A_342] : memref<625x2x512xi32, #tpu.memory_space<hbm>> -> memref<1x2x512xi32, #tpu.memory_space<hbm>>
      %dma_start3A_344 = tpu.memref_squeeze %dma_start3A_343 : memref<1x2x512xi32, #tpu.memory_space<hbm>> -> memref<2x512xi32, #tpu.memory_space<hbm>>
      %dma_start3A_345 = arith.constant 0 : i32
      %dma_start3A_346 = arith.constant 0 : i32
      %dma_start3A_347 = tpu.memref_slice %arg3[%add3A_340, %dma_start3A_345, %dma_start3A_346] : memref<625x2x512xi32, #tpu.memory_space<hbm>> -> memref<1x2x512xi32, #tpu.memory_space<hbm>>
      %dma_start3A_348 = tpu.memref_squeeze %dma_start3A_347 : memref<1x2x512xi32, #tpu.memory_space<hbm>> -> memref<2x512xi32, #tpu.memory_space<hbm>>
      tpu.enqueue_dma source(%dma_start3A_348 : memref<2x512xi32, #tpu.memory_space<hbm>>) target(%arg7 : memref<2x512xi32, #tpu.memory_space<vmem>>) target_semaphore(%arg18 : memref<!tpu.dma_semaphore, #tpu.memory_space<semaphore_mem>>)
    } else {
    }
    %gt3A_249 = arith.constant 17 : i32
    %gt3A_250 = arith.cmpi sgt, %add3A_4, %gt3A_249 : i32
    %convert_element_type3A_251 = arith.extui %gt3A_250 : i1 to i32
    %cond3A_252 = arith.constant 0 : i32
    %cond3A_253 = arith.cmpi ne, %convert_element_type3A_251, %cond3A_252 : i32
    scf.if %cond3A_253 {
      %dma_wait3A_339 = arith.constant 0 : i32
      %dma_wait3A_340 = arith.constant 0 : i32
      %dma_wait3A_341 = arith.constant 0 : i32
      %dma_wait3A_342 = tpu.memref_slice %arg3[%dma_wait3A_339, %dma_wait3A_340, %dma_wait3A_341] : memref<625x2x512xi32, #tpu.memory_space<hbm>> -> memref<1x2x512xi32, #tpu.memory_space<hbm>>
      %dma_wait3A_343 = tpu.memref_squeeze %dma_wait3A_342 : memref<1x2x512xi32, #tpu.memory_space<hbm>> -> memref<2x512xi32, #tpu.memory_space<hbm>>
      %dma_wait3A_344 = arith.constant 0 : i32
      %dma_wait3A_345 = arith.constant 0 : i32
      %dma_wait3A_346 = tpu.memref_slice %arg3[%dma_wait3A_339, %dma_wait3A_344, %dma_wait3A_345] : memref<625x2x512xi32, #tpu.memory_space<hbm>> -> memref<1x2x512xi32, #tpu.memory_space<hbm>>
      %dma_wait3A_347 = tpu.memref_squeeze %dma_wait3A_346 : memref<1x2x512xi32, #tpu.memory_space<hbm>> -> memref<2x512xi32, #tpu.memory_space<hbm>>
      tpu.wait_dma2 semaphore(%arg17 : memref<!tpu.dma_semaphore, #tpu.memory_space<semaphore_mem>>) src(%dma_wait3A_347 : memref<2x512xi32, #tpu.memory_space<hbm>>) dst(%arg6 : memref<2x512xi32, #tpu.memory_space<vmem>>)
      %dma_start3A_348 = arith.constant 0 : i32
      %dma_start3A_349 = arith.constant 0 : i32
      %dma_start3A_350 = tpu.memref_slice %arg6[%dma_start3A_348, %dma_start3A_349] : memref<2x512xi32, #tpu.memory_space<vmem>> -> memref<1x512xi32, #tpu.memory_space<vmem>>
      %dma_start3A_351 = tpu.memref_squeeze %dma_start3A_350 : memref<1x512xi32, #tpu.memory_space<vmem>> -> memref<512xi32, #tpu.memory_space<vmem>>
      %dma_start3A_352 = arith.constant 0 : i32
      %dma_start3A_353 = arith.constant 0 : i32
      %dma_start3A_354 = tpu.memref_slice %arg2[%dma_start3A_352, %dma_start3A_353] : memref<10000x16xf32, #tpu.memory_space<hbm>> -> memref<10000x16xf32, #tpu.memory_space<hbm>>
      tpu.enqueue_indirect_dma source(%dma_start3A_354 : memref<10000x16xf32, #tpu.memory_space<hbm>>) target(%arg10 : memref<512x16xf32, #tpu.memory_space<vmem>>) offsets(%dma_start3A_351 : memref<512xi32, #tpu.memory_space<vmem>>) semaphore(%arg13 : memref<!tpu.dma_semaphore, #tpu.memory_space<semaphore_mem>>)
    } else {
    }
    %gt3A_254 = arith.constant 17 : i32
    %gt3A_255 = arith.cmpi sgt, %add3A_4, %gt3A_254 : i32
    %convert_element_type3A_256 = arith.extui %gt3A_255 : i1 to i32
    %cond3A_257 = arith.constant 0 : i32
    %cond3A_258 = arith.cmpi ne, %convert_element_type3A_256, %cond3A_257 : i32
    scf.if %cond3A_258 {
      %dma_wait3A_339 = arith.constant 0 : i32
      %dma_wait3A_340 = arith.constant 0 : i32
      %dma_wait3A_341 = tpu.memref_slice %arg5[%dma_wait3A_339, %dma_wait3A_340] : memref<2x512xi32, #tpu.memory_space<vmem>> -> memref<1x512xi32, #tpu.memory_space<vmem>>
      %dma_wait3A_342 = tpu.memref_squeeze %dma_wait3A_341 : memref<1x512xi32, #tpu.memory_space<vmem>> -> memref<512xi32, #tpu.memory_space<vmem>>
      %dma_wait3A_343 = arith.constant 0 : i32
      %dma_wait3A_344 = arith.constant 0 : i32
      %dma_wait3A_345 = tpu.memref_slice %arg2[%dma_wait3A_343, %dma_wait3A_344] : memref<10000x16xf32, #tpu.memory_space<hbm>> -> memref<10000x16xf32, #tpu.memory_space<hbm>>
      tpu.wait_indirect_dma semaphore(%arg13 : memref<!tpu.dma_semaphore, #tpu.memory_space<semaphore_mem>>) src(%dma_wait3A_345 : memref<10000x16xf32, #tpu.memory_space<hbm>>) dst(%arg10 : memref<512x16xf32, #tpu.memory_space<vmem>>)
      %dma_start3A_346 = arith.constant 1 : i32
      %dma_start3A_347 = arith.constant 0 : i32
      %dma_start3A_348 = tpu.memref_slice %arg6[%dma_start3A_346, %dma_start3A_347] : memref<2x512xi32, #tpu.memory_space<vmem>> -> memref<1x512xi32, #tpu.memory_space<vmem>>
      %dma_start3A_349 = tpu.memref_squeeze %dma_start3A_348 : memref<1x512xi32, #tpu.memory_space<vmem>> -> memref<512xi32, #tpu.memory_space<vmem>>
      %dma_start3A_350 = arith.constant 0 : i32
      %dma_start3A_351 = arith.constant 0 : i32
      %dma_start3A_352 = tpu.memref_slice %arg11[%dma_start3A_350, %dma_start3A_351] : memref<10000x16xf32, #tpu.memory_space<vmem_shared>> -> memref<10000x16xf32, #tpu.memory_space<vmem_shared>>
      tpu.enqueue_indirect_dma source(%arg10 : memref<512x16xf32, #tpu.memory_space<vmem>>) target(%dma_start3A_352 : memref<10000x16xf32, #tpu.memory_space<vmem_shared>>) offsets(%dma_start3A_349 : memref<512xi32, #tpu.memory_space<vmem>>) semaphore(%arg15 : memref<!tpu.dma_semaphore, #tpu.memory_space<semaphore_mem>>) {add = true}
    } else {
    }
    %gt3A_259 = arith.constant 16 : i32
    %gt3A_260 = arith.cmpi sgt, %add3A_4, %gt3A_259 : i32
    %convert_element_type3A_261 = arith.extui %gt3A_260 : i1 to i32
    %cond3A_262 = arith.constant 0 : i32
    %cond3A_263 = arith.cmpi ne, %convert_element_type3A_261, %cond3A_262 : i32
    scf.if %cond3A_263 {
      %dma_wait3A_339 = arith.constant 1 : i32
      %dma_wait3A_340 = arith.constant 0 : i32
      %dma_wait3A_341 = tpu.memref_slice %arg5[%dma_wait3A_339, %dma_wait3A_340] : memref<2x512xi32, #tpu.memory_space<vmem>> -> memref<1x512xi32, #tpu.memory_space<vmem>>
      %dma_wait3A_342 = tpu.memref_squeeze %dma_wait3A_341 : memref<1x512xi32, #tpu.memory_space<vmem>> -> memref<512xi32, #tpu.memory_space<vmem>>
      %dma_wait3A_343 = arith.constant 0 : i32
      %dma_wait3A_344 = arith.constant 0 : i32
      %dma_wait3A_345 = tpu.memref_slice %arg11[%dma_wait3A_343, %dma_wait3A_344] : memref<10000x16xf32, #tpu.memory_space<vmem_shared>> -> memref<10000x16xf32, #tpu.memory_space<vmem_shared>>
      tpu.wait_indirect_dma semaphore(%arg14 : memref<!tpu.dma_semaphore, #tpu.memory_space<semaphore_mem>>) src(%arg9 : memref<512x16xf32, #tpu.memory_space<vmem>>) dst(%dma_wait3A_345 : memref<10000x16xf32, #tpu.memory_space<vmem_shared>>)
    } else {
    }
    %gt3A_264 = arith.constant 19 : i32
    %gt3A_265 = arith.cmpi sgt, %add3A_4, %gt3A_264 : i32
    %convert_element_type3A_266 = arith.extui %gt3A_265 : i1 to i32
    %cond3A_267 = arith.constant 0 : i32
    %cond3A_268 = arith.cmpi ne, %convert_element_type3A_266, %cond3A_267 : i32
    scf.if %cond3A_268 {
      %add3A_339 = arith.constant 608 : i32
      %add3A_340 = arith.addi %add3A, %add3A_339 : i32
      %dma_start3A_341 = arith.constant 0 : i32
      %dma_start3A_342 = arith.constant 0 : i32
      %dma_start3A_343 = tpu.memref_slice %arg3[%add3A_340, %dma_start3A_341, %dma_start3A_342] : memref<625x2x512xi32, #tpu.memory_space<hbm>> -> memref<1x2x512xi32, #tpu.memory_space<hbm>>
      %dma_start3A_344 = tpu.memref_squeeze %dma_start3A_343 : memref<1x2x512xi32, #tpu.memory_space<hbm>> -> memref<2x512xi32, #tpu.memory_space<hbm>>
      %dma_start3A_345 = arith.constant 0 : i32
      %dma_start3A_346 = arith.constant 0 : i32
      %dma_start3A_347 = tpu.memref_slice %arg3[%add3A_340, %dma_start3A_345, %dma_start3A_346] : memref<625x2x512xi32, #tpu.memory_space<hbm>> -> memref<1x2x512xi32, #tpu.memory_space<hbm>>
      %dma_start3A_348 = tpu.memref_squeeze %dma_start3A_347 : memref<1x2x512xi32, #tpu.memory_space<hbm>> -> memref<2x512xi32, #tpu.memory_space<hbm>>
      tpu.enqueue_dma source(%dma_start3A_348 : memref<2x512xi32, #tpu.memory_space<hbm>>) target(%arg8 : memref<2x512xi32, #tpu.memory_space<vmem>>) target_semaphore(%arg19 : memref<!tpu.dma_semaphore, #tpu.memory_space<semaphore_mem>>)
    } else {
    }
    %gt3A_269 = arith.constant 18 : i32
    %gt3A_270 = arith.cmpi sgt, %add3A_4, %gt3A_269 : i32
    %convert_element_type3A_271 = arith.extui %gt3A_270 : i1 to i32
    %cond3A_272 = arith.constant 0 : i32
    %cond3A_273 = arith.cmpi ne, %convert_element_type3A_271, %cond3A_272 : i32
    scf.if %cond3A_273 {
      %dma_wait3A_339 = arith.constant 0 : i32
      %dma_wait3A_340 = arith.constant 0 : i32
      %dma_wait3A_341 = arith.constant 0 : i32
      %dma_wait3A_342 = tpu.memref_slice %arg3[%dma_wait3A_339, %dma_wait3A_340, %dma_wait3A_341] : memref<625x2x512xi32, #tpu.memory_space<hbm>> -> memref<1x2x512xi32, #tpu.memory_space<hbm>>
      %dma_wait3A_343 = tpu.memref_squeeze %dma_wait3A_342 : memref<1x2x512xi32, #tpu.memory_space<hbm>> -> memref<2x512xi32, #tpu.memory_space<hbm>>
      %dma_wait3A_344 = arith.constant 0 : i32
      %dma_wait3A_345 = arith.constant 0 : i32
      %dma_wait3A_346 = tpu.memref_slice %arg3[%dma_wait3A_339, %dma_wait3A_344, %dma_wait3A_345] : memref<625x2x512xi32, #tpu.memory_space<hbm>> -> memref<1x2x512xi32, #tpu.memory_space<hbm>>
      %dma_wait3A_347 = tpu.memref_squeeze %dma_wait3A_346 : memref<1x2x512xi32, #tpu.memory_space<hbm>> -> memref<2x512xi32, #tpu.memory_space<hbm>>
      tpu.wait_dma2 semaphore(%arg18 : memref<!tpu.dma_semaphore, #tpu.memory_space<semaphore_mem>>) src(%dma_wait3A_347 : memref<2x512xi32, #tpu.memory_space<hbm>>) dst(%arg7 : memref<2x512xi32, #tpu.memory_space<vmem>>)
      %dma_start3A_348 = arith.constant 0 : i32
      %dma_start3A_349 = arith.constant 0 : i32
      %dma_start3A_350 = tpu.memref_slice %arg7[%dma_start3A_348, %dma_start3A_349] : memref<2x512xi32, #tpu.memory_space<vmem>> -> memref<1x512xi32, #tpu.memory_space<vmem>>
      %dma_start3A_351 = tpu.memref_squeeze %dma_start3A_350 : memref<1x512xi32, #tpu.memory_space<vmem>> -> memref<512xi32, #tpu.memory_space<vmem>>
      %dma_start3A_352 = arith.constant 0 : i32
      %dma_start3A_353 = arith.constant 0 : i32
      %dma_start3A_354 = tpu.memref_slice %arg2[%dma_start3A_352, %dma_start3A_353] : memref<10000x16xf32, #tpu.memory_space<hbm>> -> memref<10000x16xf32, #tpu.memory_space<hbm>>
      tpu.enqueue_indirect_dma source(%dma_start3A_354 : memref<10000x16xf32, #tpu.memory_space<hbm>>) target(%arg9 : memref<512x16xf32, #tpu.memory_space<vmem>>) offsets(%dma_start3A_351 : memref<512xi32, #tpu.memory_space<vmem>>) semaphore(%arg12 : memref<!tpu.dma_semaphore, #tpu.memory_space<semaphore_mem>>)
    } else {
    }
    %gt3A_274 = arith.constant 18 : i32
    %gt3A_275 = arith.cmpi sgt, %add3A_4, %gt3A_274 : i32
    %convert_element_type3A_276 = arith.extui %gt3A_275 : i1 to i32
    %cond3A_277 = arith.constant 0 : i32
    %cond3A_278 = arith.cmpi ne, %convert_element_type3A_276, %cond3A_277 : i32
    scf.if %cond3A_278 {
      %dma_wait3A_339 = arith.constant 0 : i32
      %dma_wait3A_340 = arith.constant 0 : i32
      %dma_wait3A_341 = tpu.memref_slice %arg5[%dma_wait3A_339, %dma_wait3A_340] : memref<2x512xi32, #tpu.memory_space<vmem>> -> memref<1x512xi32, #tpu.memory_space<vmem>>
      %dma_wait3A_342 = tpu.memref_squeeze %dma_wait3A_341 : memref<1x512xi32, #tpu.memory_space<vmem>> -> memref<512xi32, #tpu.memory_space<vmem>>
      %dma_wait3A_343 = arith.constant 0 : i32
      %dma_wait3A_344 = arith.constant 0 : i32
      %dma_wait3A_345 = tpu.memref_slice %arg2[%dma_wait3A_343, %dma_wait3A_344] : memref<10000x16xf32, #tpu.memory_space<hbm>> -> memref<10000x16xf32, #tpu.memory_space<hbm>>
      tpu.wait_indirect_dma semaphore(%arg12 : memref<!tpu.dma_semaphore, #tpu.memory_space<semaphore_mem>>) src(%dma_wait3A_345 : memref<10000x16xf32, #tpu.memory_space<hbm>>) dst(%arg9 : memref<512x16xf32, #tpu.memory_space<vmem>>)
      %dma_start3A_346 = arith.constant 1 : i32
      %dma_start3A_347 = arith.constant 0 : i32
      %dma_start3A_348 = tpu.memref_slice %arg7[%dma_start3A_346, %dma_start3A_347] : memref<2x512xi32, #tpu.memory_space<vmem>> -> memref<1x512xi32, #tpu.memory_space<vmem>>
      %dma_start3A_349 = tpu.memref_squeeze %dma_start3A_348 : memref<1x512xi32, #tpu.memory_space<vmem>> -> memref<512xi32, #tpu.memory_space<vmem>>
      %dma_start3A_350 = arith.constant 0 : i32
      %dma_start3A_351 = arith.constant 0 : i32
      %dma_start3A_352 = tpu.memref_slice %arg11[%dma_start3A_350, %dma_start3A_351] : memref<10000x16xf32, #tpu.memory_space<vmem_shared>> -> memref<10000x16xf32, #tpu.memory_space<vmem_shared>>
      tpu.enqueue_indirect_dma source(%arg9 : memref<512x16xf32, #tpu.memory_space<vmem>>) target(%dma_start3A_352 : memref<10000x16xf32, #tpu.memory_space<vmem_shared>>) offsets(%dma_start3A_349 : memref<512xi32, #tpu.memory_space<vmem>>) semaphore(%arg14 : memref<!tpu.dma_semaphore, #tpu.memory_space<semaphore_mem>>) {add = true}
    } else {
    }
    %gt3A_279 = arith.constant 17 : i32
    %gt3A_280 = arith.cmpi sgt, %add3A_4, %gt3A_279 : i32
    %convert_element_type3A_281 = arith.extui %gt3A_280 : i1 to i32
    %cond3A_282 = arith.constant 0 : i32
    %cond3A_283 = arith.cmpi ne, %convert_element_type3A_281, %cond3A_282 : i32
    scf.if %cond3A_283 {
      %dma_wait3A_339 = arith.constant 1 : i32
      %dma_wait3A_340 = arith.constant 0 : i32
      %dma_wait3A_341 = tpu.memref_slice %arg5[%dma_wait3A_339, %dma_wait3A_340] : memref<2x512xi32, #tpu.memory_space<vmem>> -> memref<1x512xi32, #tpu.memory_space<vmem>>
      %dma_wait3A_342 = tpu.memref_squeeze %dma_wait3A_341 : memref<1x512xi32, #tpu.memory_space<vmem>> -> memref<512xi32, #tpu.memory_space<vmem>>
      %dma_wait3A_343 = arith.constant 0 : i32
      %dma_wait3A_344 = arith.constant 0 : i32
      %dma_wait3A_345 = tpu.memref_slice %arg11[%dma_wait3A_343, %dma_wait3A_344] : memref<10000x16xf32, #tpu.memory_space<vmem_shared>> -> memref<10000x16xf32, #tpu.memory_space<vmem_shared>>
      tpu.wait_indirect_dma semaphore(%arg15 : memref<!tpu.dma_semaphore, #tpu.memory_space<semaphore_mem>>) src(%arg10 : memref<512x16xf32, #tpu.memory_space<vmem>>) dst(%dma_wait3A_345 : memref<10000x16xf32, #tpu.memory_space<vmem_shared>>)
    } else {
    }
    %gt3A_284 = arith.constant 20 : i32
    %gt3A_285 = arith.cmpi sgt, %add3A_4, %gt3A_284 : i32
    %convert_element_type3A_286 = arith.extui %gt3A_285 : i1 to i32
    %cond3A_287 = arith.constant 0 : i32
    %cond3A_288 = arith.cmpi ne, %convert_element_type3A_286, %cond3A_287 : i32
    scf.if %cond3A_288 {
      %add3A_339 = arith.constant 640 : i32
      %add3A_340 = arith.addi %add3A, %add3A_339 : i32
      %dma_start3A_341 = arith.constant 0 : i32
      %dma_start3A_342 = arith.constant 0 : i32
      %dma_start3A_343 = tpu.memref_slice %arg3[%add3A_340, %dma_start3A_341, %dma_start3A_342] : memref<625x2x512xi32, #tpu.memory_space<hbm>> -> memref<1x2x512xi32, #tpu.memory_space<hbm>>
      %dma_start3A_344 = tpu.memref_squeeze %dma_start3A_343 : memref<1x2x512xi32, #tpu.memory_space<hbm>> -> memref<2x512xi32, #tpu.memory_space<hbm>>
      %dma_start3A_345 = arith.constant 0 : i32
      %dma_start3A_346 = arith.constant 0 : i32
      %dma_start3A_347 = tpu.memref_slice %arg3[%add3A_340, %dma_start3A_345, %dma_start3A_346] : memref<625x2x512xi32, #tpu.memory_space<hbm>> -> memref<1x2x512xi32, #tpu.memory_space<hbm>>
      %dma_start3A_348 = tpu.memref_squeeze %dma_start3A_347 : memref<1x2x512xi32, #tpu.memory_space<hbm>> -> memref<2x512xi32, #tpu.memory_space<hbm>>
      tpu.enqueue_dma source(%dma_start3A_348 : memref<2x512xi32, #tpu.memory_space<hbm>>) target(%arg5 : memref<2x512xi32, #tpu.memory_space<vmem>>) target_semaphore(%arg16 : memref<!tpu.dma_semaphore, #tpu.memory_space<semaphore_mem>>)
    } else {
    }
    %gt3A_289 = arith.constant 19 : i32
    %gt3A_290 = arith.cmpi sgt, %add3A_4, %gt3A_289 : i32
    %convert_element_type3A_291 = arith.extui %gt3A_290 : i1 to i32
    %cond3A_292 = arith.constant 0 : i32
    %cond3A_293 = arith.cmpi ne, %convert_element_type3A_291, %cond3A_292 : i32
    scf.if %cond3A_293 {
      %dma_wait3A_339 = arith.constant 0 : i32
      %dma_wait3A_340 = arith.constant 0 : i32
      %dma_wait3A_341 = arith.constant 0 : i32
      %dma_wait3A_342 = tpu.memref_slice %arg3[%dma_wait3A_339, %dma_wait3A_340, %dma_wait3A_341] : memref<625x2x512xi32, #tpu.memory_space<hbm>> -> memref<1x2x512xi32, #tpu.memory_space<hbm>>
      %dma_wait3A_343 = tpu.memref_squeeze %dma_wait3A_342 : memref<1x2x512xi32, #tpu.memory_space<hbm>> -> memref<2x512xi32, #tpu.memory_space<hbm>>
      %dma_wait3A_344 = arith.constant 0 : i32
      %dma_wait3A_345 = arith.constant 0 : i32
      %dma_wait3A_346 = tpu.memref_slice %arg3[%dma_wait3A_339, %dma_wait3A_344, %dma_wait3A_345] : memref<625x2x512xi32, #tpu.memory_space<hbm>> -> memref<1x2x512xi32, #tpu.memory_space<hbm>>
      %dma_wait3A_347 = tpu.memref_squeeze %dma_wait3A_346 : memref<1x2x512xi32, #tpu.memory_space<hbm>> -> memref<2x512xi32, #tpu.memory_space<hbm>>
      tpu.wait_dma2 semaphore(%arg19 : memref<!tpu.dma_semaphore, #tpu.memory_space<semaphore_mem>>) src(%dma_wait3A_347 : memref<2x512xi32, #tpu.memory_space<hbm>>) dst(%arg8 : memref<2x512xi32, #tpu.memory_space<vmem>>)
      %dma_start3A_348 = arith.constant 0 : i32
      %dma_start3A_349 = arith.constant 0 : i32
      %dma_start3A_350 = tpu.memref_slice %arg8[%dma_start3A_348, %dma_start3A_349] : memref<2x512xi32, #tpu.memory_space<vmem>> -> memref<1x512xi32, #tpu.memory_space<vmem>>
      %dma_start3A_351 = tpu.memref_squeeze %dma_start3A_350 : memref<1x512xi32, #tpu.memory_space<vmem>> -> memref<512xi32, #tpu.memory_space<vmem>>
      %dma_start3A_352 = arith.constant 0 : i32
      %dma_start3A_353 = arith.constant 0 : i32
      %dma_start3A_354 = tpu.memref_slice %arg2[%dma_start3A_352, %dma_start3A_353] : memref<10000x16xf32, #tpu.memory_space<hbm>> -> memref<10000x16xf32, #tpu.memory_space<hbm>>
      tpu.enqueue_indirect_dma source(%dma_start3A_354 : memref<10000x16xf32, #tpu.memory_space<hbm>>) target(%arg10 : memref<512x16xf32, #tpu.memory_space<vmem>>) offsets(%dma_start3A_351 : memref<512xi32, #tpu.memory_space<vmem>>) semaphore(%arg13 : memref<!tpu.dma_semaphore, #tpu.memory_space<semaphore_mem>>)
    } else {
    }
    %gt3A_294 = arith.constant 19 : i32
    %gt3A_295 = arith.cmpi sgt, %add3A_4, %gt3A_294 : i32
    %convert_element_type3A_296 = arith.extui %gt3A_295 : i1 to i32
    %cond3A_297 = arith.constant 0 : i32
    %cond3A_298 = arith.cmpi ne, %convert_element_type3A_296, %cond3A_297 : i32
    scf.if %cond3A_298 {
      %dma_wait3A_339 = arith.constant 0 : i32
      %dma_wait3A_340 = arith.constant 0 : i32
      %dma_wait3A_341 = tpu.memref_slice %arg5[%dma_wait3A_339, %dma_wait3A_340] : memref<2x512xi32, #tpu.memory_space<vmem>> -> memref<1x512xi32, #tpu.memory_space<vmem>>
      %dma_wait3A_342 = tpu.memref_squeeze %dma_wait3A_341 : memref<1x512xi32, #tpu.memory_space<vmem>> -> memref<512xi32, #tpu.memory_space<vmem>>
      %dma_wait3A_343 = arith.constant 0 : i32
      %dma_wait3A_344 = arith.constant 0 : i32
      %dma_wait3A_345 = tpu.memref_slice %arg2[%dma_wait3A_343, %dma_wait3A_344] : memref<10000x16xf32, #tpu.memory_space<hbm>> -> memref<10000x16xf32, #tpu.memory_space<hbm>>
      tpu.wait_indirect_dma semaphore(%arg13 : memref<!tpu.dma_semaphore, #tpu.memory_space<semaphore_mem>>) src(%dma_wait3A_345 : memref<10000x16xf32, #tpu.memory_space<hbm>>) dst(%arg10 : memref<512x16xf32, #tpu.memory_space<vmem>>)
      %dma_start3A_346 = arith.constant 1 : i32
      %dma_start3A_347 = arith.constant 0 : i32
      %dma_start3A_348 = tpu.memref_slice %arg8[%dma_start3A_346, %dma_start3A_347] : memref<2x512xi32, #tpu.memory_space<vmem>> -> memref<1x512xi32, #tpu.memory_space<vmem>>
      %dma_start3A_349 = tpu.memref_squeeze %dma_start3A_348 : memref<1x512xi32, #tpu.memory_space<vmem>> -> memref<512xi32, #tpu.memory_space<vmem>>
      %dma_start3A_350 = arith.constant 0 : i32
      %dma_start3A_351 = arith.constant 0 : i32
      %dma_start3A_352 = tpu.memref_slice %arg11[%dma_start3A_350, %dma_start3A_351] : memref<10000x16xf32, #tpu.memory_space<vmem_shared>> -> memref<10000x16xf32, #tpu.memory_space<vmem_shared>>
      tpu.enqueue_indirect_dma source(%arg10 : memref<512x16xf32, #tpu.memory_space<vmem>>) target(%dma_start3A_352 : memref<10000x16xf32, #tpu.memory_space<vmem_shared>>) offsets(%dma_start3A_349 : memref<512xi32, #tpu.memory_space<vmem>>) semaphore(%arg15 : memref<!tpu.dma_semaphore, #tpu.memory_space<semaphore_mem>>) {add = true}
    } else {
    }
    %gt3A_299 = arith.constant 18 : i32
    %gt3A_300 = arith.cmpi sgt, %add3A_4, %gt3A_299 : i32
    %convert_element_type3A_301 = arith.extui %gt3A_300 : i1 to i32
    %cond3A_302 = arith.constant 0 : i32
    %cond3A_303 = arith.cmpi ne, %convert_element_type3A_301, %cond3A_302 : i32
    scf.if %cond3A_303 {
      %dma_wait3A_339 = arith.constant 1 : i32
      %dma_wait3A_340 = arith.constant 0 : i32
      %dma_wait3A_341 = tpu.memref_slice %arg5[%dma_wait3A_339, %dma_wait3A_340] : memref<2x512xi32, #tpu.memory_space<vmem>> -> memref<1x512xi32, #tpu.memory_space<vmem>>
      %dma_wait3A_342 = tpu.memref_squeeze %dma_wait3A_341 : memref<1x512xi32, #tpu.memory_space<vmem>> -> memref<512xi32, #tpu.memory_space<vmem>>
      %dma_wait3A_343 = arith.constant 0 : i32
      %dma_wait3A_344 = arith.constant 0 : i32
      %dma_wait3A_345 = tpu.memref_slice %arg11[%dma_wait3A_343, %dma_wait3A_344] : memref<10000x16xf32, #tpu.memory_space<vmem_shared>> -> memref<10000x16xf32, #tpu.memory_space<vmem_shared>>
      tpu.wait_indirect_dma semaphore(%arg14 : memref<!tpu.dma_semaphore, #tpu.memory_space<semaphore_mem>>) src(%arg9 : memref<512x16xf32, #tpu.memory_space<vmem>>) dst(%dma_wait3A_345 : memref<10000x16xf32, #tpu.memory_space<vmem_shared>>)
    } else {
    }
    %gt3A_304 = arith.constant 21 : i32
    %gt3A_305 = arith.cmpi sgt, %add3A_4, %gt3A_304 : i32
    %convert_element_type3A_306 = arith.extui %gt3A_305 : i1 to i32
    %cond3A_307 = arith.constant 0 : i32
    %cond3A_308 = arith.cmpi ne, %convert_element_type3A_306, %cond3A_307 : i32
    scf.if %cond3A_308 {
      %add3A_339 = arith.constant 672 : i32
      %add3A_340 = arith.addi %add3A, %add3A_339 : i32
      %dma_start3A_341 = arith.constant 0 : i32
      %dma_start3A_342 = arith.constant 0 : i32
      %dma_start3A_343 = tpu.memref_slice %arg3[%add3A_340, %dma_start3A_341, %dma_start3A_342] : memref<625x2x512xi32, #tpu.memory_space<hbm>> -> memref<1x2x512xi32, #tpu.memory_space<hbm>>
      %dma_start3A_344 = tpu.memref_squeeze %dma_start3A_343 : memref<1x2x512xi32, #tpu.memory_space<hbm>> -> memref<2x512xi32, #tpu.memory_space<hbm>>
      %dma_start3A_345 = arith.constant 0 : i32
      %dma_start3A_346 = arith.constant 0 : i32
      %dma_start3A_347 = tpu.memref_slice %arg3[%add3A_340, %dma_start3A_345, %dma_start3A_346] : memref<625x2x512xi32, #tpu.memory_space<hbm>> -> memref<1x2x512xi32, #tpu.memory_space<hbm>>
      %dma_start3A_348 = tpu.memref_squeeze %dma_start3A_347 : memref<1x2x512xi32, #tpu.memory_space<hbm>> -> memref<2x512xi32, #tpu.memory_space<hbm>>
      tpu.enqueue_dma source(%dma_start3A_348 : memref<2x512xi32, #tpu.memory_space<hbm>>) target(%arg6 : memref<2x512xi32, #tpu.memory_space<vmem>>) target_semaphore(%arg17 : memref<!tpu.dma_semaphore, #tpu.memory_space<semaphore_mem>>)
    } else {
    }
    %gt3A_309 = arith.constant 20 : i32
    %gt3A_310 = arith.cmpi sgt, %add3A_4, %gt3A_309 : i32
    %convert_element_type3A_311 = arith.extui %gt3A_310 : i1 to i32
    %cond3A_312 = arith.constant 0 : i32
    %cond3A_313 = arith.cmpi ne, %convert_element_type3A_311, %cond3A_312 : i32
    scf.if %cond3A_313 {
      %dma_wait3A_339 = arith.constant 0 : i32
      %dma_wait3A_340 = arith.constant 0 : i32
      %dma_wait3A_341 = arith.constant 0 : i32
      %dma_wait3A_342 = tpu.memref_slice %arg3[%dma_wait3A_339, %dma_wait3A_340, %dma_wait3A_341] : memref<625x2x512xi32, #tpu.memory_space<hbm>> -> memref<1x2x512xi32, #tpu.memory_space<hbm>>
      %dma_wait3A_343 = tpu.memref_squeeze %dma_wait3A_342 : memref<1x2x512xi32, #tpu.memory_space<hbm>> -> memref<2x512xi32, #tpu.memory_space<hbm>>
      %dma_wait3A_344 = arith.constant 0 : i32
      %dma_wait3A_345 = arith.constant 0 : i32
      %dma_wait3A_346 = tpu.memref_slice %arg3[%dma_wait3A_339, %dma_wait3A_344, %dma_wait3A_345] : memref<625x2x512xi32, #tpu.memory_space<hbm>> -> memref<1x2x512xi32, #tpu.memory_space<hbm>>
      %dma_wait3A_347 = tpu.memref_squeeze %dma_wait3A_346 : memref<1x2x512xi32, #tpu.memory_space<hbm>> -> memref<2x512xi32, #tpu.memory_space<hbm>>
      tpu.wait_dma2 semaphore(%arg16 : memref<!tpu.dma_semaphore, #tpu.memory_space<semaphore_mem>>) src(%dma_wait3A_347 : memref<2x512xi32, #tpu.memory_space<hbm>>) dst(%arg5 : memref<2x512xi32, #tpu.memory_space<vmem>>)
      %dma_start3A_348 = arith.constant 0 : i32
      %dma_start3A_349 = arith.constant 0 : i32
      %dma_start3A_350 = tpu.memref_slice %arg5[%dma_start3A_348, %dma_start3A_349] : memref<2x512xi32, #tpu.memory_space<vmem>> -> memref<1x512xi32, #tpu.memory_space<vmem>>
      %dma_start3A_351 = tpu.memref_squeeze %dma_start3A_350 : memref<1x512xi32, #tpu.memory_space<vmem>> -> memref<512xi32, #tpu.memory_space<vmem>>
      %dma_start3A_352 = arith.constant 0 : i32
      %dma_start3A_353 = arith.constant 0 : i32
      %dma_start3A_354 = tpu.memref_slice %arg2[%dma_start3A_352, %dma_start3A_353] : memref<10000x16xf32, #tpu.memory_space<hbm>> -> memref<10000x16xf32, #tpu.memory_space<hbm>>
      tpu.enqueue_indirect_dma source(%dma_start3A_354 : memref<10000x16xf32, #tpu.memory_space<hbm>>) target(%arg9 : memref<512x16xf32, #tpu.memory_space<vmem>>) offsets(%dma_start3A_351 : memref<512xi32, #tpu.memory_space<vmem>>) semaphore(%arg12 : memref<!tpu.dma_semaphore, #tpu.memory_space<semaphore_mem>>)
    } else {
    }
    %gt3A_314 = arith.constant 20 : i32
    %gt3A_315 = arith.cmpi sgt, %add3A_4, %gt3A_314 : i32
    %convert_element_type3A_316 = arith.extui %gt3A_315 : i1 to i32
    %cond3A_317 = arith.constant 0 : i32
    %cond3A_318 = arith.cmpi ne, %convert_element_type3A_316, %cond3A_317 : i32
    scf.if %cond3A_318 {
      %dma_wait3A_339 = arith.constant 0 : i32
      %dma_wait3A_340 = arith.constant 0 : i32
      %dma_wait3A_341 = tpu.memref_slice %arg5[%dma_wait3A_339, %dma_wait3A_340] : memref<2x512xi32, #tpu.memory_space<vmem>> -> memref<1x512xi32, #tpu.memory_space<vmem>>
      %dma_wait3A_342 = tpu.memref_squeeze %dma_wait3A_341 : memref<1x512xi32, #tpu.memory_space<vmem>> -> memref<512xi32, #tpu.memory_space<vmem>>
      %dma_wait3A_343 = arith.constant 0 : i32
      %dma_wait3A_344 = arith.constant 0 : i32
      %dma_wait3A_345 = tpu.memref_slice %arg2[%dma_wait3A_343, %dma_wait3A_344] : memref<10000x16xf32, #tpu.memory_space<hbm>> -> memref<10000x16xf32, #tpu.memory_space<hbm>>
      tpu.wait_indirect_dma semaphore(%arg12 : memref<!tpu.dma_semaphore, #tpu.memory_space<semaphore_mem>>) src(%dma_wait3A_345 : memref<10000x16xf32, #tpu.memory_space<hbm>>) dst(%arg9 : memref<512x16xf32, #tpu.memory_space<vmem>>)
      %dma_start3A_346 = arith.constant 1 : i32
      %dma_start3A_347 = arith.constant 0 : i32
      %dma_start3A_348 = tpu.memref_slice %arg5[%dma_start3A_346, %dma_start3A_347] : memref<2x512xi32, #tpu.memory_space<vmem>> -> memref<1x512xi32, #tpu.memory_space<vmem>>
      %dma_start3A_349 = tpu.memref_squeeze %dma_start3A_348 : memref<1x512xi32, #tpu.memory_space<vmem>> -> memref<512xi32, #tpu.memory_space<vmem>>
      %dma_start3A_350 = arith.constant 0 : i32
      %dma_start3A_351 = arith.constant 0 : i32
      %dma_start3A_352 = tpu.memref_slice %arg11[%dma_start3A_350, %dma_start3A_351] : memref<10000x16xf32, #tpu.memory_space<vmem_shared>> -> memref<10000x16xf32, #tpu.memory_space<vmem_shared>>
      tpu.enqueue_indirect_dma source(%arg9 : memref<512x16xf32, #tpu.memory_space<vmem>>) target(%dma_start3A_352 : memref<10000x16xf32, #tpu.memory_space<vmem_shared>>) offsets(%dma_start3A_349 : memref<512xi32, #tpu.memory_space<vmem>>) semaphore(%arg14 : memref<!tpu.dma_semaphore, #tpu.memory_space<semaphore_mem>>) {add = true}
    } else {
    }
    %gt3A_319 = arith.constant 19 : i32
    %gt3A_320 = arith.cmpi sgt, %add3A_4, %gt3A_319 : i32
    %convert_element_type3A_321 = arith.extui %gt3A_320 : i1 to i32
    %cond3A_322 = arith.constant 0 : i32
    %cond3A_323 = arith.cmpi ne, %convert_element_type3A_321, %cond3A_322 : i32
    scf.if %cond3A_323 {
      %dma_wait3A_339 = arith.constant 1 : i32
      %dma_wait3A_340 = arith.constant 0 : i32
      %dma_wait3A_341 = tpu.memref_slice %arg5[%dma_wait3A_339, %dma_wait3A_340] : memref<2x512xi32, #tpu.memory_space<vmem>> -> memref<1x512xi32, #tpu.memory_space<vmem>>
      %dma_wait3A_342 = tpu.memref_squeeze %dma_wait3A_341 : memref<1x512xi32, #tpu.memory_space<vmem>> -> memref<512xi32, #tpu.memory_space<vmem>>
      %dma_wait3A_343 = arith.constant 0 : i32
      %dma_wait3A_344 = arith.constant 0 : i32
      %dma_wait3A_345 = tpu.memref_slice %arg11[%dma_wait3A_343, %dma_wait3A_344] : memref<10000x16xf32, #tpu.memory_space<vmem_shared>> -> memref<10000x16xf32, #tpu.memory_space<vmem_shared>>
      tpu.wait_indirect_dma semaphore(%arg15 : memref<!tpu.dma_semaphore, #tpu.memory_space<semaphore_mem>>) src(%arg10 : memref<512x16xf32, #tpu.memory_space<vmem>>) dst(%dma_wait3A_345 : memref<10000x16xf32, #tpu.memory_space<vmem_shared>>)
    } else {
    }
    %gt3A_324 = arith.constant 22 : i32
    %gt3A_325 = arith.cmpi sgt, %add3A_4, %gt3A_324 : i32
    %convert_element_type3A_326 = arith.extui %gt3A_325 : i1 to i32
    %cond3A_327 = arith.constant 0 : i32
    %cond3A_328 = arith.cmpi ne, %convert_element_type3A_326, %cond3A_327 : i32
    scf.if %cond3A_328 {
      %add3A_339 = arith.constant 704 : i32
      %add3A_340 = arith.addi %add3A, %add3A_339 : i32
      %dma_start3A_341 = arith.constant 0 : i32
      %dma_start3A_342 = arith.constant 0 : i32
      %dma_start3A_343 = tpu.memref_slice %arg3[%add3A_340, %dma_start3A_341, %dma_start3A_342] : memref<625x2x512xi32, #tpu.memory_space<hbm>> -> memref<1x2x512xi32, #tpu.memory_space<hbm>>
      %dma_start3A_344 = tpu.memref_squeeze %dma_start3A_343 : memref<1x2x512xi32, #tpu.memory_space<hbm>> -> memref<2x512xi32, #tpu.memory_space<hbm>>
      %dma_start3A_345 = arith.constant 0 : i32
      %dma_start3A_346 = arith.constant 0 : i32
      %dma_start3A_347 = tpu.memref_slice %arg3[%add3A_340, %dma_start3A_345, %dma_start3A_346] : memref<625x2x512xi32, #tpu.memory_space<hbm>> -> memref<1x2x512xi32, #tpu.memory_space<hbm>>
      %dma_start3A_348 = tpu.memref_squeeze %dma_start3A_347 : memref<1x2x512xi32, #tpu.memory_space<hbm>> -> memref<2x512xi32, #tpu.memory_space<hbm>>
      tpu.enqueue_dma source(%dma_start3A_348 : memref<2x512xi32, #tpu.memory_space<hbm>>) target(%arg7 : memref<2x512xi32, #tpu.memory_space<vmem>>) target_semaphore(%arg18 : memref<!tpu.dma_semaphore, #tpu.memory_space<semaphore_mem>>)
    } else {
    }
    %gt3A_329 = arith.constant 21 : i32
    %gt3A_330 = arith.cmpi sgt, %add3A_4, %gt3A_329 : i32
    %convert_element_type3A_331 = arith.extui %gt3A_330 : i1 to i32
    %cond3A_332 = arith.constant 0 : i32
    %cond3A_333 = arith.cmpi ne, %convert_element_type3A_331, %cond3A_332 : i32
    scf.if %cond3A_333 {
      %dma_wait3A_339 = arith.constant 0 : i32
      %dma_wait3A_340 = arith.constant 0 : i32
      %dma_wait3A_341 = arith.constant 0 : i32
      %dma_wait3A_342 = tpu.memref_slice %arg3[%dma_wait3A_339, %dma_wait3A_340, %dma_wait3A_341] : memref<625x2x512xi32, #tpu.memory_space<hbm>> -> memref<1x2x512xi32, #tpu.memory_space<hbm>>
      %dma_wait3A_343 = tpu.memref_squeeze %dma_wait3A_342 : memref<1x2x512xi32, #tpu.memory_space<hbm>> -> memref<2x512xi32, #tpu.memory_space<hbm>>
      %dma_wait3A_344 = arith.constant 0 : i32
      %dma_wait3A_345 = arith.constant 0 : i32
      %dma_wait3A_346 = tpu.memref_slice %arg3[%dma_wait3A_339, %dma_wait3A_344, %dma_wait3A_345] : memref<625x2x512xi32, #tpu.memory_space<hbm>> -> memref<1x2x512xi32, #tpu.memory_space<hbm>>
      %dma_wait3A_347 = tpu.memref_squeeze %dma_wait3A_346 : memref<1x2x512xi32, #tpu.memory_space<hbm>> -> memref<2x512xi32, #tpu.memory_space<hbm>>
      tpu.wait_dma2 semaphore(%arg17 : memref<!tpu.dma_semaphore, #tpu.memory_space<semaphore_mem>>) src(%dma_wait3A_347 : memref<2x512xi32, #tpu.memory_space<hbm>>) dst(%arg6 : memref<2x512xi32, #tpu.memory_space<vmem>>)
      %dma_start3A_348 = arith.constant 0 : i32
      %dma_start3A_349 = arith.constant 0 : i32
      %dma_start3A_350 = tpu.memref_slice %arg6[%dma_start3A_348, %dma_start3A_349] : memref<2x512xi32, #tpu.memory_space<vmem>> -> memref<1x512xi32, #tpu.memory_space<vmem>>
      %dma_start3A_351 = tpu.memref_squeeze %dma_start3A_350 : memref<1x512xi32, #tpu.memory_space<vmem>> -> memref<512xi32, #tpu.memory_space<vmem>>
      %dma_start3A_352 = arith.constant 0 : i32
      %dma_start3A_353 = arith.constant 0 : i32
      %dma_start3A_354 = tpu.memref_slice %arg2[%dma_start3A_352, %dma_start3A_353] : memref<10000x16xf32, #tpu.memory_space<hbm>> -> memref<10000x16xf32, #tpu.memory_space<hbm>>
      tpu.enqueue_indirect_dma source(%dma_start3A_354 : memref<10000x16xf32, #tpu.memory_space<hbm>>) target(%arg10 : memref<512x16xf32, #tpu.memory_space<vmem>>) offsets(%dma_start3A_351 : memref<512xi32, #tpu.memory_space<vmem>>) semaphore(%arg13 : memref<!tpu.dma_semaphore, #tpu.memory_space<semaphore_mem>>)
    } else {
    }
    %barrier3A_334 = arith.constant 0 : index
    tpu.barrier barrier_id(%barrier3A_334)
    %mul3A_335 = arith.constant 625 : i32
    %mul3A_336 = arith.muli %arg1, %mul3A_335 : i32
    %mul3A_337 = arith.constant 625 : i32
    %mul3A_338 = arith.muli %arg1, %mul3A_337 : i32
    "tpu.region"() ({
      %run_scoped3A = tpu.sem_alloc : memref<!tpu.dma_semaphore, #tpu.memory_space<semaphore_mem>>
      %dma_start3A_339 = arith.constant 0 : i32
      %dma_start3A_340 = tpu.memref_slice %arg4[%arg0, %mul3A_338, %dma_start3A_339] : memref<2x10000x16xf32, #tpu.memory_space<hbm>> -> memref<1x625x16xf32, #tpu.memory_space<hbm>>
      %dma_start3A_341 = tpu.memref_squeeze %dma_start3A_340 : memref<1x625x16xf32, #tpu.memory_space<hbm>> -> memref<625x16xf32, #tpu.memory_space<hbm>>
      %dma_start3A_342 = arith.constant 0 : i32
      %dma_start3A_343 = tpu.memref_slice %arg11[%mul3A_336, %dma_start3A_342] : memref<10000x16xf32, #tpu.memory_space<vmem_shared>> -> memref<625x16xf32, #tpu.memory_space<vmem_shared>>
      tpu.enqueue_dma source(%dma_start3A_343 : memref<625x16xf32, #tpu.memory_space<vmem_shared>>) target(%dma_start3A_341 : memref<625x16xf32, #tpu.memory_space<hbm>>) target_semaphore(%run_scoped3A : memref<!tpu.dma_semaphore, #tpu.memory_space<semaphore_mem>>)
      %dma_wait3A_344 = arith.constant 0 : i32
      %dma_wait3A_345 = tpu.memref_slice %arg4[%arg0, %mul3A_338, %dma_wait3A_344] : memref<2x10000x16xf32, #tpu.memory_space<hbm>> -> memref<1x625x16xf32, #tpu.memory_space<hbm>>
      %dma_wait3A_346 = tpu.memref_squeeze %dma_wait3A_345 : memref<1x625x16xf32, #tpu.memory_space<hbm>> -> memref<625x16xf32, #tpu.memory_space<hbm>>
      %dma_wait3A_347 = arith.constant 0 : i32
      %dma_wait3A_348 = tpu.memref_slice %arg11[%mul3A_336, %dma_wait3A_347] : memref<10000x16xf32, #tpu.memory_space<vmem_shared>> -> memref<625x16xf32, #tpu.memory_space<vmem_shared>>
      tpu.wait_dma2 semaphore(%run_scoped3A : memref<!tpu.dma_semaphore, #tpu.memory_space<semaphore_mem>>) src(%dma_wait3A_348 : memref<625x16xf32, #tpu.memory_space<vmem_shared>>) dst(%dma_wait3A_346 : memref<625x16xf32, #tpu.memory_space<hbm>>)
      tpu.yield
    }) : () -> ()
    return
  }
}

module attributes {stable_mosaic.version = 14 : i64} {
  func.func @_layer_body(%arg0: memref<2x10000x16xf32, #tpu.memory_space<vmem>>, %arg1: memref<10000x16xf32, #tpu.memory_space<vmem>>, %arg2: memref<9x128xf32, #tpu.memory_space<vmem>>, %arg3: memref<1x128xf32, #tpu.memory_space<vmem>>, %arg4: memref<9x128xf32, #tpu.memory_space<vmem>>, %arg5: memref<128x1xf32, #tpu.memory_space<vmem>>, %arg6: memref<10000x144xf32, #tpu.memory_space<vmem>>, %arg7: memref<1x256xf32, #tpu.memory_space<vmem>>) attributes {dimension_semantics = [], scalar_prefetch = 0 : i64, scratch_operands = 0 : i64, tpu.core_type = #tpu.core_type<tc>} {
    %get3A = arith.constant 0 : index
    %get3A_0 = arith.constant 0 : index
    %get3A_1 = arith.constant 0 : index
    %get3A_2 = vector.load %arg0[%get3A, %get3A_0, %get3A_1] : memref<2x10000x16xf32, #tpu.memory_space<vmem>>, vector<1x10000x16xf32>
    %get3A_3 = vector.shape_cast %get3A_2 : vector<1x10000x16xf32> to vector<10000x16xf32>
    %get3A_4 = arith.constant 1 : index
    %get3A_5 = arith.constant 0 : index
    %get3A_6 = arith.constant 0 : index
    %get3A_7 = vector.load %arg0[%get3A_4, %get3A_5, %get3A_6] : memref<2x10000x16xf32, #tpu.memory_space<vmem>>, vector<1x10000x16xf32>
    %get3A_8 = vector.shape_cast %get3A_7 : vector<1x10000x16xf32> to vector<10000x16xf32>
    %add3A = arith.addf %get3A_3, %get3A_8 : vector<10000x16xf32>
    %slice3A = vector.extract_strided_slice %add3A {offsets = [0, 9], sizes = [10000, 1], strides = [1, 1]} : vector<10000x16xf32> to vector<10000x1xf32>
    %max3A = arith.constant 1.000000e+00 : f32
    %max3A_9 = vector.broadcast %max3A : f32 to vector<10000x1xf32>
    %max3A_10 = arith.maximumf %slice3A, %max3A_9 : vector<10000x1xf32>
    %slice3A_11 = vector.extract_strided_slice %add3A {offsets = [0, 0], sizes = [10000, 9], strides = [1, 1]} : vector<10000x16xf32> to vector<10000x9xf32>
    %div3A = vector.broadcast %max3A_10 : vector<10000x1xf32> to vector<10000x9xf32>
    %div3A_12 = arith.divf %slice3A_11, %div3A : vector<10000x9xf32>
    %get3A_13 = arith.constant 0 : index
    %get3A_14 = arith.constant 0 : index
    %get3A_15 = vector.load %arg1[%get3A_13, %get3A_14] : memref<10000x16xf32, #tpu.memory_space<vmem>>, vector<10000x9xf32>
    %get3A_16 = arith.constant 0 : index
    %get3A_17 = arith.constant 0 : index
    %get3A_18 = vector.load %arg2[%get3A_16, %get3A_17] : memref<9x128xf32, #tpu.memory_space<vmem>>, vector<9x128xf32>
    %dot_general3A = arith.constant dense<0.000000e+00> : vector<10000x128xf32>
    %dot_general3A_19 = tpu.matmul %div3A_12, %get3A_18, %dot_general3A {dimension_numbers = #tpu.dot_dimension_numbers<[1], [0], [0], [1], [0, 0, 1, 1], [], []>, transpose_lhs_hint = false} : vector<10000x9xf32>, vector<9x128xf32>, vector<10000x128xf32> -> vector<10000x128xf32>
    %get3A_20 = arith.constant 0 : index
    %get3A_21 = arith.constant 0 : index
    %get3A_22 = vector.load %arg3[%get3A_20, %get3A_21] : memref<1x128xf32, #tpu.memory_space<vmem>>, vector<1x128xf32>
    %add3A_23 = vector.broadcast %get3A_22 : vector<1x128xf32> to vector<10000x128xf32>
    %add3A_24 = arith.addf %dot_general3A_19, %add3A_23 : vector<10000x128xf32>
    %get3A_25 = arith.constant 0 : index
    %get3A_26 = arith.constant 0 : index
    %get3A_27 = vector.load %arg4[%get3A_25, %get3A_26] : memref<9x128xf32, #tpu.memory_space<vmem>>, vector<9x128xf32>
    %dot_general3A_28 = arith.constant dense<0.000000e+00> : vector<10000x128xf32>
    %dot_general3A_29 = tpu.matmul %get3A_15, %get3A_27, %dot_general3A_28 {dimension_numbers = #tpu.dot_dimension_numbers<[1], [0], [0], [1], [0, 0, 1, 1], [], []>, transpose_lhs_hint = false} : vector<10000x9xf32>, vector<9x128xf32>, vector<10000x128xf32> -> vector<10000x128xf32>
    %add3A_30 = arith.addf %add3A_24, %dot_general3A_29 : vector<10000x128xf32>
    %max3A_31 = arith.constant 0.000000e+00 : f32
    %max3A_32 = vector.broadcast %max3A_31 : f32 to vector<10000x128xf32>
    %max3A_33 = arith.maximumf %add3A_30, %max3A_32 : vector<10000x128xf32>
    %get3A_34 = arith.constant 0 : index
    %get3A_35 = arith.constant 0 : index
    %get3A_36 = vector.load %arg5[%get3A_34, %get3A_35] : memref<128x1xf32, #tpu.memory_space<vmem>>, vector<128x1xf32>
    %transpose3A = tpu.transpose %get3A_36, [1, 0] : vector<128x1xf32> -> vector<1x128xf32>
    %dot_general3A_37 = arith.constant dense<0.000000e+00> : vector<1x10000xf32>
    %dot_general3A_38 = tpu.matmul %transpose3A, %max3A_33, %dot_general3A_37 {dimension_numbers = #tpu.dot_dimension_numbers<[1], [1], [0], [0], [0, 0, 1, 0], [], []>, transpose_lhs_hint = false} : vector<1x128xf32>, vector<10000x128xf32>, vector<1x10000xf32> -> vector<1x10000xf32>
    %mul3A = arith.mulf %get3A_36, %get3A_36 : vector<128x1xf32>
    %reduce_sum3A = vector.shape_cast %mul3A : vector<128x1xf32> to vector<1x128x1xf32>
    %reduce_sum3A_39 = arith.constant dense<0.000000e+00> : vector<1xf32>
    %reduce_sum3A_40 = vector.multi_reduction <add>, %reduce_sum3A, %reduce_sum3A_39 [1, 2] : vector<1x128x1xf32> to vector<1xf32>
    %reduce_sum3A_41 = vector.shape_cast %reduce_sum3A_40 : vector<1xf32> to vector<1x1x1xf32>
    %reduce_sum3A_42 = vector.extract %reduce_sum3A_41[0, 0, 0] : f32 from vector<1x1x1xf32>
    %rsqrt3A = math.rsqrt %reduce_sum3A_42 : f32
    %mul3A_43 = vector.broadcast %rsqrt3A : f32 to vector<1x10000xf32>
    %mul3A_44 = arith.mulf %dot_general3A_38, %mul3A_43 : vector<1x10000xf32>
    %get3A_45 = arith.constant 0 : index
    %get3A_46 = arith.constant 9 : index
    %get3A_47 = vector.load %arg1[%get3A_45, %get3A_46] : memref<10000x16xf32, #tpu.memory_space<vmem>>, vector<10000x1xf32>
    %transpose3A_48 = tpu.transpose %get3A_47, [1, 0] : vector<10000x1xf32> -> vector<1x10000xf32>
    %gt3A = arith.constant 0.000000e+00 : f32
    %gt3A_49 = vector.broadcast %gt3A : f32 to vector<1x10000xf32>
    %gt3A_50 = arith.cmpf ogt, %transpose3A_48, %gt3A_49 : vector<1x10000xf32>
    %jit3A = arith.constant 0xFF800000 : f32
    %broadcast_in_dim3A = vector.broadcast %jit3A : f32 to vector<1x10000xf32>
    %select_n3A = arith.select %gt3A_50, %mul3A_44, %broadcast_in_dim3A : vector<1x10000xi1>, vector<1x10000xf32>
    %bitcast_convert_type3A = tpu.bitcast %select_n3A : vector<1x10000xf32> -> vector<1x10000xi32>
    %lt3A = arith.constant 0.000000e+00 : f32
    %lt3A_51 = vector.broadcast %lt3A : f32 to vector<1x10000xf32>
    %lt3A_52 = arith.cmpf olt, %select_n3A, %lt3A_51 : vector<1x10000xf32>
    %not3A = arith.constant dense<-1> : vector<1x10000xi32>
    %not3A_53 = arith.xori %bitcast_convert_type3A, %not3A : vector<1x10000xi32>
    %or3A = arith.constant -2147483648 : i32
    %or3A_54 = vector.broadcast %or3A : i32 to vector<1x10000xi32>
    %or3A_55 = arith.ori %bitcast_convert_type3A, %or3A_54 : vector<1x10000xi32>
    %select_n3A_56 = arith.select %lt3A_52, %not3A_53, %or3A_55 : vector<1x10000xi1>, vector<1x10000xi32>
    %scan3A = arith.constant 0 : i32
    %scan3A_57 = arith.constant 0 : i32
    %scan3A_58 = arith.constant 32 : i32
    %scan3A_59 = arith.addi %scan3A_57, %scan3A_58 : i32
    %scan3A_60 = arith.constant 1 : i32
    %scan3A_61 = scf.for %scan3A_94 = %scan3A_57 to %scan3A_59 step %scan3A_60 iter_args(%scan3A_95 = %scan3A) -> (i32)  : i32 {
      %sub3A = arith.constant 31 : i32
      %sub3A_96 = arith.subi %sub3A, %scan3A_94 : i32
      %shift_left3A = arith.constant 1 : i32
      %shift_left3A_97 = arith.shli %shift_left3A, %sub3A_96 : i32
      %or3A_98 = arith.ori %scan3A_95, %shift_left3A_97 : i32
      %ge3A_99 = vector.broadcast %or3A_98 : i32 to vector<1x10000xi32>
      %ge3A_100 = arith.cmpi uge, %select_n3A_56, %ge3A_99 : vector<1x10000xi32>
      %convert_element_type3A_101 = arith.extui %ge3A_100 : vector<1x10000xi1> to vector<1x10000xi32>
      %reduce_sum3A_102 = vector.shape_cast %convert_element_type3A_101 : vector<1x10000xi32> to vector<1x1x10000xi32>
      %reduce_sum3A_103 = arith.constant dense<0> : vector<1xi32>
      %reduce_sum3A_104 = vector.multi_reduction <add>, %reduce_sum3A_102, %reduce_sum3A_103 [1, 2] : vector<1x1x10000xi32> to vector<1xi32>
      %reduce_sum3A_105 = vector.shape_cast %reduce_sum3A_104 : vector<1xi32> to vector<1x1x1xi32>
      %reduce_sum3A_106 = vector.extract %reduce_sum3A_105[0, 0, 0] : i32 from vector<1x1x1xi32>
      %ge3A_107 = arith.constant 8000 : i32
      %ge3A_108 = arith.cmpi sge, %reduce_sum3A_106, %ge3A_107 : i32
      %select_n3A_109 = arith.select %ge3A_108, %or3A_98, %scan3A_95 : i32
      scf.yield %select_n3A_109 : i32
    }
    %scan3A_62 = arith.constant 32 : i32
    %ge3A = vector.broadcast %scan3A_61 : i32 to vector<1x10000xi32>
    %ge3A_63 = arith.cmpi uge, %select_n3A_56, %ge3A : vector<1x10000xi32>
    %convert_element_type3A = arith.extui %ge3A_63 : vector<1x10000xi1> to vector<1x10000xi32>
    %convert_element_type3A_64 = arith.sitofp %convert_element_type3A : vector<1x10000xi32> to vector<1x10000xf32>
    %tanh3A = math.tanh %mul3A_44 : vector<1x10000xf32>
    %mul3A_65 = arith.mulf %tanh3A, %convert_element_type3A_64 : vector<1x10000xf32>
    %transpose3A_66 = tpu.transpose %mul3A_65, [1, 0] : vector<1x10000xf32> -> vector<10000x1xf32>
    %mul3A_67 = vector.broadcast %transpose3A_66 : vector<10000x1xf32> to vector<10000x128xf32>
    %mul3A_68 = arith.mulf %max3A_33, %mul3A_67 : vector<10000x128xf32>
    %transpose3A_69 = tpu.transpose %convert_element_type3A_64, [1, 0] : vector<1x10000xf32> -> vector<10000x1xf32>
    %gt3A_70 = arith.constant 0.000000e+00 : f32
    %gt3A_71 = vector.broadcast %gt3A_70 : f32 to vector<10000x1xf32>
    %gt3A_72 = arith.cmpf ogt, %transpose3A_69, %gt3A_71 : vector<10000x1xf32>
    %jit3A_73 = arith.constant 0xFF800000 : f32
    %broadcast_in_dim3A_74 = vector.shape_cast %gt3A_72 : vector<10000x1xi1> to vector<10000x1xi1>
    %broadcast_in_dim3A_75 = vector.broadcast %broadcast_in_dim3A_74 : vector<10000x1xi1> to vector<10000x128xi1>
    %broadcast_in_dim3A_76 = vector.broadcast %jit3A_73 : f32 to vector<10000x128xf32>
    %select_n3A_77 = arith.select %broadcast_in_dim3A_75, %mul3A_68, %broadcast_in_dim3A_76 : vector<10000x128xi1>, vector<10000x128xf32>
    %reduce_max3A = arith.constant dense<0xFF800000> : vector<128xf32>
    %reduce_max3A_78 = vector.multi_reduction <maximumf>, %select_n3A_77, %reduce_max3A [0] : vector<10000x128xf32> to vector<128xf32>
    %broadcast_in_dim3A_79 = vector.shape_cast %reduce_max3A_78 : vector<128xf32> to vector<1x128xf32>
    %reduce_sum3A_80 = arith.constant dense<0.000000e+00> : vector<128xf32>
    %reduce_sum3A_81 = vector.multi_reduction <add>, %mul3A_68, %reduce_sum3A_80 [0] : vector<10000x128xf32> to vector<128xf32>
    %broadcast_in_dim3A_82 = vector.shape_cast %reduce_sum3A_81 : vector<128xf32> to vector<1x128xf32>
    %mul3A_83 = arith.constant 1.250000e-04 : f32
    %mul3A_84 = vector.broadcast %mul3A_83 : f32 to vector<1x128xf32>
    %mul3A_85 = arith.mulf %broadcast_in_dim3A_82, %mul3A_84 : vector<1x128xf32>
    %concatenate3A = tpu.concatenate %broadcast_in_dim3A_79, %mul3A_85 in 1 : vector<1x128xf32>, vector<1x128xf32> -> vector<1x256xf32>
    %broadcast_in_dim3A_86 = arith.constant 0.000000e+00 : f32
    %broadcast_in_dim3A_87 = vector.broadcast %broadcast_in_dim3A_86 : f32 to vector<10000x15xf32>
    %concatenate3A_88 = tpu.concatenate %mul3A_68, %transpose3A_69, %broadcast_in_dim3A_87 in 1 : vector<10000x128xf32>, vector<10000x1xf32>, vector<10000x15xf32> -> vector<10000x144xf32>
    %swap3A = arith.constant 0 : index
    %swap3A_89 = arith.constant 0 : index
    %swap3A_90 = vector.load %arg6[%swap3A, %swap3A_89] : memref<10000x144xf32, #tpu.memory_space<vmem>>, vector<10000x144xf32>
    tpu.vector_store %arg6[%swap3A, %swap3A_89], %concatenate3A_88 {strides = array<i32>} : memref<10000x144xf32, #tpu.memory_space<vmem>>, vector<10000x144xf32>,
    %swap3A_91 = arith.constant 0 : index
    %swap3A_92 = arith.constant 0 : index
    %swap3A_93 = vector.load %arg7[%swap3A_91, %swap3A_92] : memref<1x256xf32, #tpu.memory_space<vmem>>, vector<1x256xf32>
    tpu.vector_store %arg7[%swap3A_91, %swap3A_92], %concatenate3A {strides = array<i32>} : memref<1x256xf32, #tpu.memory_space<vmem>>, vector<1x256xf32>,
    return
  }
}

module attributes {stable_mosaic.version = 14 : i64} {
  func.func @_layer_body(%arg0: memref<2x10000x144xf32, #tpu.memory_space<vmem>>, %arg1: memref<10000x144xf32, #tpu.memory_space<vmem>>, %arg2: memref<128x128xf32, #tpu.memory_space<vmem>>, %arg3: memref<1x128xf32, #tpu.memory_space<vmem>>, %arg4: memref<128x128xf32, #tpu.memory_space<vmem>>, %arg5: memref<128x1xf32, #tpu.memory_space<vmem>>, %arg6: memref<10000x144xf32, #tpu.memory_space<vmem>>, %arg7: memref<1x256xf32, #tpu.memory_space<vmem>>) attributes {dimension_semantics = [], scalar_prefetch = 0 : i64, scratch_operands = 0 : i64, tpu.core_type = #tpu.core_type<tc>} {
    %get3A = arith.constant 0 : index
    %get3A_0 = arith.constant 0 : index
    %get3A_1 = arith.constant 0 : index
    %get3A_2 = vector.load %arg0[%get3A, %get3A_0, %get3A_1] : memref<2x10000x144xf32, #tpu.memory_space<vmem>>, vector<1x10000x144xf32>
    %get3A_3 = vector.shape_cast %get3A_2 : vector<1x10000x144xf32> to vector<10000x144xf32>
    %get3A_4 = arith.constant 1 : index
    %get3A_5 = arith.constant 0 : index
    %get3A_6 = arith.constant 0 : index
    %get3A_7 = vector.load %arg0[%get3A_4, %get3A_5, %get3A_6] : memref<2x10000x144xf32, #tpu.memory_space<vmem>>, vector<1x10000x144xf32>
    %get3A_8 = vector.shape_cast %get3A_7 : vector<1x10000x144xf32> to vector<10000x144xf32>
    %add3A = arith.addf %get3A_3, %get3A_8 : vector<10000x144xf32>
    %slice3A = vector.extract_strided_slice %add3A {offsets = [0, 128], sizes = [10000, 1], strides = [1, 1]} : vector<10000x144xf32> to vector<10000x1xf32>
    %max3A = arith.constant 1.000000e+00 : f32
    %max3A_9 = vector.broadcast %max3A : f32 to vector<10000x1xf32>
    %max3A_10 = arith.maximumf %slice3A, %max3A_9 : vector<10000x1xf32>
    %slice3A_11 = vector.extract_strided_slice %add3A {offsets = [0, 0], sizes = [10000, 128], strides = [1, 1]} : vector<10000x144xf32> to vector<10000x128xf32>
    %div3A = vector.broadcast %max3A_10 : vector<10000x1xf32> to vector<10000x128xf32>
    %div3A_12 = arith.divf %slice3A_11, %div3A : vector<10000x128xf32>
    %get3A_13 = arith.constant 0 : index
    %get3A_14 = arith.constant 0 : index
    %get3A_15 = vector.load %arg1[%get3A_13, %get3A_14] : memref<10000x144xf32, #tpu.memory_space<vmem>>, vector<10000x128xf32>
    %get3A_16 = arith.constant 0 : index
    %get3A_17 = arith.constant 0 : index
    %get3A_18 = vector.load %arg2[%get3A_16, %get3A_17] : memref<128x128xf32, #tpu.memory_space<vmem>>, vector<128x128xf32>
    %dot_general3A = arith.constant dense<0.000000e+00> : vector<10000x128xf32>
    %dot_general3A_19 = tpu.matmul %div3A_12, %get3A_18, %dot_general3A {dimension_numbers = #tpu.dot_dimension_numbers<[1], [0], [0], [1], [0, 0, 1, 1], [], []>, transpose_lhs_hint = false} : vector<10000x128xf32>, vector<128x128xf32>, vector<10000x128xf32> -> vector<10000x128xf32>
    %get3A_20 = arith.constant 0 : index
    %get3A_21 = arith.constant 0 : index
    %get3A_22 = vector.load %arg3[%get3A_20, %get3A_21] : memref<1x128xf32, #tpu.memory_space<vmem>>, vector<1x128xf32>
    %add3A_23 = vector.broadcast %get3A_22 : vector<1x128xf32> to vector<10000x128xf32>
    %add3A_24 = arith.addf %dot_general3A_19, %add3A_23 : vector<10000x128xf32>
    %get3A_25 = arith.constant 0 : index
    %get3A_26 = arith.constant 0 : index
    %get3A_27 = vector.load %arg4[%get3A_25, %get3A_26] : memref<128x128xf32, #tpu.memory_space<vmem>>, vector<128x128xf32>
    %dot_general3A_28 = arith.constant dense<0.000000e+00> : vector<10000x128xf32>
    %dot_general3A_29 = tpu.matmul %get3A_15, %get3A_27, %dot_general3A_28 {dimension_numbers = #tpu.dot_dimension_numbers<[1], [0], [0], [1], [0, 0, 1, 1], [], []>, transpose_lhs_hint = false} : vector<10000x128xf32>, vector<128x128xf32>, vector<10000x128xf32> -> vector<10000x128xf32>
    %add3A_30 = arith.addf %add3A_24, %dot_general3A_29 : vector<10000x128xf32>
    %max3A_31 = arith.constant 0.000000e+00 : f32
    %max3A_32 = vector.broadcast %max3A_31 : f32 to vector<10000x128xf32>
    %max3A_33 = arith.maximumf %add3A_30, %max3A_32 : vector<10000x128xf32>
    %get3A_34 = arith.constant 0 : index
    %get3A_35 = arith.constant 0 : index
    %get3A_36 = vector.load %arg5[%get3A_34, %get3A_35] : memref<128x1xf32, #tpu.memory_space<vmem>>, vector<128x1xf32>
    %transpose3A = tpu.transpose %get3A_36, [1, 0] : vector<128x1xf32> -> vector<1x128xf32>
    %dot_general3A_37 = arith.constant dense<0.000000e+00> : vector<1x10000xf32>
    %dot_general3A_38 = tpu.matmul %transpose3A, %max3A_33, %dot_general3A_37 {dimension_numbers = #tpu.dot_dimension_numbers<[1], [1], [0], [0], [0, 0, 1, 0], [], []>, transpose_lhs_hint = false} : vector<1x128xf32>, vector<10000x128xf32>, vector<1x10000xf32> -> vector<1x10000xf32>
    %mul3A = arith.mulf %get3A_36, %get3A_36 : vector<128x1xf32>
    %reduce_sum3A = vector.shape_cast %mul3A : vector<128x1xf32> to vector<1x128x1xf32>
    %reduce_sum3A_39 = arith.constant dense<0.000000e+00> : vector<1xf32>
    %reduce_sum3A_40 = vector.multi_reduction <add>, %reduce_sum3A, %reduce_sum3A_39 [1, 2] : vector<1x128x1xf32> to vector<1xf32>
    %reduce_sum3A_41 = vector.shape_cast %reduce_sum3A_40 : vector<1xf32> to vector<1x1x1xf32>
    %reduce_sum3A_42 = vector.extract %reduce_sum3A_41[0, 0, 0] : f32 from vector<1x1x1xf32>
    %rsqrt3A = math.rsqrt %reduce_sum3A_42 : f32
    %mul3A_43 = vector.broadcast %rsqrt3A : f32 to vector<1x10000xf32>
    %mul3A_44 = arith.mulf %dot_general3A_38, %mul3A_43 : vector<1x10000xf32>
    %get3A_45 = arith.constant 0 : index
    %get3A_46 = arith.constant 128 : index
    %get3A_47 = vector.load %arg1[%get3A_45, %get3A_46] : memref<10000x144xf32, #tpu.memory_space<vmem>>, vector<10000x1xf32>
    %transpose3A_48 = tpu.transpose %get3A_47, [1, 0] : vector<10000x1xf32> -> vector<1x10000xf32>
    %gt3A = arith.constant 0.000000e+00 : f32
    %gt3A_49 = vector.broadcast %gt3A : f32 to vector<1x10000xf32>
    %gt3A_50 = arith.cmpf ogt, %transpose3A_48, %gt3A_49 : vector<1x10000xf32>
    %jit3A = arith.constant 0xFF800000 : f32
    %broadcast_in_dim3A = vector.broadcast %jit3A : f32 to vector<1x10000xf32>
    %select_n3A = arith.select %gt3A_50, %mul3A_44, %broadcast_in_dim3A : vector<1x10000xi1>, vector<1x10000xf32>
    %bitcast_convert_type3A = tpu.bitcast %select_n3A : vector<1x10000xf32> -> vector<1x10000xi32>
    %lt3A = arith.constant 0.000000e+00 : f32
    %lt3A_51 = vector.broadcast %lt3A : f32 to vector<1x10000xf32>
    %lt3A_52 = arith.cmpf olt, %select_n3A, %lt3A_51 : vector<1x10000xf32>
    %not3A = arith.constant dense<-1> : vector<1x10000xi32>
    %not3A_53 = arith.xori %bitcast_convert_type3A, %not3A : vector<1x10000xi32>
    %or3A = arith.constant -2147483648 : i32
    %or3A_54 = vector.broadcast %or3A : i32 to vector<1x10000xi32>
    %or3A_55 = arith.ori %bitcast_convert_type3A, %or3A_54 : vector<1x10000xi32>
    %select_n3A_56 = arith.select %lt3A_52, %not3A_53, %or3A_55 : vector<1x10000xi1>, vector<1x10000xi32>
    %scan3A = arith.constant 0 : i32
    %scan3A_57 = arith.constant 0 : i32
    %scan3A_58 = arith.constant 32 : i32
    %scan3A_59 = arith.addi %scan3A_57, %scan3A_58 : i32
    %scan3A_60 = arith.constant 1 : i32
    %scan3A_61 = scf.for %scan3A_94 = %scan3A_57 to %scan3A_59 step %scan3A_60 iter_args(%scan3A_95 = %scan3A) -> (i32)  : i32 {
      %sub3A = arith.constant 31 : i32
      %sub3A_96 = arith.subi %sub3A, %scan3A_94 : i32
      %shift_left3A = arith.constant 1 : i32
      %shift_left3A_97 = arith.shli %shift_left3A, %sub3A_96 : i32
      %or3A_98 = arith.ori %scan3A_95, %shift_left3A_97 : i32
      %ge3A_99 = vector.broadcast %or3A_98 : i32 to vector<1x10000xi32>
      %ge3A_100 = arith.cmpi uge, %select_n3A_56, %ge3A_99 : vector<1x10000xi32>
      %convert_element_type3A_101 = arith.extui %ge3A_100 : vector<1x10000xi1> to vector<1x10000xi32>
      %reduce_sum3A_102 = vector.shape_cast %convert_element_type3A_101 : vector<1x10000xi32> to vector<1x1x10000xi32>
      %reduce_sum3A_103 = arith.constant dense<0> : vector<1xi32>
      %reduce_sum3A_104 = vector.multi_reduction <add>, %reduce_sum3A_102, %reduce_sum3A_103 [1, 2] : vector<1x1x10000xi32> to vector<1xi32>
      %reduce_sum3A_105 = vector.shape_cast %reduce_sum3A_104 : vector<1xi32> to vector<1x1x1xi32>
      %reduce_sum3A_106 = vector.extract %reduce_sum3A_105[0, 0, 0] : i32 from vector<1x1x1xi32>
      %ge3A_107 = arith.constant 6400 : i32
      %ge3A_108 = arith.cmpi sge, %reduce_sum3A_106, %ge3A_107 : i32
      %select_n3A_109 = arith.select %ge3A_108, %or3A_98, %scan3A_95 : i32
      scf.yield %select_n3A_109 : i32
    }
    %scan3A_62 = arith.constant 32 : i32
    %ge3A = vector.broadcast %scan3A_61 : i32 to vector<1x10000xi32>
    %ge3A_63 = arith.cmpi uge, %select_n3A_56, %ge3A : vector<1x10000xi32>
    %convert_element_type3A = arith.extui %ge3A_63 : vector<1x10000xi1> to vector<1x10000xi32>
    %convert_element_type3A_64 = arith.sitofp %convert_element_type3A : vector<1x10000xi32> to vector<1x10000xf32>
    %tanh3A = math.tanh %mul3A_44 : vector<1x10000xf32>
    %mul3A_65 = arith.mulf %tanh3A, %convert_element_type3A_64 : vector<1x10000xf32>
    %transpose3A_66 = tpu.transpose %mul3A_65, [1, 0] : vector<1x10000xf32> -> vector<10000x1xf32>
    %mul3A_67 = vector.broadcast %transpose3A_66 : vector<10000x1xf32> to vector<10000x128xf32>
    %mul3A_68 = arith.mulf %max3A_33, %mul3A_67 : vector<10000x128xf32>
    %transpose3A_69 = tpu.transpose %convert_element_type3A_64, [1, 0] : vector<1x10000xf32> -> vector<10000x1xf32>
    %gt3A_70 = arith.constant 0.000000e+00 : f32
    %gt3A_71 = vector.broadcast %gt3A_70 : f32 to vector<10000x1xf32>
    %gt3A_72 = arith.cmpf ogt, %transpose3A_69, %gt3A_71 : vector<10000x1xf32>
    %jit3A_73 = arith.constant 0xFF800000 : f32
    %broadcast_in_dim3A_74 = vector.shape_cast %gt3A_72 : vector<10000x1xi1> to vector<10000x1xi1>
    %broadcast_in_dim3A_75 = vector.broadcast %broadcast_in_dim3A_74 : vector<10000x1xi1> to vector<10000x128xi1>
    %broadcast_in_dim3A_76 = vector.broadcast %jit3A_73 : f32 to vector<10000x128xf32>
    %select_n3A_77 = arith.select %broadcast_in_dim3A_75, %mul3A_68, %broadcast_in_dim3A_76 : vector<10000x128xi1>, vector<10000x128xf32>
    %reduce_max3A = arith.constant dense<0xFF800000> : vector<128xf32>
    %reduce_max3A_78 = vector.multi_reduction <maximumf>, %select_n3A_77, %reduce_max3A [0] : vector<10000x128xf32> to vector<128xf32>
    %broadcast_in_dim3A_79 = vector.shape_cast %reduce_max3A_78 : vector<128xf32> to vector<1x128xf32>
    %reduce_sum3A_80 = arith.constant dense<0.000000e+00> : vector<128xf32>
    %reduce_sum3A_81 = vector.multi_reduction <add>, %mul3A_68, %reduce_sum3A_80 [0] : vector<10000x128xf32> to vector<128xf32>
    %broadcast_in_dim3A_82 = vector.shape_cast %reduce_sum3A_81 : vector<128xf32> to vector<1x128xf32>
    %mul3A_83 = arith.constant 1.562500e-04 : f32
    %mul3A_84 = vector.broadcast %mul3A_83 : f32 to vector<1x128xf32>
    %mul3A_85 = arith.mulf %broadcast_in_dim3A_82, %mul3A_84 : vector<1x128xf32>
    %concatenate3A = tpu.concatenate %broadcast_in_dim3A_79, %mul3A_85 in 1 : vector<1x128xf32>, vector<1x128xf32> -> vector<1x256xf32>
    %broadcast_in_dim3A_86 = arith.constant 0.000000e+00 : f32
    %broadcast_in_dim3A_87 = vector.broadcast %broadcast_in_dim3A_86 : f32 to vector<10000x15xf32>
    %concatenate3A_88 = tpu.concatenate %mul3A_68, %transpose3A_69, %broadcast_in_dim3A_87 in 1 : vector<10000x128xf32>, vector<10000x1xf32>, vector<10000x15xf32> -> vector<10000x144xf32>
    %swap3A = arith.constant 0 : index
    %swap3A_89 = arith.constant 0 : index
    %swap3A_90 = vector.load %arg6[%swap3A, %swap3A_89] : memref<10000x144xf32, #tpu.memory_space<vmem>>, vector<10000x144xf32>
    tpu.vector_store %arg6[%swap3A, %swap3A_89], %concatenate3A_88 {strides = array<i32>} : memref<10000x144xf32, #tpu.memory_space<vmem>>, vector<10000x144xf32>,
    %swap3A_91 = arith.constant 0 : index
    %swap3A_92 = arith.constant 0 : index
    %swap3A_93 = vector.load %arg7[%swap3A_91, %swap3A_92] : memref<1x256xf32, #tpu.memory_space<vmem>>, vector<1x256xf32>
    tpu.vector_store %arg7[%swap3A_91, %swap3A_92], %concatenate3A {strides = array<i32>} : memref<1x256xf32, #tpu.memory_space<vmem>>, vector<1x256xf32>,
    return
  }
}

module attributes {stable_mosaic.version = 14 : i64} {
  func.func @_layer3_body(%arg0: memref<2x10000x144xf32, #tpu.memory_space<vmem>>, %arg1: memref<10000x144xf32, #tpu.memory_space<vmem>>, %arg2: memref<128x128xf32, #tpu.memory_space<vmem>>, %arg3: memref<1x128xf32, #tpu.memory_space<vmem>>, %arg4: memref<128x128xf32, #tpu.memory_space<vmem>>, %arg5: memref<128x1xf32, #tpu.memory_space<vmem>>, %arg6: memref<1x256xf32, #tpu.memory_space<vmem>>, %arg7: memref<1x256xf32, #tpu.memory_space<vmem>>, %arg8: memref<256x128xf32, #tpu.memory_space<vmem>>, %arg9: memref<1x128xf32, #tpu.memory_space<vmem>>, %arg10: memref<128x64xf32, #tpu.memory_space<vmem>>, %arg11: memref<1x64xf32, #tpu.memory_space<vmem>>, %arg12: memref<64x1xf32, #tpu.memory_space<vmem>>, %arg13: memref<1x1xf32, #tpu.memory_space<vmem>>, %arg14: memref<1x1xf32, #tpu.memory_space<vmem>>) attributes {dimension_semantics = [], scalar_prefetch = 0 : i64, scratch_operands = 0 : i64, tpu.core_type = #tpu.core_type<tc>} {
    %get3A = arith.constant 0 : index
    %get3A_0 = arith.constant 0 : index
    %get3A_1 = arith.constant 0 : index
    %get3A_2 = vector.load %arg0[%get3A, %get3A_0, %get3A_1] : memref<2x10000x144xf32, #tpu.memory_space<vmem>>, vector<1x10000x144xf32>
    %get3A_3 = vector.shape_cast %get3A_2 : vector<1x10000x144xf32> to vector<10000x144xf32>
    %get3A_4 = arith.constant 1 : index
    %get3A_5 = arith.constant 0 : index
    %get3A_6 = arith.constant 0 : index
    %get3A_7 = vector.load %arg0[%get3A_4, %get3A_5, %get3A_6] : memref<2x10000x144xf32, #tpu.memory_space<vmem>>, vector<1x10000x144xf32>
    %get3A_8 = vector.shape_cast %get3A_7 : vector<1x10000x144xf32> to vector<10000x144xf32>
    %add3A = arith.addf %get3A_3, %get3A_8 : vector<10000x144xf32>
    %slice3A = vector.extract_strided_slice %add3A {offsets = [0, 128], sizes = [10000, 1], strides = [1, 1]} : vector<10000x144xf32> to vector<10000x1xf32>
    %max3A = arith.constant 1.000000e+00 : f32
    %max3A_9 = vector.broadcast %max3A : f32 to vector<10000x1xf32>
    %max3A_10 = arith.maximumf %slice3A, %max3A_9 : vector<10000x1xf32>
    %slice3A_11 = vector.extract_strided_slice %add3A {offsets = [0, 0], sizes = [10000, 128], strides = [1, 1]} : vector<10000x144xf32> to vector<10000x128xf32>
    %div3A = vector.broadcast %max3A_10 : vector<10000x1xf32> to vector<10000x128xf32>
    %div3A_12 = arith.divf %slice3A_11, %div3A : vector<10000x128xf32>
    %get3A_13 = arith.constant 0 : index
    %get3A_14 = arith.constant 0 : index
    %get3A_15 = vector.load %arg1[%get3A_13, %get3A_14] : memref<10000x144xf32, #tpu.memory_space<vmem>>, vector<10000x128xf32>
    %get3A_16 = arith.constant 0 : index
    %get3A_17 = arith.constant 0 : index
    %get3A_18 = vector.load %arg2[%get3A_16, %get3A_17] : memref<128x128xf32, #tpu.memory_space<vmem>>, vector<128x128xf32>
    %dot_general3A = arith.constant dense<0.000000e+00> : vector<10000x128xf32>
    %dot_general3A_19 = tpu.matmul %div3A_12, %get3A_18, %dot_general3A {dimension_numbers = #tpu.dot_dimension_numbers<[1], [0], [0], [1], [0, 0, 1, 1], [], []>, transpose_lhs_hint = false} : vector<10000x128xf32>, vector<128x128xf32>, vector<10000x128xf32> -> vector<10000x128xf32>
    %get3A_20 = arith.constant 0 : index
    %get3A_21 = arith.constant 0 : index
    %get3A_22 = vector.load %arg3[%get3A_20, %get3A_21] : memref<1x128xf32, #tpu.memory_space<vmem>>, vector<1x128xf32>
    %add3A_23 = vector.broadcast %get3A_22 : vector<1x128xf32> to vector<10000x128xf32>
    %add3A_24 = arith.addf %dot_general3A_19, %add3A_23 : vector<10000x128xf32>
    %get3A_25 = arith.constant 0 : index
    %get3A_26 = arith.constant 0 : index
    %get3A_27 = vector.load %arg4[%get3A_25, %get3A_26] : memref<128x128xf32, #tpu.memory_space<vmem>>, vector<128x128xf32>
    %dot_general3A_28 = arith.constant dense<0.000000e+00> : vector<10000x128xf32>
    %dot_general3A_29 = tpu.matmul %get3A_15, %get3A_27, %dot_general3A_28 {dimension_numbers = #tpu.dot_dimension_numbers<[1], [0], [0], [1], [0, 0, 1, 1], [], []>, transpose_lhs_hint = false} : vector<10000x128xf32>, vector<128x128xf32>, vector<10000x128xf32> -> vector<10000x128xf32>
    %add3A_30 = arith.addf %add3A_24, %dot_general3A_29 : vector<10000x128xf32>
    %max3A_31 = arith.constant 0.000000e+00 : f32
    %max3A_32 = vector.broadcast %max3A_31 : f32 to vector<10000x128xf32>
    %max3A_33 = arith.maximumf %add3A_30, %max3A_32 : vector<10000x128xf32>
    %get3A_34 = arith.constant 0 : index
    %get3A_35 = arith.constant 0 : index
    %get3A_36 = vector.load %arg5[%get3A_34, %get3A_35] : memref<128x1xf32, #tpu.memory_space<vmem>>, vector<128x1xf32>
    %transpose3A = tpu.transpose %get3A_36, [1, 0] : vector<128x1xf32> -> vector<1x128xf32>
    %dot_general3A_37 = arith.constant dense<0.000000e+00> : vector<1x10000xf32>
    %dot_general3A_38 = tpu.matmul %transpose3A, %max3A_33, %dot_general3A_37 {dimension_numbers = #tpu.dot_dimension_numbers<[1], [1], [0], [0], [0, 0, 1, 0], [], []>, transpose_lhs_hint = false} : vector<1x128xf32>, vector<10000x128xf32>, vector<1x10000xf32> -> vector<1x10000xf32>
    %mul3A = arith.mulf %get3A_36, %get3A_36 : vector<128x1xf32>
    %reduce_sum3A = vector.shape_cast %mul3A : vector<128x1xf32> to vector<1x128x1xf32>
    %reduce_sum3A_39 = arith.constant dense<0.000000e+00> : vector<1xf32>
    %reduce_sum3A_40 = vector.multi_reduction <add>, %reduce_sum3A, %reduce_sum3A_39 [1, 2] : vector<1x128x1xf32> to vector<1xf32>
    %reduce_sum3A_41 = vector.shape_cast %reduce_sum3A_40 : vector<1xf32> to vector<1x1x1xf32>
    %reduce_sum3A_42 = vector.extract %reduce_sum3A_41[0, 0, 0] : f32 from vector<1x1x1xf32>
    %rsqrt3A = math.rsqrt %reduce_sum3A_42 : f32
    %mul3A_43 = vector.broadcast %rsqrt3A : f32 to vector<1x10000xf32>
    %mul3A_44 = arith.mulf %dot_general3A_38, %mul3A_43 : vector<1x10000xf32>
    %get3A_45 = arith.constant 0 : index
    %get3A_46 = arith.constant 128 : index
    %get3A_47 = vector.load %arg1[%get3A_45, %get3A_46] : memref<10000x144xf32, #tpu.memory_space<vmem>>, vector<10000x1xf32>
    %transpose3A_48 = tpu.transpose %get3A_47, [1, 0] : vector<10000x1xf32> -> vector<1x10000xf32>
    %gt3A = arith.constant 0.000000e+00 : f32
    %gt3A_49 = vector.broadcast %gt3A : f32 to vector<1x10000xf32>
    %gt3A_50 = arith.cmpf ogt, %transpose3A_48, %gt3A_49 : vector<1x10000xf32>
    %jit3A = arith.constant 0xFF800000 : f32
    %broadcast_in_dim3A = vector.broadcast %jit3A : f32 to vector<1x10000xf32>
    %select_n3A = arith.select %gt3A_50, %mul3A_44, %broadcast_in_dim3A : vector<1x10000xi1>, vector<1x10000xf32>
    %bitcast_convert_type3A = tpu.bitcast %select_n3A : vector<1x10000xf32> -> vector<1x10000xi32>
    %lt3A = arith.constant 0.000000e+00 : f32
    %lt3A_51 = vector.broadcast %lt3A : f32 to vector<1x10000xf32>
    %lt3A_52 = arith.cmpf olt, %select_n3A, %lt3A_51 : vector<1x10000xf32>
    %not3A = arith.constant dense<-1> : vector<1x10000xi32>
    %not3A_53 = arith.xori %bitcast_convert_type3A, %not3A : vector<1x10000xi32>
    %or3A = arith.constant -2147483648 : i32
    %or3A_54 = vector.broadcast %or3A : i32 to vector<1x10000xi32>
    %or3A_55 = arith.ori %bitcast_convert_type3A, %or3A_54 : vector<1x10000xi32>
    %select_n3A_56 = arith.select %lt3A_52, %not3A_53, %or3A_55 : vector<1x10000xi1>, vector<1x10000xi32>
    %scan3A = arith.constant 0 : i32
    %scan3A_57 = arith.constant 0 : i32
    %scan3A_58 = arith.constant 32 : i32
    %scan3A_59 = arith.addi %scan3A_57, %scan3A_58 : i32
    %scan3A_60 = arith.constant 1 : i32
    %scan3A_61 = scf.for %scan3A_137 = %scan3A_57 to %scan3A_59 step %scan3A_60 iter_args(%scan3A_138 = %scan3A) -> (i32)  : i32 {
      %sub3A = arith.constant 31 : i32
      %sub3A_139 = arith.subi %sub3A, %scan3A_137 : i32
      %shift_left3A = arith.constant 1 : i32
      %shift_left3A_140 = arith.shli %shift_left3A, %sub3A_139 : i32
      %or3A_141 = arith.ori %scan3A_138, %shift_left3A_140 : i32
      %ge3A_142 = vector.broadcast %or3A_141 : i32 to vector<1x10000xi32>
      %ge3A_143 = arith.cmpi uge, %select_n3A_56, %ge3A_142 : vector<1x10000xi32>
      %convert_element_type3A_144 = arith.extui %ge3A_143 : vector<1x10000xi1> to vector<1x10000xi32>
      %reduce_sum3A_145 = vector.shape_cast %convert_element_type3A_144 : vector<1x10000xi32> to vector<1x1x10000xi32>
      %reduce_sum3A_146 = arith.constant dense<0> : vector<1xi32>
      %reduce_sum3A_147 = vector.multi_reduction <add>, %reduce_sum3A_145, %reduce_sum3A_146 [1, 2] : vector<1x1x10000xi32> to vector<1xi32>
      %reduce_sum3A_148 = vector.shape_cast %reduce_sum3A_147 : vector<1xi32> to vector<1x1x1xi32>
      %reduce_sum3A_149 = vector.extract %reduce_sum3A_148[0, 0, 0] : i32 from vector<1x1x1xi32>
      %ge3A_150 = arith.constant 5120 : i32
      %ge3A_151 = arith.cmpi sge, %reduce_sum3A_149, %ge3A_150 : i32
      %select_n3A_152 = arith.select %ge3A_151, %or3A_141, %scan3A_138 : i32
      scf.yield %select_n3A_152 : i32
    }
    %scan3A_62 = arith.constant 32 : i32
    %ge3A = vector.broadcast %scan3A_61 : i32 to vector<1x10000xi32>
    %ge3A_63 = arith.cmpi uge, %select_n3A_56, %ge3A : vector<1x10000xi32>
    %convert_element_type3A = arith.extui %ge3A_63 : vector<1x10000xi1> to vector<1x10000xi32>
    %convert_element_type3A_64 = arith.sitofp %convert_element_type3A : vector<1x10000xi32> to vector<1x10000xf32>
    %tanh3A = math.tanh %mul3A_44 : vector<1x10000xf32>
    %mul3A_65 = arith.mulf %tanh3A, %convert_element_type3A_64 : vector<1x10000xf32>
    %transpose3A_66 = tpu.transpose %mul3A_65, [1, 0] : vector<1x10000xf32> -> vector<10000x1xf32>
    %mul3A_67 = vector.broadcast %transpose3A_66 : vector<10000x1xf32> to vector<10000x128xf32>
    %mul3A_68 = arith.mulf %max3A_33, %mul3A_67 : vector<10000x128xf32>
    %transpose3A_69 = tpu.transpose %convert_element_type3A_64, [1, 0] : vector<1x10000xf32> -> vector<10000x1xf32>
    %gt3A_70 = arith.constant 0.000000e+00 : f32
    %gt3A_71 = vector.broadcast %gt3A_70 : f32 to vector<10000x1xf32>
    %gt3A_72 = arith.cmpf ogt, %transpose3A_69, %gt3A_71 : vector<10000x1xf32>
    %jit3A_73 = arith.constant 0xFF800000 : f32
    %broadcast_in_dim3A_74 = vector.shape_cast %gt3A_72 : vector<10000x1xi1> to vector<10000x1xi1>
    %broadcast_in_dim3A_75 = vector.broadcast %broadcast_in_dim3A_74 : vector<10000x1xi1> to vector<10000x128xi1>
    %broadcast_in_dim3A_76 = vector.broadcast %jit3A_73 : f32 to vector<10000x128xf32>
    %select_n3A_77 = arith.select %broadcast_in_dim3A_75, %mul3A_68, %broadcast_in_dim3A_76 : vector<10000x128xi1>, vector<10000x128xf32>
    %reduce_max3A = arith.constant dense<0xFF800000> : vector<128xf32>
    %reduce_max3A_78 = vector.multi_reduction <maximumf>, %select_n3A_77, %reduce_max3A [0] : vector<10000x128xf32> to vector<128xf32>
    %broadcast_in_dim3A_79 = vector.shape_cast %reduce_max3A_78 : vector<128xf32> to vector<1x128xf32>
    %reduce_sum3A_80 = arith.constant dense<0.000000e+00> : vector<128xf32>
    %reduce_sum3A_81 = vector.multi_reduction <add>, %mul3A_68, %reduce_sum3A_80 [0] : vector<10000x128xf32> to vector<128xf32>
    %broadcast_in_dim3A_82 = vector.shape_cast %reduce_sum3A_81 : vector<128xf32> to vector<1x128xf32>
    %mul3A_83 = arith.constant 1.95312503E-4 : f32
    %mul3A_84 = vector.broadcast %mul3A_83 : f32 to vector<1x128xf32>
    %mul3A_85 = arith.mulf %broadcast_in_dim3A_82, %mul3A_84 : vector<1x128xf32>
    %concatenate3A = tpu.concatenate %broadcast_in_dim3A_79, %mul3A_85 in 1 : vector<1x128xf32>, vector<1x128xf32> -> vector<1x256xf32>
    %get3A_86 = arith.constant 0 : index
    %get3A_87 = arith.constant 0 : index
    %get3A_88 = vector.load %arg6[%get3A_86, %get3A_87] : memref<1x256xf32, #tpu.memory_space<vmem>>, vector<1x256xf32>
    %get3A_89 = arith.constant 0 : index
    %get3A_90 = arith.constant 0 : index
    %get3A_91 = vector.load %arg7[%get3A_89, %get3A_90] : memref<1x256xf32, #tpu.memory_space<vmem>>, vector<1x256xf32>
    %add3A_92 = arith.addf %get3A_88, %get3A_91 : vector<1x256xf32>
    %add3A_93 = arith.addf %add3A_92, %concatenate3A : vector<1x256xf32>
    %get3A_94 = arith.constant 0 : index
    %get3A_95 = arith.constant 0 : index
    %get3A_96 = vector.load %arg8[%get3A_94, %get3A_95] : memref<256x128xf32, #tpu.memory_space<vmem>>, vector<256x128xf32>
    %dot_general3A_97 = arith.constant dense<0.000000e+00> : vector<1x128xf32>
    %dot_general3A_98 = tpu.matmul %add3A_93, %get3A_96, %dot_general3A_97 {dimension_numbers = #tpu.dot_dimension_numbers<[1], [0], [0], [1], [0, 0, 1, 1], [], []>, transpose_lhs_hint = false} : vector<1x256xf32>, vector<256x128xf32>, vector<1x128xf32> -> vector<1x128xf32>
    %get3A_99 = arith.constant 0 : index
    %get3A_100 = arith.constant 0 : index
    %get3A_101 = vector.load %arg9[%get3A_99, %get3A_100] : memref<1x128xf32, #tpu.memory_space<vmem>>, vector<1x128xf32>
    %add3A_102 = arith.addf %dot_general3A_98, %get3A_101 : vector<1x128xf32>
    %max3A_103 = arith.constant 0.000000e+00 : f32
    %max3A_104 = vector.broadcast %max3A_103 : f32 to vector<1x128xf32>
    %max3A_105 = arith.maximumf %add3A_102, %max3A_104 : vector<1x128xf32>
    %get3A_106 = arith.constant 0 : index
    %get3A_107 = arith.constant 0 : index
    %get3A_108 = vector.load %arg10[%get3A_106, %get3A_107] : memref<128x64xf32, #tpu.memory_space<vmem>>, vector<128x64xf32>
    %dot_general3A_109 = arith.constant dense<0.000000e+00> : vector<1x64xf32>
    %dot_general3A_110 = tpu.matmul %max3A_105, %get3A_108, %dot_general3A_109 {dimension_numbers = #tpu.dot_dimension_numbers<[1], [0], [0], [1], [0, 0, 1, 1], [], []>, transpose_lhs_hint = false} : vector<1x128xf32>, vector<128x64xf32>, vector<1x64xf32> -> vector<1x64xf32>
    %get3A_111 = arith.constant 0 : index
    %get3A_112 = arith.constant 0 : index
    %get3A_113 = vector.load %arg11[%get3A_111, %get3A_112] : memref<1x64xf32, #tpu.memory_space<vmem>>, vector<1x64xf32>
    %add3A_114 = arith.addf %dot_general3A_110, %get3A_113 : vector<1x64xf32>
    %max3A_115 = arith.constant 0.000000e+00 : f32
    %max3A_116 = vector.broadcast %max3A_115 : f32 to vector<1x64xf32>
    %max3A_117 = arith.maximumf %add3A_114, %max3A_116 : vector<1x64xf32>
    %get3A_118 = arith.constant 0 : index
    %get3A_119 = arith.constant 0 : index
    %get3A_120 = vector.load %arg12[%get3A_118, %get3A_119] : memref<64x1xf32, #tpu.memory_space<vmem>>, vector<64x1xf32>
    %dot_general3A_121 = arith.constant dense<0.000000e+00> : vector<1x1xf32>
    %dot_general3A_122 = tpu.matmul %max3A_117, %get3A_120, %dot_general3A_121 {dimension_numbers = #tpu.dot_dimension_numbers<[1], [0], [0], [1], [0, 0, 1, 1], [], []>, transpose_lhs_hint = false} : vector<1x64xf32>, vector<64x1xf32>, vector<1x1xf32> -> vector<1x1xf32>
    %get3A_123 = arith.constant 0 : index
    %get3A_124 = arith.constant 0 : index
    %get3A_125 = vector.load %arg13[%get3A_123, %get3A_124] : memref<1x1xf32, #tpu.memory_space<vmem>>, vector<1x1xf32>
    %add3A_126 = arith.addf %dot_general3A_122, %get3A_125 : vector<1x1xf32>
    %neg3A = arith.constant 0.000000e+00 : f32
    %neg3A_127 = vector.broadcast %neg3A : f32 to vector<1x1xf32>
    %neg3A_128 = arith.subf %neg3A_127, %add3A_126 : vector<1x1xf32>
    %exp3A = math.exp %neg3A_128 : vector<1x1xf32>
    %add3A_129 = arith.constant 1.000000e+00 : f32
    %add3A_130 = vector.broadcast %add3A_129 : f32 to vector<1x1xf32>
    %add3A_131 = arith.addf %add3A_130, %exp3A : vector<1x1xf32>
    %div3A_132 = arith.constant 1.000000e+00 : f32
    %div3A_133 = vector.broadcast %div3A_132 : f32 to vector<1x1xf32>
    %div3A_134 = arith.divf %div3A_133, %add3A_131 : vector<1x1xf32>
    %swap3A = arith.constant 0 : index
    %swap3A_135 = arith.constant 0 : index
    %swap3A_136 = vector.load %arg14[%swap3A, %swap3A_135] : memref<1x1xf32, #tpu.memory_space<vmem>>, vector<1x1xf32>
    tpu.vector_store %arg14[%swap3A, %swap3A_135], %div3A_134 {strides = array<i32>} : memref<1x1xf32, #tpu.memory_space<vmem>>, vector<1x1xf32>,
    return
  }
}

</mosaic_0001>

<sc_bundles>
// kernel: kernel.12.cloned.1.call-start
scs
__scs_entry_jumppad:
0x0: {  	(pc) =	sbr.rel $0x88, $3  }
0x1: {  	(tag) =	ssettag $0x0;
	lr =	simm.s32 $0x1  }
0x2: {  	[smem:$0x3F8C] =	sst lr;
	_ =	strace $0xD0000000  }
0x3: {  	_ = 	snop  }
0x4: {  	_ = 	snop  }
0x5: {  	_ = 	snop  }
0x6: {  	_ = 	snop  }
0x7: {  	_ = 	snop  }
__scs_overlays_trampoline_lowered:
0x8: {  	[smem:$0x3F9B] =	sst s0  }
0x9: {  	[smem:$0x3F9C] =	sst s1  }
0xa: {  	[smem:$0x3F9D] =	sst s2  }
0xb: {  	[smem:$0x3F9E] =	sst s3  }
0xc: {  	[smem:$0x3F9F] =	sst s4  }
0xd: {  	[smem:$0x3FA0] =	sst s5  }
0xe: {  	[smem:$0x3FA1] =	sst s6  }
0xf: {  	[smem:$0x3FA2] =	sst s7  }
0x10: {  	[smem:$0x3FA3] =	sst s8  }
0x11: {  	[smem:$0x3FA4] =	sst s9;
	s0 =	simm.s32 @!p0 $0x0  }
0x12: {  	s1 =	sld [smem:$0x3F8A];
	s0 =	simm.s32 @p0 $0x1  }
0x13: {  	[smem:$0x3FA5] =	sst s0;
	s0 =	simm.s32 @!p1 $0x0  }
0x14: {  	s2 =	sld [smem:$0x3F89];
	s0 =	simm.s32 @p1 $0x1  }
0x15: {  	[smem:$0x3FA6] =	sst s0;
	s0 =	simm.s32 @!p2 $0x0  }
0x16: {  	s3 =	sld [smem:$0x3FDB];
	s0 =	simm.s32 @p2 $0x1  }
0x17: {  	s4 =	simm.s32 $0x1BF5;
	[smem:$0x3FA8] =	sst s0  }
0x18: {  	s0 =	sld [smem:$0x3F8B];
	_ =	swait.ge [sflag:s4], $0x0  }
0x19: {  	s7 =	sld [smem:$0x3F8C]  }
0x1a: {  	s8 =	sadd.s32 $0xFFFFE003, lr  }
0x1b: {  	s9 =	sadd.s32 $0xFFFFFEF7, lr;
	s5 =	simm.s32 $0xFFFFFFFF;
	p2 =	slt.u32 s8, $0xFFFFF086  }
0x1c: {  	p1 =	slt.u32 s9, $0xF7A;
	s5 =	simm.s32 @!p2 $0x0  }
0x1d: {  	s5 =	simm.s32 @p1 $0x1;
	p0 =	seq.s32 s7, s2  }
0x1e: {  	s7 =	smul.u32 @!p0 $0xF7A, s2;
	p2 =	seq.s32 @!p0 s5, $0x0  }
0x1f: {  	s9 =	smul.u32 $0xF7A, s1;
	s8 =	simm.s32 @!p0 $0x1BF5;
	p2 =	por !p2, p0  }
0x20: {  	[sflag:s8] =	ssyncset.s32 @!p0 $0xFFFFF086;
	s6 =	sadd.s32 @!p0 s3, s7;
	s7 =	simm.s32 @!p0 $0x108  }
0x21: {  	s3 =	sadd.s32 s3, s9;
	s6 =	sadd.s32 @!p0 $0x88, s6;
	s7 =	simm.s32 @p2 $0x1082  }
0x22: {  	[simem:s7], [sflag:s8] =	dma.local @!p0 [hbm:s6], $0xF7A  }
0x23: {  	s9 =	sor.u32 $0xD0000000, s2;
	s6 =	simm.s32 $0x108;
	_ =	swait.ge @!p0 [sflag:s8], $0x0  }
0x24: {  	s3 =	sadd.s32 $0x88, s3;
	s6 =	simm.s32 @!p1 $0x1082;
	[sflag:s4] =	ssyncset.s32 $0xFFFFF086  }
0x25: {  	[simem:s6], [sflag:s4] =	dma.local [hbm:s3], $0xF7A  }
0x26: {  	[smem:$0x3F8C] =	sst s1;
	(tag) =	ssettag s2;
	_ =	strace s9  }
0x27: {  	s1 =	sld [smem:$0x3F9C]  }
0x28: {  	s2 =	sld [smem:$0x3F9D]  }
0x29: {  	s4 =	sld [smem:$0x3F9F]  }
0x2a: {  	p0 =	seq.s32 s5, $0x0;
	s5 =	sld [smem:$0x3FA0]  }
0x2b: {  	s6 =	sld [smem:$0x3FA1]  }
0x2c: {  	s7 =	sld [smem:$0x3FA2]  }
0x2d: {  	s3 =	simm.s32 $0x108;
	s8 =	sld [smem:$0x3FA3]  }
0x2e: {  	s3 =	simm.s32 @!p0 $0x1082;
	s9 =	sld [smem:$0x3FA4]  }
0x2f: {  	lr =	sadd.s32 s0, s3;
	s0 =	sld [smem:$0x3F9B]  }
0x30: {  	s3 =	sld [smem:$0x3F9E]  }
0x31: {  	[smem:$0x3FA7] =	sst s10  }
0x32: {  	s10 =	sld [smem:$0x3FA5];
	_ =	sdelay $0x3  }
0x33: {  	p0 =	seq.s32 s10, $0x1;
	s10 =	sld [smem:$0x3FA7];
	_ =	sdelay $0x3  }
0x34: {  	[smem:$0x3FA7] =	sst s10  }
0x35: {  	s10 =	sld [smem:$0x3FA6];
	_ =	sdelay $0x3  }
0x36: {  	p1 =	seq.s32 s10, $0x1;
	s10 =	sld [smem:$0x3FA7];
	_ =	sdelay $0x3  }
0x37: {  	[smem:$0x3FA7] =	sst s10  }
0x38: {  	s10 =	sld [smem:$0x3FA8]  }
0x39: {  	_ = 	snop;
	(pc) =	sbr.ind lr, $3  }
0x3a: {  	_ = 	snop  }
0x3b: {  	_ = 	snop  }
0x3c: {  	p2 =	seq.s32 s10, $0x1;
	s10 =	sld [smem:$0x3FA7]  }
0x3d: {  	_ =	shalt  }
0x3e: {  	_ =	shalt  }
0x3f: {  	_ =	shalt  }
0x40: {  	_ =	shalt  }
0x41: {  	_ =	shalt  }
0x42: {  	_ =	shalt  }
0x43: {  	_ =	shalt  }
0x44: {  	_ =	shalt  }
0x45: {  	_ =	shalt  }
0x46: {  	_ =	shalt  }
0x47: {  	_ =	shalt  }
0x48: {  	_ =	shalt  }
0x49: {  	_ =	shalt  }
0x4a: {  	_ =	shalt  }
0x4b: {  	_ =	shalt  }
0x4c: {  	_ =	shalt  }
0x4d: {  	_ =	shalt  }
0x4e: {  	_ =	shalt  }
0x4f: {  	_ =	shalt  }
0x50: {  	_ =	shalt  }
0x51: {  	_ =	shalt  }
0x52: {  	_ =	shalt  }
0x53: {  	_ =	shalt  }
0x54: {  	_ =	shalt  }
0x55: {  	_ =	shalt  }
0x56: {  	_ =	shalt  }
0x57: {  	_ =	shalt  }
0x58: {  	_ =	shalt  }
0x59: {  	_ =	shalt  }
0x5a: {  	_ =	shalt  }
0x5b: {  	_ =	shalt  }
0x5c: {  	_ =	shalt  }
0x5d: {  	_ =	shalt  }
0x5e: {  	_ =	shalt  }
0x5f: {  	_ =	shalt  }
0x60: {  	_ =	shalt  }
0x61: {  	_ =	shalt  }
0x62: {  	_ =	shalt  }
0x63: {  	_ =	shalt  }
0x64: {  	_ =	shalt  }
0x65: {  	_ =	shalt  }
0x66: {  	_ =	shalt  }
0x67: {  	_ =	shalt  }
0x68: {  	_ =	shalt  }
0x69: {  	_ =	shalt  }
0x6a: {  	_ =	shalt  }
0x6b: {  	_ =	shalt  }
0x6c: {  	_ =	shalt  }
0x6d: {  	_ =	shalt  }
0x6e: {  	_ =	shalt  }
0x6f: {  	_ =	shalt  }
0x70: {  	_ =	shalt  }
0x71: {  	_ =	shalt  }
0x72: {  	_ =	shalt  }
0x73: {  	_ =	shalt  }
0x74: {  	_ =	shalt  }
0x75: {  	_ =	shalt  }
0x76: {  	_ =	shalt  }
0x77: {  	_ =	shalt  }
0x78: {  	_ =	shalt  }
0x79: {  	_ =	shalt  }
0x7a: {  	_ =	shalt  }
0x7b: {  	_ =	shalt  }
0x7c: {  	_ =	shalt  }
0x7d: {  	_ =	shalt  }
0x7e: {  	_ =	shalt  }
0x7f: {  	_ =	shalt  }
0x80: {  	_ =	shalt  }
0x81: {  	_ =	shalt  }
0x82: {  	_ =	shalt  }
0x83: {  	_ =	shalt  }
0x84: {  	_ =	shalt  }
0x85: {  	_ =	shalt  }
0x86: {  	_ =	shalt  }
0x87: {  	_ =	shalt  }
.Lfunc_end0:
.L_simem_size_0:
called_computation.1_lowered:
.L_overlay_start_0:
0x88: {  	s2 =	sld [smem:$0x3FD9]  }
0x89: {  	s3 =	sld [smem:$0x3FFE];
	_ =	sdelay $0x1  }
0x8a: {  	s1 =	srdreg.scid  }
0x8b: {  	s0 =	sand.u32 $0x1, s1  }
0x8c: {  	s16 =	sshll.u32 s0, $0xA;
	s2 =	sadd.s32 s3, s2  }
0x8d: {  	s2 =	sadd.s32 s2, s16  }
0x8e: {  	[smem:$0x3FB3] =	sst s2  }
0x8f: {  	_ = 	snop  }
0x90: {  	(tm) =	ssettm $0x1  }
0x91: {  	s17 =	sld [smem:$0x3FFB];
	_ =	sdelay $0x3  }
0x92: {  	_ =	strace s17  }
0x93: {  	s2 =	sld [smem:$0x3FFC];
	_ =	sdelay $0x3  }
0x94: {  	_ =	strace s2  }
0x95: {  	s2 =	sld [smem:$0x3FFD];
	_ =	sdelay $0x3  }
0x96: {  	_ =	strace s2  }
0x97: {  	_ =	strace $0x8FFFFFFF  }
0x98: {  	s18 =	sld [smem:$0x3FDB];
	_ =	sdelay $0x1  }
0x99: {  	s19 =	simm.s32 $_scs_section_size  }
0x9a: {  	s4 =	simm.s32 $_size__tile_overlayer_lowered;
	s5 =	simm.s32 $_tile_overlayer_lowered  }
0x9b: {  	s22 =	simm.s32 $0x1BFF;
	s21 =	sshll.u32 s5, $0x1;
	s2 =	sadd.s32 s19, s18  }
0x9c: {  	s6 =	simm.s32 $0x0;
	s20 =	sshll.u32 s4, $0x1;
	s4 =	sadd.s32 s21, s2  }
0x9d: {  	[timem:s6], [sflag:s22] =	dma.local [hbm:s4], s20  }
0x9e: {  	_ =	swait.ge [sflag:s22], s20  }
0x9f: {  	s3 =	ssub.s32 $0x0, s20;
	[sflag:s22] =	ssyncset.done $0x0  }
0xa0: {  	[sflag:s22] =	ssyncadd.s32 s3;
	_ =	sdelay $0x1  }
0xa1: {  	s23 =	simm.s32 $0x1B8B  }
0xa2: {  	_ =	swait.ge [sflag:s23], $0x1  }
0xa3: {  	[sflag:s23] =	ssyncset.done $0x0  }
0xa4: {  	s25 =	simm.s32 $0x1B8E;
	s24 =	sld [smem:$0x3FFE];
	[sflag:s23] =	ssyncadd.s32 $0xFFFFFFFF  }
0xa5: {  	s26 =	simm.s32 $execute0_lowered;
	[smem:$0x3FD2] =	sst s25  }
0xa6: {  	s4 =	sshll.u32 s26, $0x1;
	_ =	strace $0x80000049;
	[dreg:$0x1] =	wrdreg $0xFFFFFFFF  }
0xa7: {  	s28 =	simm.s32 $_size_execute0_lowered;
	s2 =	sadd.s32 s2, s4;
	[dreg:$0x0] =	wrdreg $0x0  }
0xa8: {  	s4 =	sshll.u32 s28, $0x1;
	[dreg:$0x2] =	wrdreg s2  }
0xa9: {  	[dreg:$0x3] =	wrdreg s4  }
0xaa: {  	[dreg:$0x4] =	wrdreg $0xC0  }
0xab: {  	_ =	task [dreg:s6], $0x5FFFF  }
0xac: {  	[dreg:$0x1] =	wrdreg $0xFFFFFFFF  }
0xad: {  	[dreg:$0x0] =	wrdreg $0x60  }
0xae: {  	[dreg:$0x2] =	wrdreg s24  }
0xaf: {  	[dreg:$0x3] =	wrdreg $0x50000  }
0xb0: {  	[dreg:$0x4] =	wrdreg $0x9  }
0xb1: {  	_ =	task.clear_ibuf [dreg:s6], $0x5FFFF;
	_ =	strace $0x90000049  }
0xb2: {  	s29 =	simm.s32 $0x9;
	_ =	strace $0x8000004B  }
0xb3: {  	_ =	swait.ge [sflag:s29], $0x1  }
0xb4: {  	[sflag:s29] =	ssyncadd.s32 $0xFFFFFFFF  }
0xb5: {  	_ =	strace $0x9000004B  }
0xb6: {  	_ =	sfence  }
0xb7: {  	s30 =	sld [smem:$0x0];
	_ =	sdelay $0x2  }
0xb8: {  	s31 =	sshll.u32 s1, $0xD;
	s1 =	sshrl.u32 s1, $0x2  }
0xb9: {  	s3 =	sand.u32 $0x4000, s31;
	s1 =	sadd.s32 s1, s30  }
0xba: {  	s0 =	sor.u32 s3, s0;
	s1 =	sshll.u32 s1, $0x11  }
0xbb: {  	s0 =	sor.u32 s1, s0  }
0xbc: {  	s0 =	sadd.s32 $0x8F2B, s0  }
0xbd: {  	[sflag:s0] =	ssyncadd.remote.s32 $0x1  }
0xbe: {  	_ =	sfence.sel $0xFFFF  }
0xbf: {  	[dreg:$0x0] =	wrdreg $0xFFFFFFFF;
	(pc) =	sbr.abs _section_cstart, $3  }
0xc0: {  	[dreg:$0x1] =	wrdreg $0xFFFFFFFF  }
0xc1: {  	_ =	task.clear_ibuf [dreg:s6], $0x2FFFF;
	_ =	strace $0x9FFFFFFF  }
0xc2: {  	(tm) =	ssettm $0x7FFFFFFF  }
0xc3: {  	_ =	shalt  }
tec
execute0_lowered:
.L_overlay_start_1:
0x0: {  	(tag) =	ssettag $0x1  }
0x1: {  	s0 =	rddreg [dreg:$0x0];
	s1 =	srdreg.scid  }
0x2: {  	s11 =	stileid.u32;
	s2 =	rddreg [dreg:$0x1]  }
0x3: {  	s3 =	simm.s32 $0x0;
	s28 =	simm.s32 $0x2;
	s29 =	simm.s32 $0x600  }
0x4: {  	s30 =	simm.s32 $0x3;
	s31 =	simm.s32 $0xC00;
	s1 =	sand.u32 $0x1, s1  }
0x5: {  	s5 =	smul.u32 $0x2710, s11;
	[smem:$0x7FF] =	sst s3;
	s4 =	sadd.s32 $0x4E00, s0  }
0x6: {  	s8 =	sadd.s32 $0x9E00, s0;
	s7 =	smul.u32 $0x9C40, s11;
	s26 =	sshll.u32 s11, $0x7  }
0x7: {  	s6 =	smul.u32 $0x27100, s1;
	_ =	strace $0x8000004A;
	s18 =	ssub.s32 $0x2, s1  }
0x8: {  	s9 =	sshll.u32 s1, $0x4;
	s25 =	sshll.u32 s1, $0xB;
	s1 =	simm.s32 $0x7  }
0x9: {  	s10 =	sshrl.u32 s18, $0x1;
	s9 =	sor.u32 s11, s9;
	s7 =	sshrl.u32 s7, $0x2  }
0xa: {  	s6 =	sadd.s32 s5, s6;
	s7 =	sadd.s32 s7, s2;
	s19 =	sshll.u32 s9, $0x7  }
0xb: {  	s5 =	sadd.s32 s5, s2;
	p0 =	sgt.u32 s9, $0x10;
	s6 =	sshrl.u32 s6, $0x3  }
0xc: {  	s9 =	simm.s32 $0xE00;
	s7 =	sadd.s32 $0x2000, s7;
	s0 =	sadd.s32 s6, s0  }
0xd: {  	s6 =	ssub.s32 s18, s10;
	[dreg:$0x3] =	wrdreg s7;
	s7 =	sadd.s32 s8, s19  }
0xe: {  	s18 =	simm.s32 $0x1000;
	s19 =	simm.s32 $0x9;
	s10 =	sadd.s32 $0x1000, s7  }
0xf: {  	s20 =	sadd.s32 $0x2000, s7;
	s21 =	sadd.s32 $0x3000, s7;
	[dreg:$0x4] =	wrdreg s10  }
0x10: {  	s22 =	sadd.s32 $0x4000, s7;
	s23 =	sadd.s32 $0x5000, s7;
	[dreg:$0x5] =	wrdreg s20  }
0x11: {  	s24 =	sadd.s32 $0x12000, s7;
	s14 =	sadd.s32 $0x13000, s7;
	[dreg:$0x6] =	wrdreg s21  }
0x12: {  	s15 =	sadd.s32 $0x1D800, s0;
	s16 =	smax.u32 s6, $0x1;
	[dreg:$0x7] =	wrdreg s22  }
0x13: {  	s0 =	sadd.s32 s25, s8;
	s25 =	simm.s32 $0x6;
	[dreg:$0x8] =	wrdreg s23  }
0x14: {  	s6 =	simm.s32 $0x4;
	s8 =	simm.s32 $0x8;
	[dreg:$0x9] =	wrdreg s24  }
0x15: {  	s17 =	sadd.s32 s26, s0;
	s20 =	simm.s32 $0x400;
	s21 =	simm.s32 $0x5  }
0x16: {  	s22 =	simm.s32 $0x200;
	s23 =	simm.s32 $0x1;
	s24 =	simm.s32 $0x800  }
0x17: {  	v0 =	vimm.f32 $0.0e+00;
	s26 =	simm.s32 $0x3000;
	s0 =	simm.s32 $0xA00;
	s10 =	simm.s32 $0x0  }
.LBB2_1:
0x18: {  	s11 =	simm.s32 $0x40;
	s12 =	simm.s32 $0x0  }
.LBB2_2:
0x19: {  	p1 =	sne.s32 s11, $0x7FC0;
	[tilespmem:s12+$0x1000] =	vst v0;
	s12 =	smov.u32 s11;
	s11 =	sadd.s32 $0x40, s11  }
.Ltmp0:
0x1a: {  	(pc) =	sbr.rel @p1 .LBB2_2-.Ltmp0, $2  }
0x1b: {  	_ =	sdelay $0x2  }
0x1c: {  	s12 =	sshra.s32 s12, $0x2  }
0x1d: {  	[tilespmem:s12+$0x1000] =	vst v0  }
0x1e: {  	[spmem:s5] =	stream.linear.scatter [tilespmem:s18], [sflag:$0x9], $0x2000, $0x38;
	[tilespmem:$0x7710] =	vst v63  }
0x1f: {  	_ =	swait.ge [sflag:s19], $0x2000  }
0x20: {  	[sflag:s19] =	ssyncset.done $0x0  }
0x21: {  	s11 =	rddreg [dreg:$0x3];
	[sflag:s19] =	ssyncadd.s32 $0xFFFFE000  }
0x22: {  	[spmem:s11] =	stream.linear.scatter [tilespmem:s18], [sflag:$0x9], $0x710, $0x38;
	[tilespmem:$0x7710] =	vst v63  }
0x23: {  	_ =	swait.ge [sflag:s19], $0x710  }
0x24: {  	[sflag:s19] =	ssyncset.done $0x0  }
0x25: {  	[sflag:s19] =	ssyncadd.s32 $0xFFFFF8F0  }
0x26: {  	s11 =	simm.s32 $0x0;
	[bflag:$0x0] =	sbarrier.arrive $0xFFFF  }
0x27: {  	[tilespmem:s11], [sflag:$0x5] =	stream.linear.gather [hbm4b:s7+s11], $0x400, $0x38;
	[tilespmem:$0x7710] =	vst v63  }
0x28: {  	s13 =	rddreg [dreg:$0x4]  }
0x29: {  	[tilespmem:s20], [sflag:$0x6] =	stream.linear.gather [hbm4b:s13+s11], $0x400, $0x38;
	[tilespmem:$0x7710] =	vst v63  }
0x2a: {  	_ =	swait.ge [sflag:s21], $0x400  }
0x2b: {  	[sflag:s21] =	ssyncset.done $0x0  }
0x2c: {  	[sflag:s21] =	ssyncadd.s32 $0xFFFFFC00  }
0x2d: {  	[tilespmem:s18], [sflag:$0x1] =	stream.indirect.gather [hbm4b:s4+s22], $0x10, s11, s22, $0xb8;
	[tilespmem:$0x7710] =	vst v63  }
0x2e: {  	_ =	swait.ge [sflag:s23], $0x2000  }
0x2f: {  	[sflag:s23] =	ssyncset.done $0x0  }
0x30: {  	[sflag:s23] =	ssyncadd.s32 $0xFFFFE000  }
0x31: {  	[spmem:s2] =	stream.indirect.scatter.add.f32 [tilespmem:s18], [sflag:$0x3], $0x10, s22, s22, $0xb8;
	[tilespmem:$0x7710] =	vst v63  }
0x32: {  	s13 =	rddreg [dreg:$0x5]  }
0x33: {  	[tilespmem:s24], [sflag:$0x7] =	stream.linear.gather [hbm4b:s13+s11], $0x400, $0x38;
	[tilespmem:$0x7710] =	vst v63  }
0x34: {  	_ =	swait.ge [sflag:s25], $0x400  }
0x35: {  	[sflag:s25] =	ssyncset.done $0x0  }
0x36: {  	[sflag:s25] =	ssyncadd.s32 $0xFFFFFC00  }
0x37: {  	[tilespmem:s26], [sflag:$0x2] =	stream.indirect.gather [hbm4b:s4+s22], $0x10, s20, s22, $0xb8;
	[tilespmem:$0x7710] =	vst v63  }
0x38: {  	_ =	swait.ge [sflag:s28], $0x2000  }
0x39: {  	[sflag:s28] =	ssyncset.done $0x0  }
0x3a: {  	[sflag:s28] =	ssyncadd.s32 $0xFFFFE000  }
0x3b: {  	[spmem:s2] =	stream.indirect.scatter.add.f32 [tilespmem:s26], [sflag:$0x4], $0x10, s29, s22, $0xb8;
	[tilespmem:$0x7710] =	vst v63  }
0x3c: {  	_ =	swait.ge [sflag:s30], $0x2000  }
0x3d: {  	[sflag:s30] =	ssyncset.done $0x0  }
0x3e: {  	s13 =	rddreg [dreg:$0x6];
	[sflag:s30] =	ssyncadd.s32 $0xFFFFE000  }
0x3f: {  	[tilespmem:s31], [sflag:$0x8] =	stream.linear.gather [hbm4b:s13+s11], $0x400, $0x38;
	[tilespmem:$0x7710] =	vst v63  }
0x40: {  	_ =	swait.ge [sflag:s1], $0x400  }
0x41: {  	[sflag:s1] =	ssyncset.done $0x0  }
0x42: {  	[sflag:s1] =	ssyncadd.s32 $0xFFFFFC00  }
0x43: {  	[tilespmem:s18], [sflag:$0x1] =	stream.indirect.gather [hbm4b:s4+s22], $0x10, s24, s22, $0xb8;
	[tilespmem:$0x7710] =	vst v63  }
0x44: {  	_ =	swait.ge [sflag:s23], $0x2000  }
0x45: {  	[sflag:s23] =	ssyncset.done $0x0  }
0x46: {  	[sflag:s23] =	ssyncadd.s32 $0xFFFFE000  }
0x47: {  	[spmem:s2] =	stream.indirect.scatter.add.f32 [tilespmem:s18], [sflag:$0x3], $0x10, s0, s22, $0xb8;
	[tilespmem:$0x7710] =	vst v63  }
0x48: {  	_ =	swait.ge [sflag:s6], $0x2000  }
0x49: {  	[sflag:s6] =	ssyncset.done $0x0  }
0x4a: {  	s13 =	rddreg [dreg:$0x7];
	[sflag:s6] =	ssyncadd.s32 $0xFFFFE000  }
0x4b: {  	[tilespmem:s11], [sflag:$0x5] =	stream.linear.gather [hbm4b:s13+s11], $0x400, $0x38;
	[tilespmem:$0x7710] =	vst v63  }
0x4c: {  	_ =	swait.ge [sflag:s8], $0x400  }
0x4d: {  	[sflag:s8] =	ssyncset.done $0x0  }
0x4e: {  	[sflag:s8] =	ssyncadd.s32 $0xFFFFFC00  }
0x4f: {  	[tilespmem:s26], [sflag:$0x2] =	stream.indirect.gather [hbm4b:s4+s22], $0x10, s31, s22, $0xb8;
	[tilespmem:$0x7710] =	vst v63  }
0x50: {  	_ =	swait.ge [sflag:s28], $0x2000  }
0x51: {  	[sflag:s28] =	ssyncset.done $0x0  }
0x52: {  	[sflag:s28] =	ssyncadd.s32 $0xFFFFE000  }
0x53: {  	[spmem:s2] =	stream.indirect.scatter.add.f32 [tilespmem:s26], [sflag:$0x4], $0x10, s9, s22, $0xb8;
	[tilespmem:$0x7710] =	vst v63  }
0x54: {  	_ =	swait.ge [sflag:s30], $0x2000  }
0x55: {  	[sflag:s30] =	ssyncset.done $0x0  }
0x56: {  	s13 =	rddreg [dreg:$0x8];
	[sflag:s30] =	ssyncadd.s32 $0xFFFFE000  }
0x57: {  	[tilespmem:s20], [sflag:$0x6] =	stream.linear.gather [hbm4b:s13+s11], $0x400, $0x38;
	[tilespmem:$0x7710] =	vst v63  }
0x58: {  	_ =	swait.ge [sflag:s21], $0x400  }
0x59: {  	[sflag:s21] =	ssyncset.done $0x0  }
0x5a: {  	[sflag:s21] =	ssyncadd.s32 $0xFFFFFC00  }
0x5b: {  	[tilespmem:s18], [sflag:$0x1] =	stream.indirect.gather [hbm4b:s4+s22], $0x10, s11, s22, $0xb8;
	[tilespmem:$0x7710] =	vst v63  }
0x5c: {  	_ =	swait.ge [sflag:s23], $0x2000  }
0x5d: {  	[sflag:s23] =	ssyncset.done $0x0  }
0x5e: {  	[sflag:s23] =	ssyncadd.s32 $0xFFFFE000  }
0x5f: {  	[spmem:s2] =	stream.indirect.scatter.add.f32 [tilespmem:s18], [sflag:$0x3], $0x10, s22, s22, $0xb8;
	[tilespmem:$0x7710] =	vst v63  }
0x60: {  	_ =	swait.ge [sflag:s6], $0x2000  }
0x61: {  	s11 =	sadd.s32 $0x0, s17;
	[sflag:s6] =	ssyncset.done $0x0  }
0x62: {  	s13 =	sadd.s32 $0x6000, s11;
	[sflag:s6] =	ssyncadd.s32 $0xFFFFE000  }
0x63: {  	[tilespmem:s24], [sflag:$0x7] =	stream.linear.gather [hbm4b:s13+s3], $0x400, $0x38;
	[tilespmem:$0x7710] =	vst v63  }
0x64: {  	_ =	swait.ge [sflag:s25], $0x400  }
0x65: {  	[sflag:s25] =	ssyncset.done $0x0  }
0x66: {  	[sflag:s25] =	ssyncadd.s32 $0xFFFFFC00  }
0x67: {  	[tilespmem:s26], [sflag:$0x2] =	stream.indirect.gather [hbm4b:s4+s22], $0x10, s20, s22, $0xb8;
	[tilespmem:$0x7710] =	vst v63  }
0x68: {  	_ =	swait.ge [sflag:s28], $0x2000  }
0x69: {  	[sflag:s28] =	ssyncset.done $0x0  }
0x6a: {  	[sflag:s28] =	ssyncadd.s32 $0xFFFFE000  }
0x6b: {  	[spmem:s2] =	stream.indirect.scatter.add.f32 [tilespmem:s26], [sflag:$0x4], $0x10, s29, s22, $0xb8;
	[tilespmem:$0x7710] =	vst v63  }
0x6c: {  	_ =	swait.ge [sflag:s30], $0x2000  }
0x6d: {  	[sflag:s30] =	ssyncset.done $0x0  }
0x6e: {  	s13 =	sadd.s32 $0x7000, s11;
	[sflag:s30] =	ssyncadd.s32 $0xFFFFE000  }
0x6f: {  	[tilespmem:s31], [sflag:$0x8] =	stream.linear.gather [hbm4b:s13+s3], $0x400, $0x38;
	[tilespmem:$0x7710] =	vst v63  }
0x70: {  	_ =	swait.ge [sflag:s1], $0x400  }
0x71: {  	[sflag:s1] =	ssyncset.done $0x0  }
0x72: {  	[sflag:s1] =	ssyncadd.s32 $0xFFFFFC00  }
0x73: {  	[tilespmem:s18], [sflag:$0x1] =	stream.indirect.gather [hbm4b:s4+s22], $0x10, s24, s22, $0xb8;
	[tilespmem:$0x7710] =	vst v63  }
0x74: {  	_ =	swait.ge [sflag:s23], $0x2000  }
0x75: {  	[sflag:s23] =	ssyncset.done $0x0  }
0x76: {  	[sflag:s23] =	ssyncadd.s32 $0xFFFFE000  }
0x77: {  	[spmem:s2] =	stream.indirect.scatter.add.f32 [tilespmem:s18], [sflag:$0x3], $0x10, s0, s22, $0xb8;
	[tilespmem:$0x7710] =	vst v63  }
0x78: {  	_ =	swait.ge [sflag:s6], $0x2000  }
0x79: {  	[sflag:s6] =	ssyncset.done $0x0  }
0x7a: {  	s13 =	sadd.s32 $0x8000, s11;
	[sflag:s6] =	ssyncadd.s32 $0xFFFFE000  }
0x7b: {  	[tilespmem:s3], [sflag:$0x5] =	stream.linear.gather [hbm4b:s13+s3], $0x400, $0x38;
	[tilespmem:$0x7710] =	vst v63  }
0x7c: {  	_ =	swait.ge [sflag:s8], $0x400  }
0x7d: {  	[sflag:s8] =	ssyncset.done $0x0  }
0x7e: {  	[sflag:s8] =	ssyncadd.s32 $0xFFFFFC00  }
0x7f: {  	[tilespmem:s26], [sflag:$0x2] =	stream.indirect.gather [hbm4b:s4+s22], $0x10, s31, s22, $0xb8;
	[tilespmem:$0x7710] =	vst v63  }
0x80: {  	_ =	swait.ge [sflag:s28], $0x2000  }
0x81: {  	[sflag:s28] =	ssyncset.done $0x0  }
0x82: {  	[sflag:s28] =	ssyncadd.s32 $0xFFFFE000  }
0x83: {  	[spmem:s2] =	stream.indirect.scatter.add.f32 [tilespmem:s26], [sflag:$0x4], $0x10, s9, s22, $0xb8;
	[tilespmem:$0x7710] =	vst v63  }
0x84: {  	_ =	swait.ge [sflag:s30], $0x2000  }
0x85: {  	[sflag:s30] =	ssyncset.done $0x0  }
0x86: {  	s11 =	sadd.s32 $0x9000, s11;
	[sflag:s30] =	ssyncadd.s32 $0xFFFFE000  }
0x87: {  	[tilespmem:s20], [sflag:$0x6] =	stream.linear.gather [hbm4b:s11+s3], $0x400, $0x38;
	[tilespmem:$0x7710] =	vst v63  }
0x88: {  	_ =	swait.ge [sflag:s21], $0x400  }
0x89: {  	[sflag:s21] =	ssyncset.done $0x0  }
0x8a: {  	s11 =	simm.s32 $0x4000;
	[sflag:s21] =	ssyncadd.s32 $0xFFFFFC00  }
.LBB2_4:
0x8b: {  	[tilespmem:s18], [sflag:$0x1] =	stream.indirect.gather [hbm4b:s4+s22], $0x10, s3, s22, $0xb8;
	[tilespmem:$0x7710] =	vst v63  }
0x8c: {  	s12 =	smov.u32 s11  }
0x8d: {  	p1 =	sne.s32 s11, $0x8000;
	s11 =	sadd.s32 $0x4000, s11;
	_ =	swait.ge [sflag:s23], $0x2000  }
0x8e: {  	[sflag:s23] =	ssyncset.done $0x0  }
0x8f: {  	[sflag:s23] =	ssyncadd.s32 $0xFFFFE000  }
0x90: {  	[spmem:s2] =	stream.indirect.scatter.add.f32 [tilespmem:s18], [sflag:$0x3], $0x10, s22, s22, $0xb8;
	[tilespmem:$0x7710] =	vst v63  }
0x91: {  	_ =	swait.ge [sflag:s6], $0x2000  }
0x92: {  	s12 =	sadd.s32 s12, s17;
	[sflag:s6] =	ssyncset.done $0x0  }
0x93: {  	s13 =	sadd.s32 $0x6000, s12;
	[sflag:s6] =	ssyncadd.s32 $0xFFFFE000  }
0x94: {  	[tilespmem:s24], [sflag:$0x7] =	stream.linear.gather [hbm4b:s13+s3], $0x400, $0x38;
	[tilespmem:$0x7710] =	vst v63  }
0x95: {  	_ =	swait.ge [sflag:s25], $0x400  }
0x96: {  	[sflag:s25] =	ssyncset.done $0x0  }
0x97: {  	[sflag:s25] =	ssyncadd.s32 $0xFFFFFC00  }
0x98: {  	[tilespmem:s26], [sflag:$0x2] =	stream.indirect.gather [hbm4b:s4+s22], $0x10, s20, s22, $0xb8;
	[tilespmem:$0x7710] =	vst v63  }
0x99: {  	_ =	swait.ge [sflag:s28], $0x2000  }
0x9a: {  	[sflag:s28] =	ssyncset.done $0x0  }
0x9b: {  	[sflag:s28] =	ssyncadd.s32 $0xFFFFE000  }
0x9c: {  	[spmem:s2] =	stream.indirect.scatter.add.f32 [tilespmem:s26], [sflag:$0x4], $0x10, s29, s22, $0xb8;
	[tilespmem:$0x7710] =	vst v63  }
0x9d: {  	_ =	swait.ge [sflag:s30], $0x2000  }
0x9e: {  	[sflag:s30] =	ssyncset.done $0x0  }
0x9f: {  	s13 =	sadd.s32 $0x7000, s12;
	[sflag:s30] =	ssyncadd.s32 $0xFFFFE000  }
0xa0: {  	[tilespmem:s31], [sflag:$0x8] =	stream.linear.gather [hbm4b:s13+s3], $0x400, $0x38;
	[tilespmem:$0x7710] =	vst v63  }
0xa1: {  	_ =	swait.ge [sflag:s1], $0x400  }
0xa2: {  	[sflag:s1] =	ssyncset.done $0x0  }
0xa3: {  	[sflag:s1] =	ssyncadd.s32 $0xFFFFFC00  }
0xa4: {  	[tilespmem:s18], [sflag:$0x1] =	stream.indirect.gather [hbm4b:s4+s22], $0x10, s24, s22, $0xb8;
	[tilespmem:$0x7710] =	vst v63  }
0xa5: {  	_ =	swait.ge [sflag:s23], $0x2000  }
0xa6: {  	[sflag:s23] =	ssyncset.done $0x0  }
0xa7: {  	[sflag:s23] =	ssyncadd.s32 $0xFFFFE000  }
0xa8: {  	[spmem:s2] =	stream.indirect.scatter.add.f32 [tilespmem:s18], [sflag:$0x3], $0x10, s0, s22, $0xb8;
	[tilespmem:$0x7710] =	vst v63  }
0xa9: {  	_ =	swait.ge [sflag:s6], $0x2000  }
0xaa: {  	[sflag:s6] =	ssyncset.done $0x0  }
0xab: {  	s13 =	sadd.s32 $0x8000, s12;
	[sflag:s6] =	ssyncadd.s32 $0xFFFFE000  }
0xac: {  	[tilespmem:s3], [sflag:$0x5] =	stream.linear.gather [hbm4b:s13+s3], $0x400, $0x38;
	[tilespmem:$0x7710] =	vst v63  }
0xad: {  	_ =	swait.ge [sflag:s8], $0x400  }
0xae: {  	[sflag:s8] =	ssyncset.done $0x0  }
0xaf: {  	[sflag:s8] =	ssyncadd.s32 $0xFFFFFC00  }
0xb0: {  	[tilespmem:s26], [sflag:$0x2] =	stream.indirect.gather [hbm4b:s4+s22], $0x10, s31, s22, $0xb8;
	[tilespmem:$0x7710] =	vst v63  }
0xb1: {  	_ =	swait.ge [sflag:s28], $0x2000  }
0xb2: {  	[sflag:s28] =	ssyncset.done $0x0  }
0xb3: {  	[sflag:s28] =	ssyncadd.s32 $0xFFFFE000  }
0xb4: {  	[spmem:s2] =	stream.indirect.scatter.add.f32 [tilespmem:s26], [sflag:$0x4], $0x10, s9, s22, $0xb8;
	[tilespmem:$0x7710] =	vst v63  }
0xb5: {  	_ =	swait.ge [sflag:s30], $0x2000  }
0xb6: {  	[sflag:s30] =	ssyncset.done $0x0  }
.Ltmp1:
0xb7: {  	s12 =	sadd.s32 $0x9000, s12;
	[sflag:s30] =	ssyncadd.s32 $0xFFFFE000;
	(pc) =	sbr.rel @p1 .LBB2_4-.Ltmp1, $4  }
0xb8: {  	[tilespmem:s20], [sflag:$0x6] =	stream.linear.gather [hbm4b:s12+s3], $0x400, $0x38;
	[tilespmem:$0x7710] =	vst v63  }
0xb9: {  	_ =	swait.ge [sflag:s21], $0x400  }
0xba: {  	[sflag:s21] =	ssyncset.done $0x0  }
0xbb: {  	[sflag:s21] =	ssyncadd.s32 $0xFFFFFC00  }
0xbc: {  	[tilespmem:s18], [sflag:$0x1] =	stream.indirect.gather [hbm4b:s4+s22], $0x10, s3, s22, $0xb8;
	[tilespmem:$0x7710] =	vst v63  }
0xbd: {  	_ =	swait.ge [sflag:s23], $0x2000  }
0xbe: {  	[sflag:s23] =	ssyncset.done $0x0  }
0xbf: {  	[sflag:s23] =	ssyncadd.s32 $0xFFFFE000  }
0xc0: {  	[spmem:s2] =	stream.indirect.scatter.add.f32 [tilespmem:s18], [sflag:$0x3], $0x10, s22, s22, $0xb8;
	[tilespmem:$0x7710] =	vst v63  }
0xc1: {  	_ =	swait.ge [sflag:s6], $0x2000  }
0xc2: {  	[sflag:s6] =	ssyncset.done $0x0  }
0xc3: {  	s11 =	rddreg [dreg:$0x9];
	[sflag:s6] =	ssyncadd.s32 $0xFFFFE000  }
0xc4: {  	[tilespmem:s24], [sflag:$0x7] =	stream.linear.gather [hbm4b:s11+s3], $0x400, $0x38;
	[tilespmem:$0x7710] =	vst v63  }
0xc5: {  	_ =	swait.ge [sflag:s25], $0x400  }
0xc6: {  	[sflag:s25] =	ssyncset.done $0x0  }
0xc7: {  	[sflag:s25] =	ssyncadd.s32 $0xFFFFFC00  }
0xc8: {  	[tilespmem:s26], [sflag:$0x2] =	stream.indirect.gather [hbm4b:s4+s22], $0x10, s20, s22, $0xb8;
	[tilespmem:$0x7710] =	vst v63  }
0xc9: {  	_ =	swait.ge [sflag:s28], $0x2000  }
0xca: {  	[sflag:s28] =	ssyncset.done $0x0  }
0xcb: {  	[sflag:s28] =	ssyncadd.s32 $0xFFFFE000  }
0xcc: {  	[spmem:s2] =	stream.indirect.scatter.add.f32 [tilespmem:s26], [sflag:$0x4], $0x10, s29, s22, $0xb8;
	[tilespmem:$0x7710] =	vst v63  }
0xcd: {  	_ =	swait.ge [sflag:s30], $0x2000  }
0xce: {  	[sflag:s30] =	ssyncset.done $0x0  }
0xcf: {  	s12 =	simm.s32 @!p0 $0xC00;
	s11 =	simm.s32 @!p0 $0x0;
	[sflag:s30] =	ssyncadd.s32 $0xFFFFE000  }
0xd0: {  	[tilespmem:s12], [sflag:$0x8] =	stream.linear.gather @!p0 [hbm4b:s14+s11], $0x400, $0x38;
	[tilespmem:$0x7710] =	vst v63  }
0xd1: {  	_ =	swait.ge [sflag:s1], $0x400  }
0xd2: {  	[sflag:s1] =	ssyncset.done $0x0  }
0xd3: {  	[sflag:s1] =	ssyncadd.s32 $0xFFFFFC00  }
0xd4: {  	[tilespmem:s18], [sflag:$0x1] =	stream.indirect.gather [hbm4b:s4+s22], $0x10, s24, s22, $0xb8;
	[tilespmem:$0x7710] =	vst v63  }
0xd5: {  	_ =	swait.ge [sflag:s23], $0x2000  }
0xd6: {  	[sflag:s23] =	ssyncset.done $0x0  }
0xd7: {  	[sflag:s23] =	ssyncadd.s32 $0xFFFFE000  }
0xd8: {  	[spmem:s2] =	stream.indirect.scatter.add.f32 [tilespmem:s18], [sflag:$0x3], $0x10, s0, s22, $0xb8;
	[tilespmem:$0x7710] =	vst v63  }
0xd9: {  	_ =	swait.ge [sflag:s6], $0x2000  }
0xda: {  	[sflag:s6] =	ssyncset.done $0x0  }
0xdb: {  	s11 =	simm.s32 @!p0 $0x8;
	[sflag:s6] =	ssyncadd.s32 $0xFFFFE000  }
0xdc: {  	_ =	swait.ge @!p0 [sflag:s11], $0x400  }
0xdd: {  	[sflag:s11] =	ssyncset.done @!p0 $0x0  }
0xde: {  	s13 =	simm.s32 @!p0 $0x3000;
	[sflag:s11] =	ssyncadd.s32 @!p0 $0xFFFFFC00;
	s11 =	simm.s32 @!p0 $0x200  }
0xdf: {  	[tilespmem:s13], [sflag:$0x2] =	stream.indirect.gather @!p0 [hbm4b:s4+s11], $0x10, s12, s11, $0xb8;
	[tilespmem:$0x7710] =	vst v63  }
0xe0: {  	s12 =	simm.s32 @!p0 $0x2  }
0xe1: {  	_ =	swait.ge @!p0 [sflag:s12], $0x2000  }
0xe2: {  	[sflag:s12] =	ssyncset.done @!p0 $0x0  }
0xe3: {  	[sflag:s12] =	ssyncadd.s32 @!p0 $0xFFFFE000;
	s12 =	simm.s32 @!p0 $0xE00  }
0xe4: {  	[spmem:s2] =	stream.indirect.scatter.add.f32 @!p0 [tilespmem:s13], [sflag:$0x4], $0x10, s12, s11, $0xb8;
	[tilespmem:$0x7710] =	vst v63  }
0xe5: {  	s11 =	simm.s32 @!p0 $0x3  }
0xe6: {  	_ =	swait.ge @!p0 [sflag:s11], $0x2000  }
0xe7: {  	s12 =	simm.s32 @!p0 $0x4;
	[sflag:s11] =	ssyncset.done @!p0 $0x0  }
0xe8: {  	s12 =	simm.s32 @p0 $0x3;
	[sflag:s11] =	ssyncadd.s32 @!p0 $0xFFFFE000  }
0xe9: {  	_ =	swait.ge [sflag:s12], $0x2000  }
0xea: {  	[sflag:s12] =	ssyncset.done $0x0  }
0xeb: {  	s10 =	sadd.s32 $0x1, s10;
	[sflag:s12] =	ssyncadd.s32 $0xFFFFE000;
	s12 =	stileid.u32  }
0xec: {  	p1 =	sne.s32 s10, s16;
	s13 =	sshrl.u32 s5, $0x3;
	s11 =	sshll.u32 s12, $0x6  }
.Ltmp2:
0xed: {  	[bflag:$0x0] =	sbarrier.arrive $0xFFFF;
	s11 =	sor.u32 $0x1C09, s11;
	(pc) =	sbr.rel @p1 .LBB2_1-.Ltmp2, $4  }
0xee: {  	[hbm:s15], [sflag:s11] =	dma.local [spmem:s13], $0x4E2  }
0xef: {  	_ =	swait.ge [sflag:s19], $0x4E2  }
0xf0: {  	[sflag:s19] =	ssyncset.done $0x0  }
0xf1: {  	[sflag:s19] =	ssyncadd.s32 $0xFFFFFB1E  }
0xf2: {  	_ =	sfence.sel $0x180000  }
0xf3: {  	[bflag:$0x0] =	sbarrier.arrive $0xFFFF  }
0xf4: {  	_ =	strace $0x9000004A  }
0xf5: {  	s0 =	stileid.u32;
	[bflag:$0x2] =	sbarrier.arrive $0xFFFF  }
0xf6: {  	p0 =	sne.s32 s0, $0x0;
	s0 =	rddreg [dreg:$0x2]  }
0xf7: {  	s0 =	sadd.s32 @!p0 $0x100000, s0  }
0xf8: {  	[sflag:s0] =	ssyncadd.tile.s32 @!p0 $0x1;
	_ =	shalt  }
.Lfunc_end2:
_tile_overlayer_lowered:
.L_overlay_start_2:
0xf9: {  	(tag) =	ssettag $0x2  }
0xfa: {  	s0 =	rddreg [dreg:$0x0];
	s2 =	stileid.u32  }
0xfb: {  	s1 =	rddreg [dreg:$0x1];
	p0 =	sne.s32 s2, $0x0  }
0xfc: {  	s3 =	rddreg [dreg:$0x2];
	[bflag:$0x3] =	sbarrier.arrive $0xFFFF;
	s2 =	simm.s32 @!p0 $0x1C09  }
0xfd: {  	[timem:s3], [sflag:s2] =	dma.local @!p0 [hbm:s0], s1  }
0xfe: {  	s0 =	simm.s32 @!p0 $0x9  }
0xff: {  	_ =	swait.ge @!p0 [sflag:s0], s1  }
0x100: {  	s1 =	ssub.s32 @!p0 $0x0, s1;
	[sflag:s0] =	ssyncset.done @!p0 $0x0  }
0x101: {  	[sflag:s0] =	ssyncadd.s32 @!p0 s1  }
0x102: {  	[bflag:$0x3] =	sbarrier.arrive $0xFFFF  }
0x103: {  	_ =	shalt  }

// kernel: kernel.15.cloned.1.call-start
scs
__scs_entry_jumppad:
0x0: {  	(pc) =	sbr.rel $0x88, $3  }
0x1: {  	(tag) =	ssettag $0x0;
	lr =	simm.s32 $0x1  }
0x2: {  	[smem:$0x3F8C] =	sst lr;
	_ =	strace $0xD0000000  }
0x3: {  	_ = 	snop  }
0x4: {  	_ = 	snop  }
0x5: {  	_ = 	snop  }
0x6: {  	_ = 	snop  }
0x7: {  	_ = 	snop  }
__scs_overlays_trampoline_lowered:
0x8: {  	[smem:$0x3F9B] =	sst s0  }
0x9: {  	[smem:$0x3F9C] =	sst s1  }
0xa: {  	[smem:$0x3F9D] =	sst s2  }
0xb: {  	[smem:$0x3F9E] =	sst s3  }
0xc: {  	[smem:$0x3F9F] =	sst s4  }
0xd: {  	[smem:$0x3FA0] =	sst s5  }
0xe: {  	[smem:$0x3FA1] =	sst s6  }
0xf: {  	[smem:$0x3FA2] =	sst s7  }
0x10: {  	[smem:$0x3FA3] =	sst s8  }
0x11: {  	[smem:$0x3FA4] =	sst s9;
	s0 =	simm.s32 @!p0 $0x0  }
0x12: {  	s1 =	sld [smem:$0x3F8A];
	s0 =	simm.s32 @p0 $0x1  }
0x13: {  	[smem:$0x3FA5] =	sst s0;
	s0 =	simm.s32 @!p1 $0x0  }
0x14: {  	s2 =	sld [smem:$0x3F89];
	s0 =	simm.s32 @p1 $0x1  }
0x15: {  	[smem:$0x3FA6] =	sst s0;
	s0 =	simm.s32 @!p2 $0x0  }
0x16: {  	s3 =	sld [smem:$0x3FDB];
	s0 =	simm.s32 @p2 $0x1  }
0x17: {  	s4 =	simm.s32 $0x1BF5;
	[smem:$0x3FA8] =	sst s0  }
0x18: {  	s0 =	sld [smem:$0x3F8B];
	_ =	swait.ge [sflag:s4], $0x0  }
0x19: {  	s7 =	sld [smem:$0x3F8C]  }
0x1a: {  	s8 =	sadd.s32 $0xFFFFE003, lr  }
0x1b: {  	s9 =	sadd.s32 $0xFFFFFEF7, lr;
	s5 =	simm.s32 $0xFFFFFFFF;
	p2 =	slt.u32 s8, $0xFFFFF086  }
0x1c: {  	p1 =	slt.u32 s9, $0xF7A;
	s5 =	simm.s32 @!p2 $0x0  }
0x1d: {  	s5 =	simm.s32 @p1 $0x1;
	p0 =	seq.s32 s7, s2  }
0x1e: {  	s7 =	smul.u32 @!p0 $0xF7A, s2;
	p2 =	seq.s32 @!p0 s5, $0x0  }
0x1f: {  	s9 =	smul.u32 $0xF7A, s1;
	s8 =	simm.s32 @!p0 $0x1BF5;
	p2 =	por !p2, p0  }
0x20: {  	[sflag:s8] =	ssyncset.s32 @!p0 $0xFFFFF086;
	s6 =	sadd.s32 @!p0 s3, s7;
	s7 =	simm.s32 @!p0 $0x108  }
0x21: {  	s3 =	sadd.s32 s3, s9;
	s6 =	sadd.s32 @!p0 $0x88, s6;
	s7 =	simm.s32 @p2 $0x1082  }
0x22: {  	[simem:s7], [sflag:s8] =	dma.local @!p0 [hbm:s6], $0xF7A  }
0x23: {  	s9 =	sor.u32 $0xD0000000, s2;
	s6 =	simm.s32 $0x108;
	_ =	swait.ge @!p0 [sflag:s8], $0x0  }
0x24: {  	s3 =	sadd.s32 $0x88, s3;
	s6 =	simm.s32 @!p1 $0x1082;
	[sflag:s4] =	ssyncset.s32 $0xFFFFF086  }
0x25: {  	[simem:s6], [sflag:s4] =	dma.local [hbm:s3], $0xF7A  }
0x26: {  	[smem:$0x3F8C] =	sst s1;
	(tag) =	ssettag s2;
	_ =	strace s9  }
0x27: {  	s1 =	sld [smem:$0x3F9C]  }
0x28: {  	s2 =	sld [smem:$0x3F9D]  }
0x29: {  	s4 =	sld [smem:$0x3F9F]  }
0x2a: {  	p0 =	seq.s32 s5, $0x0;
	s5 =	sld [smem:$0x3FA0]  }
0x2b: {  	s6 =	sld [smem:$0x3FA1]  }
0x2c: {  	s7 =	sld [smem:$0x3FA2]  }
0x2d: {  	s3 =	simm.s32 $0x108;
	s8 =	sld [smem:$0x3FA3]  }
0x2e: {  	s3 =	simm.s32 @!p0 $0x1082;
	s9 =	sld [smem:$0x3FA4]  }
0x2f: {  	lr =	sadd.s32 s0, s3;
	s0 =	sld [smem:$0x3F9B]  }
0x30: {  	s3 =	sld [smem:$0x3F9E]  }
0x31: {  	[smem:$0x3FA7] =	sst s10  }
0x32: {  	s10 =	sld [smem:$0x3FA5];
	_ =	sdelay $0x3  }
0x33: {  	p0 =	seq.s32 s10, $0x1;
	s10 =	sld [smem:$0x3FA7];
	_ =	sdelay $0x3  }
0x34: {  	[smem:$0x3FA7] =	sst s10  }
0x35: {  	s10 =	sld [smem:$0x3FA6];
	_ =	sdelay $0x3  }
0x36: {  	p1 =	seq.s32 s10, $0x1;
	s10 =	sld [smem:$0x3FA7];
	_ =	sdelay $0x3  }
0x37: {  	[smem:$0x3FA7] =	sst s10  }
0x38: {  	s10 =	sld [smem:$0x3FA8]  }
0x39: {  	_ = 	snop;
	(pc) =	sbr.ind lr, $3  }
0x3a: {  	_ = 	snop  }
0x3b: {  	_ = 	snop  }
0x3c: {  	p2 =	seq.s32 s10, $0x1;
	s10 =	sld [smem:$0x3FA7]  }
0x3d: {  	_ =	shalt  }
0x3e: {  	_ =	shalt  }
0x3f: {  	_ =	shalt  }
0x40: {  	_ =	shalt  }
0x41: {  	_ =	shalt  }
0x42: {  	_ =	shalt  }
0x43: {  	_ =	shalt  }
0x44: {  	_ =	shalt  }
0x45: {  	_ =	shalt  }
0x46: {  	_ =	shalt  }
0x47: {  	_ =	shalt  }
0x48: {  	_ =	shalt  }
0x49: {  	_ =	shalt  }
0x4a: {  	_ =	shalt  }
0x4b: {  	_ =	shalt  }
0x4c: {  	_ =	shalt  }
0x4d: {  	_ =	shalt  }
0x4e: {  	_ =	shalt  }
0x4f: {  	_ =	shalt  }
0x50: {  	_ =	shalt  }
0x51: {  	_ =	shalt  }
0x52: {  	_ =	shalt  }
0x53: {  	_ =	shalt  }
0x54: {  	_ =	shalt  }
0x55: {  	_ =	shalt  }
0x56: {  	_ =	shalt  }
0x57: {  	_ =	shalt  }
0x58: {  	_ =	shalt  }
0x59: {  	_ =	shalt  }
0x5a: {  	_ =	shalt  }
0x5b: {  	_ =	shalt  }
0x5c: {  	_ =	shalt  }
0x5d: {  	_ =	shalt  }
0x5e: {  	_ =	shalt  }
0x5f: {  	_ =	shalt  }
0x60: {  	_ =	shalt  }
0x61: {  	_ =	shalt  }
0x62: {  	_ =	shalt  }
0x63: {  	_ =	shalt  }
0x64: {  	_ =	shalt  }
0x65: {  	_ =	shalt  }
0x66: {  	_ =	shalt  }
0x67: {  	_ =	shalt  }
0x68: {  	_ =	shalt  }
0x69: {  	_ =	shalt  }
0x6a: {  	_ =	shalt  }
0x6b: {  	_ =	shalt  }
0x6c: {  	_ =	shalt  }
0x6d: {  	_ =	shalt  }
0x6e: {  	_ =	shalt  }
0x6f: {  	_ =	shalt  }
0x70: {  	_ =	shalt  }
0x71: {  	_ =	shalt  }
0x72: {  	_ =	shalt  }
0x73: {  	_ =	shalt  }
0x74: {  	_ =	shalt  }
0x75: {  	_ =	shalt  }
0x76: {  	_ =	shalt  }
0x77: {  	_ =	shalt  }
0x78: {  	_ =	shalt  }
0x79: {  	_ =	shalt  }
0x7a: {  	_ =	shalt  }
0x7b: {  	_ =	shalt  }
0x7c: {  	_ =	shalt  }
0x7d: {  	_ =	shalt  }
0x7e: {  	_ =	shalt  }
0x7f: {  	_ =	shalt  }
0x80: {  	_ =	shalt  }
0x81: {  	_ =	shalt  }
0x82: {  	_ =	shalt  }
0x83: {  	_ =	shalt  }
0x84: {  	_ =	shalt  }
0x85: {  	_ =	shalt  }
0x86: {  	_ =	shalt  }
0x87: {  	_ =	shalt  }
.Lfunc_end0:
.L_simem_size_0:
called_computation.2_lowered:
.L_overlay_start_0:
0x88: {  	s2 =	sld [smem:$0x3FD9]  }
0x89: {  	s3 =	sld [smem:$0x3FFE];
	_ =	sdelay $0x1  }
0x8a: {  	s1 =	srdreg.scid  }
0x8b: {  	s0 =	sand.u32 $0x1, s1  }
0x8c: {  	s16 =	sshll.u32 s0, $0xA;
	s2 =	sadd.s32 s3, s2  }
0x8d: {  	s2 =	sadd.s32 s2, s16  }
0x8e: {  	[smem:$0x3FB3] =	sst s2  }
0x8f: {  	_ = 	snop  }
0x90: {  	(tm) =	ssettm $0x1  }
0x91: {  	s17 =	sld [smem:$0x3FFB];
	_ =	sdelay $0x3  }
0x92: {  	_ =	strace s17  }
0x93: {  	s2 =	sld [smem:$0x3FFC];
	_ =	sdelay $0x3  }
0x94: {  	_ =	strace s2  }
0x95: {  	s2 =	sld [smem:$0x3FFD];
	_ =	sdelay $0x3  }
0x96: {  	_ =	strace s2  }
0x97: {  	_ =	strace $0x8FFFFFFF  }
0x98: {  	s18 =	sld [smem:$0x3FDB];
	_ =	sdelay $0x1  }
0x99: {  	s19 =	simm.s32 $_scs_section_size  }
0x9a: {  	s4 =	simm.s32 $_size__tile_overlayer_lowered;
	s5 =	simm.s32 $_tile_overlayer_lowered  }
0x9b: {  	s22 =	simm.s32 $0x1BFF;
	s21 =	sshll.u32 s5, $0x1;
	s2 =	sadd.s32 s19, s18  }
0x9c: {  	s6 =	simm.s32 $0x0;
	s20 =	sshll.u32 s4, $0x1;
	s4 =	sadd.s32 s21, s2  }
0x9d: {  	[timem:s6], [sflag:s22] =	dma.local [hbm:s4], s20  }
0x9e: {  	_ =	swait.ge [sflag:s22], s20  }
0x9f: {  	s3 =	ssub.s32 $0x0, s20;
	[sflag:s22] =	ssyncset.done $0x0  }
0xa0: {  	[sflag:s22] =	ssyncadd.s32 s3;
	_ =	sdelay $0x1  }
0xa1: {  	s23 =	simm.s32 $0x1B8B  }
0xa2: {  	_ =	swait.ge [sflag:s23], $0x1  }
0xa3: {  	[sflag:s23] =	ssyncset.done $0x0  }
0xa4: {  	s25 =	simm.s32 $0x1B8E;
	s24 =	sld [smem:$0x3FFE];
	[sflag:s23] =	ssyncadd.s32 $0xFFFFFFFF  }
0xa5: {  	s26 =	simm.s32 $execute0_lowered;
	[smem:$0x3FD2] =	sst s25  }
0xa6: {  	s4 =	sshll.u32 s26, $0x1;
	_ =	strace $0x8000004C;
	[dreg:$0x1] =	wrdreg $0xFFFFFFFF  }
0xa7: {  	s28 =	simm.s32 $_size_execute0_lowered;
	s2 =	sadd.s32 s2, s4;
	[dreg:$0x0] =	wrdreg $0x0  }
0xa8: {  	s4 =	sshll.u32 s28, $0x1;
	[dreg:$0x2] =	wrdreg s2  }
0xa9: {  	[dreg:$0x3] =	wrdreg s4  }
0xaa: {  	[dreg:$0x4] =	wrdreg $0xC0  }
0xab: {  	_ =	task [dreg:s6], $0x5FFFF  }
0xac: {  	[dreg:$0x1] =	wrdreg $0xFFFFFFFF  }
0xad: {  	[dreg:$0x0] =	wrdreg $0x60  }
0xae: {  	[dreg:$0x2] =	wrdreg s24  }
0xaf: {  	[dreg:$0x3] =	wrdreg $0x94000  }
0xb0: {  	[dreg:$0x4] =	wrdreg $0x9  }
0xb1: {  	_ =	task.clear_ibuf [dreg:s6], $0x5FFFF;
	_ =	strace $0x9000004C  }
0xb2: {  	s29 =	simm.s32 $0x9;
	_ =	strace $0x8000004E  }
0xb3: {  	_ =	swait.ge [sflag:s29], $0x1  }
0xb4: {  	[sflag:s29] =	ssyncadd.s32 $0xFFFFFFFF  }
0xb5: {  	_ =	strace $0x9000004E  }
0xb6: {  	_ =	sfence  }
0xb7: {  	s30 =	sld [smem:$0x0];
	_ =	sdelay $0x2  }
0xb8: {  	s31 =	sshll.u32 s1, $0xD;
	s1 =	sshrl.u32 s1, $0x2  }
0xb9: {  	s3 =	sand.u32 $0x4000, s31;
	s1 =	sadd.s32 s1, s30  }
0xba: {  	s0 =	sor.u32 s3, s0;
	s1 =	sshll.u32 s1, $0x11  }
0xbb: {  	s0 =	sor.u32 s1, s0  }
0xbc: {  	s0 =	sadd.s32 $0x8F2B, s0  }
0xbd: {  	[sflag:s0] =	ssyncadd.remote.s32 $0x1  }
0xbe: {  	_ =	sfence.sel $0xFFFF  }
0xbf: {  	[dreg:$0x0] =	wrdreg $0xFFFFFFFF;
	(pc) =	sbr.abs _section_cstart, $3  }
0xc0: {  	[dreg:$0x1] =	wrdreg $0xFFFFFFFF  }
0xc1: {  	_ =	task.clear_ibuf [dreg:s6], $0x2FFFF;
	_ =	strace $0x9FFFFFFF  }
0xc2: {  	(tm) =	ssettm $0x7FFFFFFF  }
0xc3: {  	_ =	shalt  }
tec
execute0_lowered:
.L_overlay_start_1:
0x0: {  	(tag) =	ssettag $0x1  }
0x1: {  	s0 =	rddreg [dreg:$0x0];
	s1 =	srdreg.scid  }
0x2: {  	s11 =	stileid.u32;
	s2 =	rddreg [dreg:$0x1];
	s3 =	simm.s32 $0x0  }
0x3: {  	s28 =	simm.s32 $0x6;
	s29 =	simm.s32 $0x4C00;
	s30 =	simm.s32 $0x2  }
0x4: {  	s31 =	simm.s32 $0x180;
	s1 =	sand.u32 $0x1, s1;
	s5 =	smul.u32 $0x15F90, s11  }
0x5: {  	[smem:$0x7FF] =	sst s3;
	s7 =	smul.u32 $0x57E40, s11;
	s8 =	sadd.s32 $0x27600, s0  }
0x6: {  	s20 =	sshll.u32 s11, $0x5;
	s4 =	smul.u32 $0x15F900, s1;
	_ =	strace $0x8000004D  }
0x7: {  	s16 =	ssub.s32 $0x2, s1;
	s10 =	sshll.u32 s1, $0x4;
	s26 =	sshll.u32 s1, $0x9  }
0x8: {  	s1 =	simm.s32 $0x3;
	s9 =	sshrl.u32 s16, $0x1;
	s7 =	sshrl.u32 s7, $0x2  }
0x9: {  	s10 =	sor.u32 s11, s10;
	s11 =	simm.s32 $0x380;
	s6 =	sadd.s32 s5, s4  }
0xa: {  	s4 =	sadd.s32 $0x3B000, s0;
	s7 =	sadd.s32 s7, s2;
	s5 =	sadd.s32 s5, s2  }
0xb: {  	s18 =	sshll.u32 s10, $0x5;
	p0 =	sgt.u32 s10, $0x3;
	s17 =	sadd.s32 $0x4800, s7  }
0xc: {  	s10 =	simm.s32 $0x8;
	s12 =	sadd.s32 $0x9000, s7;
	[dreg:$0x3] =	wrdreg s17  }
0xd: {  	s6 =	sshrl.u32 s6, $0x3;
	s19 =	sadd.s32 $0xD800, s7;
	[dreg:$0x4] =	wrdreg s12  }
0xe: {  	s7 =	sadd.s32 $0x12000, s7;
	s0 =	sadd.s32 s6, s0;
	[dreg:$0x5] =	wrdreg s19  }
0xf: {  	s6 =	ssub.s32 s16, s9;
	s9 =	sadd.s32 s8, s18;
	[dreg:$0x6] =	wrdreg s7  }
0x10: {  	s7 =	sadd.s32 s20, s8;
	s20 =	simm.s32 $0x400;
	s8 =	simm.s32 $0x4  }
0x11: {  	s12 =	simm.s32 $0x0;
	s21 =	sadd.s32 $0x400, s9;
	s22 =	sadd.s32 $0x800, s9  }
0x12: {  	s23 =	sadd.s32 $0xC00, s9;
	s24 =	sadd.s32 $0x1000, s9;
	s25 =	sadd.s32 $0x1400, s9  }
0x13: {  	s16 =	sadd.s32 $0x13800, s7;
	s17 =	sadd.s32 $0x67000, s0;
	[dreg:$0x7] =	wrdreg s21  }
0x14: {  	s18 =	smax.u32 s6, $0x1;
	s19 =	sadd.s32 s26, s7;
	[dreg:$0x8] =	wrdreg s22  }
0x15: {  	s26 =	simm.s32 $0x200;
	s0 =	simm.s32 $0x300;
	[dreg:$0x9] =	wrdreg s23  }
0x16: {  	s6 =	simm.s32 $0x7;
	s7 =	simm.s32 $0x280;
	[dreg:$0xa] =	wrdreg s24  }
0x17: {  	[dreg:$0xb] =	wrdreg s25;
	s21 =	simm.s32 $0x9;
	s22 =	simm.s32 $0x100  }
0x18: {  	v0 =	vimm.f32 $0.0e+00;
	s23 =	simm.s32 $0x5;
	s24 =	simm.s32 $0x80;
	s25 =	simm.s32 $0x1  }
.LBB2_1:
0x19: {  	s13 =	simm.s32 $0x0;
	s14 =	simm.s32 $0x240  }
.LBB2_2:
0x1a: {  	p1 =	sne.s32 s14, $0x11DC0;
	[tilespmem:s13+$0x480] =	vst v0  }
0x1b: {  	[tilespmem:s13+$0x400] =	vst v0  }
0x1c: {  	[tilespmem:s13+$0x410] =	vst v0  }
0x1d: {  	[tilespmem:s13+$0x420] =	vst v0  }
.Ltmp0:
0x1e: {  	[tilespmem:s13+$0x430] =	vst v0;
	(pc) =	sbr.rel @p1 .LBB2_2-.Ltmp0, $4  }
0x1f: {  	[tilespmem:s13+$0x440] =	vst v0  }
0x20: {  	[tilespmem:s13+$0x450] =	vst v0  }
0x21: {  	[tilespmem:s13+$0x460] =	vst v0  }
0x22: {  	[tilespmem:s13+$0x470] =	vst v0;
	s13 =	sshra.s32 s14, $0x2;
	s14 =	sadd.s32 $0x240, s14  }
0x23: {  	[tilespmem:s13+$0x480] =	vst v0  }
0x24: {  	[tilespmem:s13+$0x400] =	vst v0  }
0x25: {  	[tilespmem:s13+$0x410] =	vst v0  }
0x26: {  	[tilespmem:s13+$0x420] =	vst v0  }
0x27: {  	[tilespmem:s13+$0x430] =	vst v0  }
0x28: {  	[tilespmem:s13+$0x440] =	vst v0  }
0x29: {  	[tilespmem:s13+$0x450] =	vst v0  }
0x2a: {  	[tilespmem:s13+$0x460] =	vst v0  }
0x2b: {  	[tilespmem:s13+$0x470] =	vst v0  }
0x2c: {  	[spmem:s5] =	stream.linear.scatter [tilespmem:s20], [sflag:$0x9], $0x4800, $0x38;
	[tilespmem:$0x1F390] =	vst v63  }
0x2d: {  	_ =	swait.ge [sflag:s21], $0x4800  }
0x2e: {  	[sflag:s21] =	ssyncset.done $0x0  }
0x2f: {  	s15 =	rddreg [dreg:$0x3];
	[sflag:s21] =	ssyncadd.s32 $0xFFFFB800  }
0x30: {  	[spmem:s15] =	stream.linear.scatter [tilespmem:s20], [sflag:$0x9], $0x4800, $0x38;
	[tilespmem:$0x1F390] =	vst v63  }
0x31: {  	_ =	swait.ge [sflag:s21], $0x4800  }
0x32: {  	[sflag:s21] =	ssyncset.done $0x0  }
0x33: {  	s14 =	rddreg [dreg:$0x4];
	[sflag:s21] =	ssyncadd.s32 $0xFFFFB800  }
0x34: {  	[spmem:s14] =	stream.linear.scatter [tilespmem:s20], [sflag:$0x9], $0x4800, $0x38;
	[tilespmem:$0x1F390] =	vst v63  }
0x35: {  	_ =	swait.ge [sflag:s21], $0x4800  }
0x36: {  	[sflag:s21] =	ssyncset.done $0x0  }
0x37: {  	s15 =	rddreg [dreg:$0x5];
	[sflag:s21] =	ssyncadd.s32 $0xFFFFB800  }
0x38: {  	[spmem:s15] =	stream.linear.scatter [tilespmem:s20], [sflag:$0x9], $0x4800, $0x38;
	[tilespmem:$0x1F390] =	vst v63  }
0x39: {  	_ =	swait.ge [sflag:s21], $0x4800  }
0x3a: {  	[sflag:s21] =	ssyncset.done $0x0  }
0x3b: {  	s14 =	rddreg [dreg:$0x6];
	[sflag:s21] =	ssyncadd.s32 $0xFFFFB800  }
0x3c: {  	[spmem:s14] =	stream.linear.scatter [tilespmem:s20], [sflag:$0x9], $0x3F90, $0x38;
	[tilespmem:$0x1F390] =	vst v63  }
0x3d: {  	_ =	swait.ge [sflag:s21], $0x3F90  }
0x3e: {  	[sflag:s21] =	ssyncset.done $0x0  }
0x3f: {  	[sflag:s21] =	ssyncadd.s32 $0xFFFFC070  }
0x40: {  	s13 =	simm.s32 $0x0;
	[bflag:$0x0] =	sbarrier.arrive $0xFFFF  }
0x41: {  	[tilespmem:s13], [sflag:$0x5] =	stream.linear.gather [hbm4b:s9+s13], $0x100, $0x38;
	[tilespmem:$0x1F390] =	vst v63  }
0x42: {  	s14 =	rddreg [dreg:$0x7]  }
0x43: {  	[tilespmem:s22], [sflag:$0x6] =	stream.linear.gather [hbm4b:s14+s13], $0x100, $0x38;
	[tilespmem:$0x1F390] =	vst v63  }
0x44: {  	_ =	swait.ge [sflag:s23], $0x100  }
0x45: {  	[sflag:s23] =	ssyncset.done $0x0  }
0x46: {  	[sflag:s23] =	ssyncadd.s32 $0xFFFFFF00  }
0x47: {  	[tilespmem:s20], [sflag:$0x1] =	stream.indirect.gather [hbm4b:s4+s24], $0x90, s13, s24, $0xb8;
	[tilespmem:$0x1F390] =	vst v63  }
0x48: {  	_ =	swait.ge [sflag:s25], $0x4800  }
0x49: {  	[sflag:s25] =	ssyncset.done $0x0  }
0x4a: {  	[sflag:s25] =	ssyncadd.s32 $0xFFFFB800  }
0x4b: {  	[spmem:s2] =	stream.indirect.scatter.add.f32 [tilespmem:s20], [sflag:$0x3], $0x90, s24, s24, $0xb8;
	[tilespmem:$0x1F390] =	vst v63  }
0x4c: {  	s15 =	rddreg [dreg:$0x8]  }
0x4d: {  	[tilespmem:s26], [sflag:$0x7] =	stream.linear.gather [hbm4b:s15+s13], $0x100, $0x38;
	[tilespmem:$0x1F390] =	vst v63  }
0x4e: {  	_ =	swait.ge [sflag:s28], $0x100  }
0x4f: {  	[sflag:s28] =	ssyncset.done $0x0  }
0x50: {  	[sflag:s28] =	ssyncadd.s32 $0xFFFFFF00  }
0x51: {  	[tilespmem:s29], [sflag:$0x2] =	stream.indirect.gather [hbm4b:s4+s24], $0x90, s22, s24, $0xb8;
	[tilespmem:$0x1F390] =	vst v63  }
0x52: {  	_ =	swait.ge [sflag:s30], $0x4800  }
0x53: {  	[sflag:s30] =	ssyncset.done $0x0  }
0x54: {  	[sflag:s30] =	ssyncadd.s32 $0xFFFFB800  }
0x55: {  	[spmem:s2] =	stream.indirect.scatter.add.f32 [tilespmem:s29], [sflag:$0x4], $0x90, s31, s24, $0xb8;
	[tilespmem:$0x1F390] =	vst v63  }
0x56: {  	_ =	swait.ge [sflag:s1], $0x4800  }
0x57: {  	[sflag:s1] =	ssyncset.done $0x0  }
0x58: {  	s15 =	rddreg [dreg:$0x9];
	[sflag:s1] =	ssyncadd.s32 $0xFFFFB800  }
0x59: {  	[tilespmem:s0], [sflag:$0x8] =	stream.linear.gather [hbm4b:s15+s13], $0x100, $0x38;
	[tilespmem:$0x1F390] =	vst v63  }
0x5a: {  	_ =	swait.ge [sflag:s6], $0x100  }
0x5b: {  	[sflag:s6] =	ssyncset.done $0x0  }
0x5c: {  	[sflag:s6] =	ssyncadd.s32 $0xFFFFFF00  }
0x5d: {  	[tilespmem:s20], [sflag:$0x1] =	stream.indirect.gather [hbm4b:s4+s24], $0x90, s26, s24, $0xb8;
	[tilespmem:$0x1F390] =	vst v63  }
0x5e: {  	_ =	swait.ge [sflag:s25], $0x4800  }
0x5f: {  	[sflag:s25] =	ssyncset.done $0x0  }
0x60: {  	[sflag:s25] =	ssyncadd.s32 $0xFFFFB800  }
0x61: {  	[spmem:s2] =	stream.indirect.scatter.add.f32 [tilespmem:s20], [sflag:$0x3], $0x90, s7, s24, $0xb8;
	[tilespmem:$0x1F390] =	vst v63  }
0x62: {  	_ =	swait.ge [sflag:s8], $0x4800  }
0x63: {  	[sflag:s8] =	ssyncset.done $0x0  }
0x64: {  	s15 =	rddreg [dreg:$0xa];
	[sflag:s8] =	ssyncadd.s32 $0xFFFFB800  }
0x65: {  	[tilespmem:s13], [sflag:$0x5] =	stream.linear.gather [hbm4b:s15+s13], $0x100, $0x38;
	[tilespmem:$0x1F390] =	vst v63  }
0x66: {  	_ =	swait.ge [sflag:s10], $0x100  }
0x67: {  	[sflag:s10] =	ssyncset.done $0x0  }
0x68: {  	[sflag:s10] =	ssyncadd.s32 $0xFFFFFF00  }
0x69: {  	[tilespmem:s29], [sflag:$0x2] =	stream.indirect.gather [hbm4b:s4+s24], $0x90, s0, s24, $0xb8;
	[tilespmem:$0x1F390] =	vst v63  }
0x6a: {  	_ =	swait.ge [sflag:s30], $0x4800  }
0x6b: {  	[sflag:s30] =	ssyncset.done $0x0  }
0x6c: {  	[sflag:s30] =	ssyncadd.s32 $0xFFFFB800  }
0x6d: {  	[spmem:s2] =	stream.indirect.scatter.add.f32 [tilespmem:s29], [sflag:$0x4], $0x90, s11, s24, $0xb8;
	[tilespmem:$0x1F390] =	vst v63  }
0x6e: {  	_ =	swait.ge [sflag:s1], $0x4800  }
0x6f: {  	[sflag:s1] =	ssyncset.done $0x0  }
0x70: {  	s15 =	rddreg [dreg:$0xb];
	[sflag:s1] =	ssyncadd.s32 $0xFFFFB800  }
0x71: {  	[tilespmem:s22], [sflag:$0x6] =	stream.linear.gather [hbm4b:s15+s13], $0x100, $0x38;
	[tilespmem:$0x1F390] =	vst v63  }
0x72: {  	_ =	swait.ge [sflag:s23], $0x100  }
0x73: {  	[sflag:s23] =	ssyncset.done $0x0  }
0x74: {  	[sflag:s23] =	ssyncadd.s32 $0xFFFFFF00  }
0x75: {  	[tilespmem:s20], [sflag:$0x1] =	stream.indirect.gather [hbm4b:s4+s24], $0x90, s13, s24, $0xb8;
	[tilespmem:$0x1F390] =	vst v63  }
0x76: {  	_ =	swait.ge [sflag:s25], $0x4800  }
0x77: {  	[sflag:s25] =	ssyncset.done $0x0  }
0x78: {  	[sflag:s25] =	ssyncadd.s32 $0xFFFFB800  }
0x79: {  	[spmem:s2] =	stream.indirect.scatter.add.f32 [tilespmem:s20], [sflag:$0x3], $0x90, s24, s24, $0xb8;
	[tilespmem:$0x1F390] =	vst v63  }
0x7a: {  	_ =	swait.ge [sflag:s8], $0x4800  }
0x7b: {  	s13 =	sadd.s32 $0x0, s19;
	[sflag:s8] =	ssyncset.done $0x0  }
0x7c: {  	s15 =	sadd.s32 $0x1800, s13;
	[sflag:s8] =	ssyncadd.s32 $0xFFFFB800  }
0x7d: {  	[tilespmem:s26], [sflag:$0x7] =	stream.linear.gather [hbm4b:s15+s3], $0x100, $0x38;
	[tilespmem:$0x1F390] =	vst v63  }
0x7e: {  	_ =	swait.ge [sflag:s28], $0x100  }
0x7f: {  	[sflag:s28] =	ssyncset.done $0x0  }
0x80: {  	[sflag:s28] =	ssyncadd.s32 $0xFFFFFF00  }
0x81: {  	[tilespmem:s29], [sflag:$0x2] =	stream.indirect.gather [hbm4b:s4+s24], $0x90, s22, s24, $0xb8;
	[tilespmem:$0x1F390] =	vst v63  }
0x82: {  	_ =	swait.ge [sflag:s30], $0x4800  }
0x83: {  	[sflag:s30] =	ssyncset.done $0x0  }
0x84: {  	[sflag:s30] =	ssyncadd.s32 $0xFFFFB800  }
0x85: {  	[spmem:s2] =	stream.indirect.scatter.add.f32 [tilespmem:s29], [sflag:$0x4], $0x90, s31, s24, $0xb8;
	[tilespmem:$0x1F390] =	vst v63  }
0x86: {  	_ =	swait.ge [sflag:s1], $0x4800  }
0x87: {  	[sflag:s1] =	ssyncset.done $0x0  }
0x88: {  	s15 =	sadd.s32 $0x1C00, s13;
	[sflag:s1] =	ssyncadd.s32 $0xFFFFB800  }
0x89: {  	[tilespmem:s0], [sflag:$0x8] =	stream.linear.gather [hbm4b:s15+s3], $0x100, $0x38;
	[tilespmem:$0x1F390] =	vst v63  }
0x8a: {  	_ =	swait.ge [sflag:s6], $0x100  }
0x8b: {  	[sflag:s6] =	ssyncset.done $0x0  }
0x8c: {  	[sflag:s6] =	ssyncadd.s32 $0xFFFFFF00  }
0x8d: {  	[tilespmem:s20], [sflag:$0x1] =	stream.indirect.gather [hbm4b:s4+s24], $0x90, s26, s24, $0xb8;
	[tilespmem:$0x1F390] =	vst v63  }
0x8e: {  	_ =	swait.ge [sflag:s25], $0x4800  }
0x8f: {  	[sflag:s25] =	ssyncset.done $0x0  }
0x90: {  	[sflag:s25] =	ssyncadd.s32 $0xFFFFB800  }
0x91: {  	[spmem:s2] =	stream.indirect.scatter.add.f32 [tilespmem:s20], [sflag:$0x3], $0x90, s7, s24, $0xb8;
	[tilespmem:$0x1F390] =	vst v63  }
0x92: {  	_ =	swait.ge [sflag:s8], $0x4800  }
0x93: {  	[sflag:s8] =	ssyncset.done $0x0  }
0x94: {  	s15 =	sadd.s32 $0x2000, s13;
	[sflag:s8] =	ssyncadd.s32 $0xFFFFB800  }
0x95: {  	[tilespmem:s3], [sflag:$0x5] =	stream.linear.gather [hbm4b:s15+s3], $0x100, $0x38;
	[tilespmem:$0x1F390] =	vst v63  }
0x96: {  	_ =	swait.ge [sflag:s10], $0x100  }
0x97: {  	[sflag:s10] =	ssyncset.done $0x0  }
0x98: {  	[sflag:s10] =	ssyncadd.s32 $0xFFFFFF00  }
0x99: {  	[tilespmem:s29], [sflag:$0x2] =	stream.indirect.gather [hbm4b:s4+s24], $0x90, s0, s24, $0xb8;
	[tilespmem:$0x1F390] =	vst v63  }
0x9a: {  	_ =	swait.ge [sflag:s30], $0x4800  }
0x9b: {  	[sflag:s30] =	ssyncset.done $0x0  }
0x9c: {  	[sflag:s30] =	ssyncadd.s32 $0xFFFFB800  }
0x9d: {  	[spmem:s2] =	stream.indirect.scatter.add.f32 [tilespmem:s29], [sflag:$0x4], $0x90, s11, s24, $0xb8;
	[tilespmem:$0x1F390] =	vst v63  }
0x9e: {  	_ =	swait.ge [sflag:s1], $0x4800  }
0x9f: {  	[sflag:s1] =	ssyncset.done $0x0  }
0xa0: {  	s13 =	sadd.s32 $0x2400, s13;
	[sflag:s1] =	ssyncadd.s32 $0xFFFFB800  }
0xa1: {  	[tilespmem:s22], [sflag:$0x6] =	stream.linear.gather [hbm4b:s13+s3], $0x100, $0x38;
	[tilespmem:$0x1F390] =	vst v63  }
0xa2: {  	_ =	swait.ge [sflag:s23], $0x100  }
0xa3: {  	[sflag:s23] =	ssyncset.done $0x0  }
0xa4: {  	s13 =	simm.s32 $0x1000;
	[sflag:s23] =	ssyncadd.s32 $0xFFFFFF00  }
.LBB2_4:
0xa5: {  	[tilespmem:s20], [sflag:$0x1] =	stream.indirect.gather [hbm4b:s4+s24], $0x90, s3, s24, $0xb8;
	[tilespmem:$0x1F390] =	vst v63  }
0xa6: {  	s14 =	smov.u32 s13  }
0xa7: {  	p1 =	sne.s32 s13, $0x11000;
	s13 =	sadd.s32 $0x1000, s13;
	_ =	swait.ge [sflag:s25], $0x4800  }
0xa8: {  	[sflag:s25] =	ssyncset.done $0x0  }
0xa9: {  	[sflag:s25] =	ssyncadd.s32 $0xFFFFB800  }
0xaa: {  	[spmem:s2] =	stream.indirect.scatter.add.f32 [tilespmem:s20], [sflag:$0x3], $0x90, s24, s24, $0xb8;
	[tilespmem:$0x1F390] =	vst v63  }
0xab: {  	_ =	swait.ge [sflag:s8], $0x4800  }
0xac: {  	s14 =	sadd.s32 s14, s19;
	[sflag:s8] =	ssyncset.done $0x0  }
0xad: {  	s15 =	sadd.s32 $0x1800, s14;
	[sflag:s8] =	ssyncadd.s32 $0xFFFFB800  }
0xae: {  	[tilespmem:s26], [sflag:$0x7] =	stream.linear.gather [hbm4b:s15+s3], $0x100, $0x38;
	[tilespmem:$0x1F390] =	vst v63  }
0xaf: {  	_ =	swait.ge [sflag:s28], $0x100  }
0xb0: {  	[sflag:s28] =	ssyncset.done $0x0  }
0xb1: {  	[sflag:s28] =	ssyncadd.s32 $0xFFFFFF00  }
0xb2: {  	[tilespmem:s29], [sflag:$0x2] =	stream.indirect.gather [hbm4b:s4+s24], $0x90, s22, s24, $0xb8;
	[tilespmem:$0x1F390] =	vst v63  }
0xb3: {  	_ =	swait.ge [sflag:s30], $0x4800  }
0xb4: {  	[sflag:s30] =	ssyncset.done $0x0  }
0xb5: {  	[sflag:s30] =	ssyncadd.s32 $0xFFFFB800  }
0xb6: {  	[spmem:s2] =	stream.indirect.scatter.add.f32 [tilespmem:s29], [sflag:$0x4], $0x90, s31, s24, $0xb8;
	[tilespmem:$0x1F390] =	vst v63  }
0xb7: {  	_ =	swait.ge [sflag:s1], $0x4800  }
0xb8: {  	[sflag:s1] =	ssyncset.done $0x0  }
0xb9: {  	s15 =	sadd.s32 $0x1C00, s14;
	[sflag:s1] =	ssyncadd.s32 $0xFFFFB800  }
0xba: {  	[tilespmem:s0], [sflag:$0x8] =	stream.linear.gather [hbm4b:s15+s3], $0x100, $0x38;
	[tilespmem:$0x1F390] =	vst v63  }
0xbb: {  	_ =	swait.ge [sflag:s6], $0x100  }
0xbc: {  	[sflag:s6] =	ssyncset.done $0x0  }
0xbd: {  	[sflag:s6] =	ssyncadd.s32 $0xFFFFFF00  }
0xbe: {  	[tilespmem:s20], [sflag:$0x1] =	stream.indirect.gather [hbm4b:s4+s24], $0x90, s26, s24, $0xb8;
	[tilespmem:$0x1F390] =	vst v63  }
0xbf: {  	_ =	swait.ge [sflag:s25], $0x4800  }
0xc0: {  	[sflag:s25] =	ssyncset.done $0x0  }
0xc1: {  	[sflag:s25] =	ssyncadd.s32 $0xFFFFB800  }
0xc2: {  	[spmem:s2] =	stream.indirect.scatter.add.f32 [tilespmem:s20], [sflag:$0x3], $0x90, s7, s24, $0xb8;
	[tilespmem:$0x1F390] =	vst v63  }
0xc3: {  	_ =	swait.ge [sflag:s8], $0x4800  }
0xc4: {  	[sflag:s8] =	ssyncset.done $0x0  }
0xc5: {  	s15 =	sadd.s32 $0x2000, s14;
	[sflag:s8] =	ssyncadd.s32 $0xFFFFB800  }
0xc6: {  	[tilespmem:s3], [sflag:$0x5] =	stream.linear.gather [hbm4b:s15+s3], $0x100, $0x38;
	[tilespmem:$0x1F390] =	vst v63  }
0xc7: {  	_ =	swait.ge [sflag:s10], $0x100  }
0xc8: {  	[sflag:s10] =	ssyncset.done $0x0  }
0xc9: {  	[sflag:s10] =	ssyncadd.s32 $0xFFFFFF00  }
0xca: {  	[tilespmem:s29], [sflag:$0x2] =	stream.indirect.gather [hbm4b:s4+s24], $0x90, s0, s24, $0xb8;
	[tilespmem:$0x1F390] =	vst v63  }
0xcb: {  	_ =	swait.ge [sflag:s30], $0x4800  }
0xcc: {  	[sflag:s30] =	ssyncset.done $0x0  }
0xcd: {  	[sflag:s30] =	ssyncadd.s32 $0xFFFFB800  }
0xce: {  	[spmem:s2] =	stream.indirect.scatter.add.f32 [tilespmem:s29], [sflag:$0x4], $0x90, s11, s24, $0xb8;
	[tilespmem:$0x1F390] =	vst v63  }
0xcf: {  	_ =	swait.ge [sflag:s1], $0x4800  }
0xd0: {  	[sflag:s1] =	ssyncset.done $0x0  }
.Ltmp1:
0xd1: {  	s14 =	sadd.s32 $0x2400, s14;
	[sflag:s1] =	ssyncadd.s32 $0xFFFFB800;
	(pc) =	sbr.rel @p1 .LBB2_4-.Ltmp1, $4  }
0xd2: {  	[tilespmem:s22], [sflag:$0x6] =	stream.linear.gather [hbm4b:s14+s3], $0x100, $0x38;
	[tilespmem:$0x1F390] =	vst v63  }
0xd3: {  	_ =	swait.ge [sflag:s23], $0x100  }
0xd4: {  	[sflag:s23] =	ssyncset.done $0x0  }
0xd5: {  	[sflag:s23] =	ssyncadd.s32 $0xFFFFFF00  }
0xd6: {  	[tilespmem:s20], [sflag:$0x1] =	stream.indirect.gather [hbm4b:s4+s24], $0x90, s3, s24, $0xb8;
	[tilespmem:$0x1F390] =	vst v63  }
0xd7: {  	_ =	swait.ge [sflag:s25], $0x4800  }
0xd8: {  	[sflag:s25] =	ssyncset.done $0x0  }
0xd9: {  	[sflag:s25] =	ssyncadd.s32 $0xFFFFB800  }
0xda: {  	[spmem:s2] =	stream.indirect.scatter.add.f32 [tilespmem:s20], [sflag:$0x3], $0x90, s24, s24, $0xb8;
	[tilespmem:$0x1F390] =	vst v63  }
0xdb: {  	_ =	swait.ge [sflag:s8], $0x4800  }
0xdc: {  	[sflag:s8] =	ssyncset.done $0x0  }
0xdd: {  	s13 =	simm.s32 @!p0 $0x0;
	s14 =	simm.s32 @!p0 $0x200;
	[sflag:s8] =	ssyncadd.s32 $0xFFFFB800  }
0xde: {  	[tilespmem:s14], [sflag:$0x7] =	stream.linear.gather @!p0 [hbm4b:s16+s13], $0x100, $0x38;
	[tilespmem:$0x1F390] =	vst v63  }
0xdf: {  	_ =	swait.ge [sflag:s28], $0x100  }
0xe0: {  	[sflag:s28] =	ssyncset.done $0x0  }
0xe1: {  	[sflag:s28] =	ssyncadd.s32 $0xFFFFFF00  }
0xe2: {  	[tilespmem:s29], [sflag:$0x2] =	stream.indirect.gather [hbm4b:s4+s24], $0x90, s22, s24, $0xb8;
	[tilespmem:$0x1F390] =	vst v63  }
0xe3: {  	_ =	swait.ge [sflag:s30], $0x4800  }
0xe4: {  	[sflag:s30] =	ssyncset.done $0x0  }
0xe5: {  	[sflag:s30] =	ssyncadd.s32 $0xFFFFB800  }
0xe6: {  	[spmem:s2] =	stream.indirect.scatter.add.f32 [tilespmem:s29], [sflag:$0x4], $0x90, s31, s24, $0xb8;
	[tilespmem:$0x1F390] =	vst v63  }
0xe7: {  	_ =	swait.ge [sflag:s1], $0x4800  }
0xe8: {  	[sflag:s1] =	ssyncset.done $0x0  }
0xe9: {  	s13 =	simm.s32 @!p0 $0x7;
	[sflag:s1] =	ssyncadd.s32 $0xFFFFB800  }
0xea: {  	_ =	swait.ge @!p0 [sflag:s13], $0x100  }
0xeb: {  	[sflag:s13] =	ssyncset.done @!p0 $0x0  }
0xec: {  	s15 =	simm.s32 @!p0 $0x400;
	[sflag:s13] =	ssyncadd.s32 @!p0 $0xFFFFFF00;
	s13 =	simm.s32 @!p0 $0x80  }
0xed: {  	[tilespmem:s15], [sflag:$0x1] =	stream.indirect.gather @!p0 [hbm4b:s4+s13], $0x90, s14, s13, $0xb8;
	[tilespmem:$0x1F390] =	vst v63  }
0xee: {  	s14 =	simm.s32 @!p0 $0x1  }
0xef: {  	_ =	swait.ge @!p0 [sflag:s14], $0x4800  }
0xf0: {  	[sflag:s14] =	ssyncset.done @!p0 $0x0  }
0xf1: {  	[sflag:s14] =	ssyncadd.s32 @!p0 $0xFFFFB800;
	s14 =	simm.s32 @!p0 $0x280  }
0xf2: {  	[spmem:s2] =	stream.indirect.scatter.add.f32 @!p0 [tilespmem:s15], [sflag:$0x3], $0x90, s14, s13, $0xb8;
	[tilespmem:$0x1F390] =	vst v63  }
0xf3: {  	s13 =	simm.s32 @!p0 $0x4  }
0xf4: {  	_ =	swait.ge @!p0 [sflag:s13], $0x4800  }
0xf5: {  	s14 =	simm.s32 @!p0 $0x3;
	[sflag:s13] =	ssyncset.done @!p0 $0x0  }
0xf6: {  	s14 =	simm.s32 @p0 $0x4;
	[sflag:s13] =	ssyncadd.s32 @!p0 $0xFFFFB800  }
0xf7: {  	_ =	swait.ge [sflag:s14], $0x4800  }
0xf8: {  	[sflag:s14] =	ssyncset.done $0x0  }
0xf9: {  	s12 =	sadd.s32 $0x1, s12;
	[sflag:s14] =	ssyncadd.s32 $0xFFFFB800;
	s14 =	stileid.u32  }
0xfa: {  	p1 =	sne.s32 s12, s18;
	s15 =	sshrl.u32 s5, $0x3;
	s13 =	sshll.u32 s14, $0x6  }
.Ltmp2:
0xfb: {  	[bflag:$0x0] =	sbarrier.arrive $0xFFFF;
	s13 =	sor.u32 $0x1C09, s13;
	(pc) =	sbr.rel @p1 .LBB2_1-.Ltmp2, $4  }
0xfc: {  	[hbm:s17], [sflag:s13] =	dma.local [spmem:s15], $0x2BF2  }
0xfd: {  	_ =	swait.ge [sflag:s21], $0x2BF2  }
0xfe: {  	[sflag:s21] =	ssyncset.done $0x0  }
0xff: {  	[sflag:s21] =	ssyncadd.s32 $0xFFFFD40E  }
0x100: {  	_ =	sfence.sel $0x180000  }
0x101: {  	[bflag:$0x0] =	sbarrier.arrive $0xFFFF  }
0x102: {  	_ =	strace $0x9000004D  }
0x103: {  	s0 =	stileid.u32;
	[bflag:$0x2] =	sbarrier.arrive $0xFFFF  }
0x104: {  	p0 =	sne.s32 s0, $0x0;
	s0 =	rddreg [dreg:$0x2]  }
0x105: {  	s0 =	sadd.s32 @!p0 $0x100000, s0  }
0x106: {  	[sflag:s0] =	ssyncadd.tile.s32 @!p0 $0x1;
	_ =	shalt  }
.Lfunc_end2:
_tile_overlayer_lowered:
.L_overlay_start_2:
0x107: {  	(tag) =	ssettag $0x2  }
0x108: {  	s0 =	rddreg [dreg:$0x0];
	s2 =	stileid.u32  }
0x109: {  	s1 =	rddreg [dreg:$0x1];
	p0 =	sne.s32 s2, $0x0  }
0x10a: {  	s3 =	rddreg [dreg:$0x2];
	[bflag:$0x3] =	sbarrier.arrive $0xFFFF;
	s2 =	simm.s32 @!p0 $0x1C09  }
0x10b: {  	[timem:s3], [sflag:s2] =	dma.local @!p0 [hbm:s0], s1  }
0x10c: {  	s0 =	simm.s32 @!p0 $0x9  }
0x10d: {  	_ =	swait.ge @!p0 [sflag:s0], s1  }
0x10e: {  	s1 =	ssub.s32 @!p0 $0x0, s1;
	[sflag:s0] =	ssyncset.done @!p0 $0x0  }
0x10f: {  	[sflag:s0] =	ssyncadd.s32 @!p0 s1  }
0x110: {  	[bflag:$0x3] =	sbarrier.arrive $0xFFFF  }
0x111: {  	_ =	shalt  }

// kernel: kernel.18.cloned.1.call-start
scs
__scs_entry_jumppad:
0x0: {  	(pc) =	sbr.rel $0x88, $3  }
0x1: {  	(tag) =	ssettag $0x0;
	lr =	simm.s32 $0x1  }
0x2: {  	[smem:$0x3F8C] =	sst lr;
	_ =	strace $0xD0000000  }
0x3: {  	_ = 	snop  }
0x4: {  	_ = 	snop  }
0x5: {  	_ = 	snop  }
0x6: {  	_ = 	snop  }
0x7: {  	_ = 	snop  }
__scs_overlays_trampoline_lowered:
0x8: {  	[smem:$0x3F9B] =	sst s0  }
0x9: {  	[smem:$0x3F9C] =	sst s1  }
0xa: {  	[smem:$0x3F9D] =	sst s2  }
0xb: {  	[smem:$0x3F9E] =	sst s3  }
0xc: {  	[smem:$0x3F9F] =	sst s4  }
0xd: {  	[smem:$0x3FA0] =	sst s5  }
0xe: {  	[smem:$0x3FA1] =	sst s6  }
0xf: {  	[smem:$0x3FA2] =	sst s7  }
0x10: {  	[smem:$0x3FA3] =	sst s8  }
0x11: {  	[smem:$0x3FA4] =	sst s9;
	s0 =	simm.s32 @!p0 $0x0  }
0x12: {  	s1 =	sld [smem:$0x3F8A];
	s0 =	simm.s32 @p0 $0x1  }
0x13: {  	[smem:$0x3FA5] =	sst s0;
	s0 =	simm.s32 @!p1 $0x0  }
0x14: {  	s2 =	sld [smem:$0x3F89];
	s0 =	simm.s32 @p1 $0x1  }
0x15: {  	[smem:$0x3FA6] =	sst s0;
	s0 =	simm.s32 @!p2 $0x0  }
0x16: {  	s3 =	sld [smem:$0x3FDB];
	s0 =	simm.s32 @p2 $0x1  }
0x17: {  	s4 =	simm.s32 $0x1BF5;
	[smem:$0x3FA8] =	sst s0  }
0x18: {  	s0 =	sld [smem:$0x3F8B];
	_ =	swait.ge [sflag:s4], $0x0  }
0x19: {  	s7 =	sld [smem:$0x3F8C]  }
0x1a: {  	s8 =	sadd.s32 $0xFFFFE003, lr  }
0x1b: {  	s9 =	sadd.s32 $0xFFFFFEF7, lr;
	s5 =	simm.s32 $0xFFFFFFFF;
	p2 =	slt.u32 s8, $0xFFFFF086  }
0x1c: {  	p1 =	slt.u32 s9, $0xF7A;
	s5 =	simm.s32 @!p2 $0x0  }
0x1d: {  	s5 =	simm.s32 @p1 $0x1;
	p0 =	seq.s32 s7, s2  }
0x1e: {  	s7 =	smul.u32 @!p0 $0xF7A, s2;
	p2 =	seq.s32 @!p0 s5, $0x0  }
0x1f: {  	s9 =	smul.u32 $0xF7A, s1;
	s8 =	simm.s32 @!p0 $0x1BF5;
	p2 =	por !p2, p0  }
0x20: {  	[sflag:s8] =	ssyncset.s32 @!p0 $0xFFFFF086;
	s6 =	sadd.s32 @!p0 s3, s7;
	s7 =	simm.s32 @!p0 $0x108  }
0x21: {  	s3 =	sadd.s32 s3, s9;
	s6 =	sadd.s32 @!p0 $0x88, s6;
	s7 =	simm.s32 @p2 $0x1082  }
0x22: {  	[simem:s7], [sflag:s8] =	dma.local @!p0 [hbm:s6], $0xF7A  }
0x23: {  	s9 =	sor.u32 $0xD0000000, s2;
	s6 =	simm.s32 $0x108;
	_ =	swait.ge @!p0 [sflag:s8], $0x0  }
0x24: {  	s3 =	sadd.s32 $0x88, s3;
	s6 =	simm.s32 @!p1 $0x1082;
	[sflag:s4] =	ssyncset.s32 $0xFFFFF086  }
0x25: {  	[simem:s6], [sflag:s4] =	dma.local [hbm:s3], $0xF7A  }
0x26: {  	[smem:$0x3F8C] =	sst s1;
	(tag) =	ssettag s2;
	_ =	strace s9  }
0x27: {  	s1 =	sld [smem:$0x3F9C]  }
0x28: {  	s2 =	sld [smem:$0x3F9D]  }
0x29: {  	s4 =	sld [smem:$0x3F9F]  }
0x2a: {  	p0 =	seq.s32 s5, $0x0;
	s5 =	sld [smem:$0x3FA0]  }
0x2b: {  	s6 =	sld [smem:$0x3FA1]  }
0x2c: {  	s7 =	sld [smem:$0x3FA2]  }
0x2d: {  	s3 =	simm.s32 $0x108;
	s8 =	sld [smem:$0x3FA3]  }
0x2e: {  	s3 =	simm.s32 @!p0 $0x1082;
	s9 =	sld [smem:$0x3FA4]  }
0x2f: {  	lr =	sadd.s32 s0, s3;
	s0 =	sld [smem:$0x3F9B]  }
0x30: {  	s3 =	sld [smem:$0x3F9E]  }
0x31: {  	[smem:$0x3FA7] =	sst s10  }
0x32: {  	s10 =	sld [smem:$0x3FA5];
	_ =	sdelay $0x3  }
0x33: {  	p0 =	seq.s32 s10, $0x1;
	s10 =	sld [smem:$0x3FA7];
	_ =	sdelay $0x3  }
0x34: {  	[smem:$0x3FA7] =	sst s10  }
0x35: {  	s10 =	sld [smem:$0x3FA6];
	_ =	sdelay $0x3  }
0x36: {  	p1 =	seq.s32 s10, $0x1;
	s10 =	sld [smem:$0x3FA7];
	_ =	sdelay $0x3  }
0x37: {  	[smem:$0x3FA7] =	sst s10  }
0x38: {  	s10 =	sld [smem:$0x3FA8]  }
0x39: {  	_ = 	snop;
	(pc) =	sbr.ind lr, $3  }
0x3a: {  	_ = 	snop  }
0x3b: {  	_ = 	snop  }
0x3c: {  	p2 =	seq.s32 s10, $0x1;
	s10 =	sld [smem:$0x3FA7]  }
0x3d: {  	_ =	shalt  }
0x3e: {  	_ =	shalt  }
0x3f: {  	_ =	shalt  }
0x40: {  	_ =	shalt  }
0x41: {  	_ =	shalt  }
0x42: {  	_ =	shalt  }
0x43: {  	_ =	shalt  }
0x44: {  	_ =	shalt  }
0x45: {  	_ =	shalt  }
0x46: {  	_ =	shalt  }
0x47: {  	_ =	shalt  }
0x48: {  	_ =	shalt  }
0x49: {  	_ =	shalt  }
0x4a: {  	_ =	shalt  }
0x4b: {  	_ =	shalt  }
0x4c: {  	_ =	shalt  }
0x4d: {  	_ =	shalt  }
0x4e: {  	_ =	shalt  }
0x4f: {  	_ =	shalt  }
0x50: {  	_ =	shalt  }
0x51: {  	_ =	shalt  }
0x52: {  	_ =	shalt  }
0x53: {  	_ =	shalt  }
0x54: {  	_ =	shalt  }
0x55: {  	_ =	shalt  }
0x56: {  	_ =	shalt  }
0x57: {  	_ =	shalt  }
0x58: {  	_ =	shalt  }
0x59: {  	_ =	shalt  }
0x5a: {  	_ =	shalt  }
0x5b: {  	_ =	shalt  }
0x5c: {  	_ =	shalt  }
0x5d: {  	_ =	shalt  }
0x5e: {  	_ =	shalt  }
0x5f: {  	_ =	shalt  }
0x60: {  	_ =	shalt  }
0x61: {  	_ =	shalt  }
0x62: {  	_ =	shalt  }
0x63: {  	_ =	shalt  }
0x64: {  	_ =	shalt  }
0x65: {  	_ =	shalt  }
0x66: {  	_ =	shalt  }
0x67: {  	_ =	shalt  }
0x68: {  	_ =	shalt  }
0x69: {  	_ =	shalt  }
0x6a: {  	_ =	shalt  }
0x6b: {  	_ =	shalt  }
0x6c: {  	_ =	shalt  }
0x6d: {  	_ =	shalt  }
0x6e: {  	_ =	shalt  }
0x6f: {  	_ =	shalt  }
0x70: {  	_ =	shalt  }
0x71: {  	_ =	shalt  }
0x72: {  	_ =	shalt  }
0x73: {  	_ =	shalt  }
0x74: {  	_ =	shalt  }
0x75: {  	_ =	shalt  }
0x76: {  	_ =	shalt  }
0x77: {  	_ =	shalt  }
0x78: {  	_ =	shalt  }
0x79: {  	_ =	shalt  }
0x7a: {  	_ =	shalt  }
0x7b: {  	_ =	shalt  }
0x7c: {  	_ =	shalt  }
0x7d: {  	_ =	shalt  }
0x7e: {  	_ =	shalt  }
0x7f: {  	_ =	shalt  }
0x80: {  	_ =	shalt  }
0x81: {  	_ =	shalt  }
0x82: {  	_ =	shalt  }
0x83: {  	_ =	shalt  }
0x84: {  	_ =	shalt  }
0x85: {  	_ =	shalt  }
0x86: {  	_ =	shalt  }
0x87: {  	_ =	shalt  }
.Lfunc_end0:
.L_simem_size_0:
called_computation.3_lowered:
.L_overlay_start_0:
0x88: {  	s2 =	sld [smem:$0x3FD9]  }
0x89: {  	s3 =	sld [smem:$0x3FFE];
	_ =	sdelay $0x1  }
0x8a: {  	s1 =	srdreg.scid  }
0x8b: {  	s0 =	sand.u32 $0x1, s1  }
0x8c: {  	s16 =	sshll.u32 s0, $0xA;
	s2 =	sadd.s32 s3, s2  }
0x8d: {  	s2 =	sadd.s32 s2, s16  }
0x8e: {  	[smem:$0x3FB3] =	sst s2  }
0x8f: {  	_ = 	snop  }
0x90: {  	(tm) =	ssettm $0x1  }
0x91: {  	s17 =	sld [smem:$0x3FFB];
	_ =	sdelay $0x3  }
0x92: {  	_ =	strace s17  }
0x93: {  	s2 =	sld [smem:$0x3FFC];
	_ =	sdelay $0x3  }
0x94: {  	_ =	strace s2  }
0x95: {  	s2 =	sld [smem:$0x3FFD];
	_ =	sdelay $0x3  }
0x96: {  	_ =	strace s2  }
0x97: {  	_ =	strace $0x8FFFFFFF  }
0x98: {  	s18 =	sld [smem:$0x3FDB];
	_ =	sdelay $0x1  }
0x99: {  	s19 =	simm.s32 $_scs_section_size  }
0x9a: {  	s4 =	simm.s32 $_size__tile_overlayer_lowered;
	s5 =	simm.s32 $_tile_overlayer_lowered  }
0x9b: {  	s22 =	simm.s32 $0x1BFF;
	s21 =	sshll.u32 s5, $0x1;
	s2 =	sadd.s32 s19, s18  }
0x9c: {  	s6 =	simm.s32 $0x0;
	s20 =	sshll.u32 s4, $0x1;
	s4 =	sadd.s32 s21, s2  }
0x9d: {  	[timem:s6], [sflag:s22] =	dma.local [hbm:s4], s20  }
0x9e: {  	_ =	swait.ge [sflag:s22], s20  }
0x9f: {  	s3 =	ssub.s32 $0x0, s20;
	[sflag:s22] =	ssyncset.done $0x0  }
0xa0: {  	[sflag:s22] =	ssyncadd.s32 s3;
	_ =	sdelay $0x1  }
0xa1: {  	s23 =	simm.s32 $0x1B8B  }
0xa2: {  	_ =	swait.ge [sflag:s23], $0x1  }
0xa3: {  	[sflag:s23] =	ssyncset.done $0x0  }
0xa4: {  	s25 =	simm.s32 $0x1B8E;
	s24 =	sld [smem:$0x3FFE];
	[sflag:s23] =	ssyncadd.s32 $0xFFFFFFFF  }
0xa5: {  	s26 =	simm.s32 $execute0_lowered;
	[smem:$0x3FD2] =	sst s25  }
0xa6: {  	s4 =	sshll.u32 s26, $0x1;
	_ =	strace $0x8000004F;
	[dreg:$0x1] =	wrdreg $0xFFFFFFFF  }
0xa7: {  	s28 =	simm.s32 $_size_execute0_lowered;
	s2 =	sadd.s32 s2, s4;
	[dreg:$0x0] =	wrdreg $0x0  }
0xa8: {  	s4 =	sshll.u32 s28, $0x1;
	[dreg:$0x2] =	wrdreg s2  }
0xa9: {  	[dreg:$0x3] =	wrdreg s4  }
0xaa: {  	[dreg:$0x4] =	wrdreg $0xC0  }
0xab: {  	_ =	task [dreg:s6], $0x5FFFF  }
0xac: {  	[dreg:$0x1] =	wrdreg $0xFFFFFFFF  }
0xad: {  	[dreg:$0x0] =	wrdreg $0x60  }
0xae: {  	[dreg:$0x2] =	wrdreg s24  }
0xaf: {  	[dreg:$0x3] =	wrdreg $0x94000  }
0xb0: {  	[dreg:$0x4] =	wrdreg $0x9  }
0xb1: {  	_ =	task.clear_ibuf [dreg:s6], $0x5FFFF;
	_ =	strace $0x9000004F  }
0xb2: {  	s29 =	simm.s32 $0x9;
	_ =	strace $0x80000051  }
0xb3: {  	_ =	swait.ge [sflag:s29], $0x1  }
0xb4: {  	[sflag:s29] =	ssyncadd.s32 $0xFFFFFFFF  }
0xb5: {  	_ =	strace $0x90000051  }
0xb6: {  	_ =	sfence  }
0xb7: {  	s30 =	sld [smem:$0x0];
	_ =	sdelay $0x2  }
0xb8: {  	s31 =	sshll.u32 s1, $0xD;
	s1 =	sshrl.u32 s1, $0x2  }
0xb9: {  	s3 =	sand.u32 $0x4000, s31;
	s1 =	sadd.s32 s1, s30  }
0xba: {  	s0 =	sor.u32 s3, s0;
	s1 =	sshll.u32 s1, $0x11  }
0xbb: {  	s0 =	sor.u32 s1, s0  }
0xbc: {  	s0 =	sadd.s32 $0x8F2B, s0  }
0xbd: {  	[sflag:s0] =	ssyncadd.remote.s32 $0x1  }
0xbe: {  	_ =	sfence.sel $0xFFFF  }
0xbf: {  	[dreg:$0x0] =	wrdreg $0xFFFFFFFF;
	(pc) =	sbr.abs _section_cstart, $3  }
0xc0: {  	[dreg:$0x1] =	wrdreg $0xFFFFFFFF  }
0xc1: {  	_ =	task.clear_ibuf [dreg:s6], $0x2FFFF;
	_ =	strace $0x9FFFFFFF  }
0xc2: {  	(tm) =	ssettm $0x7FFFFFFF  }
0xc3: {  	_ =	shalt  }
tec
execute0_lowered:
.L_overlay_start_1:
0x0: {  	(tag) =	ssettag $0x1  }
0x1: {  	s0 =	rddreg [dreg:$0x0];
	s1 =	srdreg.scid  }
0x2: {  	s11 =	stileid.u32;
	s2 =	rddreg [dreg:$0x1];
	s3 =	simm.s32 $0x0  }
0x3: {  	s28 =	simm.s32 $0x6;
	s29 =	simm.s32 $0x4C00;
	s30 =	simm.s32 $0x2  }
0x4: {  	s31 =	simm.s32 $0x180;
	s1 =	sand.u32 $0x1, s1;
	s5 =	smul.u32 $0x15F90, s11  }
0x5: {  	[smem:$0x7FF] =	sst s3;
	s7 =	smul.u32 $0x57E40, s11;
	s8 =	sadd.s32 $0x27600, s0  }
0x6: {  	s20 =	sshll.u32 s11, $0x5;
	s4 =	smul.u32 $0x15F900, s1;
	_ =	strace $0x80000050  }
0x7: {  	s16 =	ssub.s32 $0x2, s1;
	s10 =	sshll.u32 s1, $0x4;
	s26 =	sshll.u32 s1, $0x9  }
0x8: {  	s1 =	simm.s32 $0x3;
	s9 =	sshrl.u32 s16, $0x1;
	s7 =	sshrl.u32 s7, $0x2  }
0x9: {  	s10 =	sor.u32 s11, s10;
	s11 =	simm.s32 $0x380;
	s6 =	sadd.s32 s5, s4  }
0xa: {  	s4 =	sadd.s32 $0x89200, s0;
	s7 =	sadd.s32 s7, s2;
	s5 =	sadd.s32 s5, s2  }
0xb: {  	s18 =	sshll.u32 s10, $0x5;
	p0 =	sgt.u32 s10, $0x3;
	s17 =	sadd.s32 $0x4800, s7  }
0xc: {  	s10 =	simm.s32 $0x8;
	s12 =	sadd.s32 $0x9000, s7;
	[dreg:$0x3] =	wrdreg s17  }
0xd: {  	s6 =	sshrl.u32 s6, $0x3;
	s19 =	sadd.s32 $0xD800, s7;
	[dreg:$0x4] =	wrdreg s12  }
0xe: {  	s7 =	sadd.s32 $0x12000, s7;
	s0 =	sadd.s32 s6, s0;
	[dreg:$0x5] =	wrdreg s19  }
0xf: {  	s6 =	ssub.s32 s16, s9;
	s9 =	sadd.s32 s8, s18;
	[dreg:$0x6] =	wrdreg s7  }
0x10: {  	s7 =	sadd.s32 s20, s8;
	s20 =	simm.s32 $0x400;
	s8 =	simm.s32 $0x4  }
0x11: {  	s12 =	simm.s32 $0x0;
	s21 =	sadd.s32 $0x400, s9;
	s22 =	sadd.s32 $0x800, s9  }
0x12: {  	s23 =	sadd.s32 $0xC00, s9;
	s24 =	sadd.s32 $0x1000, s9;
	s25 =	sadd.s32 $0x1400, s9  }
0x13: {  	s16 =	sadd.s32 $0x13800, s7;
	s17 =	sadd.s32 $0xB5200, s0;
	[dreg:$0x7] =	wrdreg s21  }
0x14: {  	s18 =	smax.u32 s6, $0x1;
	s19 =	sadd.s32 s26, s7;
	[dreg:$0x8] =	wrdreg s22  }
0x15: {  	s26 =	simm.s32 $0x200;
	s0 =	simm.s32 $0x300;
	[dreg:$0x9] =	wrdreg s23  }
0x16: {  	s6 =	simm.s32 $0x7;
	s7 =	simm.s32 $0x280;
	[dreg:$0xa] =	wrdreg s24  }
0x17: {  	[dreg:$0xb] =	wrdreg s25;
	s21 =	simm.s32 $0x9;
	s22 =	simm.s32 $0x100  }
0x18: {  	v0 =	vimm.f32 $0.0e+00;
	s23 =	simm.s32 $0x5;
	s24 =	simm.s32 $0x80;
	s25 =	simm.s32 $0x1  }
.LBB2_1:
0x19: {  	s13 =	simm.s32 $0x0;
	s14 =	simm.s32 $0x240  }
.LBB2_2:
0x1a: {  	p1 =	sne.s32 s14, $0x11DC0;
	[tilespmem:s13+$0x480] =	vst v0  }
0x1b: {  	[tilespmem:s13+$0x400] =	vst v0  }
0x1c: {  	[tilespmem:s13+$0x410] =	vst v0  }
0x1d: {  	[tilespmem:s13+$0x420] =	vst v0  }
.Ltmp0:
0x1e: {  	[tilespmem:s13+$0x430] =	vst v0;
	(pc) =	sbr.rel @p1 .LBB2_2-.Ltmp0, $4  }
0x1f: {  	[tilespmem:s13+$0x440] =	vst v0  }
0x20: {  	[tilespmem:s13+$0x450] =	vst v0  }
0x21: {  	[tilespmem:s13+$0x460] =	vst v0  }
0x22: {  	[tilespmem:s13+$0x470] =	vst v0;
	s13 =	sshra.s32 s14, $0x2;
	s14 =	sadd.s32 $0x240, s14  }
0x23: {  	[tilespmem:s13+$0x480] =	vst v0  }
0x24: {  	[tilespmem:s13+$0x400] =	vst v0  }
0x25: {  	[tilespmem:s13+$0x410] =	vst v0  }
0x26: {  	[tilespmem:s13+$0x420] =	vst v0  }
0x27: {  	[tilespmem:s13+$0x430] =	vst v0  }
0x28: {  	[tilespmem:s13+$0x440] =	vst v0  }
0x29: {  	[tilespmem:s13+$0x450] =	vst v0  }
0x2a: {  	[tilespmem:s13+$0x460] =	vst v0  }
0x2b: {  	[tilespmem:s13+$0x470] =	vst v0  }
0x2c: {  	[spmem:s5] =	stream.linear.scatter [tilespmem:s20], [sflag:$0x9], $0x4800, $0x38;
	[tilespmem:$0x1F390] =	vst v63  }
0x2d: {  	_ =	swait.ge [sflag:s21], $0x4800  }
0x2e: {  	[sflag:s21] =	ssyncset.done $0x0  }
0x2f: {  	s15 =	rddreg [dreg:$0x3];
	[sflag:s21] =	ssyncadd.s32 $0xFFFFB800  }
0x30: {  	[spmem:s15] =	stream.linear.scatter [tilespmem:s20], [sflag:$0x9], $0x4800, $0x38;
	[tilespmem:$0x1F390] =	vst v63  }
0x31: {  	_ =	swait.ge [sflag:s21], $0x4800  }
0x32: {  	[sflag:s21] =	ssyncset.done $0x0  }
0x33: {  	s14 =	rddreg [dreg:$0x4];
	[sflag:s21] =	ssyncadd.s32 $0xFFFFB800  }
0x34: {  	[spmem:s14] =	stream.linear.scatter [tilespmem:s20], [sflag:$0x9], $0x4800, $0x38;
	[tilespmem:$0x1F390] =	vst v63  }
0x35: {  	_ =	swait.ge [sflag:s21], $0x4800  }
0x36: {  	[sflag:s21] =	ssyncset.done $0x0  }
0x37: {  	s15 =	rddreg [dreg:$0x5];
	[sflag:s21] =	ssyncadd.s32 $0xFFFFB800  }
0x38: {  	[spmem:s15] =	stream.linear.scatter [tilespmem:s20], [sflag:$0x9], $0x4800, $0x38;
	[tilespmem:$0x1F390] =	vst v63  }
0x39: {  	_ =	swait.ge [sflag:s21], $0x4800  }
0x3a: {  	[sflag:s21] =	ssyncset.done $0x0  }
0x3b: {  	s14 =	rddreg [dreg:$0x6];
	[sflag:s21] =	ssyncadd.s32 $0xFFFFB800  }
0x3c: {  	[spmem:s14] =	stream.linear.scatter [tilespmem:s20], [sflag:$0x9], $0x3F90, $0x38;
	[tilespmem:$0x1F390] =	vst v63  }
0x3d: {  	_ =	swait.ge [sflag:s21], $0x3F90  }
0x3e: {  	[sflag:s21] =	ssyncset.done $0x0  }
0x3f: {  	[sflag:s21] =	ssyncadd.s32 $0xFFFFC070  }
0x40: {  	s13 =	simm.s32 $0x0;
	[bflag:$0x0] =	sbarrier.arrive $0xFFFF  }
0x41: {  	[tilespmem:s13], [sflag:$0x5] =	stream.linear.gather [hbm4b:s9+s13], $0x100, $0x38;
	[tilespmem:$0x1F390] =	vst v63  }
0x42: {  	s14 =	rddreg [dreg:$0x7]  }
0x43: {  	[tilespmem:s22], [sflag:$0x6] =	stream.linear.gather [hbm4b:s14+s13], $0x100, $0x38;
	[tilespmem:$0x1F390] =	vst v63  }
0x44: {  	_ =	swait.ge [sflag:s23], $0x100  }
0x45: {  	[sflag:s23] =	ssyncset.done $0x0  }
0x46: {  	[sflag:s23] =	ssyncadd.s32 $0xFFFFFF00  }
0x47: {  	[tilespmem:s20], [sflag:$0x1] =	stream.indirect.gather [hbm4b:s4+s24], $0x90, s13, s24, $0xb8;
	[tilespmem:$0x1F390] =	vst v63  }
0x48: {  	_ =	swait.ge [sflag:s25], $0x4800  }
0x49: {  	[sflag:s25] =	ssyncset.done $0x0  }
0x4a: {  	[sflag:s25] =	ssyncadd.s32 $0xFFFFB800  }
0x4b: {  	[spmem:s2] =	stream.indirect.scatter.add.f32 [tilespmem:s20], [sflag:$0x3], $0x90, s24, s24, $0xb8;
	[tilespmem:$0x1F390] =	vst v63  }
0x4c: {  	s15 =	rddreg [dreg:$0x8]  }
0x4d: {  	[tilespmem:s26], [sflag:$0x7] =	stream.linear.gather [hbm4b:s15+s13], $0x100, $0x38;
	[tilespmem:$0x1F390] =	vst v63  }
0x4e: {  	_ =	swait.ge [sflag:s28], $0x100  }
0x4f: {  	[sflag:s28] =	ssyncset.done $0x0  }
0x50: {  	[sflag:s28] =	ssyncadd.s32 $0xFFFFFF00  }
0x51: {  	[tilespmem:s29], [sflag:$0x2] =	stream.indirect.gather [hbm4b:s4+s24], $0x90, s22, s24, $0xb8;
	[tilespmem:$0x1F390] =	vst v63  }
0x52: {  	_ =	swait.ge [sflag:s30], $0x4800  }
0x53: {  	[sflag:s30] =	ssyncset.done $0x0  }
0x54: {  	[sflag:s30] =	ssyncadd.s32 $0xFFFFB800  }
0x55: {  	[spmem:s2] =	stream.indirect.scatter.add.f32 [tilespmem:s29], [sflag:$0x4], $0x90, s31, s24, $0xb8;
	[tilespmem:$0x1F390] =	vst v63  }
0x56: {  	_ =	swait.ge [sflag:s1], $0x4800  }
0x57: {  	[sflag:s1] =	ssyncset.done $0x0  }
0x58: {  	s15 =	rddreg [dreg:$0x9];
	[sflag:s1] =	ssyncadd.s32 $0xFFFFB800  }
0x59: {  	[tilespmem:s0], [sflag:$0x8] =	stream.linear.gather [hbm4b:s15+s13], $0x100, $0x38;
	[tilespmem:$0x1F390] =	vst v63  }
0x5a: {  	_ =	swait.ge [sflag:s6], $0x100  }
0x5b: {  	[sflag:s6] =	ssyncset.done $0x0  }
0x5c: {  	[sflag:s6] =	ssyncadd.s32 $0xFFFFFF00  }
0x5d: {  	[tilespmem:s20], [sflag:$0x1] =	stream.indirect.gather [hbm4b:s4+s24], $0x90, s26, s24, $0xb8;
	[tilespmem:$0x1F390] =	vst v63  }
0x5e: {  	_ =	swait.ge [sflag:s25], $0x4800  }
0x5f: {  	[sflag:s25] =	ssyncset.done $0x0  }
0x60: {  	[sflag:s25] =	ssyncadd.s32 $0xFFFFB800  }
0x61: {  	[spmem:s2] =	stream.indirect.scatter.add.f32 [tilespmem:s20], [sflag:$0x3], $0x90, s7, s24, $0xb8;
	[tilespmem:$0x1F390] =	vst v63  }
0x62: {  	_ =	swait.ge [sflag:s8], $0x4800  }
0x63: {  	[sflag:s8] =	ssyncset.done $0x0  }
0x64: {  	s15 =	rddreg [dreg:$0xa];
	[sflag:s8] =	ssyncadd.s32 $0xFFFFB800  }
0x65: {  	[tilespmem:s13], [sflag:$0x5] =	stream.linear.gather [hbm4b:s15+s13], $0x100, $0x38;
	[tilespmem:$0x1F390] =	vst v63  }
0x66: {  	_ =	swait.ge [sflag:s10], $0x100  }
0x67: {  	[sflag:s10] =	ssyncset.done $0x0  }
0x68: {  	[sflag:s10] =	ssyncadd.s32 $0xFFFFFF00  }
0x69: {  	[tilespmem:s29], [sflag:$0x2] =	stream.indirect.gather [hbm4b:s4+s24], $0x90, s0, s24, $0xb8;
	[tilespmem:$0x1F390] =	vst v63  }
0x6a: {  	_ =	swait.ge [sflag:s30], $0x4800  }
0x6b: {  	[sflag:s30] =	ssyncset.done $0x0  }
0x6c: {  	[sflag:s30] =	ssyncadd.s32 $0xFFFFB800  }
0x6d: {  	[spmem:s2] =	stream.indirect.scatter.add.f32 [tilespmem:s29], [sflag:$0x4], $0x90, s11, s24, $0xb8;
	[tilespmem:$0x1F390] =	vst v63  }
0x6e: {  	_ =	swait.ge [sflag:s1], $0x4800  }
0x6f: {  	[sflag:s1] =	ssyncset.done $0x0  }
0x70: {  	s15 =	rddreg [dreg:$0xb];
	[sflag:s1] =	ssyncadd.s32 $0xFFFFB800  }
0x71: {  	[tilespmem:s22], [sflag:$0x6] =	stream.linear.gather [hbm4b:s15+s13], $0x100, $0x38;
	[tilespmem:$0x1F390] =	vst v63  }
0x72: {  	_ =	swait.ge [sflag:s23], $0x100  }
0x73: {  	[sflag:s23] =	ssyncset.done $0x0  }
0x74: {  	[sflag:s23] =	ssyncadd.s32 $0xFFFFFF00  }
0x75: {  	[tilespmem:s20], [sflag:$0x1] =	stream.indirect.gather [hbm4b:s4+s24], $0x90, s13, s24, $0xb8;
	[tilespmem:$0x1F390] =	vst v63  }
0x76: {  	_ =	swait.ge [sflag:s25], $0x4800  }
0x77: {  	[sflag:s25] =	ssyncset.done $0x0  }
0x78: {  	[sflag:s25] =	ssyncadd.s32 $0xFFFFB800  }
0x79: {  	[spmem:s2] =	stream.indirect.scatter.add.f32 [tilespmem:s20], [sflag:$0x3], $0x90, s24, s24, $0xb8;
	[tilespmem:$0x1F390] =	vst v63  }
0x7a: {  	_ =	swait.ge [sflag:s8], $0x4800  }
0x7b: {  	s13 =	sadd.s32 $0x0, s19;
	[sflag:s8] =	ssyncset.done $0x0  }
0x7c: {  	s15 =	sadd.s32 $0x1800, s13;
	[sflag:s8] =	ssyncadd.s32 $0xFFFFB800  }
0x7d: {  	[tilespmem:s26], [sflag:$0x7] =	stream.linear.gather [hbm4b:s15+s3], $0x100, $0x38;
	[tilespmem:$0x1F390] =	vst v63  }
0x7e: {  	_ =	swait.ge [sflag:s28], $0x100  }
0x7f: {  	[sflag:s28] =	ssyncset.done $0x0  }
0x80: {  	[sflag:s28] =	ssyncadd.s32 $0xFFFFFF00  }
0x81: {  	[tilespmem:s29], [sflag:$0x2] =	stream.indirect.gather [hbm4b:s4+s24], $0x90, s22, s24, $0xb8;
	[tilespmem:$0x1F390] =	vst v63  }
0x82: {  	_ =	swait.ge [sflag:s30], $0x4800  }
0x83: {  	[sflag:s30] =	ssyncset.done $0x0  }
0x84: {  	[sflag:s30] =	ssyncadd.s32 $0xFFFFB800  }
0x85: {  	[spmem:s2] =	stream.indirect.scatter.add.f32 [tilespmem:s29], [sflag:$0x4], $0x90, s31, s24, $0xb8;
	[tilespmem:$0x1F390] =	vst v63  }
0x86: {  	_ =	swait.ge [sflag:s1], $0x4800  }
0x87: {  	[sflag:s1] =	ssyncset.done $0x0  }
0x88: {  	s15 =	sadd.s32 $0x1C00, s13;
	[sflag:s1] =	ssyncadd.s32 $0xFFFFB800  }
0x89: {  	[tilespmem:s0], [sflag:$0x8] =	stream.linear.gather [hbm4b:s15+s3], $0x100, $0x38;
	[tilespmem:$0x1F390] =	vst v63  }
0x8a: {  	_ =	swait.ge [sflag:s6], $0x100  }
0x8b: {  	[sflag:s6] =	ssyncset.done $0x0  }
0x8c: {  	[sflag:s6] =	ssyncadd.s32 $0xFFFFFF00  }
0x8d: {  	[tilespmem:s20], [sflag:$0x1] =	stream.indirect.gather [hbm4b:s4+s24], $0x90, s26, s24, $0xb8;
	[tilespmem:$0x1F390] =	vst v63  }
0x8e: {  	_ =	swait.ge [sflag:s25], $0x4800  }
0x8f: {  	[sflag:s25] =	ssyncset.done $0x0  }
0x90: {  	[sflag:s25] =	ssyncadd.s32 $0xFFFFB800  }
0x91: {  	[spmem:s2] =	stream.indirect.scatter.add.f32 [tilespmem:s20], [sflag:$0x3], $0x90, s7, s24, $0xb8;
	[tilespmem:$0x1F390] =	vst v63  }
0x92: {  	_ =	swait.ge [sflag:s8], $0x4800  }
0x93: {  	[sflag:s8] =	ssyncset.done $0x0  }
0x94: {  	s15 =	sadd.s32 $0x2000, s13;
	[sflag:s8] =	ssyncadd.s32 $0xFFFFB800  }
0x95: {  	[tilespmem:s3], [sflag:$0x5] =	stream.linear.gather [hbm4b:s15+s3], $0x100, $0x38;
	[tilespmem:$0x1F390] =	vst v63  }
0x96: {  	_ =	swait.ge [sflag:s10], $0x100  }
0x97: {  	[sflag:s10] =	ssyncset.done $0x0  }
0x98: {  	[sflag:s10] =	ssyncadd.s32 $0xFFFFFF00  }
0x99: {  	[tilespmem:s29], [sflag:$0x2] =	stream.indirect.gather [hbm4b:s4+s24], $0x90, s0, s24, $0xb8;
	[tilespmem:$0x1F390] =	vst v63  }
0x9a: {  	_ =	swait.ge [sflag:s30], $0x4800  }
0x9b: {  	[sflag:s30] =	ssyncset.done $0x0  }
0x9c: {  	[sflag:s30] =	ssyncadd.s32 $0xFFFFB800  }
0x9d: {  	[spmem:s2] =	stream.indirect.scatter.add.f32 [tilespmem:s29], [sflag:$0x4], $0x90, s11, s24, $0xb8;
	[tilespmem:$0x1F390] =	vst v63  }
0x9e: {  	_ =	swait.ge [sflag:s1], $0x4800  }
0x9f: {  	[sflag:s1] =	ssyncset.done $0x0  }
0xa0: {  	s13 =	sadd.s32 $0x2400, s13;
	[sflag:s1] =	ssyncadd.s32 $0xFFFFB800  }
0xa1: {  	[tilespmem:s22], [sflag:$0x6] =	stream.linear.gather [hbm4b:s13+s3], $0x100, $0x38;
	[tilespmem:$0x1F390] =	vst v63  }
0xa2: {  	_ =	swait.ge [sflag:s23], $0x100  }
0xa3: {  	[sflag:s23] =	ssyncset.done $0x0  }
0xa4: {  	s13 =	simm.s32 $0x1000;
	[sflag:s23] =	ssyncadd.s32 $0xFFFFFF00  }
.LBB2_4:
0xa5: {  	[tilespmem:s20], [sflag:$0x1] =	stream.indirect.gather [hbm4b:s4+s24], $0x90, s3, s24, $0xb8;
	[tilespmem:$0x1F390] =	vst v63  }
0xa6: {  	s14 =	smov.u32 s13  }
0xa7: {  	p1 =	sne.s32 s13, $0x11000;
	s13 =	sadd.s32 $0x1000, s13;
	_ =	swait.ge [sflag:s25], $0x4800  }
0xa8: {  	[sflag:s25] =	ssyncset.done $0x0  }
0xa9: {  	[sflag:s25] =	ssyncadd.s32 $0xFFFFB800  }
0xaa: {  	[spmem:s2] =	stream.indirect.scatter.add.f32 [tilespmem:s20], [sflag:$0x3], $0x90, s24, s24, $0xb8;
	[tilespmem:$0x1F390] =	vst v63  }
0xab: {  	_ =	swait.ge [sflag:s8], $0x4800  }
0xac: {  	s14 =	sadd.s32 s14, s19;
	[sflag:s8] =	ssyncset.done $0x0  }
0xad: {  	s15 =	sadd.s32 $0x1800, s14;
	[sflag:s8] =	ssyncadd.s32 $0xFFFFB800  }
0xae: {  	[tilespmem:s26], [sflag:$0x7] =	stream.linear.gather [hbm4b:s15+s3], $0x100, $0x38;
	[tilespmem:$0x1F390] =	vst v63  }
0xaf: {  	_ =	swait.ge [sflag:s28], $0x100  }
0xb0: {  	[sflag:s28] =	ssyncset.done $0x0  }
0xb1: {  	[sflag:s28] =	ssyncadd.s32 $0xFFFFFF00  }
0xb2: {  	[tilespmem:s29], [sflag:$0x2] =	stream.indirect.gather [hbm4b:s4+s24], $0x90, s22, s24, $0xb8;
	[tilespmem:$0x1F390] =	vst v63  }
0xb3: {  	_ =	swait.ge [sflag:s30], $0x4800  }
0xb4: {  	[sflag:s30] =	ssyncset.done $0x0  }
0xb5: {  	[sflag:s30] =	ssyncadd.s32 $0xFFFFB800  }
0xb6: {  	[spmem:s2] =	stream.indirect.scatter.add.f32 [tilespmem:s29], [sflag:$0x4], $0x90, s31, s24, $0xb8;
	[tilespmem:$0x1F390] =	vst v63  }
0xb7: {  	_ =	swait.ge [sflag:s1], $0x4800  }
0xb8: {  	[sflag:s1] =	ssyncset.done $0x0  }
0xb9: {  	s15 =	sadd.s32 $0x1C00, s14;
	[sflag:s1] =	ssyncadd.s32 $0xFFFFB800  }
0xba: {  	[tilespmem:s0], [sflag:$0x8] =	stream.linear.gather [hbm4b:s15+s3], $0x100, $0x38;
	[tilespmem:$0x1F390] =	vst v63  }
0xbb: {  	_ =	swait.ge [sflag:s6], $0x100  }
0xbc: {  	[sflag:s6] =	ssyncset.done $0x0  }
0xbd: {  	[sflag:s6] =	ssyncadd.s32 $0xFFFFFF00  }
0xbe: {  	[tilespmem:s20], [sflag:$0x1] =	stream.indirect.gather [hbm4b:s4+s24], $0x90, s26, s24, $0xb8;
	[tilespmem:$0x1F390] =	vst v63  }
0xbf: {  	_ =	swait.ge [sflag:s25], $0x4800  }
0xc0: {  	[sflag:s25] =	ssyncset.done $0x0  }
0xc1: {  	[sflag:s25] =	ssyncadd.s32 $0xFFFFB800  }
0xc2: {  	[spmem:s2] =	stream.indirect.scatter.add.f32 [tilespmem:s20], [sflag:$0x3], $0x90, s7, s24, $0xb8;
	[tilespmem:$0x1F390] =	vst v63  }
0xc3: {  	_ =	swait.ge [sflag:s8], $0x4800  }
0xc4: {  	[sflag:s8] =	ssyncset.done $0x0  }
0xc5: {  	s15 =	sadd.s32 $0x2000, s14;
	[sflag:s8] =	ssyncadd.s32 $0xFFFFB800  }
0xc6: {  	[tilespmem:s3], [sflag:$0x5] =	stream.linear.gather [hbm4b:s15+s3], $0x100, $0x38;
	[tilespmem:$0x1F390] =	vst v63  }
0xc7: {  	_ =	swait.ge [sflag:s10], $0x100  }
0xc8: {  	[sflag:s10] =	ssyncset.done $0x0  }
0xc9: {  	[sflag:s10] =	ssyncadd.s32 $0xFFFFFF00  }
0xca: {  	[tilespmem:s29], [sflag:$0x2] =	stream.indirect.gather [hbm4b:s4+s24], $0x90, s0, s24, $0xb8;
	[tilespmem:$0x1F390] =	vst v63  }
0xcb: {  	_ =	swait.ge [sflag:s30], $0x4800  }
0xcc: {  	[sflag:s30] =	ssyncset.done $0x0  }
0xcd: {  	[sflag:s30] =	ssyncadd.s32 $0xFFFFB800  }
0xce: {  	[spmem:s2] =	stream.indirect.scatter.add.f32 [tilespmem:s29], [sflag:$0x4], $0x90, s11, s24, $0xb8;
	[tilespmem:$0x1F390] =	vst v63  }
0xcf: {  	_ =	swait.ge [sflag:s1], $0x4800  }
0xd0: {  	[sflag:s1] =	ssyncset.done $0x0  }
.Ltmp1:
0xd1: {  	s14 =	sadd.s32 $0x2400, s14;
	[sflag:s1] =	ssyncadd.s32 $0xFFFFB800;
	(pc) =	sbr.rel @p1 .LBB2_4-.Ltmp1, $4  }
0xd2: {  	[tilespmem:s22], [sflag:$0x6] =	stream.linear.gather [hbm4b:s14+s3], $0x100, $0x38;
	[tilespmem:$0x1F390] =	vst v63  }
0xd3: {  	_ =	swait.ge [sflag:s23], $0x100  }
0xd4: {  	[sflag:s23] =	ssyncset.done $0x0  }
0xd5: {  	[sflag:s23] =	ssyncadd.s32 $0xFFFFFF00  }
0xd6: {  	[tilespmem:s20], [sflag:$0x1] =	stream.indirect.gather [hbm4b:s4+s24], $0x90, s3, s24, $0xb8;
	[tilespmem:$0x1F390] =	vst v63  }
0xd7: {  	_ =	swait.ge [sflag:s25], $0x4800  }
0xd8: {  	[sflag:s25] =	ssyncset.done $0x0  }
0xd9: {  	[sflag:s25] =	ssyncadd.s32 $0xFFFFB800  }
0xda: {  	[spmem:s2] =	stream.indirect.scatter.add.f32 [tilespmem:s20], [sflag:$0x3], $0x90, s24, s24, $0xb8;
	[tilespmem:$0x1F390] =	vst v63  }
0xdb: {  	_ =	swait.ge [sflag:s8], $0x4800  }
0xdc: {  	[sflag:s8] =	ssyncset.done $0x0  }
0xdd: {  	s13 =	simm.s32 @!p0 $0x0;
	s14 =	simm.s32 @!p0 $0x200;
	[sflag:s8] =	ssyncadd.s32 $0xFFFFB800  }
0xde: {  	[tilespmem:s14], [sflag:$0x7] =	stream.linear.gather @!p0 [hbm4b:s16+s13], $0x100, $0x38;
	[tilespmem:$0x1F390] =	vst v63  }
0xdf: {  	_ =	swait.ge [sflag:s28], $0x100  }
0xe0: {  	[sflag:s28] =	ssyncset.done $0x0  }
0xe1: {  	[sflag:s28] =	ssyncadd.s32 $0xFFFFFF00  }
0xe2: {  	[tilespmem:s29], [sflag:$0x2] =	stream.indirect.gather [hbm4b:s4+s24], $0x90, s22, s24, $0xb8;
	[tilespmem:$0x1F390] =	vst v63  }
0xe3: {  	_ =	swait.ge [sflag:s30], $0x4800  }
0xe4: {  	[sflag:s30] =	ssyncset.done $0x0  }
0xe5: {  	[sflag:s30] =	ssyncadd.s32 $0xFFFFB800  }
0xe6: {  	[spmem:s2] =	stream.indirect.scatter.add.f32 [tilespmem:s29], [sflag:$0x4], $0x90, s31, s24, $0xb8;
	[tilespmem:$0x1F390] =	vst v63  }
0xe7: {  	_ =	swait.ge [sflag:s1], $0x4800  }
0xe8: {  	[sflag:s1] =	ssyncset.done $0x0  }
0xe9: {  	s13 =	simm.s32 @!p0 $0x7;
	[sflag:s1] =	ssyncadd.s32 $0xFFFFB800  }
0xea: {  	_ =	swait.ge @!p0 [sflag:s13], $0x100  }
0xeb: {  	[sflag:s13] =	ssyncset.done @!p0 $0x0  }
0xec: {  	s15 =	simm.s32 @!p0 $0x400;
	[sflag:s13] =	ssyncadd.s32 @!p0 $0xFFFFFF00;
	s13 =	simm.s32 @!p0 $0x80  }
0xed: {  	[tilespmem:s15], [sflag:$0x1] =	stream.indirect.gather @!p0 [hbm4b:s4+s13], $0x90, s14, s13, $0xb8;
	[tilespmem:$0x1F390] =	vst v63  }
0xee: {  	s14 =	simm.s32 @!p0 $0x1  }
0xef: {  	_ =	swait.ge @!p0 [sflag:s14], $0x4800  }
0xf0: {  	[sflag:s14] =	ssyncset.done @!p0 $0x0  }
0xf1: {  	[sflag:s14] =	ssyncadd.s32 @!p0 $0xFFFFB800;
	s14 =	simm.s32 @!p0 $0x280  }
0xf2: {  	[spmem:s2] =	stream.indirect.scatter.add.f32 @!p0 [tilespmem:s15], [sflag:$0x3], $0x90, s14, s13, $0xb8;
	[tilespmem:$0x1F390] =	vst v63  }
0xf3: {  	s13 =	simm.s32 @!p0 $0x4  }
0xf4: {  	_ =	swait.ge @!p0 [sflag:s13], $0x4800  }
0xf5: {  	s14 =	simm.s32 @!p0 $0x3;
	[sflag:s13] =	ssyncset.done @!p0 $0x0  }
0xf6: {  	s14 =	simm.s32 @p0 $0x4;
	[sflag:s13] =	ssyncadd.s32 @!p0 $0xFFFFB800  }
0xf7: {  	_ =	swait.ge [sflag:s14], $0x4800  }
0xf8: {  	[sflag:s14] =	ssyncset.done $0x0  }
0xf9: {  	s12 =	sadd.s32 $0x1, s12;
	[sflag:s14] =	ssyncadd.s32 $0xFFFFB800;
	s14 =	stileid.u32  }
0xfa: {  	p1 =	sne.s32 s12, s18;
	s15 =	sshrl.u32 s5, $0x3;
	s13 =	sshll.u32 s14, $0x6  }
.Ltmp2:
0xfb: {  	[bflag:$0x0] =	sbarrier.arrive $0xFFFF;
	s13 =	sor.u32 $0x1C09, s13;
	(pc) =	sbr.rel @p1 .LBB2_1-.Ltmp2, $4  }
0xfc: {  	[hbm:s17], [sflag:s13] =	dma.local [spmem:s15], $0x2BF2  }
0xfd: {  	_ =	swait.ge [sflag:s21], $0x2BF2  }
0xfe: {  	[sflag:s21] =	ssyncset.done $0x0  }
0xff: {  	[sflag:s21] =	ssyncadd.s32 $0xFFFFD40E  }
0x100: {  	_ =	sfence.sel $0x180000  }
0x101: {  	[bflag:$0x0] =	sbarrier.arrive $0xFFFF  }
0x102: {  	_ =	strace $0x90000050  }
0x103: {  	s0 =	stileid.u32;
	[bflag:$0x2] =	sbarrier.arrive $0xFFFF  }
0x104: {  	p0 =	sne.s32 s0, $0x0;
	s0 =	rddreg [dreg:$0x2]  }
0x105: {  	s0 =	sadd.s32 @!p0 $0x100000, s0  }
0x106: {  	[sflag:s0] =	ssyncadd.tile.s32 @!p0 $0x1;
	_ =	shalt  }
.Lfunc_end2:
_tile_overlayer_lowered:
.L_overlay_start_2:
0x107: {  	(tag) =	ssettag $0x2  }
0x108: {  	s0 =	rddreg [dreg:$0x0];
	s2 =	stileid.u32  }
0x109: {  	s1 =	rddreg [dreg:$0x1];
	p0 =	sne.s32 s2, $0x0  }
0x10a: {  	s3 =	rddreg [dreg:$0x2];
	[bflag:$0x3] =	sbarrier.arrive $0xFFFF;
	s2 =	simm.s32 @!p0 $0x1C09  }
0x10b: {  	[timem:s3], [sflag:s2] =	dma.local @!p0 [hbm:s0], s1  }
0x10c: {  	s0 =	simm.s32 @!p0 $0x9  }
0x10d: {  	_ =	swait.ge @!p0 [sflag:s0], s1  }
0x10e: {  	s1 =	ssub.s32 @!p0 $0x0, s1;
	[sflag:s0] =	ssyncset.done @!p0 $0x0  }
0x10f: {  	[sflag:s0] =	ssyncadd.s32 @!p0 s1  }
0x110: {  	[bflag:$0x3] =	sbarrier.arrive $0xFFFF  }
0x111: {  	_ =	shalt  }

// kernel: kernel.9.cloned.1.call-start
scs
__scs_entry_jumppad:
0x0: {  	(pc) =	sbr.rel $0x88, $3  }
0x1: {  	(tag) =	ssettag $0x0;
	lr =	simm.s32 $0x1  }
0x2: {  	[smem:$0x3F8C] =	sst lr;
	_ =	strace $0xD0000000  }
0x3: {  	_ = 	snop  }
0x4: {  	_ = 	snop  }
0x5: {  	_ = 	snop  }
0x6: {  	_ = 	snop  }
0x7: {  	_ = 	snop  }
__scs_overlays_trampoline_lowered:
0x8: {  	[smem:$0x3F9B] =	sst s0  }
0x9: {  	[smem:$0x3F9C] =	sst s1  }
0xa: {  	[smem:$0x3F9D] =	sst s2  }
0xb: {  	[smem:$0x3F9E] =	sst s3  }
0xc: {  	[smem:$0x3F9F] =	sst s4  }
0xd: {  	[smem:$0x3FA0] =	sst s5  }
0xe: {  	[smem:$0x3FA1] =	sst s6  }
0xf: {  	[smem:$0x3FA2] =	sst s7  }
0x10: {  	[smem:$0x3FA3] =	sst s8  }
0x11: {  	[smem:$0x3FA4] =	sst s9;
	s0 =	simm.s32 @!p0 $0x0  }
0x12: {  	s1 =	sld [smem:$0x3F8A];
	s0 =	simm.s32 @p0 $0x1  }
0x13: {  	[smem:$0x3FA5] =	sst s0;
	s0 =	simm.s32 @!p1 $0x0  }
0x14: {  	s2 =	sld [smem:$0x3F89];
	s0 =	simm.s32 @p1 $0x1  }
0x15: {  	[smem:$0x3FA6] =	sst s0;
	s0 =	simm.s32 @!p2 $0x0  }
0x16: {  	s3 =	sld [smem:$0x3FDB];
	s0 =	simm.s32 @p2 $0x1  }
0x17: {  	s4 =	simm.s32 $0x1BF5;
	[smem:$0x3FA8] =	sst s0  }
0x18: {  	s0 =	sld [smem:$0x3F8B];
	_ =	swait.ge [sflag:s4], $0x0  }
0x19: {  	s7 =	sld [smem:$0x3F8C]  }
0x1a: {  	s8 =	sadd.s32 $0xFFFFE003, lr  }
0x1b: {  	s9 =	sadd.s32 $0xFFFFFEF7, lr;
	s5 =	simm.s32 $0xFFFFFFFF;
	p2 =	slt.u32 s8, $0xFFFFF086  }
0x1c: {  	p1 =	slt.u32 s9, $0xF7A;
	s5 =	simm.s32 @!p2 $0x0  }
0x1d: {  	s5 =	simm.s32 @p1 $0x1;
	p0 =	seq.s32 s7, s2  }
0x1e: {  	s7 =	smul.u32 @!p0 $0xF7A, s2;
	p2 =	seq.s32 @!p0 s5, $0x0  }
0x1f: {  	s9 =	smul.u32 $0xF7A, s1;
	s8 =	simm.s32 @!p0 $0x1BF5;
	p2 =	por !p2, p0  }
0x20: {  	[sflag:s8] =	ssyncset.s32 @!p0 $0xFFFFF086;
	s6 =	sadd.s32 @!p0 s3, s7;
	s7 =	simm.s32 @!p0 $0x108  }
0x21: {  	s3 =	sadd.s32 s3, s9;
	s6 =	sadd.s32 @!p0 $0x88, s6;
	s7 =	simm.s32 @p2 $0x1082  }
0x22: {  	[simem:s7], [sflag:s8] =	dma.local @!p0 [hbm:s6], $0xF7A  }
0x23: {  	s9 =	sor.u32 $0xD0000000, s2;
	s6 =	simm.s32 $0x108;
	_ =	swait.ge @!p0 [sflag:s8], $0x0  }
0x24: {  	s3 =	sadd.s32 $0x88, s3;
	s6 =	simm.s32 @!p1 $0x1082;
	[sflag:s4] =	ssyncset.s32 $0xFFFFF086  }
0x25: {  	[simem:s6], [sflag:s4] =	dma.local [hbm:s3], $0xF7A  }
0x26: {  	[smem:$0x3F8C] =	sst s1;
	(tag) =	ssettag s2;
	_ =	strace s9  }
0x27: {  	s1 =	sld [smem:$0x3F9C]  }
0x28: {  	s2 =	sld [smem:$0x3F9D]  }
0x29: {  	s4 =	sld [smem:$0x3F9F]  }
0x2a: {  	p0 =	seq.s32 s5, $0x0;
	s5 =	sld [smem:$0x3FA0]  }
0x2b: {  	s6 =	sld [smem:$0x3FA1]  }
0x2c: {  	s7 =	sld [smem:$0x3FA2]  }
0x2d: {  	s3 =	simm.s32 $0x108;
	s8 =	sld [smem:$0x3FA3]  }
0x2e: {  	s3 =	simm.s32 @!p0 $0x1082;
	s9 =	sld [smem:$0x3FA4]  }
0x2f: {  	lr =	sadd.s32 s0, s3;
	s0 =	sld [smem:$0x3F9B]  }
0x30: {  	s3 =	sld [smem:$0x3F9E]  }
0x31: {  	[smem:$0x3FA7] =	sst s10  }
0x32: {  	s10 =	sld [smem:$0x3FA5];
	_ =	sdelay $0x3  }
0x33: {  	p0 =	seq.s32 s10, $0x1;
	s10 =	sld [smem:$0x3FA7];
	_ =	sdelay $0x3  }
0x34: {  	[smem:$0x3FA7] =	sst s10  }
0x35: {  	s10 =	sld [smem:$0x3FA6];
	_ =	sdelay $0x3  }
0x36: {  	p1 =	seq.s32 s10, $0x1;
	s10 =	sld [smem:$0x3FA7];
	_ =	sdelay $0x3  }
0x37: {  	[smem:$0x3FA7] =	sst s10  }
0x38: {  	s10 =	sld [smem:$0x3FA8]  }
0x39: {  	_ = 	snop;
	(pc) =	sbr.ind lr, $3  }
0x3a: {  	_ = 	snop  }
0x3b: {  	_ = 	snop  }
0x3c: {  	p2 =	seq.s32 s10, $0x1;
	s10 =	sld [smem:$0x3FA7]  }
0x3d: {  	_ =	shalt  }
0x3e: {  	_ =	shalt  }
0x3f: {  	_ =	shalt  }
0x40: {  	_ =	shalt  }
0x41: {  	_ =	shalt  }
0x42: {  	_ =	shalt  }
0x43: {  	_ =	shalt  }
0x44: {  	_ =	shalt  }
0x45: {  	_ =	shalt  }
0x46: {  	_ =	shalt  }
0x47: {  	_ =	shalt  }
0x48: {  	_ =	shalt  }
0x49: {  	_ =	shalt  }
0x4a: {  	_ =	shalt  }
0x4b: {  	_ =	shalt  }
0x4c: {  	_ =	shalt  }
0x4d: {  	_ =	shalt  }
0x4e: {  	_ =	shalt  }
0x4f: {  	_ =	shalt  }
0x50: {  	_ =	shalt  }
0x51: {  	_ =	shalt  }
0x52: {  	_ =	shalt  }
0x53: {  	_ =	shalt  }
0x54: {  	_ =	shalt  }
0x55: {  	_ =	shalt  }
0x56: {  	_ =	shalt  }
0x57: {  	_ =	shalt  }
0x58: {  	_ =	shalt  }
0x59: {  	_ =	shalt  }
0x5a: {  	_ =	shalt  }
0x5b: {  	_ =	shalt  }
0x5c: {  	_ =	shalt  }
0x5d: {  	_ =	shalt  }
0x5e: {  	_ =	shalt  }
0x5f: {  	_ =	shalt  }
0x60: {  	_ =	shalt  }
0x61: {  	_ =	shalt  }
0x62: {  	_ =	shalt  }
0x63: {  	_ =	shalt  }
0x64: {  	_ =	shalt  }
0x65: {  	_ =	shalt  }
0x66: {  	_ =	shalt  }
0x67: {  	_ =	shalt  }
0x68: {  	_ =	shalt  }
0x69: {  	_ =	shalt  }
0x6a: {  	_ =	shalt  }
0x6b: {  	_ =	shalt  }
0x6c: {  	_ =	shalt  }
0x6d: {  	_ =	shalt  }
0x6e: {  	_ =	shalt  }
0x6f: {  	_ =	shalt  }
0x70: {  	_ =	shalt  }
0x71: {  	_ =	shalt  }
0x72: {  	_ =	shalt  }
0x73: {  	_ =	shalt  }
0x74: {  	_ =	shalt  }
0x75: {  	_ =	shalt  }
0x76: {  	_ =	shalt  }
0x77: {  	_ =	shalt  }
0x78: {  	_ =	shalt  }
0x79: {  	_ =	shalt  }
0x7a: {  	_ =	shalt  }
0x7b: {  	_ =	shalt  }
0x7c: {  	_ =	shalt  }
0x7d: {  	_ =	shalt  }
0x7e: {  	_ =	shalt  }
0x7f: {  	_ =	shalt  }
0x80: {  	_ =	shalt  }
0x81: {  	_ =	shalt  }
0x82: {  	_ =	shalt  }
0x83: {  	_ =	shalt  }
0x84: {  	_ =	shalt  }
0x85: {  	_ =	shalt  }
0x86: {  	_ =	shalt  }
0x87: {  	_ =	shalt  }
.Lfunc_end0:
.L_simem_size_0:
called_computation_lowered:
.L_overlay_start_0:
0x88: {  	s2 =	sld [smem:$0x3FD9]  }
0x89: {  	s3 =	sld [smem:$0x3FFE];
	_ =	sdelay $0x1  }
0x8a: {  	s1 =	srdreg.scid  }
0x8b: {  	s0 =	sand.u32 $0x1, s1  }
0x8c: {  	s16 =	sshll.u32 s0, $0xA;
	s2 =	sadd.s32 s3, s2  }
0x8d: {  	s2 =	sadd.s32 s2, s16  }
0x8e: {  	[smem:$0x3FB3] =	sst s2  }
0x8f: {  	_ = 	snop  }
0x90: {  	(tm) =	ssettm $0x1  }
0x91: {  	s17 =	sld [smem:$0x3FFB];
	_ =	sdelay $0x3  }
0x92: {  	_ =	strace s17  }
0x93: {  	s2 =	sld [smem:$0x3FFC];
	_ =	sdelay $0x3  }
0x94: {  	_ =	strace s2  }
0x95: {  	s2 =	sld [smem:$0x3FFD];
	_ =	sdelay $0x3  }
0x96: {  	_ =	strace s2  }
0x97: {  	_ =	strace $0x8FFFFFFF  }
0x98: {  	s18 =	sld [smem:$0x3FDB];
	_ =	sdelay $0x1  }
0x99: {  	s19 =	simm.s32 $_scs_section_size  }
0x9a: {  	s4 =	simm.s32 $_size__tile_overlayer_lowered;
	s5 =	simm.s32 $_tile_overlayer_lowered  }
0x9b: {  	s22 =	simm.s32 $0x1BFF;
	s21 =	sshll.u32 s5, $0x1;
	s2 =	sadd.s32 s19, s18  }
0x9c: {  	s6 =	simm.s32 $0x0;
	s20 =	sshll.u32 s4, $0x1;
	s4 =	sadd.s32 s21, s2  }
0x9d: {  	[timem:s6], [sflag:s22] =	dma.local [hbm:s4], s20  }
0x9e: {  	_ =	swait.ge [sflag:s22], s20  }
0x9f: {  	s3 =	ssub.s32 $0x0, s20;
	[sflag:s22] =	ssyncset.done $0x0  }
0xa0: {  	[sflag:s22] =	ssyncadd.s32 s3;
	_ =	sdelay $0x1  }
0xa1: {  	s23 =	simm.s32 $0x1B8B  }
0xa2: {  	_ =	swait.ge [sflag:s23], $0x1  }
0xa3: {  	[sflag:s23] =	ssyncset.done $0x0  }
0xa4: {  	s25 =	simm.s32 $0x1B8E;
	s24 =	sld [smem:$0x3FFE];
	[sflag:s23] =	ssyncadd.s32 $0xFFFFFFFF  }
0xa5: {  	s26 =	simm.s32 $execute0_lowered;
	[smem:$0x3FD2] =	sst s25  }
0xa6: {  	s4 =	sshll.u32 s26, $0x1;
	_ =	strace $0x80000046;
	[dreg:$0x1] =	wrdreg $0xFFFFFFFF  }
0xa7: {  	s28 =	simm.s32 $_size_execute0_lowered;
	s2 =	sadd.s32 s2, s4;
	[dreg:$0x0] =	wrdreg $0x0  }
0xa8: {  	s4 =	sshll.u32 s28, $0x1;
	[dreg:$0x2] =	wrdreg s2  }
0xa9: {  	[dreg:$0x3] =	wrdreg s4  }
0xaa: {  	[dreg:$0x4] =	wrdreg $0xC0  }
0xab: {  	_ =	task [dreg:s6], $0x5FFFF  }
0xac: {  	[dreg:$0x1] =	wrdreg $0xFFFFFFFF  }
0xad: {  	[dreg:$0x0] =	wrdreg $0x60  }
0xae: {  	[dreg:$0x2] =	wrdreg s24  }
0xaf: {  	[dreg:$0x3] =	wrdreg $0x9  }
0xb0: {  	_ =	task.clear_ibuf [dreg:s6], $0x4FFFF;
	_ =	strace $0x90000046  }
0xb1: {  	s29 =	simm.s32 $0x9;
	_ =	strace $0x80000048  }
0xb2: {  	_ =	swait.ge [sflag:s29], $0x1  }
0xb3: {  	[sflag:s29] =	ssyncadd.s32 $0xFFFFFFFF  }
0xb4: {  	_ =	strace $0x90000048  }
0xb5: {  	_ =	sfence  }
0xb6: {  	s30 =	sld [smem:$0x0];
	_ =	sdelay $0x2  }
0xb7: {  	s31 =	sshll.u32 s1, $0xD;
	s1 =	sshrl.u32 s1, $0x2  }
0xb8: {  	s3 =	sand.u32 $0x4000, s31;
	s1 =	sadd.s32 s1, s30  }
0xb9: {  	s0 =	sor.u32 s3, s0;
	s1 =	sshll.u32 s1, $0x11  }
0xba: {  	s0 =	sor.u32 s1, s0  }
0xbb: {  	s0 =	sadd.s32 $0x8F2B, s0  }
0xbc: {  	[sflag:s0] =	ssyncadd.remote.s32 $0x1  }
0xbd: {  	_ =	sfence.sel $0xFFFF  }
0xbe: {  	[dreg:$0x0] =	wrdreg $0xFFFFFFFF;
	(pc) =	sbr.abs _section_cstart, $3  }
0xbf: {  	[dreg:$0x1] =	wrdreg $0xFFFFFFFF  }
0xc0: {  	_ =	task.clear_ibuf [dreg:s6], $0x2FFFF;
	_ =	strace $0x9FFFFFFF  }
0xc1: {  	(tm) =	ssettm $0x7FFFFFFF  }
tec
execute0_lowered:
.L_overlay_start_1:
0x0: {  	(tag) =	ssettag $0x1  }
0x1: {  	s0 =	srdreg.scid  }
0x2: {  	s13 =	sand.u32 $0x1, s0  }
0x3: {  	s0 =	stileid.u32;
	s1 =	sshll.u32 s13, $0x4  }
0x4: {  	s9 =	sor.u32 s0, s1  }
0x5: {  	s3 =	smul.u32 $0x27, s9  }
0x6: {  	s16 =	rddreg [dreg:$0x0];
	s2 =	simm.s32 $0x0  }
0x7: {  	s4 =	simm.s32 $0x2;
	[smem:$0x7FF] =	sst s2;
	s3 =	sadd.s32 s3, s16  }
0x8: {  	s1 =	rddreg [dreg:$0x1];
	_ =	strace $0x80000047;
	s3 =	sadd.s32 $0x4800, s3  }
0x9: {  	[tilespmem:s2], [sflag:$0x2] =	stream.linear.gather [hbm4b:s3+s2], $0x138, $0x38;
	[tilespmem:$0x15C8] =	vst v63  }
0xa: {  	_ =	swait.ge [sflag:s4], $0x138  }
0xb: {  	s6 =	simm.s32 $0x138;
	s7 =	simm.s32 $0x1;
	[sflag:s4] =	ssyncset.done $0x0  }
0xc: {  	s5 =	sadd.s32 $0x18B200, s16;
	s8 =	smul.u32 $0x270, s9;
	[sflag:s4] =	ssyncadd.s32 $0xFFFFFEC8  }
0xd: {  	[tilespmem:s6], [sflag:$0x1] =	stream.indirect.gather [hbm4b:s5+s6], $0x10, s2, s6, $0xb8;
	[tilespmem:$0x15C8] =	vst v63  }
0xe: {  	_ =	swait.ge [sflag:s7], $0x1380  }
0xf: {  	s8 =	sadd.s32 s8, s16;
	[sflag:s7] =	ssyncset.done $0x0  }
0x10: {  	s10 =	sadd.s32 $0x4CE0, s16;
	s8 =	sadd.s32 $0x4E00, s8;
	[sflag:s7] =	ssyncadd.s32 $0xFFFFEC80  }
0x11: {  	[hbm4b:s8+s2] =	stream.linear.scatter [tilespmem:s6], [sflag:$0x2], $0x1380, $0x38;
	[tilespmem:$0x15C8] =	vst v63  }
0x12: {  	s17 =	ssub.s32 $0x2, s13;
	p0 =	sne.s32 s9, $0x0;
	_ =	swait.ge [sflag:s4], $0x1380  }
0x13: {  	s18 =	sshrl.u32 s17, $0x1;
	s9 =	simm.s32 @!p0 $0x2;
	[sflag:s4] =	ssyncset.done $0x0  }
0x14: {  	s11 =	simm.s32 @!p0 $0x0;
	s12 =	simm.s32 @!p0 $0x14B8;
	[sflag:s4] =	ssyncadd.s32 $0xFFFFEC80  }
0x15: {  	[tilespmem:s12], [sflag:$0x2] =	stream.linear.gather @!p0 [hbm4b:s10+s11], $0x10, $0x38;
	[tilespmem:$0x15C8] =	vst v63  }
0x16: {  	s17 =	ssub.s32 s17, s18;
	s13 =	simm.s32 @!p0 $0x1;
	_ =	swait.ge @!p0 [sflag:s9], $0x10  }
0x17: {  	s14 =	simm.s32 @!p0 $0x10;
	s17 =	smax.u32 s17, $0x1;
	[sflag:s9] =	ssyncset.done @!p0 $0x0  }
0x18: {  	s15 =	simm.s32 @!p0 $0x14C8;
	s17 =	sadd.s32 $0xFFFFFFFF, s17;
	[sflag:s9] =	ssyncadd.s32 @!p0 $0xFFFFFFF0  }
0x19: {  	[tilespmem:s15], [sflag:$0x1] =	stream.indirect.gather @!p0 [hbm4b:s5+s14], $0x10, s12, s14, $0xb8;
	[tilespmem:$0x15C8] =	vst v63  }
0x1a: {  	p1 =	sne.s32 s17, $0x0;
	_ =	swait.ge @!p0 [sflag:s13], $0x100  }
.Ltmp0:
0x1b: {  	[sflag:s13] =	ssyncset.done @!p0 $0x0;
	(pc) =	sbr.rel @!p1 .LBB2_2-.Ltmp0, $4  }
0x1c: {  	s16 =	sadd.s32 $0x9C00, s16;
	[sflag:s13] =	ssyncadd.s32 @!p0 $0xFFFFFF00  }
0x1d: {  	[hbm4b:s16+s11] =	stream.linear.scatter @!p0 [tilespmem:s15], [sflag:$0x2], $0x100, $0x38;
	[tilespmem:$0x15C8] =	vst v63  }
0x1e: {  	_ =	swait.ge @!p0 [sflag:s9], $0x100  }
0x1f: {  	[sflag:s9] =	ssyncset.done @!p0 $0x0  }
.LBB2_1:
0x20: {  	s17 =	sadd.s32 $0xFFFFFFFF, s17;
	[sflag:s9] =	ssyncadd.s32 @!p0 $0xFFFFFF00  }
0x21: {  	[tilespmem:s2], [sflag:$0x2] =	stream.linear.gather [hbm4b:s3+s2], $0x138, $0x38;
	[tilespmem:$0x15C8] =	vst v63  }
0x22: {  	p1 =	sne.s32 s17, $0x0;
	_ =	swait.ge [sflag:s4], $0x138  }
0x23: {  	[sflag:s4] =	ssyncset.done $0x0  }
0x24: {  	[sflag:s4] =	ssyncadd.s32 $0xFFFFFEC8  }
0x25: {  	[tilespmem:s6], [sflag:$0x1] =	stream.indirect.gather [hbm4b:s5+s6], $0x10, s2, s6, $0xb8;
	[tilespmem:$0x15C8] =	vst v63  }
0x26: {  	_ =	swait.ge [sflag:s7], $0x1380  }
0x27: {  	[sflag:s7] =	ssyncset.done $0x0  }
0x28: {  	[sflag:s7] =	ssyncadd.s32 $0xFFFFEC80  }
0x29: {  	[hbm4b:s8+s2] =	stream.linear.scatter [tilespmem:s6], [sflag:$0x2], $0x1380, $0x38;
	[tilespmem:$0x15C8] =	vst v63  }
0x2a: {  	_ =	swait.ge [sflag:s4], $0x1380  }
0x2b: {  	[sflag:s4] =	ssyncset.done $0x0  }
0x2c: {  	[sflag:s4] =	ssyncadd.s32 $0xFFFFEC80  }
0x2d: {  	[tilespmem:s12], [sflag:$0x2] =	stream.linear.gather @!p0 [hbm4b:s10+s11], $0x10, $0x38;
	[tilespmem:$0x15C8] =	vst v63  }
0x2e: {  	_ =	swait.ge @!p0 [sflag:s9], $0x10  }
0x2f: {  	[sflag:s9] =	ssyncset.done @!p0 $0x0  }
0x30: {  	[sflag:s9] =	ssyncadd.s32 @!p0 $0xFFFFFFF0  }
0x31: {  	[tilespmem:s15], [sflag:$0x1] =	stream.indirect.gather @!p0 [hbm4b:s5+s14], $0x10, s12, s14, $0xb8;
	[tilespmem:$0x15C8] =	vst v63  }
0x32: {  	_ =	swait.ge @!p0 [sflag:s13], $0x100  }
.Ltmp1:
0x33: {  	[sflag:s13] =	ssyncset.done @!p0 $0x0;
	(pc) =	sbr.rel @p1 .LBB2_1-.Ltmp1, $4  }
0x34: {  	[sflag:s13] =	ssyncadd.s32 @!p0 $0xFFFFFF00  }
0x35: {  	[hbm4b:s16+s11] =	stream.linear.scatter @!p0 [tilespmem:s15], [sflag:$0x2], $0x100, $0x38;
	[tilespmem:$0x15C8] =	vst v63  }
0x36: {  	_ =	swait.ge @!p0 [sflag:s9], $0x100  }
0x37: {  	[sflag:s9] =	ssyncset.done @!p0 $0x0  }
.LBB2_2:
0x38: {  	[sflag:s9] =	ssyncadd.s32 @!p0 $0xFFFFFF00  }
0x39: {  	_ =	sfence.sel $0x180000  }
0x3a: {  	[bflag:$0x0] =	sbarrier.arrive $0xFFFF  }
0x3b: {  	p0 =	sne.s32 s0, $0x0;
	_ =	strace $0x90000047  }
0x3c: {  	s0 =	sadd.s32 @!p0 $0x100000, s1;
	[bflag:$0x2] =	sbarrier.arrive $0xFFFF  }
0x3d: {  	[sflag:s0] =	ssyncadd.tile.s32 @!p0 $0x1;
	_ =	shalt  }
.Lfunc_end2:
_tile_overlayer_lowered:
.L_overlay_start_2:
0x3e: {  	(tag) =	ssettag $0x2  }
0x3f: {  	s0 =	rddreg [dreg:$0x0];
	s2 =	stileid.u32  }
0x40: {  	s1 =	rddreg [dreg:$0x1];
	p0 =	sne.s32 s2, $0x0  }
0x41: {  	s3 =	rddreg [dreg:$0x2];
	[bflag:$0x3] =	sbarrier.arrive $0xFFFF;
	s2 =	simm.s32 @!p0 $0x1C02  }
0x42: {  	[timem:s3], [sflag:s2] =	dma.local @!p0 [hbm:s0], s1  }
0x43: {  	s0 =	simm.s32 @!p0 $0x2  }
0x44: {  	_ =	swait.ge @!p0 [sflag:s0], s1  }
0x45: {  	s1 =	ssub.s32 @!p0 $0x0, s1;
	[sflag:s0] =	ssyncset.done @!p0 $0x0  }
0x46: {  	[sflag:s0] =	ssyncadd.s32 @!p0 s1  }
0x47: {  	[bflag:$0x3] =	sbarrier.arrive $0xFFFF  }
0x48: {  	_ =	shalt  }

</sc_bundles>
